<compile_context>
chip_gen: v7x
topology: tpu7x:2x2x1
jax: 0.10.2.dev20260603
libtpu: 0.0.44.dev20260713+nightly
codegen_flags: <defaults>
</compile_context>

<pallas_src>
import functools

import numpy as np
import jax
import jax.numpy as jnp
from jax import lax
from jax.experimental import pallas as pl
from jax.experimental.pallas import tpu as pltpu
from jax.experimental.pallas import tpu_sc as plsc

B = 64
N = 8192
D_WHAT = 64
MAXO = 10
N_OBJ = MAXO + int(0.1 * N)
PAD = 832
OPAD = 896
NB = 256
NBLK = N // NB
EPS = 1e-3

_RANK_CACHE = None


def _rotl32(x, r):
    return ((x << np.uint32(r)) | (x >> np.uint32(32 - r))).astype(np.uint32)


def _threefry2x32(k0, k1, x0, x1):
    rotations = [[13, 15, 26, 6], [17, 29, 16, 24]]
    ks = [np.uint32(k0), np.uint32(k1),
          np.uint32(k0) ^ np.uint32(k1) ^ np.uint32(0x1BD11BDA)]
    x = [x0.astype(np.uint32) + ks[0], x1.astype(np.uint32) + ks[1]]
    for i in range(5):
        for r in rotations[i % 2]:
            x[0] = (x[0] + x[1]).astype(np.uint32)
            x[1] = _rotl32(x[1], r)
            x[1] = x[1] ^ x[0]
        x[0] = (x[0] + ks[(i + 1) % 3]).astype(np.uint32)
        x[1] = (x[1] + ks[(i + 2) % 3] + np.uint32(i + 1)).astype(np.uint32)
    return x[0], x[1]


def _score_rank():
    global _RANK_CACHE
    if _RANK_CACHE is None:
        total = B * N
        o0, o1 = _threefry2x32(
            np.uint32(0), np.uint32(12345),
            np.zeros(total, np.uint32), np.arange(total, dtype=np.uint32))
        bits = o0 ^ o1
        fl = ((bits >> np.uint32(9)) | np.uint32(0x3F800000)).view(np.float32)
        score = np.maximum(np.float32(0.0),
                           fl - np.float32(1.0)).reshape(B, N)
        order = np.argsort(-score, axis=1, kind="stable")
        rank = np.argsort(order, axis=1, kind="stable")
        _RANK_CACHE = rank.astype(np.int32)
    return _RANK_CACHE


def _tc_body(zp_ref, rank_ref, tag_ref):
    v = zp_ref[...]
    r = rank_ref[...]
    present = jnp.where(v > 0.5, 1, 0).astype(jnp.int32)
    iota = lax.broadcasted_iota(jnp.int32, (B, N), 1)

    def step(_, carry):
        active, kept, c = carry
        af = active.astype(jnp.float32)
        masked_v = v * af + (af - 1.0)
        m = jnp.max(masked_v, axis=1, keepdims=True)
        cand = active * jnp.where(v == m, 1, 0)
        selidx = jnp.max(cand * iota + (cand - 1), axis=1, keepdims=True)
        chosen = active * jnp.where(iota == selidx, 1, 0)
        rj = jnp.max(chosen * r + (chosen - 1), axis=1, keepdims=True)
        validc = jnp.where(selidx >= 0, 1, 0)
        c = c + validc * jnp.where(rj < r, 1, 0)
        kept = jnp.maximum(kept, chosen)
        active = active * (1 - chosen)
        return active, kept, c

    carry0 = (present, jnp.zeros((B, N), jnp.int32), jnp.zeros((B, N), jnp.int32))
    _, kept, c = lax.fori_loop(0, MAXO, step, carry0)
    n2 = jnp.sum(kept, axis=1, keepdims=True)
    negneed = N_OBJ - n2
    negative = (1 - kept) * jnp.where((r - c) < negneed, 1, 0)
    tag = (kept.astype(jnp.float32)
           - negative.astype(jnp.float32) * jnp.where(v > EPS, 1.0, 2.0))
    tag_ref[...] = tag


def _phase_a(zp2d, rank):
    return pl.pallas_call(
        _tc_body,
        out_shape=jax.ShapeDtypeStruct((B, N), jnp.float32),
    )(zp2d, rank)


_SC_PARAMS = pltpu.CompilerParams(needs_layout_passes=False)


def _b1_body(tag_hbm, where_hbm, dloc_hbm, dscale_hbm,
             oidx_hbm, optag_hbm, owhere_hbm, opres_hbm, odepth_hbm,
             tag_v, idx_v, ptag_v, wrow_v, dloc_v, dsc_v,
             owhere_v, opres_v, odepth_v):
    wid = lax.axis_index("s") * 2 + lax.axis_index("c")

    def do_row(b):
        pltpu.sync_copy(tag_hbm.at[b], tag_v)
        pltpu.sync_copy(where_hbm.at[b], wrow_v)
        pltpu.sync_copy(dloc_hbm.at[b], dloc_v)
        pltpu.sync_copy(dscale_hbm.at[b], dsc_v)

        def fill(g, _):
            idx_v[lax.shift_right_logical(g, 3), pl.ds((g & 7) * 16, 16)] = (
                jnp.full((16,), N - 1, jnp.int32))
            return 0

        lax.fori_loop(0, 1024 // 16, fill, 0)

        def comp(g, off):
            r, o = lax.shift_right_logical(g, 3), (g & 7) * 16
            t16 = tag_v[r, pl.ds(o, 16)]
            keep16 = t16 != 0.0
            k16 = jnp.where(keep16, 1, 0).astype(jnp.int32)
            pref = plsc.cumsum(k16)
            p16 = off + pref - 1
            cols = lax.iota(jnp.int32, 16) + g * 16
            pr, pc = lax.shift_right_logical(p16, 7), p16 & 127
            plsc.store_scatter(idx_v, [pr, pc], cols, mask=keep16)
            plsc.store_scatter(ptag_v, [pr, pc], t16, mask=keep16)
            return off + jnp.max(pref)

        lax.fori_loop(0, N // 16, comp, jnp.int32(0))

        def small(g, _):
            r, o = lax.shift_right_logical(g, 3), (g & 7) * 16
            c16 = idx_v[r, pl.ds(o, 16)]
            t16 = ptag_v[r, pl.ds(o, 16)]
            eps16 = t16 > -1.5
            opres_v[r, pl.ds(o, 16)] = jnp.where(t16 > 0.0, 1.0, -1.0)
            dl = plsc.load_gather(
                dloc_v, [lax.shift_right_logical(c16, 7), c16 & 127])
            dsv = plsc.load_gather(
                dsc_v, [lax.shift_right_logical(c16, 7), c16 & 127])
            odepth_v[r, pl.ds(o, 16)] = jnp.where(eps16, dl + dsv, 1.0)
            outp = (lax.iota(jnp.int32, 16) + g * 16) * 4
            for d in range(4):
                f16 = c16 * 4 + d
                wv = plsc.load_gather(
                    wrow_v, [lax.shift_right_logical(f16, 7), f16 & 127])
                q16 = outp + d
                plsc.store_scatter(
                    owhere_v, [lax.shift_right_logical(q16, 7), q16 & 127], wv)
            return 0

        lax.fori_loop(0, PAD // 16, small, 0)

        pltpu.sync_copy(idx_v, oidx_hbm.at[b])
        pltpu.sync_copy(ptag_v, optag_hbm.at[b])
        pltpu.sync_copy(opres_v, opres_hbm.at[b])
        pltpu.sync_copy(odepth_v, odepth_hbm.at[b])
        pltpu.sync_copy(owhere_v, owhere_hbm.at[b])

    for rr in range(2):
        do_row(wid * 2 + rr)


def _phase_b1(tag, where_flat, dloc2, dscale2):
    mesh = plsc.VectorSubcoreMesh(core_axis_name="c", subcore_axis_name="s")
    fn = functools.partial(
        pl.kernel,
        mesh=mesh,
        compiler_params=_SC_PARAMS,
        out_type=[
            jax.ShapeDtypeStruct((B, 8, 128), jnp.int32),
            jax.ShapeDtypeStruct((B, 8, 128), jnp.float32),
            jax.ShapeDtypeStruct((B, 4 * OPAD // 128, 128), jnp.float32),
            jax.ShapeDtypeStruct((B, 8, 128), jnp.float32),
            jax.ShapeDtypeStruct((B, 8, 128), jnp.float32),
        ],
        scratch_types=[
            pltpu.VMEM((N // 128, 128), jnp.float32),
            pltpu.VMEM((8, 128), jnp.int32),
            pltpu.VMEM((8, 128), jnp.float32),
            pltpu.VMEM((4 * N // 128, 128), jnp.float32),
            pltpu.VMEM((N // 128, 128), jnp.float32),
            pltpu.VMEM((N // 128, 128), jnp.float32),
            pltpu.VMEM((4 * OPAD // 128, 128), jnp.float32),
            pltpu.VMEM((8, 128), jnp.float32),
            pltpu.VMEM((8, 128), jnp.float32),
        ],
    )(_b1_body)
    return fn(tag, where_flat, dloc2, dscale2)


def _b2_body(loc_hbm, sc_hbm, idx_hbm, ptag_hbm, owhat_hbm,
             idx_v, ptag_v,
             loc0, loc1, sc0, sc1, owhat_t,
             sl0, sl1, ss0, ss1):
    wid = lax.axis_index("s") * 2 + lax.axis_index("c")
    iota16 = lax.iota(jnp.int32, 16)

    def _col_at(p):
        sp = jnp.zeros((16,), jnp.int32) + p
        return jnp.max(plsc.load_gather(
            idx_v, [lax.shift_right_logical(sp, 7), sp & 127]))

    def do_row(b):
        pltpu.sync_copy(idx_hbm.at[b], idx_v)
        pltpu.sync_copy(ptag_hbm.at[b], ptag_v)

        locb = (loc0, loc1)
        scb = (sc0, sc1)
        seml = (sl0, sl1)
        sems = (ss0, ss1)

        def start_block(nb, bi):
            nbc = jnp.minimum(nb, NBLK - 1)
            off = pl.multiple_of(nbc * NB, NB)
            pltpu.async_copy(loc_hbm.at[b, :, pl.ds(off, NB)],
                             locb[bi], seml[bi])
            pltpu.async_copy(sc_hbm.at[b, :, pl.ds(off, NB)],
                             scb[bi], sems[bi])

        def wait_block(bi):
            pltpu.make_async_copy(loc_hbm.at[b, :, pl.ds(0, NB)],
                                  locb[bi], seml[bi]).wait()
            pltpu.make_async_copy(sc_hbm.at[b, :, pl.ds(0, NB)],
                                  scb[bi], sems[bi]).wait()

        def process(nb, bi, ps):
            end = nb * NB + NB
            pe = lax.while_loop(
                lambda p: jnp.logical_and(p < PAD, _col_at(p) < end),
                lambda p: p + 1, ps)
            lb, sb = locb[bi], scb[bi]

            def body(p, _):
                sp = jnp.zeros((16,), jnp.int32) + p
                spr, spc = lax.shift_right_logical(sp, 7), sp & 127
                c = jnp.max(plsc.load_gather(idx_v, [spr, spc]))
                coff = jnp.zeros((16,), jnp.int32) + (c - nb * NB)
                tsp = plsc.load_gather(ptag_v, [spr, spc])
                eps16 = tsp > -1.5
                for dc in range(D_WHAT // 16):
                    rows = iota16 + dc * 16
                    lg = plsc.load_gather(lb, [rows, coff])
                    sg = plsc.load_gather(sb, [rows, coff])
                    v = jnp.where(eps16, lg + sg, 1.0)
                    plsc.store_scatter(owhat_t, [rows, sp], v)
                return 0

            lax.fori_loop(ps, pe, body, 0)
            return pe

        for bi in range(2):
            start_block(bi, bi)

        def duo(k2, ps):
            base = k2 * 2
            wait_block(0)
            ps = process(base, 0, ps)
            start_block(base + 2, 0)
            wait_block(1)
            ps = process(base + 1, 1, ps)
            start_block(base + 3, 1)
            return ps

        lax.fori_loop(0, NBLK // 2, duo, jnp.int32(0))
        for bi in range(2):
            wait_block(bi)
        pltpu.sync_copy(owhat_t, owhat_hbm.at[b])

    for rr in range(2):
        do_row(wid * 2 + rr)


def _phase_b2(loc_t, scale_t, idx, ptag):
    mesh = plsc.VectorSubcoreMesh(core_axis_name="c", subcore_axis_name="s")
    fn = functools.partial(
        pl.kernel,
        mesh=mesh,
        compiler_params=_SC_PARAMS,
        out_type=[
            jax.ShapeDtypeStruct((B, D_WHAT, OPAD), jnp.float32),
        ],
        scratch_types=(
            [pltpu.VMEM((8, 128), jnp.int32),
             pltpu.VMEM((8, 128), jnp.float32)]
            + [pltpu.VMEM((D_WHAT, NB), jnp.float32)] * 4
            + [pltpu.VMEM((D_WHAT, OPAD), jnp.float32)]
            + [pltpu.SemaphoreType.DMA] * 4
        ),
    )(_b2_body)
    return fn(loc_t, scale_t, idx, ptag)


def kernel(z_where, z_present, z_what_loc, z_what_scale,
           z_depth_loc, z_depth_scale):
    rank = jnp.asarray(_score_rank())
    zp = z_present[:, :, 0]
    tag = _phase_a(zp, rank)
    idx, ptag, owhere, opres, odepth = _phase_b1(
        tag.reshape(B, N // 128, 128),
        z_where.reshape(B, 4 * N // 128, 128),
        z_depth_loc.reshape(B, N // 128, 128),
        z_depth_scale.reshape(B, N // 128, 128),
    )
    owhat_t = _phase_b2(
        jnp.transpose(z_what_loc, (0, 2, 1)),
        jnp.transpose(z_what_scale, (0, 2, 1)),
        idx, ptag,
    )
    out_what = jnp.transpose(owhat_t[0][:, :, :N_OBJ], (0, 2, 1))
    out_where = owhere.reshape(B, OPAD, 4)[:, :N_OBJ, :]
    out_pres = opres.reshape(B, 1024)[:, :N_OBJ, None]
    out_depth = odepth.reshape(B, 1024)[:, :N_OBJ, None]
    return (out_where, out_pres, out_what, out_depth)

# --- scband reference (transcript-rebuilt; emitter-appended) ---
"""Pipeline reference for scband-latent-handler-87591563034799 (READ-ONLY COPY).

The authoritative reference and input builder live on the scoring server;
editing this copy changes nothing except your own understanding.
"""

import jax
import jax.numpy as jnp
import numpy as np

B = 64
N = 8192
D_WHAT = 64
D_WHERE = 4
MAX_OBJECTS = 10
NEG_PCT = 0.1
Z_PRESENT_EPS = 1e-3


def setup_inputs(seed: int = 0):
    key = jax.random.key(seed)
    ks = jax.random.split(key, 6)
    return {
        "z_where": jax.random.normal(ks[0], (B, N, D_WHERE), dtype=jnp.float32),
        "z_present": jax.random.uniform(ks[1], (B, N, 1), dtype=jnp.float32),
        "z_what_loc": jax.random.normal(ks[2], (B, N, D_WHAT), dtype=jnp.float32),
        "z_what_scale": jax.random.uniform(ks[3], (B, N, D_WHAT), dtype=jnp.float32),
        "z_depth_loc": jax.random.normal(ks[4], (B, N, 1), dtype=jnp.float32),
        "z_depth_scale": jax.random.uniform(ks[5], (B, N, 1), dtype=jnp.float32),
    }


def reference(z_where, z_present, z_what_loc, z_what_scale, z_depth_loc, z_depth_scale):
    # reset_non_present: reset latents whose z_present <= eps
    mask = z_present > Z_PRESENT_EPS
    z_what_loc = jnp.where(mask, z_what_loc, jnp.float32(0.0))
    z_what_scale = jnp.where(mask, z_what_scale, jnp.float32(1.0))
    z_depth_loc = jnp.where(mask, z_depth_loc, jnp.float32(0.0))
    z_depth_scale = jnp.where(mask, z_depth_scale, jnp.float32(1.0))
    # deterministic sampling callables:
    # where_fn = identity, present_fn = threshold at 0.5,
    # what_fn/depth_fn = loc + scale (reparam sample with eps = 1)
    sampled_where = z_where
    sampled_present = (z_present > 0.5).astype(z_present.dtype)
    sampled_what = z_what_loc + z_what_scale
    sampled_depth = z_depth_loc + z_depth_scale
    # limit_positive: drop the (n - MAX_OBJECTS) positives with lowest z_present per row
    present = sampled_present[:, :, 0] > 0
    vals = z_present[:, :, 0]
    n_present = jnp.sum(present, axis=1)
    sort_key = jnp.where(present, vals, jnp.inf)
    order = jnp.argsort(sort_key, axis=1)
    rank = jnp.argsort(order, axis=1)
    drop_count = jnp.maximum(n_present - MAX_OBJECTS, 0)
    drop = present & (rank < drop_count[:, None])
    sampled_present = jnp.where(drop[:, :, None], jnp.float32(0.0), sampled_present)
    # add_negative: mark randomly-chosen zero slots with -1 so each row has n_objects entries
    present2 = sampled_present[:, :, 0] > 0
    n2 = jnp.sum(present2, axis=1)
    max_present = MAX_OBJECTS
    n_objects = max_present + int(NEG_PCT * N)
    zero_mask = jnp.logical_not(present2)
    score = jax.random.uniform(jax.random.key(12345), (B, N))
    score = jnp.where(zero_mask, score, -jnp.inf)
    neg_needed = n_objects - n2
    nrank = jnp.argsort(jnp.argsort(-score, axis=1), axis=1)
    negative_mask = zero_mask & (nrank < neg_needed[:, None])
    modified_present = jnp.where(negative_mask[:, :, None], jnp.float32(-1.0), sampled_present)
    # filter: gather kept (present or negative) columns in ascending column order
    keep = present2 | negative_mask
    col_order = jnp.argsort(jnp.where(keep, 0, 1), axis=1)
    idx = col_order[:, :n_objects]

    def g(t):
        return jnp.take_along_axis(t, idx[:, :, None], axis=1)

    return (g(sampled_where), g(modified_present), g(sampled_what), g(sampled_depth))

if __name__ == "__main__":
    import jax
    _d = setup_inputs()
    print(jax.jit(kernel)(*tuple(_d.values())))

</pallas_src>

<mosaic_0001>
#map = affine_map<(d0, d1) -> (0, 0, 0)>
module attributes {stable_mosaic.version = 14 : i64} {
  func.func @_b2_body(%arg0: i32, %arg1: i32, %arg2: memref<64x64x8192xf32, #tpu.memory_space<hbm>>, %arg3: memref<64x64x8192xf32, #tpu.memory_space<hbm>>, %arg4: memref<64x8x128xi32, #tpu.memory_space<hbm>>, %arg5: memref<64x8x128xf32, #tpu.memory_space<hbm>>, %arg6: memref<64x64x896xf32, #tpu.memory_space<hbm>>, %arg7: memref<8x128xi32, #tpu.memory_space<vmem>>, %arg8: memref<8x128xf32, #tpu.memory_space<vmem>>, %arg9: memref<64x256xf32, #tpu.memory_space<vmem>>, %arg10: memref<64x256xf32, #tpu.memory_space<vmem>>, %arg11: memref<64x256xf32, #tpu.memory_space<vmem>>, %arg12: memref<64x256xf32, #tpu.memory_space<vmem>>, %arg13: memref<64x896xf32, #tpu.memory_space<vmem>>, %arg14: memref<!tpu.dma_semaphore, #tpu.memory_space<semaphore_mem>>, %arg15: memref<!tpu.dma_semaphore, #tpu.memory_space<semaphore_mem>>, %arg16: memref<!tpu.dma_semaphore, #tpu.memory_space<semaphore_mem>>, %arg17: memref<!tpu.dma_semaphore, #tpu.memory_space<semaphore_mem>>) attributes {dimension_semantics = [#tpu.dimension_semantics<core_parallel>, #tpu.dimension_semantics<subcore_parallel>], iteration_bounds = array<i64: 2, 16>, scalar_prefetch = 0 : i64, scratch_operands = 11 : i64, tpu.core_type = #tpu.core_type<sc_vector_subcore>, window_params = [{transform_indices = #map}, {transform_indices = #map}, {transform_indices = #map}, {transform_indices = #map}, {transform_indices = #map}]} {
    %mul3A = arith.constant 2 : i32
    %mul3A_0 = arith.muli %arg1, %mul3A : i32
    %add3A = arith.addi %mul3A_0, %arg0 : i32
    %iota3A = tpu.iota {dimensions = array<i32: 0>} : vector<16xi32>
    %mul3A_1 = arith.constant 2 : i32
    %mul3A_2 = arith.muli %add3A, %mul3A_1 : i32
    %add3A_3 = arith.constant 0 : i32
    %add3A_4 = arith.addi %mul3A_2, %add3A_3 : i32
    "tpu.region"() ({
      %run_scoped3A = tpu.sem_alloc : memref<!tpu.dma_semaphore, #tpu.memory_space<semaphore_mem>>
      %dma_start3A_154 = arith.constant 0 : i32
      %dma_start3A_155 = arith.constant 0 : i32
      %dma_start3A_156 = tpu.memref_slice %arg4[%add3A_4, %dma_start3A_154, %dma_start3A_155] : memref<64x8x128xi32, #tpu.memory_space<hbm>> -> memref<1x8x128xi32, #tpu.memory_space<hbm>>
      %dma_start3A_157 = tpu.memref_squeeze %dma_start3A_156 : memref<1x8x128xi32, #tpu.memory_space<hbm>> -> memref<8x128xi32, #tpu.memory_space<hbm>>
      %dma_start3A_158 = arith.constant 0 : i32
      %dma_start3A_159 = arith.constant 0 : i32
      %dma_start3A_160 = tpu.memref_slice %arg4[%add3A_4, %dma_start3A_158, %dma_start3A_159] : memref<64x8x128xi32, #tpu.memory_space<hbm>> -> memref<1x8x128xi32, #tpu.memory_space<hbm>>
      %dma_start3A_161 = tpu.memref_squeeze %dma_start3A_160 : memref<1x8x128xi32, #tpu.memory_space<hbm>> -> memref<8x128xi32, #tpu.memory_space<hbm>>
      tpu.enqueue_dma source(%dma_start3A_161 : memref<8x128xi32, #tpu.memory_space<hbm>>) target(%arg7 : memref<8x128xi32, #tpu.memory_space<vmem>>) target_semaphore(%run_scoped3A : memref<!tpu.dma_semaphore, #tpu.memory_space<semaphore_mem>>)
      %dma_wait3A_162 = arith.constant 0 : i32
      %dma_wait3A_163 = arith.constant 0 : i32
      %dma_wait3A_164 = tpu.memref_slice %arg4[%add3A_4, %dma_wait3A_162, %dma_wait3A_163] : memref<64x8x128xi32, #tpu.memory_space<hbm>> -> memref<1x8x128xi32, #tpu.memory_space<hbm>>
      %dma_wait3A_165 = tpu.memref_squeeze %dma_wait3A_164 : memref<1x8x128xi32, #tpu.memory_space<hbm>> -> memref<8x128xi32, #tpu.memory_space<hbm>>
      %dma_wait3A_166 = arith.constant 0 : i32
      %dma_wait3A_167 = arith.constant 0 : i32
      %dma_wait3A_168 = tpu.memref_slice %arg4[%add3A_4, %dma_wait3A_166, %dma_wait3A_167] : memref<64x8x128xi32, #tpu.memory_space<hbm>> -> memref<1x8x128xi32, #tpu.memory_space<hbm>>
      %dma_wait3A_169 = tpu.memref_squeeze %dma_wait3A_168 : memref<1x8x128xi32, #tpu.memory_space<hbm>> -> memref<8x128xi32, #tpu.memory_space<hbm>>
      tpu.wait_dma2 semaphore(%run_scoped3A : memref<!tpu.dma_semaphore, #tpu.memory_space<semaphore_mem>>) src(%dma_wait3A_169 : memref<8x128xi32, #tpu.memory_space<hbm>>) dst(%arg7 : memref<8x128xi32, #tpu.memory_space<vmem>>)
      tpu.yield
    }) : () -> ()
    "tpu.region"() ({
      %run_scoped3A = tpu.sem_alloc : memref<!tpu.dma_semaphore, #tpu.memory_space<semaphore_mem>>
      %dma_start3A_154 = arith.constant 0 : i32
      %dma_start3A_155 = arith.constant 0 : i32
      %dma_start3A_156 = tpu.memref_slice %arg5[%add3A_4, %dma_start3A_154, %dma_start3A_155] : memref<64x8x128xf32, #tpu.memory_space<hbm>> -> memref<1x8x128xf32, #tpu.memory_space<hbm>>
      %dma_start3A_157 = tpu.memref_squeeze %dma_start3A_156 : memref<1x8x128xf32, #tpu.memory_space<hbm>> -> memref<8x128xf32, #tpu.memory_space<hbm>>
      %dma_start3A_158 = arith.constant 0 : i32
      %dma_start3A_159 = arith.constant 0 : i32
      %dma_start3A_160 = tpu.memref_slice %arg5[%add3A_4, %dma_start3A_158, %dma_start3A_159] : memref<64x8x128xf32, #tpu.memory_space<hbm>> -> memref<1x8x128xf32, #tpu.memory_space<hbm>>
      %dma_start3A_161 = tpu.memref_squeeze %dma_start3A_160 : memref<1x8x128xf32, #tpu.memory_space<hbm>> -> memref<8x128xf32, #tpu.memory_space<hbm>>
      tpu.enqueue_dma source(%dma_start3A_161 : memref<8x128xf32, #tpu.memory_space<hbm>>) target(%arg8 : memref<8x128xf32, #tpu.memory_space<vmem>>) target_semaphore(%run_scoped3A : memref<!tpu.dma_semaphore, #tpu.memory_space<semaphore_mem>>)
      %dma_wait3A_162 = arith.constant 0 : i32
      %dma_wait3A_163 = arith.constant 0 : i32
      %dma_wait3A_164 = tpu.memref_slice %arg5[%add3A_4, %dma_wait3A_162, %dma_wait3A_163] : memref<64x8x128xf32, #tpu.memory_space<hbm>> -> memref<1x8x128xf32, #tpu.memory_space<hbm>>
      %dma_wait3A_165 = tpu.memref_squeeze %dma_wait3A_164 : memref<1x8x128xf32, #tpu.memory_space<hbm>> -> memref<8x128xf32, #tpu.memory_space<hbm>>
      %dma_wait3A_166 = arith.constant 0 : i32
      %dma_wait3A_167 = arith.constant 0 : i32
      %dma_wait3A_168 = tpu.memref_slice %arg5[%add3A_4, %dma_wait3A_166, %dma_wait3A_167] : memref<64x8x128xf32, #tpu.memory_space<hbm>> -> memref<1x8x128xf32, #tpu.memory_space<hbm>>
      %dma_wait3A_169 = tpu.memref_squeeze %dma_wait3A_168 : memref<1x8x128xf32, #tpu.memory_space<hbm>> -> memref<8x128xf32, #tpu.memory_space<hbm>>
      tpu.wait_dma2 semaphore(%run_scoped3A : memref<!tpu.dma_semaphore, #tpu.memory_space<semaphore_mem>>) src(%dma_wait3A_169 : memref<8x128xf32, #tpu.memory_space<hbm>>) dst(%arg8 : memref<8x128xf32, #tpu.memory_space<vmem>>)
      tpu.yield
    }) : () -> ()
    %min3A = arith.constant 0 : i32
    %min3A_5 = arith.constant 31 : i32
    %min3A_6 = arith.minsi %min3A, %min3A_5 : i32
    %mul3A_7 = arith.constant 256 : i32
    %mul3A_8 = arith.muli %min3A_6, %mul3A_7 : i32
    %multiple_of3A = tpu.assume_multiple %mul3A_8, 256 : i32
    %dma_start3A = arith.constant 0 : i32
    %dma_start3A_9 = tpu.memref_slice %arg2[%add3A_4, %dma_start3A, %multiple_of3A] : memref<64x64x8192xf32, #tpu.memory_space<hbm>> -> memref<1x64x256xf32, #tpu.memory_space<hbm>>
    %dma_start3A_10 = tpu.memref_squeeze %dma_start3A_9 : memref<1x64x256xf32, #tpu.memory_space<hbm>> -> memref<64x256xf32, #tpu.memory_space<hbm>>
    %dma_start3A_11 = arith.constant 0 : i32
    %dma_start3A_12 = tpu.memref_slice %arg2[%add3A_4, %dma_start3A_11, %multiple_of3A] : memref<64x64x8192xf32, #tpu.memory_space<hbm>> -> memref<1x64x256xf32, #tpu.memory_space<hbm>>
    %dma_start3A_13 = tpu.memref_squeeze %dma_start3A_12 : memref<1x64x256xf32, #tpu.memory_space<hbm>> -> memref<64x256xf32, #tpu.memory_space<hbm>>
    tpu.enqueue_dma source(%dma_start3A_13 : memref<64x256xf32, #tpu.memory_space<hbm>>) target(%arg9 : memref<64x256xf32, #tpu.memory_space<vmem>>) target_semaphore(%arg14 : memref<!tpu.dma_semaphore, #tpu.memory_space<semaphore_mem>>)
    %dma_start3A_14 = arith.constant 0 : i32
    %dma_start3A_15 = tpu.memref_slice %arg3[%add3A_4, %dma_start3A_14, %multiple_of3A] : memref<64x64x8192xf32, #tpu.memory_space<hbm>> -> memref<1x64x256xf32, #tpu.memory_space<hbm>>
    %dma_start3A_16 = tpu.memref_squeeze %dma_start3A_15 : memref<1x64x256xf32, #tpu.memory_space<hbm>> -> memref<64x256xf32, #tpu.memory_space<hbm>>
    %dma_start3A_17 = arith.constant 0 : i32
    %dma_start3A_18 = tpu.memref_slice %arg3[%add3A_4, %dma_start3A_17, %multiple_of3A] : memref<64x64x8192xf32, #tpu.memory_space<hbm>> -> memref<1x64x256xf32, #tpu.memory_space<hbm>>
    %dma_start3A_19 = tpu.memref_squeeze %dma_start3A_18 : memref<1x64x256xf32, #tpu.memory_space<hbm>> -> memref<64x256xf32, #tpu.memory_space<hbm>>
    tpu.enqueue_dma source(%dma_start3A_19 : memref<64x256xf32, #tpu.memory_space<hbm>>) target(%arg11 : memref<64x256xf32, #tpu.memory_space<vmem>>) target_semaphore(%arg16 : memref<!tpu.dma_semaphore, #tpu.memory_space<semaphore_mem>>)
    %min3A_20 = arith.constant 1 : i32
    %min3A_21 = arith.constant 31 : i32
    %min3A_22 = arith.minsi %min3A_20, %min3A_21 : i32
    %mul3A_23 = arith.constant 256 : i32
    %mul3A_24 = arith.muli %min3A_22, %mul3A_23 : i32
    %multiple_of3A_25 = tpu.assume_multiple %mul3A_24, 256 : i32
    %dma_start3A_26 = arith.constant 0 : i32
    %dma_start3A_27 = tpu.memref_slice %arg2[%add3A_4, %dma_start3A_26, %multiple_of3A_25] : memref<64x64x8192xf32, #tpu.memory_space<hbm>> -> memref<1x64x256xf32, #tpu.memory_space<hbm>>
    %dma_start3A_28 = tpu.memref_squeeze %dma_start3A_27 : memref<1x64x256xf32, #tpu.memory_space<hbm>> -> memref<64x256xf32, #tpu.memory_space<hbm>>
    %dma_start3A_29 = arith.constant 0 : i32
    %dma_start3A_30 = tpu.memref_slice %arg2[%add3A_4, %dma_start3A_29, %multiple_of3A_25] : memref<64x64x8192xf32, #tpu.memory_space<hbm>> -> memref<1x64x256xf32, #tpu.memory_space<hbm>>
    %dma_start3A_31 = tpu.memref_squeeze %dma_start3A_30 : memref<1x64x256xf32, #tpu.memory_space<hbm>> -> memref<64x256xf32, #tpu.memory_space<hbm>>
    tpu.enqueue_dma source(%dma_start3A_31 : memref<64x256xf32, #tpu.memory_space<hbm>>) target(%arg10 : memref<64x256xf32, #tpu.memory_space<vmem>>) target_semaphore(%arg15 : memref<!tpu.dma_semaphore, #tpu.memory_space<semaphore_mem>>)
    %dma_start3A_32 = arith.constant 0 : i32
    %dma_start3A_33 = tpu.memref_slice %arg3[%add3A_4, %dma_start3A_32, %multiple_of3A_25] : memref<64x64x8192xf32, #tpu.memory_space<hbm>> -> memref<1x64x256xf32, #tpu.memory_space<hbm>>
    %dma_start3A_34 = tpu.memref_squeeze %dma_start3A_33 : memref<1x64x256xf32, #tpu.memory_space<hbm>> -> memref<64x256xf32, #tpu.memory_space<hbm>>
    %dma_start3A_35 = arith.constant 0 : i32
    %dma_start3A_36 = tpu.memref_slice %arg3[%add3A_4, %dma_start3A_35, %multiple_of3A_25] : memref<64x64x8192xf32, #tpu.memory_space<hbm>> -> memref<1x64x256xf32, #tpu.memory_space<hbm>>
    %dma_start3A_37 = tpu.memref_squeeze %dma_start3A_36 : memref<1x64x256xf32, #tpu.memory_space<hbm>> -> memref<64x256xf32, #tpu.memory_space<hbm>>
    tpu.enqueue_dma source(%dma_start3A_37 : memref<64x256xf32, #tpu.memory_space<hbm>>) target(%arg12 : memref<64x256xf32, #tpu.memory_space<vmem>>) target_semaphore(%arg17 : memref<!tpu.dma_semaphore, #tpu.memory_space<semaphore_mem>>)
    %scan3A = arith.constant 0 : i32
    %scan3A_38 = arith.constant 0 : i32
    %scan3A_39 = arith.constant 16 : i32
    %scan3A_40 = arith.addi %scan3A_38, %scan3A_39 : i32
    %scan3A_41 = arith.constant 1 : i32
    %scan3A_42 = scf.for %scan3A_154 = %scan3A_38 to %scan3A_40 step %scan3A_41 iter_args(%scan3A_155 = %scan3A) -> (i32)  : i32 {
      %mul3A_156 = arith.constant 2 : i32
      %mul3A_157 = arith.muli %scan3A_154, %mul3A_156 : i32
      %dma_wait3A_158 = arith.constant 0 : i32
      %dma_wait3A_159 = arith.constant 0 : i32
      %dma_wait3A_160 = tpu.memref_slice %arg2[%add3A_4, %dma_wait3A_158, %dma_wait3A_159] : memref<64x64x8192xf32, #tpu.memory_space<hbm>> -> memref<1x64x256xf32, #tpu.memory_space<hbm>>
      %dma_wait3A_161 = tpu.memref_squeeze %dma_wait3A_160 : memref<1x64x256xf32, #tpu.memory_space<hbm>> -> memref<64x256xf32, #tpu.memory_space<hbm>>
      %dma_wait3A_162 = arith.constant 0 : i32
      %dma_wait3A_163 = arith.constant 0 : i32
      %dma_wait3A_164 = tpu.memref_slice %arg2[%add3A_4, %dma_wait3A_162, %dma_wait3A_163] : memref<64x64x8192xf32, #tpu.memory_space<hbm>> -> memref<1x64x256xf32, #tpu.memory_space<hbm>>
      %dma_wait3A_165 = tpu.memref_squeeze %dma_wait3A_164 : memref<1x64x256xf32, #tpu.memory_space<hbm>> -> memref<64x256xf32, #tpu.memory_space<hbm>>
      tpu.wait_dma2 semaphore(%arg14 : memref<!tpu.dma_semaphore, #tpu.memory_space<semaphore_mem>>) src(%dma_wait3A_165 : memref<64x256xf32, #tpu.memory_space<hbm>>) dst(%arg9 : memref<64x256xf32, #tpu.memory_space<vmem>>)
      %dma_wait3A_166 = arith.constant 0 : i32
      %dma_wait3A_167 = arith.constant 0 : i32
      %dma_wait3A_168 = tpu.memref_slice %arg3[%add3A_4, %dma_wait3A_166, %dma_wait3A_167] : memref<64x64x8192xf32, #tpu.memory_space<hbm>> -> memref<1x64x256xf32, #tpu.memory_space<hbm>>
      %dma_wait3A_169 = tpu.memref_squeeze %dma_wait3A_168 : memref<1x64x256xf32, #tpu.memory_space<hbm>> -> memref<64x256xf32, #tpu.memory_space<hbm>>
      %dma_wait3A_170 = arith.constant 0 : i32
      %dma_wait3A_171 = arith.constant 0 : i32
      %dma_wait3A_172 = tpu.memref_slice %arg3[%add3A_4, %dma_wait3A_170, %dma_wait3A_171] : memref<64x64x8192xf32, #tpu.memory_space<hbm>> -> memref<1x64x256xf32, #tpu.memory_space<hbm>>
      %dma_wait3A_173 = tpu.memref_squeeze %dma_wait3A_172 : memref<1x64x256xf32, #tpu.memory_space<hbm>> -> memref<64x256xf32, #tpu.memory_space<hbm>>
      tpu.wait_dma2 semaphore(%arg16 : memref<!tpu.dma_semaphore, #tpu.memory_space<semaphore_mem>>) src(%dma_wait3A_173 : memref<64x256xf32, #tpu.memory_space<hbm>>) dst(%arg11 : memref<64x256xf32, #tpu.memory_space<vmem>>)
      %mul3A_174 = arith.constant 256 : i32
      %mul3A_175 = arith.muli %mul3A_157, %mul3A_174 : i32
      %add3A_176 = arith.constant 256 : i32
      %add3A_177 = arith.addi %mul3A_175, %add3A_176 : i32
      %while3A = scf.while (%while3A_261 = %scan3A_155) : (i32) -> i32 {
        %lt3A = arith.constant 832 : i32
        %lt3A_262 = arith.cmpi slt, %while3A_261, %lt3A : i32
        %broadcast_in_dim3A = arith.constant 0 : i32
        %broadcast_in_dim3A_263 = vector.broadcast %broadcast_in_dim3A : i32 to vector<16xi32>
        %add3A_264 = vector.broadcast %while3A_261 : i32 to vector<16xi32>
        %add3A_265 = arith.addi %broadcast_in_dim3A_263, %add3A_264 : vector<16xi32>
        %shift_right_logical3A = arith.constant 7 : i32
        %shift_right_logical3A_266 = vector.broadcast %shift_right_logical3A : i32 to vector<16xi32>
        %shift_right_logical3A_267 = arith.shrui %add3A_265, %shift_right_logical3A_266 : vector<16xi32>
        %and3A = arith.constant 127 : i32
        %and3A_268 = vector.broadcast %and3A : i32 to vector<16xi32>
        %and3A_269 = arith.andi %add3A_265, %and3A_268 : vector<16xi32>
        %gather3A = tpu.vector_load_idx %arg7[%shift_right_logical3A_267, %and3A_269] : memref<8x128xi32, #tpu.memory_space<vmem>>[vector<16xi32>, vector<16xi32>], vector<16xi32>,
        %reduce_max3A = arith.constant true
        %reduce_max3A_270 = vector.broadcast %reduce_max3A : i1 to vector<16xi1>
        %reduce_max3A_271 = arith.constant -2147483648 : i32
        %reduce_max3A_272 = vector.broadcast %reduce_max3A_271 : i32 to vector<16xi32>
        %reduce_max3A_273 = arith.xori %gather3A, %reduce_max3A_272 : vector<16xi32>
        %reduce_max3A_274 = tpu.scan <max>, %reduce_max3A_273 masked %reduce_max3A_270 : vector<16xi32>, vector<16xi1> -> vector<16xi32>
        %reduce_max3A_275 = arith.xori %reduce_max3A_274, %reduce_max3A_272 : vector<16xi32>
        %reduce_max3A_276 = vector.extract %reduce_max3A_275[15] : i32 from vector<16xi32>
        %lt3A_277 = arith.cmpi slt, %reduce_max3A_276, %add3A_177 : i32
        %and3A_278 = arith.andi %lt3A_262, %lt3A_277 : i1
        scf.condition(%and3A_278) %while3A_261 : i32
      } do {
      ^bb0(%while3A_261: i32):
        %add3A_262 = arith.constant 1 : i32
        %add3A_263 = arith.addi %while3A_261, %add3A_262 : i32
        scf.yield %add3A_263 : i32
      }
      %while3A_178 = arith.constant 0 : i32
      %while3A_179 = arith.subi %while3A, %scan3A_155 : i32
      %while3A_180 = arith.addi %scan3A_155, %while3A_179 : i32
      %while3A_181 = arith.constant 1 : i32
      %while3A_182 = arith.divsi %while3A_179, %while3A_181 : i32
      %while3A_183 = arith.muli %while3A_182, %while3A_181 : i32
      %while3A_184 = arith.addi %scan3A_155, %while3A_183 : i32
      %while3A_185 = arith.constant 1 : i32
      %while3A_186 = scf.for %while3A_261 = %scan3A_155 to %while3A_184 step %while3A_185 iter_args(%while3A_262 = %while3A_178) -> (i32)  : i32 {
        %broadcast_in_dim3A = arith.constant 0 : i32
        %broadcast_in_dim3A_263 = vector.broadcast %broadcast_in_dim3A : i32 to vector<16xi32>
        %add3A_264 = vector.broadcast %while3A_261 : i32 to vector<16xi32>
        %add3A_265 = arith.addi %broadcast_in_dim3A_263, %add3A_264 : vector<16xi32>
        %shift_right_logical3A = arith.constant 7 : i32
        %shift_right_logical3A_266 = vector.broadcast %shift_right_logical3A : i32 to vector<16xi32>
        %shift_right_logical3A_267 = arith.shrui %add3A_265, %shift_right_logical3A_266 : vector<16xi32>
        %and3A = arith.constant 127 : i32
        %and3A_268 = vector.broadcast %and3A : i32 to vector<16xi32>
        %and3A_269 = arith.andi %add3A_265, %and3A_268 : vector<16xi32>
        %gather3A = tpu.vector_load_idx %arg7[%shift_right_logical3A_267, %and3A_269] : memref<8x128xi32, #tpu.memory_space<vmem>>[vector<16xi32>, vector<16xi32>], vector<16xi32>,
        %reduce_max3A = arith.constant true
        %reduce_max3A_270 = vector.broadcast %reduce_max3A : i1 to vector<16xi1>
        %reduce_max3A_271 = arith.constant -2147483648 : i32
        %reduce_max3A_272 = vector.broadcast %reduce_max3A_271 : i32 to vector<16xi32>
        %reduce_max3A_273 = arith.xori %gather3A, %reduce_max3A_272 : vector<16xi32>
        %reduce_max3A_274 = tpu.scan <max>, %reduce_max3A_273 masked %reduce_max3A_270 : vector<16xi32>, vector<16xi1> -> vector<16xi32>
        %reduce_max3A_275 = arith.xori %reduce_max3A_274, %reduce_max3A_272 : vector<16xi32>
        %reduce_max3A_276 = vector.extract %reduce_max3A_275[15] : i32 from vector<16xi32>
        %broadcast_in_dim3A_277 = arith.constant 0 : i32
        %broadcast_in_dim3A_278 = vector.broadcast %broadcast_in_dim3A_277 : i32 to vector<16xi32>
        %mul3A_279 = arith.constant 256 : i32
        %mul3A_280 = arith.muli %mul3A_157, %mul3A_279 : i32
        %sub3A = arith.subi %reduce_max3A_276, %mul3A_280 : i32
        %add3A_281 = vector.broadcast %sub3A : i32 to vector<16xi32>
        %add3A_282 = arith.addi %broadcast_in_dim3A_278, %add3A_281 : vector<16xi32>
        %gather3A_283 = tpu.vector_load_idx %arg8[%shift_right_logical3A_267, %and3A_269] : memref<8x128xf32, #tpu.memory_space<vmem>>[vector<16xi32>, vector<16xi32>], vector<16xf32>,
        %gt3A = arith.constant -1.500000e+00 : f32
        %gt3A_284 = vector.broadcast %gt3A : f32 to vector<16xf32>
        %gt3A_285 = arith.cmpf ogt, %gather3A_283, %gt3A_284 : vector<16xf32>
        %add3A_286 = arith.constant 0 : i32
        %add3A_287 = vector.broadcast %add3A_286 : i32 to vector<16xi32>
        %add3A_288 = arith.addi %iota3A, %add3A_287 : vector<16xi32>
        %gather3A_289 = tpu.vector_load_idx %arg9[%add3A_288, %add3A_282] : memref<64x256xf32, #tpu.memory_space<vmem>>[vector<16xi32>, vector<16xi32>], vector<16xf32>,
        %gather3A_290 = tpu.vector_load_idx %arg11[%add3A_288, %add3A_282] : memref<64x256xf32, #tpu.memory_space<vmem>>[vector<16xi32>, vector<16xi32>], vector<16xf32>,
        %add3A_291 = arith.addf %gather3A_289, %gather3A_290 : vector<16xf32>
        %jit3A = arith.constant 1.000000e+00 : f32
        %broadcast_in_dim3A_292 = vector.broadcast %jit3A : f32 to vector<16xf32>
        %select_n3A = arith.select %gt3A_285, %add3A_291, %broadcast_in_dim3A_292 : vector<16xi1>, vector<16xf32>
        tpu.vector_store_idx %arg13[%add3A_288, %add3A_265], %select_n3A : memref<64x896xf32, #tpu.memory_space<vmem>>[vector<16xi32>, vector<16xi32>], vector<16xf32>,
        %add3A_293 = arith.constant 16 : i32
        %add3A_294 = vector.broadcast %add3A_293 : i32 to vector<16xi32>
        %add3A_295 = arith.addi %iota3A, %add3A_294 : vector<16xi32>
        %gather3A_296 = tpu.vector_load_idx %arg9[%add3A_295, %add3A_282] : memref<64x256xf32, #tpu.memory_space<vmem>>[vector<16xi32>, vector<16xi32>], vector<16xf32>,
        %gather3A_297 = tpu.vector_load_idx %arg11[%add3A_295, %add3A_282] : memref<64x256xf32, #tpu.memory_space<vmem>>[vector<16xi32>, vector<16xi32>], vector<16xf32>,
        %add3A_298 = arith.addf %gather3A_296, %gather3A_297 : vector<16xf32>
        %jit3A_299 = arith.constant 1.000000e+00 : f32
        %broadcast_in_dim3A_300 = vector.broadcast %jit3A_299 : f32 to vector<16xf32>
        %select_n3A_301 = arith.select %gt3A_285, %add3A_298, %broadcast_in_dim3A_300 : vector<16xi1>, vector<16xf32>
        tpu.vector_store_idx %arg13[%add3A_295, %add3A_265], %select_n3A_301 : memref<64x896xf32, #tpu.memory_space<vmem>>[vector<16xi32>, vector<16xi32>], vector<16xf32>,
        %add3A_302 = arith.constant 32 : i32
        %add3A_303 = vector.broadcast %add3A_302 : i32 to vector<16xi32>
        %add3A_304 = arith.addi %iota3A, %add3A_303 : vector<16xi32>
        %gather3A_305 = tpu.vector_load_idx %arg9[%add3A_304, %add3A_282] : memref<64x256xf32, #tpu.memory_space<vmem>>[vector<16xi32>, vector<16xi32>], vector<16xf32>,
        %gather3A_306 = tpu.vector_load_idx %arg11[%add3A_304, %add3A_282] : memref<64x256xf32, #tpu.memory_space<vmem>>[vector<16xi32>, vector<16xi32>], vector<16xf32>,
        %add3A_307 = arith.addf %gather3A_305, %gather3A_306 : vector<16xf32>
        %jit3A_308 = arith.constant 1.000000e+00 : f32
        %broadcast_in_dim3A_309 = vector.broadcast %jit3A_308 : f32 to vector<16xf32>
        %select_n3A_310 = arith.select %gt3A_285, %add3A_307, %broadcast_in_dim3A_309 : vector<16xi1>, vector<16xf32>
        tpu.vector_store_idx %arg13[%add3A_304, %add3A_265], %select_n3A_310 : memref<64x896xf32, #tpu.memory_space<vmem>>[vector<16xi32>, vector<16xi32>], vector<16xf32>,
        %add3A_311 = arith.constant 48 : i32
        %add3A_312 = vector.broadcast %add3A_311 : i32 to vector<16xi32>
        %add3A_313 = arith.addi %iota3A, %add3A_312 : vector<16xi32>
        %gather3A_314 = tpu.vector_load_idx %arg9[%add3A_313, %add3A_282] : memref<64x256xf32, #tpu.memory_space<vmem>>[vector<16xi32>, vector<16xi32>], vector<16xf32>,
        %gather3A_315 = tpu.vector_load_idx %arg11[%add3A_313, %add3A_282] : memref<64x256xf32, #tpu.memory_space<vmem>>[vector<16xi32>, vector<16xi32>], vector<16xf32>,
        %add3A_316 = arith.addf %gather3A_314, %gather3A_315 : vector<16xf32>
        %jit3A_317 = arith.constant 1.000000e+00 : f32
        %broadcast_in_dim3A_318 = vector.broadcast %jit3A_317 : f32 to vector<16xf32>
        %select_n3A_319 = arith.select %gt3A_285, %add3A_316, %broadcast_in_dim3A_318 : vector<16xi1>, vector<16xf32>
        tpu.vector_store_idx %arg13[%add3A_313, %add3A_265], %select_n3A_319 : memref<64x896xf32, #tpu.memory_space<vmem>>[vector<16xi32>, vector<16xi32>], vector<16xf32>,
        %while3A_320 = arith.constant 0 : i32
        scf.yield %while3A_320 : i32
      }
      %while3A_187 = arith.constant 1 : i32
      %while3A_188 = scf.for %while3A_261 = %while3A_184 to %while3A_180 step %while3A_187 iter_args(%while3A_262 = %while3A_186) -> (i32)  : i32 {
        %broadcast_in_dim3A = arith.constant 0 : i32
        %broadcast_in_dim3A_263 = vector.broadcast %broadcast_in_dim3A : i32 to vector<16xi32>
        %add3A_264 = vector.broadcast %while3A_261 : i32 to vector<16xi32>
        %add3A_265 = arith.addi %broadcast_in_dim3A_263, %add3A_264 : vector<16xi32>
        %shift_right_logical3A = arith.constant 7 : i32
        %shift_right_logical3A_266 = vector.broadcast %shift_right_logical3A : i32 to vector<16xi32>
        %shift_right_logical3A_267 = arith.shrui %add3A_265, %shift_right_logical3A_266 : vector<16xi32>
        %and3A = arith.constant 127 : i32
        %and3A_268 = vector.broadcast %and3A : i32 to vector<16xi32>
        %and3A_269 = arith.andi %add3A_265, %and3A_268 : vector<16xi32>
        %gather3A = tpu.vector_load_idx %arg7[%shift_right_logical3A_267, %and3A_269] : memref<8x128xi32, #tpu.memory_space<vmem>>[vector<16xi32>, vector<16xi32>], vector<16xi32>,
        %reduce_max3A = arith.constant true
        %reduce_max3A_270 = vector.broadcast %reduce_max3A : i1 to vector<16xi1>
        %reduce_max3A_271 = arith.constant -2147483648 : i32
        %reduce_max3A_272 = vector.broadcast %reduce_max3A_271 : i32 to vector<16xi32>
        %reduce_max3A_273 = arith.xori %gather3A, %reduce_max3A_272 : vector<16xi32>
        %reduce_max3A_274 = tpu.scan <max>, %reduce_max3A_273 masked %reduce_max3A_270 : vector<16xi32>, vector<16xi1> -> vector<16xi32>
        %reduce_max3A_275 = arith.xori %reduce_max3A_274, %reduce_max3A_272 : vector<16xi32>
        %reduce_max3A_276 = vector.extract %reduce_max3A_275[15] : i32 from vector<16xi32>
        %broadcast_in_dim3A_277 = arith.constant 0 : i32
        %broadcast_in_dim3A_278 = vector.broadcast %broadcast_in_dim3A_277 : i32 to vector<16xi32>
        %mul3A_279 = arith.constant 256 : i32
        %mul3A_280 = arith.muli %mul3A_157, %mul3A_279 : i32
        %sub3A = arith.subi %reduce_max3A_276, %mul3A_280 : i32
        %add3A_281 = vector.broadcast %sub3A : i32 to vector<16xi32>
        %add3A_282 = arith.addi %broadcast_in_dim3A_278, %add3A_281 : vector<16xi32>
        %gather3A_283 = tpu.vector_load_idx %arg8[%shift_right_logical3A_267, %and3A_269] : memref<8x128xf32, #tpu.memory_space<vmem>>[vector<16xi32>, vector<16xi32>], vector<16xf32>,
        %gt3A = arith.constant -1.500000e+00 : f32
        %gt3A_284 = vector.broadcast %gt3A : f32 to vector<16xf32>
        %gt3A_285 = arith.cmpf ogt, %gather3A_283, %gt3A_284 : vector<16xf32>
        %add3A_286 = arith.constant 0 : i32
        %add3A_287 = vector.broadcast %add3A_286 : i32 to vector<16xi32>
        %add3A_288 = arith.addi %iota3A, %add3A_287 : vector<16xi32>
        %gather3A_289 = tpu.vector_load_idx %arg9[%add3A_288, %add3A_282] : memref<64x256xf32, #tpu.memory_space<vmem>>[vector<16xi32>, vector<16xi32>], vector<16xf32>,
        %gather3A_290 = tpu.vector_load_idx %arg11[%add3A_288, %add3A_282] : memref<64x256xf32, #tpu.memory_space<vmem>>[vector<16xi32>, vector<16xi32>], vector<16xf32>,
        %add3A_291 = arith.addf %gather3A_289, %gather3A_290 : vector<16xf32>
        %jit3A = arith.constant 1.000000e+00 : f32
        %broadcast_in_dim3A_292 = vector.broadcast %jit3A : f32 to vector<16xf32>
        %select_n3A = arith.select %gt3A_285, %add3A_291, %broadcast_in_dim3A_292 : vector<16xi1>, vector<16xf32>
        tpu.vector_store_idx %arg13[%add3A_288, %add3A_265], %select_n3A : memref<64x896xf32, #tpu.memory_space<vmem>>[vector<16xi32>, vector<16xi32>], vector<16xf32>,
        %add3A_293 = arith.constant 16 : i32
        %add3A_294 = vector.broadcast %add3A_293 : i32 to vector<16xi32>
        %add3A_295 = arith.addi %iota3A, %add3A_294 : vector<16xi32>
        %gather3A_296 = tpu.vector_load_idx %arg9[%add3A_295, %add3A_282] : memref<64x256xf32, #tpu.memory_space<vmem>>[vector<16xi32>, vector<16xi32>], vector<16xf32>,
        %gather3A_297 = tpu.vector_load_idx %arg11[%add3A_295, %add3A_282] : memref<64x256xf32, #tpu.memory_space<vmem>>[vector<16xi32>, vector<16xi32>], vector<16xf32>,
        %add3A_298 = arith.addf %gather3A_296, %gather3A_297 : vector<16xf32>
        %jit3A_299 = arith.constant 1.000000e+00 : f32
        %broadcast_in_dim3A_300 = vector.broadcast %jit3A_299 : f32 to vector<16xf32>
        %select_n3A_301 = arith.select %gt3A_285, %add3A_298, %broadcast_in_dim3A_300 : vector<16xi1>, vector<16xf32>
        tpu.vector_store_idx %arg13[%add3A_295, %add3A_265], %select_n3A_301 : memref<64x896xf32, #tpu.memory_space<vmem>>[vector<16xi32>, vector<16xi32>], vector<16xf32>,
        %add3A_302 = arith.constant 32 : i32
        %add3A_303 = vector.broadcast %add3A_302 : i32 to vector<16xi32>
        %add3A_304 = arith.addi %iota3A, %add3A_303 : vector<16xi32>
        %gather3A_305 = tpu.vector_load_idx %arg9[%add3A_304, %add3A_282] : memref<64x256xf32, #tpu.memory_space<vmem>>[vector<16xi32>, vector<16xi32>], vector<16xf32>,
        %gather3A_306 = tpu.vector_load_idx %arg11[%add3A_304, %add3A_282] : memref<64x256xf32, #tpu.memory_space<vmem>>[vector<16xi32>, vector<16xi32>], vector<16xf32>,
        %add3A_307 = arith.addf %gather3A_305, %gather3A_306 : vector<16xf32>
        %jit3A_308 = arith.constant 1.000000e+00 : f32
        %broadcast_in_dim3A_309 = vector.broadcast %jit3A_308 : f32 to vector<16xf32>
        %select_n3A_310 = arith.select %gt3A_285, %add3A_307, %broadcast_in_dim3A_309 : vector<16xi1>, vector<16xf32>
        tpu.vector_store_idx %arg13[%add3A_304, %add3A_265], %select_n3A_310 : memref<64x896xf32, #tpu.memory_space<vmem>>[vector<16xi32>, vector<16xi32>], vector<16xf32>,
        %add3A_311 = arith.constant 48 : i32
        %add3A_312 = vector.broadcast %add3A_311 : i32 to vector<16xi32>
        %add3A_313 = arith.addi %iota3A, %add3A_312 : vector<16xi32>
        %gather3A_314 = tpu.vector_load_idx %arg9[%add3A_313, %add3A_282] : memref<64x256xf32, #tpu.memory_space<vmem>>[vector<16xi32>, vector<16xi32>], vector<16xf32>,
        %gather3A_315 = tpu.vector_load_idx %arg11[%add3A_313, %add3A_282] : memref<64x256xf32, #tpu.memory_space<vmem>>[vector<16xi32>, vector<16xi32>], vector<16xf32>,
        %add3A_316 = arith.addf %gather3A_314, %gather3A_315 : vector<16xf32>
        %jit3A_317 = arith.constant 1.000000e+00 : f32
        %broadcast_in_dim3A_318 = vector.broadcast %jit3A_317 : f32 to vector<16xf32>
        %select_n3A_319 = arith.select %gt3A_285, %add3A_316, %broadcast_in_dim3A_318 : vector<16xi1>, vector<16xf32>
        tpu.vector_store_idx %arg13[%add3A_313, %add3A_265], %select_n3A_319 : memref<64x896xf32, #tpu.memory_space<vmem>>[vector<16xi32>, vector<16xi32>], vector<16xf32>,
        %while3A_320 = arith.constant 0 : i32
        scf.yield %while3A_320 : i32
      }
      %add3A_189 = arith.constant 2 : i32
      %add3A_190 = arith.addi %mul3A_157, %add3A_189 : i32
      %min3A_191 = arith.constant 31 : i32
      %min3A_192 = arith.minsi %add3A_190, %min3A_191 : i32
      %mul3A_193 = arith.constant 256 : i32
      %mul3A_194 = arith.muli %min3A_192, %mul3A_193 : i32
      %multiple_of3A_195 = tpu.assume_multiple %mul3A_194, 256 : i32
      %dma_start3A_196 = arith.constant 0 : i32
      %dma_start3A_197 = tpu.memref_slice %arg2[%add3A_4, %dma_start3A_196, %multiple_of3A_195] : memref<64x64x8192xf32, #tpu.memory_space<hbm>> -> memref<1x64x256xf32, #tpu.memory_space<hbm>>
      %dma_start3A_198 = tpu.memref_squeeze %dma_start3A_197 : memref<1x64x256xf32, #tpu.memory_space<hbm>> -> memref<64x256xf32, #tpu.memory_space<hbm>>
      %dma_start3A_199 = arith.constant 0 : i32
      %dma_start3A_200 = tpu.memref_slice %arg2[%add3A_4, %dma_start3A_199, %multiple_of3A_195] : memref<64x64x8192xf32, #tpu.memory_space<hbm>> -> memref<1x64x256xf32, #tpu.memory_space<hbm>>
      %dma_start3A_201 = tpu.memref_squeeze %dma_start3A_200 : memref<1x64x256xf32, #tpu.memory_space<hbm>> -> memref<64x256xf32, #tpu.memory_space<hbm>>
      tpu.enqueue_dma source(%dma_start3A_201 : memref<64x256xf32, #tpu.memory_space<hbm>>) target(%arg9 : memref<64x256xf32, #tpu.memory_space<vmem>>) target_semaphore(%arg14 : memref<!tpu.dma_semaphore, #tpu.memory_space<semaphore_mem>>)
      %dma_start3A_202 = arith.constant 0 : i32
      %dma_start3A_203 = tpu.memref_slice %arg3[%add3A_4, %dma_start3A_202, %multiple_of3A_195] : memref<64x64x8192xf32, #tpu.memory_space<hbm>> -> memref<1x64x256xf32, #tpu.memory_space<hbm>>
      %dma_start3A_204 = tpu.memref_squeeze %dma_start3A_203 : memref<1x64x256xf32, #tpu.memory_space<hbm>> -> memref<64x256xf32, #tpu.memory_space<hbm>>
      %dma_start3A_205 = arith.constant 0 : i32
      %dma_start3A_206 = tpu.memref_slice %arg3[%add3A_4, %dma_start3A_205, %multiple_of3A_195] : memref<64x64x8192xf32, #tpu.memory_space<hbm>> -> memref<1x64x256xf32, #tpu.memory_space<hbm>>
      %dma_start3A_207 = tpu.memref_squeeze %dma_start3A_206 : memref<1x64x256xf32, #tpu.memory_space<hbm>> -> memref<64x256xf32, #tpu.memory_space<hbm>>
      tpu.enqueue_dma source(%dma_start3A_207 : memref<64x256xf32, #tpu.memory_space<hbm>>) target(%arg11 : memref<64x256xf32, #tpu.memory_space<vmem>>) target_semaphore(%arg16 : memref<!tpu.dma_semaphore, #tpu.memory_space<semaphore_mem>>)
      %dma_wait3A_208 = arith.constant 0 : i32
      %dma_wait3A_209 = arith.constant 0 : i32
      %dma_wait3A_210 = tpu.memref_slice %arg2[%add3A_4, %dma_wait3A_208, %dma_wait3A_209] : memref<64x64x8192xf32, #tpu.memory_space<hbm>> -> memref<1x64x256xf32, #tpu.memory_space<hbm>>
      %dma_wait3A_211 = tpu.memref_squeeze %dma_wait3A_210 : memref<1x64x256xf32, #tpu.memory_space<hbm>> -> memref<64x256xf32, #tpu.memory_space<hbm>>
      %dma_wait3A_212 = arith.constant 0 : i32
      %dma_wait3A_213 = arith.constant 0 : i32
      %dma_wait3A_214 = tpu.memref_slice %arg2[%add3A_4, %dma_wait3A_212, %dma_wait3A_213] : memref<64x64x8192xf32, #tpu.memory_space<hbm>> -> memref<1x64x256xf32, #tpu.memory_space<hbm>>
      %dma_wait3A_215 = tpu.memref_squeeze %dma_wait3A_214 : memref<1x64x256xf32, #tpu.memory_space<hbm>> -> memref<64x256xf32, #tpu.memory_space<hbm>>
      tpu.wait_dma2 semaphore(%arg15 : memref<!tpu.dma_semaphore, #tpu.memory_space<semaphore_mem>>) src(%dma_wait3A_215 : memref<64x256xf32, #tpu.memory_space<hbm>>) dst(%arg10 : memref<64x256xf32, #tpu.memory_space<vmem>>)
      %dma_wait3A_216 = arith.constant 0 : i32
      %dma_wait3A_217 = arith.constant 0 : i32
      %dma_wait3A_218 = tpu.memref_slice %arg3[%add3A_4, %dma_wait3A_216, %dma_wait3A_217] : memref<64x64x8192xf32, #tpu.memory_space<hbm>> -> memref<1x64x256xf32, #tpu.memory_space<hbm>>
      %dma_wait3A_219 = tpu.memref_squeeze %dma_wait3A_218 : memref<1x64x256xf32, #tpu.memory_space<hbm>> -> memref<64x256xf32, #tpu.memory_space<hbm>>
      %dma_wait3A_220 = arith.constant 0 : i32
      %dma_wait3A_221 = arith.constant 0 : i32
      %dma_wait3A_222 = tpu.memref_slice %arg3[%add3A_4, %dma_wait3A_220, %dma_wait3A_221] : memref<64x64x8192xf32, #tpu.memory_space<hbm>> -> memref<1x64x256xf32, #tpu.memory_space<hbm>>
      %dma_wait3A_223 = tpu.memref_squeeze %dma_wait3A_222 : memref<1x64x256xf32, #tpu.memory_space<hbm>> -> memref<64x256xf32, #tpu.memory_space<hbm>>
      tpu.wait_dma2 semaphore(%arg17 : memref<!tpu.dma_semaphore, #tpu.memory_space<semaphore_mem>>) src(%dma_wait3A_223 : memref<64x256xf32, #tpu.memory_space<hbm>>) dst(%arg12 : memref<64x256xf32, #tpu.memory_space<vmem>>)
      %add3A_224 = arith.constant 1 : i32
      %add3A_225 = arith.addi %mul3A_157, %add3A_224 : i32
      %mul3A_226 = arith.constant 256 : i32
      %mul3A_227 = arith.muli %add3A_225, %mul3A_226 : i32
      %add3A_228 = arith.constant 256 : i32
      %add3A_229 = arith.addi %mul3A_227, %add3A_228 : i32
      %while3A_230 = scf.while (%while3A_261 = %while3A) : (i32) -> i32 {
        %lt3A = arith.constant 832 : i32
        %lt3A_262 = arith.cmpi slt, %while3A_261, %lt3A : i32
        %broadcast_in_dim3A = arith.constant 0 : i32
        %broadcast_in_dim3A_263 = vector.broadcast %broadcast_in_dim3A : i32 to vector<16xi32>
        %add3A_264 = vector.broadcast %while3A_261 : i32 to vector<16xi32>
        %add3A_265 = arith.addi %broadcast_in_dim3A_263, %add3A_264 : vector<16xi32>
        %shift_right_logical3A = arith.constant 7 : i32
        %shift_right_logical3A_266 = vector.broadcast %shift_right_logical3A : i32 to vector<16xi32>
        %shift_right_logical3A_267 = arith.shrui %add3A_265, %shift_right_logical3A_266 : vector<16xi32>
        %and3A = arith.constant 127 : i32
        %and3A_268 = vector.broadcast %and3A : i32 to vector<16xi32>
        %and3A_269 = arith.andi %add3A_265, %and3A_268 : vector<16xi32>
        %gather3A = tpu.vector_load_idx %arg7[%shift_right_logical3A_267, %and3A_269] : memref<8x128xi32, #tpu.memory_space<vmem>>[vector<16xi32>, vector<16xi32>], vector<16xi32>,
        %reduce_max3A = arith.constant true
        %reduce_max3A_270 = vector.broadcast %reduce_max3A : i1 to vector<16xi1>
        %reduce_max3A_271 = arith.constant -2147483648 : i32
        %reduce_max3A_272 = vector.broadcast %reduce_max3A_271 : i32 to vector<16xi32>
        %reduce_max3A_273 = arith.xori %gather3A, %reduce_max3A_272 : vector<16xi32>
        %reduce_max3A_274 = tpu.scan <max>, %reduce_max3A_273 masked %reduce_max3A_270 : vector<16xi32>, vector<16xi1> -> vector<16xi32>
        %reduce_max3A_275 = arith.xori %reduce_max3A_274, %reduce_max3A_272 : vector<16xi32>
        %reduce_max3A_276 = vector.extract %reduce_max3A_275[15] : i32 from vector<16xi32>
        %lt3A_277 = arith.cmpi slt, %reduce_max3A_276, %add3A_229 : i32
        %and3A_278 = arith.andi %lt3A_262, %lt3A_277 : i1
        scf.condition(%and3A_278) %while3A_261 : i32
      } do {
      ^bb0(%while3A_261: i32):
        %add3A_262 = arith.constant 1 : i32
        %add3A_263 = arith.addi %while3A_261, %add3A_262 : i32
        scf.yield %add3A_263 : i32
      }
      %while3A_231 = arith.constant 0 : i32
      %while3A_232 = arith.subi %while3A_230, %while3A : i32
      %while3A_233 = arith.addi %while3A, %while3A_232 : i32
      %while3A_234 = arith.constant 1 : i32
      %while3A_235 = arith.divsi %while3A_232, %while3A_234 : i32
      %while3A_236 = arith.muli %while3A_235, %while3A_234 : i32
      %while3A_237 = arith.addi %while3A, %while3A_236 : i32
      %while3A_238 = arith.constant 1 : i32
      %while3A_239 = scf.for %while3A_261 = %while3A to %while3A_237 step %while3A_238 iter_args(%while3A_262 = %while3A_231) -> (i32)  : i32 {
        %broadcast_in_dim3A = arith.constant 0 : i32
        %broadcast_in_dim3A_263 = vector.broadcast %broadcast_in_dim3A : i32 to vector<16xi32>
        %add3A_264 = vector.broadcast %while3A_261 : i32 to vector<16xi32>
        %add3A_265 = arith.addi %broadcast_in_dim3A_263, %add3A_264 : vector<16xi32>
        %shift_right_logical3A = arith.constant 7 : i32
        %shift_right_logical3A_266 = vector.broadcast %shift_right_logical3A : i32 to vector<16xi32>
        %shift_right_logical3A_267 = arith.shrui %add3A_265, %shift_right_logical3A_266 : vector<16xi32>
        %and3A = arith.constant 127 : i32
        %and3A_268 = vector.broadcast %and3A : i32 to vector<16xi32>
        %and3A_269 = arith.andi %add3A_265, %and3A_268 : vector<16xi32>
        %gather3A = tpu.vector_load_idx %arg7[%shift_right_logical3A_267, %and3A_269] : memref<8x128xi32, #tpu.memory_space<vmem>>[vector<16xi32>, vector<16xi32>], vector<16xi32>,
        %reduce_max3A = arith.constant true
        %reduce_max3A_270 = vector.broadcast %reduce_max3A : i1 to vector<16xi1>
        %reduce_max3A_271 = arith.constant -2147483648 : i32
        %reduce_max3A_272 = vector.broadcast %reduce_max3A_271 : i32 to vector<16xi32>
        %reduce_max3A_273 = arith.xori %gather3A, %reduce_max3A_272 : vector<16xi32>
        %reduce_max3A_274 = tpu.scan <max>, %reduce_max3A_273 masked %reduce_max3A_270 : vector<16xi32>, vector<16xi1> -> vector<16xi32>
        %reduce_max3A_275 = arith.xori %reduce_max3A_274, %reduce_max3A_272 : vector<16xi32>
        %reduce_max3A_276 = vector.extract %reduce_max3A_275[15] : i32 from vector<16xi32>
        %broadcast_in_dim3A_277 = arith.constant 0 : i32
        %broadcast_in_dim3A_278 = vector.broadcast %broadcast_in_dim3A_277 : i32 to vector<16xi32>
        %mul3A_279 = arith.constant 256 : i32
        %mul3A_280 = arith.muli %add3A_225, %mul3A_279 : i32
        %sub3A = arith.subi %reduce_max3A_276, %mul3A_280 : i32
        %add3A_281 = vector.broadcast %sub3A : i32 to vector<16xi32>
        %add3A_282 = arith.addi %broadcast_in_dim3A_278, %add3A_281 : vector<16xi32>
        %gather3A_283 = tpu.vector_load_idx %arg8[%shift_right_logical3A_267, %and3A_269] : memref<8x128xf32, #tpu.memory_space<vmem>>[vector<16xi32>, vector<16xi32>], vector<16xf32>,
        %gt3A = arith.constant -1.500000e+00 : f32
        %gt3A_284 = vector.broadcast %gt3A : f32 to vector<16xf32>
        %gt3A_285 = arith.cmpf ogt, %gather3A_283, %gt3A_284 : vector<16xf32>
        %add3A_286 = arith.constant 0 : i32
        %add3A_287 = vector.broadcast %add3A_286 : i32 to vector<16xi32>
        %add3A_288 = arith.addi %iota3A, %add3A_287 : vector<16xi32>
        %gather3A_289 = tpu.vector_load_idx %arg10[%add3A_288, %add3A_282] : memref<64x256xf32, #tpu.memory_space<vmem>>[vector<16xi32>, vector<16xi32>], vector<16xf32>,
        %gather3A_290 = tpu.vector_load_idx %arg12[%add3A_288, %add3A_282] : memref<64x256xf32, #tpu.memory_space<vmem>>[vector<16xi32>, vector<16xi32>], vector<16xf32>,
        %add3A_291 = arith.addf %gather3A_289, %gather3A_290 : vector<16xf32>
        %jit3A = arith.constant 1.000000e+00 : f32
        %broadcast_in_dim3A_292 = vector.broadcast %jit3A : f32 to vector<16xf32>
        %select_n3A = arith.select %gt3A_285, %add3A_291, %broadcast_in_dim3A_292 : vector<16xi1>, vector<16xf32>
        tpu.vector_store_idx %arg13[%add3A_288, %add3A_265], %select_n3A : memref<64x896xf32, #tpu.memory_space<vmem>>[vector<16xi32>, vector<16xi32>], vector<16xf32>,
        %add3A_293 = arith.constant 16 : i32
        %add3A_294 = vector.broadcast %add3A_293 : i32 to vector<16xi32>
        %add3A_295 = arith.addi %iota3A, %add3A_294 : vector<16xi32>
        %gather3A_296 = tpu.vector_load_idx %arg10[%add3A_295, %add3A_282] : memref<64x256xf32, #tpu.memory_space<vmem>>[vector<16xi32>, vector<16xi32>], vector<16xf32>,
        %gather3A_297 = tpu.vector_load_idx %arg12[%add3A_295, %add3A_282] : memref<64x256xf32, #tpu.memory_space<vmem>>[vector<16xi32>, vector<16xi32>], vector<16xf32>,
        %add3A_298 = arith.addf %gather3A_296, %gather3A_297 : vector<16xf32>
        %jit3A_299 = arith.constant 1.000000e+00 : f32
        %broadcast_in_dim3A_300 = vector.broadcast %jit3A_299 : f32 to vector<16xf32>
        %select_n3A_301 = arith.select %gt3A_285, %add3A_298, %broadcast_in_dim3A_300 : vector<16xi1>, vector<16xf32>
        tpu.vector_store_idx %arg13[%add3A_295, %add3A_265], %select_n3A_301 : memref<64x896xf32, #tpu.memory_space<vmem>>[vector<16xi32>, vector<16xi32>], vector<16xf32>,
        %add3A_302 = arith.constant 32 : i32
        %add3A_303 = vector.broadcast %add3A_302 : i32 to vector<16xi32>
        %add3A_304 = arith.addi %iota3A, %add3A_303 : vector<16xi32>
        %gather3A_305 = tpu.vector_load_idx %arg10[%add3A_304, %add3A_282] : memref<64x256xf32, #tpu.memory_space<vmem>>[vector<16xi32>, vector<16xi32>], vector<16xf32>,
        %gather3A_306 = tpu.vector_load_idx %arg12[%add3A_304, %add3A_282] : memref<64x256xf32, #tpu.memory_space<vmem>>[vector<16xi32>, vector<16xi32>], vector<16xf32>,
        %add3A_307 = arith.addf %gather3A_305, %gather3A_306 : vector<16xf32>
        %jit3A_308 = arith.constant 1.000000e+00 : f32
        %broadcast_in_dim3A_309 = vector.broadcast %jit3A_308 : f32 to vector<16xf32>
        %select_n3A_310 = arith.select %gt3A_285, %add3A_307, %broadcast_in_dim3A_309 : vector<16xi1>, vector<16xf32>
        tpu.vector_store_idx %arg13[%add3A_304, %add3A_265], %select_n3A_310 : memref<64x896xf32, #tpu.memory_space<vmem>>[vector<16xi32>, vector<16xi32>], vector<16xf32>,
        %add3A_311 = arith.constant 48 : i32
        %add3A_312 = vector.broadcast %add3A_311 : i32 to vector<16xi32>
        %add3A_313 = arith.addi %iota3A, %add3A_312 : vector<16xi32>
        %gather3A_314 = tpu.vector_load_idx %arg10[%add3A_313, %add3A_282] : memref<64x256xf32, #tpu.memory_space<vmem>>[vector<16xi32>, vector<16xi32>], vector<16xf32>,
        %gather3A_315 = tpu.vector_load_idx %arg12[%add3A_313, %add3A_282] : memref<64x256xf32, #tpu.memory_space<vmem>>[vector<16xi32>, vector<16xi32>], vector<16xf32>,
        %add3A_316 = arith.addf %gather3A_314, %gather3A_315 : vector<16xf32>
        %jit3A_317 = arith.constant 1.000000e+00 : f32
        %broadcast_in_dim3A_318 = vector.broadcast %jit3A_317 : f32 to vector<16xf32>
        %select_n3A_319 = arith.select %gt3A_285, %add3A_316, %broadcast_in_dim3A_318 : vector<16xi1>, vector<16xf32>
        tpu.vector_store_idx %arg13[%add3A_313, %add3A_265], %select_n3A_319 : memref<64x896xf32, #tpu.memory_space<vmem>>[vector<16xi32>, vector<16xi32>], vector<16xf32>,
        %while3A_320 = arith.constant 0 : i32
        scf.yield %while3A_320 : i32
      }
      %while3A_240 = arith.constant 1 : i32
      %while3A_241 = scf.for %while3A_261 = %while3A_237 to %while3A_233 step %while3A_240 iter_args(%while3A_262 = %while3A_239) -> (i32)  : i32 {
        %broadcast_in_dim3A = arith.constant 0 : i32
        %broadcast_in_dim3A_263 = vector.broadcast %broadcast_in_dim3A : i32 to vector<16xi32>
        %add3A_264 = vector.broadcast %while3A_261 : i32 to vector<16xi32>
        %add3A_265 = arith.addi %broadcast_in_dim3A_263, %add3A_264 : vector<16xi32>
        %shift_right_logical3A = arith.constant 7 : i32
        %shift_right_logical3A_266 = vector.broadcast %shift_right_logical3A : i32 to vector<16xi32>
        %shift_right_logical3A_267 = arith.shrui %add3A_265, %shift_right_logical3A_266 : vector<16xi32>
        %and3A = arith.constant 127 : i32
        %and3A_268 = vector.broadcast %and3A : i32 to vector<16xi32>
        %and3A_269 = arith.andi %add3A_265, %and3A_268 : vector<16xi32>
        %gather3A = tpu.vector_load_idx %arg7[%shift_right_logical3A_267, %and3A_269] : memref<8x128xi32, #tpu.memory_space<vmem>>[vector<16xi32>, vector<16xi32>], vector<16xi32>,
        %reduce_max3A = arith.constant true
        %reduce_max3A_270 = vector.broadcast %reduce_max3A : i1 to vector<16xi1>
        %reduce_max3A_271 = arith.constant -2147483648 : i32
        %reduce_max3A_272 = vector.broadcast %reduce_max3A_271 : i32 to vector<16xi32>
        %reduce_max3A_273 = arith.xori %gather3A, %reduce_max3A_272 : vector<16xi32>
        %reduce_max3A_274 = tpu.scan <max>, %reduce_max3A_273 masked %reduce_max3A_270 : vector<16xi32>, vector<16xi1> -> vector<16xi32>
        %reduce_max3A_275 = arith.xori %reduce_max3A_274, %reduce_max3A_272 : vector<16xi32>
        %reduce_max3A_276 = vector.extract %reduce_max3A_275[15] : i32 from vector<16xi32>
        %broadcast_in_dim3A_277 = arith.constant 0 : i32
        %broadcast_in_dim3A_278 = vector.broadcast %broadcast_in_dim3A_277 : i32 to vector<16xi32>
        %mul3A_279 = arith.constant 256 : i32
        %mul3A_280 = arith.muli %add3A_225, %mul3A_279 : i32
        %sub3A = arith.subi %reduce_max3A_276, %mul3A_280 : i32
        %add3A_281 = vector.broadcast %sub3A : i32 to vector<16xi32>
        %add3A_282 = arith.addi %broadcast_in_dim3A_278, %add3A_281 : vector<16xi32>
        %gather3A_283 = tpu.vector_load_idx %arg8[%shift_right_logical3A_267, %and3A_269] : memref<8x128xf32, #tpu.memory_space<vmem>>[vector<16xi32>, vector<16xi32>], vector<16xf32>,
        %gt3A = arith.constant -1.500000e+00 : f32
        %gt3A_284 = vector.broadcast %gt3A : f32 to vector<16xf32>
        %gt3A_285 = arith.cmpf ogt, %gather3A_283, %gt3A_284 : vector<16xf32>
        %add3A_286 = arith.constant 0 : i32
        %add3A_287 = vector.broadcast %add3A_286 : i32 to vector<16xi32>
        %add3A_288 = arith.addi %iota3A, %add3A_287 : vector<16xi32>
        %gather3A_289 = tpu.vector_load_idx %arg10[%add3A_288, %add3A_282] : memref<64x256xf32, #tpu.memory_space<vmem>>[vector<16xi32>, vector<16xi32>], vector<16xf32>,
        %gather3A_290 = tpu.vector_load_idx %arg12[%add3A_288, %add3A_282] : memref<64x256xf32, #tpu.memory_space<vmem>>[vector<16xi32>, vector<16xi32>], vector<16xf32>,
        %add3A_291 = arith.addf %gather3A_289, %gather3A_290 : vector<16xf32>
        %jit3A = arith.constant 1.000000e+00 : f32
        %broadcast_in_dim3A_292 = vector.broadcast %jit3A : f32 to vector<16xf32>
        %select_n3A = arith.select %gt3A_285, %add3A_291, %broadcast_in_dim3A_292 : vector<16xi1>, vector<16xf32>
        tpu.vector_store_idx %arg13[%add3A_288, %add3A_265], %select_n3A : memref<64x896xf32, #tpu.memory_space<vmem>>[vector<16xi32>, vector<16xi32>], vector<16xf32>,
        %add3A_293 = arith.constant 16 : i32
        %add3A_294 = vector.broadcast %add3A_293 : i32 to vector<16xi32>
        %add3A_295 = arith.addi %iota3A, %add3A_294 : vector<16xi32>
        %gather3A_296 = tpu.vector_load_idx %arg10[%add3A_295, %add3A_282] : memref<64x256xf32, #tpu.memory_space<vmem>>[vector<16xi32>, vector<16xi32>], vector<16xf32>,
        %gather3A_297 = tpu.vector_load_idx %arg12[%add3A_295, %add3A_282] : memref<64x256xf32, #tpu.memory_space<vmem>>[vector<16xi32>, vector<16xi32>], vector<16xf32>,
        %add3A_298 = arith.addf %gather3A_296, %gather3A_297 : vector<16xf32>
        %jit3A_299 = arith.constant 1.000000e+00 : f32
        %broadcast_in_dim3A_300 = vector.broadcast %jit3A_299 : f32 to vector<16xf32>
        %select_n3A_301 = arith.select %gt3A_285, %add3A_298, %broadcast_in_dim3A_300 : vector<16xi1>, vector<16xf32>
        tpu.vector_store_idx %arg13[%add3A_295, %add3A_265], %select_n3A_301 : memref<64x896xf32, #tpu.memory_space<vmem>>[vector<16xi32>, vector<16xi32>], vector<16xf32>,
        %add3A_302 = arith.constant 32 : i32
        %add3A_303 = vector.broadcast %add3A_302 : i32 to vector<16xi32>
        %add3A_304 = arith.addi %iota3A, %add3A_303 : vector<16xi32>
        %gather3A_305 = tpu.vector_load_idx %arg10[%add3A_304, %add3A_282] : memref<64x256xf32, #tpu.memory_space<vmem>>[vector<16xi32>, vector<16xi32>], vector<16xf32>,
        %gather3A_306 = tpu.vector_load_idx %arg12[%add3A_304, %add3A_282] : memref<64x256xf32, #tpu.memory_space<vmem>>[vector<16xi32>, vector<16xi32>], vector<16xf32>,
        %add3A_307 = arith.addf %gather3A_305, %gather3A_306 : vector<16xf32>
        %jit3A_308 = arith.constant 1.000000e+00 : f32
        %broadcast_in_dim3A_309 = vector.broadcast %jit3A_308 : f32 to vector<16xf32>
        %select_n3A_310 = arith.select %gt3A_285, %add3A_307, %broadcast_in_dim3A_309 : vector<16xi1>, vector<16xf32>
        tpu.vector_store_idx %arg13[%add3A_304, %add3A_265], %select_n3A_310 : memref<64x896xf32, #tpu.memory_space<vmem>>[vector<16xi32>, vector<16xi32>], vector<16xf32>,
        %add3A_311 = arith.constant 48 : i32
        %add3A_312 = vector.broadcast %add3A_311 : i32 to vector<16xi32>
        %add3A_313 = arith.addi %iota3A, %add3A_312 : vector<16xi32>
        %gather3A_314 = tpu.vector_load_idx %arg10[%add3A_313, %add3A_282] : memref<64x256xf32, #tpu.memory_space<vmem>>[vector<16xi32>, vector<16xi32>], vector<16xf32>,
        %gather3A_315 = tpu.vector_load_idx %arg12[%add3A_313, %add3A_282] : memref<64x256xf32, #tpu.memory_space<vmem>>[vector<16xi32>, vector<16xi32>], vector<16xf32>,
        %add3A_316 = arith.addf %gather3A_314, %gather3A_315 : vector<16xf32>
        %jit3A_317 = arith.constant 1.000000e+00 : f32
        %broadcast_in_dim3A_318 = vector.broadcast %jit3A_317 : f32 to vector<16xf32>
        %select_n3A_319 = arith.select %gt3A_285, %add3A_316, %broadcast_in_dim3A_318 : vector<16xi1>, vector<16xf32>
        tpu.vector_store_idx %arg13[%add3A_313, %add3A_265], %select_n3A_319 : memref<64x896xf32, #tpu.memory_space<vmem>>[vector<16xi32>, vector<16xi32>], vector<16xf32>,
        %while3A_320 = arith.constant 0 : i32
        scf.yield %while3A_320 : i32
      }
      %add3A_242 = arith.constant 3 : i32
      %add3A_243 = arith.addi %mul3A_157, %add3A_242 : i32
      %min3A_244 = arith.constant 31 : i32
      %min3A_245 = arith.minsi %add3A_243, %min3A_244 : i32
      %mul3A_246 = arith.constant 256 : i32
      %mul3A_247 = arith.muli %min3A_245, %mul3A_246 : i32
      %multiple_of3A_248 = tpu.assume_multiple %mul3A_247, 256 : i32
      %dma_start3A_249 = arith.constant 0 : i32
      %dma_start3A_250 = tpu.memref_slice %arg2[%add3A_4, %dma_start3A_249, %multiple_of3A_248] : memref<64x64x8192xf32, #tpu.memory_space<hbm>> -> memref<1x64x256xf32, #tpu.memory_space<hbm>>
      %dma_start3A_251 = tpu.memref_squeeze %dma_start3A_250 : memref<1x64x256xf32, #tpu.memory_space<hbm>> -> memref<64x256xf32, #tpu.memory_space<hbm>>
      %dma_start3A_252 = arith.constant 0 : i32
      %dma_start3A_253 = tpu.memref_slice %arg2[%add3A_4, %dma_start3A_252, %multiple_of3A_248] : memref<64x64x8192xf32, #tpu.memory_space<hbm>> -> memref<1x64x256xf32, #tpu.memory_space<hbm>>
      %dma_start3A_254 = tpu.memref_squeeze %dma_start3A_253 : memref<1x64x256xf32, #tpu.memory_space<hbm>> -> memref<64x256xf32, #tpu.memory_space<hbm>>
      tpu.enqueue_dma source(%dma_start3A_254 : memref<64x256xf32, #tpu.memory_space<hbm>>) target(%arg10 : memref<64x256xf32, #tpu.memory_space<vmem>>) target_semaphore(%arg15 : memref<!tpu.dma_semaphore, #tpu.memory_space<semaphore_mem>>)
      %dma_start3A_255 = arith.constant 0 : i32
      %dma_start3A_256 = tpu.memref_slice %arg3[%add3A_4, %dma_start3A_255, %multiple_of3A_248] : memref<64x64x8192xf32, #tpu.memory_space<hbm>> -> memref<1x64x256xf32, #tpu.memory_space<hbm>>
      %dma_start3A_257 = tpu.memref_squeeze %dma_start3A_256 : memref<1x64x256xf32, #tpu.memory_space<hbm>> -> memref<64x256xf32, #tpu.memory_space<hbm>>
      %dma_start3A_258 = arith.constant 0 : i32
      %dma_start3A_259 = tpu.memref_slice %arg3[%add3A_4, %dma_start3A_258, %multiple_of3A_248] : memref<64x64x8192xf32, #tpu.memory_space<hbm>> -> memref<1x64x256xf32, #tpu.memory_space<hbm>>
      %dma_start3A_260 = tpu.memref_squeeze %dma_start3A_259 : memref<1x64x256xf32, #tpu.memory_space<hbm>> -> memref<64x256xf32, #tpu.memory_space<hbm>>
      tpu.enqueue_dma source(%dma_start3A_260 : memref<64x256xf32, #tpu.memory_space<hbm>>) target(%arg12 : memref<64x256xf32, #tpu.memory_space<vmem>>) target_semaphore(%arg17 : memref<!tpu.dma_semaphore, #tpu.memory_space<semaphore_mem>>)
      scf.yield %while3A_230 : i32
    }
    %scan3A_43 = arith.constant 16 : i32
    %dma_wait3A = arith.constant 0 : i32
    %dma_wait3A_44 = arith.constant 0 : i32
    %dma_wait3A_45 = tpu.memref_slice %arg2[%add3A_4, %dma_wait3A, %dma_wait3A_44] : memref<64x64x8192xf32, #tpu.memory_space<hbm>> -> memref<1x64x256xf32, #tpu.memory_space<hbm>>
    %dma_wait3A_46 = tpu.memref_squeeze %dma_wait3A_45 : memref<1x64x256xf32, #tpu.memory_space<hbm>> -> memref<64x256xf32, #tpu.memory_space<hbm>>
    %dma_wait3A_47 = arith.constant 0 : i32
    %dma_wait3A_48 = arith.constant 0 : i32
    %dma_wait3A_49 = tpu.memref_slice %arg2[%add3A_4, %dma_wait3A_47, %dma_wait3A_48] : memref<64x64x8192xf32, #tpu.memory_space<hbm>> -> memref<1x64x256xf32, #tpu.memory_space<hbm>>
    %dma_wait3A_50 = tpu.memref_squeeze %dma_wait3A_49 : memref<1x64x256xf32, #tpu.memory_space<hbm>> -> memref<64x256xf32, #tpu.memory_space<hbm>>
    tpu.wait_dma2 semaphore(%arg14 : memref<!tpu.dma_semaphore, #tpu.memory_space<semaphore_mem>>) src(%dma_wait3A_50 : memref<64x256xf32, #tpu.memory_space<hbm>>) dst(%arg9 : memref<64x256xf32, #tpu.memory_space<vmem>>)
    %dma_wait3A_51 = arith.constant 0 : i32
    %dma_wait3A_52 = arith.constant 0 : i32
    %dma_wait3A_53 = tpu.memref_slice %arg3[%add3A_4, %dma_wait3A_51, %dma_wait3A_52] : memref<64x64x8192xf32, #tpu.memory_space<hbm>> -> memref<1x64x256xf32, #tpu.memory_space<hbm>>
    %dma_wait3A_54 = tpu.memref_squeeze %dma_wait3A_53 : memref<1x64x256xf32, #tpu.memory_space<hbm>> -> memref<64x256xf32, #tpu.memory_space<hbm>>
    %dma_wait3A_55 = arith.constant 0 : i32
    %dma_wait3A_56 = arith.constant 0 : i32
    %dma_wait3A_57 = tpu.memref_slice %arg3[%add3A_4, %dma_wait3A_55, %dma_wait3A_56] : memref<64x64x8192xf32, #tpu.memory_space<hbm>> -> memref<1x64x256xf32, #tpu.memory_space<hbm>>
    %dma_wait3A_58 = tpu.memref_squeeze %dma_wait3A_57 : memref<1x64x256xf32, #tpu.memory_space<hbm>> -> memref<64x256xf32, #tpu.memory_space<hbm>>
    tpu.wait_dma2 semaphore(%arg16 : memref<!tpu.dma_semaphore, #tpu.memory_space<semaphore_mem>>) src(%dma_wait3A_58 : memref<64x256xf32, #tpu.memory_space<hbm>>) dst(%arg11 : memref<64x256xf32, #tpu.memory_space<vmem>>)
    %dma_wait3A_59 = arith.constant 0 : i32
    %dma_wait3A_60 = arith.constant 0 : i32
    %dma_wait3A_61 = tpu.memref_slice %arg2[%add3A_4, %dma_wait3A_59, %dma_wait3A_60] : memref<64x64x8192xf32, #tpu.memory_space<hbm>> -> memref<1x64x256xf32, #tpu.memory_space<hbm>>
    %dma_wait3A_62 = tpu.memref_squeeze %dma_wait3A_61 : memref<1x64x256xf32, #tpu.memory_space<hbm>> -> memref<64x256xf32, #tpu.memory_space<hbm>>
    %dma_wait3A_63 = arith.constant 0 : i32
    %dma_wait3A_64 = arith.constant 0 : i32
    %dma_wait3A_65 = tpu.memref_slice %arg2[%add3A_4, %dma_wait3A_63, %dma_wait3A_64] : memref<64x64x8192xf32, #tpu.memory_space<hbm>> -> memref<1x64x256xf32, #tpu.memory_space<hbm>>
    %dma_wait3A_66 = tpu.memref_squeeze %dma_wait3A_65 : memref<1x64x256xf32, #tpu.memory_space<hbm>> -> memref<64x256xf32, #tpu.memory_space<hbm>>
    tpu.wait_dma2 semaphore(%arg15 : memref<!tpu.dma_semaphore, #tpu.memory_space<semaphore_mem>>) src(%dma_wait3A_66 : memref<64x256xf32, #tpu.memory_space<hbm>>) dst(%arg10 : memref<64x256xf32, #tpu.memory_space<vmem>>)
    %dma_wait3A_67 = arith.constant 0 : i32
    %dma_wait3A_68 = arith.constant 0 : i32
    %dma_wait3A_69 = tpu.memref_slice %arg3[%add3A_4, %dma_wait3A_67, %dma_wait3A_68] : memref<64x64x8192xf32, #tpu.memory_space<hbm>> -> memref<1x64x256xf32, #tpu.memory_space<hbm>>
    %dma_wait3A_70 = tpu.memref_squeeze %dma_wait3A_69 : memref<1x64x256xf32, #tpu.memory_space<hbm>> -> memref<64x256xf32, #tpu.memory_space<hbm>>
    %dma_wait3A_71 = arith.constant 0 : i32
    %dma_wait3A_72 = arith.constant 0 : i32
    %dma_wait3A_73 = tpu.memref_slice %arg3[%add3A_4, %dma_wait3A_71, %dma_wait3A_72] : memref<64x64x8192xf32, #tpu.memory_space<hbm>> -> memref<1x64x256xf32, #tpu.memory_space<hbm>>
    %dma_wait3A_74 = tpu.memref_squeeze %dma_wait3A_73 : memref<1x64x256xf32, #tpu.memory_space<hbm>> -> memref<64x256xf32, #tpu.memory_space<hbm>>
    tpu.wait_dma2 semaphore(%arg17 : memref<!tpu.dma_semaphore, #tpu.memory_space<semaphore_mem>>) src(%dma_wait3A_74 : memref<64x256xf32, #tpu.memory_space<hbm>>) dst(%arg12 : memref<64x256xf32, #tpu.memory_space<vmem>>)
    "tpu.region"() ({
      %run_scoped3A = tpu.sem_alloc : memref<!tpu.dma_semaphore, #tpu.memory_space<semaphore_mem>>
      %dma_start3A_154 = arith.constant 0 : i32
      %dma_start3A_155 = arith.constant 0 : i32
      %dma_start3A_156 = tpu.memref_slice %arg6[%add3A_4, %dma_start3A_154, %dma_start3A_155] : memref<64x64x896xf32, #tpu.memory_space<hbm>> -> memref<1x64x896xf32, #tpu.memory_space<hbm>>
      %dma_start3A_157 = tpu.memref_squeeze %dma_start3A_156 : memref<1x64x896xf32, #tpu.memory_space<hbm>> -> memref<64x896xf32, #tpu.memory_space<hbm>>
      %dma_start3A_158 = arith.constant 0 : i32
      %dma_start3A_159 = arith.constant 0 : i32
      %dma_start3A_160 = tpu.memref_slice %arg6[%add3A_4, %dma_start3A_158, %dma_start3A_159] : memref<64x64x896xf32, #tpu.memory_space<hbm>> -> memref<1x64x896xf32, #tpu.memory_space<hbm>>
      %dma_start3A_161 = tpu.memref_squeeze %dma_start3A_160 : memref<1x64x896xf32, #tpu.memory_space<hbm>> -> memref<64x896xf32, #tpu.memory_space<hbm>>
      tpu.enqueue_dma source(%arg13 : memref<64x896xf32, #tpu.memory_space<vmem>>) target(%dma_start3A_161 : memref<64x896xf32, #tpu.memory_space<hbm>>) target_semaphore(%run_scoped3A : memref<!tpu.dma_semaphore, #tpu.memory_space<semaphore_mem>>)
      %dma_wait3A_162 = arith.constant 0 : i32
      %dma_wait3A_163 = arith.constant 0 : i32
      %dma_wait3A_164 = tpu.memref_slice %arg6[%add3A_4, %dma_wait3A_162, %dma_wait3A_163] : memref<64x64x896xf32, #tpu.memory_space<hbm>> -> memref<1x64x896xf32, #tpu.memory_space<hbm>>
      %dma_wait3A_165 = tpu.memref_squeeze %dma_wait3A_164 : memref<1x64x896xf32, #tpu.memory_space<hbm>> -> memref<64x896xf32, #tpu.memory_space<hbm>>
      %dma_wait3A_166 = arith.constant 0 : i32
      %dma_wait3A_167 = arith.constant 0 : i32
      %dma_wait3A_168 = tpu.memref_slice %arg6[%add3A_4, %dma_wait3A_166, %dma_wait3A_167] : memref<64x64x896xf32, #tpu.memory_space<hbm>> -> memref<1x64x896xf32, #tpu.memory_space<hbm>>
      %dma_wait3A_169 = tpu.memref_squeeze %dma_wait3A_168 : memref<1x64x896xf32, #tpu.memory_space<hbm>> -> memref<64x896xf32, #tpu.memory_space<hbm>>
      tpu.wait_dma2 semaphore(%run_scoped3A : memref<!tpu.dma_semaphore, #tpu.memory_space<semaphore_mem>>) src(%arg13 : memref<64x896xf32, #tpu.memory_space<vmem>>) dst(%dma_wait3A_169 : memref<64x896xf32, #tpu.memory_space<hbm>>)
      tpu.yield
    }) : () -> ()
    %mul3A_75 = arith.constant 2 : i32
    %mul3A_76 = arith.muli %add3A, %mul3A_75 : i32
    %add3A_77 = arith.constant 1 : i32
    %add3A_78 = arith.addi %mul3A_76, %add3A_77 : i32
    "tpu.region"() ({
      %run_scoped3A = tpu.sem_alloc : memref<!tpu.dma_semaphore, #tpu.memory_space<semaphore_mem>>
      %dma_start3A_154 = arith.constant 0 : i32
      %dma_start3A_155 = arith.constant 0 : i32
      %dma_start3A_156 = tpu.memref_slice %arg4[%add3A_78, %dma_start3A_154, %dma_start3A_155] : memref<64x8x128xi32, #tpu.memory_space<hbm>> -> memref<1x8x128xi32, #tpu.memory_space<hbm>>
      %dma_start3A_157 = tpu.memref_squeeze %dma_start3A_156 : memref<1x8x128xi32, #tpu.memory_space<hbm>> -> memref<8x128xi32, #tpu.memory_space<hbm>>
      %dma_start3A_158 = arith.constant 0 : i32
      %dma_start3A_159 = arith.constant 0 : i32
      %dma_start3A_160 = tpu.memref_slice %arg4[%add3A_78, %dma_start3A_158, %dma_start3A_159] : memref<64x8x128xi32, #tpu.memory_space<hbm>> -> memref<1x8x128xi32, #tpu.memory_space<hbm>>
      %dma_start3A_161 = tpu.memref_squeeze %dma_start3A_160 : memref<1x8x128xi32, #tpu.memory_space<hbm>> -> memref<8x128xi32, #tpu.memory_space<hbm>>
      tpu.enqueue_dma source(%dma_start3A_161 : memref<8x128xi32, #tpu.memory_space<hbm>>) target(%arg7 : memref<8x128xi32, #tpu.memory_space<vmem>>) target_semaphore(%run_scoped3A : memref<!tpu.dma_semaphore, #tpu.memory_space<semaphore_mem>>)
      %dma_wait3A_162 = arith.constant 0 : i32
      %dma_wait3A_163 = arith.constant 0 : i32
      %dma_wait3A_164 = tpu.memref_slice %arg4[%add3A_78, %dma_wait3A_162, %dma_wait3A_163] : memref<64x8x128xi32, #tpu.memory_space<hbm>> -> memref<1x8x128xi32, #tpu.memory_space<hbm>>
      %dma_wait3A_165 = tpu.memref_squeeze %dma_wait3A_164 : memref<1x8x128xi32, #tpu.memory_space<hbm>> -> memref<8x128xi32, #tpu.memory_space<hbm>>
      %dma_wait3A_166 = arith.constant 0 : i32
      %dma_wait3A_167 = arith.constant 0 : i32
      %dma_wait3A_168 = tpu.memref_slice %arg4[%add3A_78, %dma_wait3A_166, %dma_wait3A_167] : memref<64x8x128xi32, #tpu.memory_space<hbm>> -> memref<1x8x128xi32, #tpu.memory_space<hbm>>
      %dma_wait3A_169 = tpu.memref_squeeze %dma_wait3A_168 : memref<1x8x128xi32, #tpu.memory_space<hbm>> -> memref<8x128xi32, #tpu.memory_space<hbm>>
      tpu.wait_dma2 semaphore(%run_scoped3A : memref<!tpu.dma_semaphore, #tpu.memory_space<semaphore_mem>>) src(%dma_wait3A_169 : memref<8x128xi32, #tpu.memory_space<hbm>>) dst(%arg7 : memref<8x128xi32, #tpu.memory_space<vmem>>)
      tpu.yield
    }) : () -> ()
    "tpu.region"() ({
      %run_scoped3A = tpu.sem_alloc : memref<!tpu.dma_semaphore, #tpu.memory_space<semaphore_mem>>
      %dma_start3A_154 = arith.constant 0 : i32
      %dma_start3A_155 = arith.constant 0 : i32
      %dma_start3A_156 = tpu.memref_slice %arg5[%add3A_78, %dma_start3A_154, %dma_start3A_155] : memref<64x8x128xf32, #tpu.memory_space<hbm>> -> memref<1x8x128xf32, #tpu.memory_space<hbm>>
      %dma_start3A_157 = tpu.memref_squeeze %dma_start3A_156 : memref<1x8x128xf32, #tpu.memory_space<hbm>> -> memref<8x128xf32, #tpu.memory_space<hbm>>
      %dma_start3A_158 = arith.constant 0 : i32
      %dma_start3A_159 = arith.constant 0 : i32
      %dma_start3A_160 = tpu.memref_slice %arg5[%add3A_78, %dma_start3A_158, %dma_start3A_159] : memref<64x8x128xf32, #tpu.memory_space<hbm>> -> memref<1x8x128xf32, #tpu.memory_space<hbm>>
      %dma_start3A_161 = tpu.memref_squeeze %dma_start3A_160 : memref<1x8x128xf32, #tpu.memory_space<hbm>> -> memref<8x128xf32, #tpu.memory_space<hbm>>
      tpu.enqueue_dma source(%dma_start3A_161 : memref<8x128xf32, #tpu.memory_space<hbm>>) target(%arg8 : memref<8x128xf32, #tpu.memory_space<vmem>>) target_semaphore(%run_scoped3A : memref<!tpu.dma_semaphore, #tpu.memory_space<semaphore_mem>>)
      %dma_wait3A_162 = arith.constant 0 : i32
      %dma_wait3A_163 = arith.constant 0 : i32
      %dma_wait3A_164 = tpu.memref_slice %arg5[%add3A_78, %dma_wait3A_162, %dma_wait3A_163] : memref<64x8x128xf32, #tpu.memory_space<hbm>> -> memref<1x8x128xf32, #tpu.memory_space<hbm>>
      %dma_wait3A_165 = tpu.memref_squeeze %dma_wait3A_164 : memref<1x8x128xf32, #tpu.memory_space<hbm>> -> memref<8x128xf32, #tpu.memory_space<hbm>>
      %dma_wait3A_166 = arith.constant 0 : i32
      %dma_wait3A_167 = arith.constant 0 : i32
      %dma_wait3A_168 = tpu.memref_slice %arg5[%add3A_78, %dma_wait3A_166, %dma_wait3A_167] : memref<64x8x128xf32, #tpu.memory_space<hbm>> -> memref<1x8x128xf32, #tpu.memory_space<hbm>>
      %dma_wait3A_169 = tpu.memref_squeeze %dma_wait3A_168 : memref<1x8x128xf32, #tpu.memory_space<hbm>> -> memref<8x128xf32, #tpu.memory_space<hbm>>
      tpu.wait_dma2 semaphore(%run_scoped3A : memref<!tpu.dma_semaphore, #tpu.memory_space<semaphore_mem>>) src(%dma_wait3A_169 : memref<8x128xf32, #tpu.memory_space<hbm>>) dst(%arg8 : memref<8x128xf32, #tpu.memory_space<vmem>>)
      tpu.yield
    }) : () -> ()
    %min3A_79 = arith.constant 0 : i32
    %min3A_80 = arith.constant 31 : i32
    %min3A_81 = arith.minsi %min3A_79, %min3A_80 : i32
    %mul3A_82 = arith.constant 256 : i32
    %mul3A_83 = arith.muli %min3A_81, %mul3A_82 : i32
    %multiple_of3A_84 = tpu.assume_multiple %mul3A_83, 256 : i32
    %dma_start3A_85 = arith.constant 0 : i32
    %dma_start3A_86 = tpu.memref_slice %arg2[%add3A_78, %dma_start3A_85, %multiple_of3A_84] : memref<64x64x8192xf32, #tpu.memory_space<hbm>> -> memref<1x64x256xf32, #tpu.memory_space<hbm>>
    %dma_start3A_87 = tpu.memref_squeeze %dma_start3A_86 : memref<1x64x256xf32, #tpu.memory_space<hbm>> -> memref<64x256xf32, #tpu.memory_space<hbm>>
    %dma_start3A_88 = arith.constant 0 : i32
    %dma_start3A_89 = tpu.memref_slice %arg2[%add3A_78, %dma_start3A_88, %multiple_of3A_84] : memref<64x64x8192xf32, #tpu.memory_space<hbm>> -> memref<1x64x256xf32, #tpu.memory_space<hbm>>
    %dma_start3A_90 = tpu.memref_squeeze %dma_start3A_89 : memref<1x64x256xf32, #tpu.memory_space<hbm>> -> memref<64x256xf32, #tpu.memory_space<hbm>>
    tpu.enqueue_dma source(%dma_start3A_90 : memref<64x256xf32, #tpu.memory_space<hbm>>) target(%arg9 : memref<64x256xf32, #tpu.memory_space<vmem>>) target_semaphore(%arg14 : memref<!tpu.dma_semaphore, #tpu.memory_space<semaphore_mem>>)
    %dma_start3A_91 = arith.constant 0 : i32
    %dma_start3A_92 = tpu.memref_slice %arg3[%add3A_78, %dma_start3A_91, %multiple_of3A_84] : memref<64x64x8192xf32, #tpu.memory_space<hbm>> -> memref<1x64x256xf32, #tpu.memory_space<hbm>>
    %dma_start3A_93 = tpu.memref_squeeze %dma_start3A_92 : memref<1x64x256xf32, #tpu.memory_space<hbm>> -> memref<64x256xf32, #tpu.memory_space<hbm>>
    %dma_start3A_94 = arith.constant 0 : i32
    %dma_start3A_95 = tpu.memref_slice %arg3[%add3A_78, %dma_start3A_94, %multiple_of3A_84] : memref<64x64x8192xf32, #tpu.memory_space<hbm>> -> memref<1x64x256xf32, #tpu.memory_space<hbm>>
    %dma_start3A_96 = tpu.memref_squeeze %dma_start3A_95 : memref<1x64x256xf32, #tpu.memory_space<hbm>> -> memref<64x256xf32, #tpu.memory_space<hbm>>
    tpu.enqueue_dma source(%dma_start3A_96 : memref<64x256xf32, #tpu.memory_space<hbm>>) target(%arg11 : memref<64x256xf32, #tpu.memory_space<vmem>>) target_semaphore(%arg16 : memref<!tpu.dma_semaphore, #tpu.memory_space<semaphore_mem>>)
    %min3A_97 = arith.constant 1 : i32
    %min3A_98 = arith.constant 31 : i32
    %min3A_99 = arith.minsi %min3A_97, %min3A_98 : i32
    %mul3A_100 = arith.constant 256 : i32
    %mul3A_101 = arith.muli %min3A_99, %mul3A_100 : i32
    %multiple_of3A_102 = tpu.assume_multiple %mul3A_101, 256 : i32
    %dma_start3A_103 = arith.constant 0 : i32
    %dma_start3A_104 = tpu.memref_slice %arg2[%add3A_78, %dma_start3A_103, %multiple_of3A_102] : memref<64x64x8192xf32, #tpu.memory_space<hbm>> -> memref<1x64x256xf32, #tpu.memory_space<hbm>>
    %dma_start3A_105 = tpu.memref_squeeze %dma_start3A_104 : memref<1x64x256xf32, #tpu.memory_space<hbm>> -> memref<64x256xf32, #tpu.memory_space<hbm>>
    %dma_start3A_106 = arith.constant 0 : i32
    %dma_start3A_107 = tpu.memref_slice %arg2[%add3A_78, %dma_start3A_106, %multiple_of3A_102] : memref<64x64x8192xf32, #tpu.memory_space<hbm>> -> memref<1x64x256xf32, #tpu.memory_space<hbm>>
    %dma_start3A_108 = tpu.memref_squeeze %dma_start3A_107 : memref<1x64x256xf32, #tpu.memory_space<hbm>> -> memref<64x256xf32, #tpu.memory_space<hbm>>
    tpu.enqueue_dma source(%dma_start3A_108 : memref<64x256xf32, #tpu.memory_space<hbm>>) target(%arg10 : memref<64x256xf32, #tpu.memory_space<vmem>>) target_semaphore(%arg15 : memref<!tpu.dma_semaphore, #tpu.memory_space<semaphore_mem>>)
    %dma_start3A_109 = arith.constant 0 : i32
    %dma_start3A_110 = tpu.memref_slice %arg3[%add3A_78, %dma_start3A_109, %multiple_of3A_102] : memref<64x64x8192xf32, #tpu.memory_space<hbm>> -> memref<1x64x256xf32, #tpu.memory_space<hbm>>
    %dma_start3A_111 = tpu.memref_squeeze %dma_start3A_110 : memref<1x64x256xf32, #tpu.memory_space<hbm>> -> memref<64x256xf32, #tpu.memory_space<hbm>>
    %dma_start3A_112 = arith.constant 0 : i32
    %dma_start3A_113 = tpu.memref_slice %arg3[%add3A_78, %dma_start3A_112, %multiple_of3A_102] : memref<64x64x8192xf32, #tpu.memory_space<hbm>> -> memref<1x64x256xf32, #tpu.memory_space<hbm>>
    %dma_start3A_114 = tpu.memref_squeeze %dma_start3A_113 : memref<1x64x256xf32, #tpu.memory_space<hbm>> -> memref<64x256xf32, #tpu.memory_space<hbm>>
    tpu.enqueue_dma source(%dma_start3A_114 : memref<64x256xf32, #tpu.memory_space<hbm>>) target(%arg12 : memref<64x256xf32, #tpu.memory_space<vmem>>) target_semaphore(%arg17 : memref<!tpu.dma_semaphore, #tpu.memory_space<semaphore_mem>>)
    %scan3A_115 = arith.constant 0 : i32
    %scan3A_116 = arith.constant 0 : i32
    %scan3A_117 = arith.constant 16 : i32
    %scan3A_118 = arith.addi %scan3A_116, %scan3A_117 : i32
    %scan3A_119 = arith.constant 1 : i32
    %scan3A_120 = scf.for %scan3A_154 = %scan3A_116 to %scan3A_118 step %scan3A_119 iter_args(%scan3A_155 = %scan3A_115) -> (i32)  : i32 {
      %mul3A_156 = arith.constant 2 : i32
      %mul3A_157 = arith.muli %scan3A_154, %mul3A_156 : i32
      %dma_wait3A_158 = arith.constant 0 : i32
      %dma_wait3A_159 = arith.constant 0 : i32
      %dma_wait3A_160 = tpu.memref_slice %arg2[%add3A_78, %dma_wait3A_158, %dma_wait3A_159] : memref<64x64x8192xf32, #tpu.memory_space<hbm>> -> memref<1x64x256xf32, #tpu.memory_space<hbm>>
      %dma_wait3A_161 = tpu.memref_squeeze %dma_wait3A_160 : memref<1x64x256xf32, #tpu.memory_space<hbm>> -> memref<64x256xf32, #tpu.memory_space<hbm>>
      %dma_wait3A_162 = arith.constant 0 : i32
      %dma_wait3A_163 = arith.constant 0 : i32
      %dma_wait3A_164 = tpu.memref_slice %arg2[%add3A_78, %dma_wait3A_162, %dma_wait3A_163] : memref<64x64x8192xf32, #tpu.memory_space<hbm>> -> memref<1x64x256xf32, #tpu.memory_space<hbm>>
      %dma_wait3A_165 = tpu.memref_squeeze %dma_wait3A_164 : memref<1x64x256xf32, #tpu.memory_space<hbm>> -> memref<64x256xf32, #tpu.memory_space<hbm>>
      tpu.wait_dma2 semaphore(%arg14 : memref<!tpu.dma_semaphore, #tpu.memory_space<semaphore_mem>>) src(%dma_wait3A_165 : memref<64x256xf32, #tpu.memory_space<hbm>>) dst(%arg9 : memref<64x256xf32, #tpu.memory_space<vmem>>)
      %dma_wait3A_166 = arith.constant 0 : i32
      %dma_wait3A_167 = arith.constant 0 : i32
      %dma_wait3A_168 = tpu.memref_slice %arg3[%add3A_78, %dma_wait3A_166, %dma_wait3A_167] : memref<64x64x8192xf32, #tpu.memory_space<hbm>> -> memref<1x64x256xf32, #tpu.memory_space<hbm>>
      %dma_wait3A_169 = tpu.memref_squeeze %dma_wait3A_168 : memref<1x64x256xf32, #tpu.memory_space<hbm>> -> memref<64x256xf32, #tpu.memory_space<hbm>>
      %dma_wait3A_170 = arith.constant 0 : i32
      %dma_wait3A_171 = arith.constant 0 : i32
      %dma_wait3A_172 = tpu.memref_slice %arg3[%add3A_78, %dma_wait3A_170, %dma_wait3A_171] : memref<64x64x8192xf32, #tpu.memory_space<hbm>> -> memref<1x64x256xf32, #tpu.memory_space<hbm>>
      %dma_wait3A_173 = tpu.memref_squeeze %dma_wait3A_172 : memref<1x64x256xf32, #tpu.memory_space<hbm>> -> memref<64x256xf32, #tpu.memory_space<hbm>>
      tpu.wait_dma2 semaphore(%arg16 : memref<!tpu.dma_semaphore, #tpu.memory_space<semaphore_mem>>) src(%dma_wait3A_173 : memref<64x256xf32, #tpu.memory_space<hbm>>) dst(%arg11 : memref<64x256xf32, #tpu.memory_space<vmem>>)
      %mul3A_174 = arith.constant 256 : i32
      %mul3A_175 = arith.muli %mul3A_157, %mul3A_174 : i32
      %add3A_176 = arith.constant 256 : i32
      %add3A_177 = arith.addi %mul3A_175, %add3A_176 : i32
      %while3A = scf.while (%while3A_261 = %scan3A_155) : (i32) -> i32 {
        %lt3A = arith.constant 832 : i32
        %lt3A_262 = arith.cmpi slt, %while3A_261, %lt3A : i32
        %broadcast_in_dim3A = arith.constant 0 : i32
        %broadcast_in_dim3A_263 = vector.broadcast %broadcast_in_dim3A : i32 to vector<16xi32>
        %add3A_264 = vector.broadcast %while3A_261 : i32 to vector<16xi32>
        %add3A_265 = arith.addi %broadcast_in_dim3A_263, %add3A_264 : vector<16xi32>
        %shift_right_logical3A = arith.constant 7 : i32
        %shift_right_logical3A_266 = vector.broadcast %shift_right_logical3A : i32 to vector<16xi32>
        %shift_right_logical3A_267 = arith.shrui %add3A_265, %shift_right_logical3A_266 : vector<16xi32>
        %and3A = arith.constant 127 : i32
        %and3A_268 = vector.broadcast %and3A : i32 to vector<16xi32>
        %and3A_269 = arith.andi %add3A_265, %and3A_268 : vector<16xi32>
        %gather3A = tpu.vector_load_idx %arg7[%shift_right_logical3A_267, %and3A_269] : memref<8x128xi32, #tpu.memory_space<vmem>>[vector<16xi32>, vector<16xi32>], vector<16xi32>,
        %reduce_max3A = arith.constant true
        %reduce_max3A_270 = vector.broadcast %reduce_max3A : i1 to vector<16xi1>
        %reduce_max3A_271 = arith.constant -2147483648 : i32
        %reduce_max3A_272 = vector.broadcast %reduce_max3A_271 : i32 to vector<16xi32>
        %reduce_max3A_273 = arith.xori %gather3A, %reduce_max3A_272 : vector<16xi32>
        %reduce_max3A_274 = tpu.scan <max>, %reduce_max3A_273 masked %reduce_max3A_270 : vector<16xi32>, vector<16xi1> -> vector<16xi32>
        %reduce_max3A_275 = arith.xori %reduce_max3A_274, %reduce_max3A_272 : vector<16xi32>
        %reduce_max3A_276 = vector.extract %reduce_max3A_275[15] : i32 from vector<16xi32>
        %lt3A_277 = arith.cmpi slt, %reduce_max3A_276, %add3A_177 : i32
        %and3A_278 = arith.andi %lt3A_262, %lt3A_277 : i1
        scf.condition(%and3A_278) %while3A_261 : i32
      } do {
      ^bb0(%while3A_261: i32):
        %add3A_262 = arith.constant 1 : i32
        %add3A_263 = arith.addi %while3A_261, %add3A_262 : i32
        scf.yield %add3A_263 : i32
      }
      %while3A_178 = arith.constant 0 : i32
      %while3A_179 = arith.subi %while3A, %scan3A_155 : i32
      %while3A_180 = arith.addi %scan3A_155, %while3A_179 : i32
      %while3A_181 = arith.constant 1 : i32
      %while3A_182 = arith.divsi %while3A_179, %while3A_181 : i32
      %while3A_183 = arith.muli %while3A_182, %while3A_181 : i32
      %while3A_184 = arith.addi %scan3A_155, %while3A_183 : i32
      %while3A_185 = arith.constant 1 : i32
      %while3A_186 = scf.for %while3A_261 = %scan3A_155 to %while3A_184 step %while3A_185 iter_args(%while3A_262 = %while3A_178) -> (i32)  : i32 {
        %broadcast_in_dim3A = arith.constant 0 : i32
        %broadcast_in_dim3A_263 = vector.broadcast %broadcast_in_dim3A : i32 to vector<16xi32>
        %add3A_264 = vector.broadcast %while3A_261 : i32 to vector<16xi32>
        %add3A_265 = arith.addi %broadcast_in_dim3A_263, %add3A_264 : vector<16xi32>
        %shift_right_logical3A = arith.constant 7 : i32
        %shift_right_logical3A_266 = vector.broadcast %shift_right_logical3A : i32 to vector<16xi32>
        %shift_right_logical3A_267 = arith.shrui %add3A_265, %shift_right_logical3A_266 : vector<16xi32>
        %and3A = arith.constant 127 : i32
        %and3A_268 = vector.broadcast %and3A : i32 to vector<16xi32>
        %and3A_269 = arith.andi %add3A_265, %and3A_268 : vector<16xi32>
        %gather3A = tpu.vector_load_idx %arg7[%shift_right_logical3A_267, %and3A_269] : memref<8x128xi32, #tpu.memory_space<vmem>>[vector<16xi32>, vector<16xi32>], vector<16xi32>,
        %reduce_max3A = arith.constant true
        %reduce_max3A_270 = vector.broadcast %reduce_max3A : i1 to vector<16xi1>
        %reduce_max3A_271 = arith.constant -2147483648 : i32
        %reduce_max3A_272 = vector.broadcast %reduce_max3A_271 : i32 to vector<16xi32>
        %reduce_max3A_273 = arith.xori %gather3A, %reduce_max3A_272 : vector<16xi32>
        %reduce_max3A_274 = tpu.scan <max>, %reduce_max3A_273 masked %reduce_max3A_270 : vector<16xi32>, vector<16xi1> -> vector<16xi32>
        %reduce_max3A_275 = arith.xori %reduce_max3A_274, %reduce_max3A_272 : vector<16xi32>
        %reduce_max3A_276 = vector.extract %reduce_max3A_275[15] : i32 from vector<16xi32>
        %broadcast_in_dim3A_277 = arith.constant 0 : i32
        %broadcast_in_dim3A_278 = vector.broadcast %broadcast_in_dim3A_277 : i32 to vector<16xi32>
        %mul3A_279 = arith.constant 256 : i32
        %mul3A_280 = arith.muli %mul3A_157, %mul3A_279 : i32
        %sub3A = arith.subi %reduce_max3A_276, %mul3A_280 : i32
        %add3A_281 = vector.broadcast %sub3A : i32 to vector<16xi32>
        %add3A_282 = arith.addi %broadcast_in_dim3A_278, %add3A_281 : vector<16xi32>
        %gather3A_283 = tpu.vector_load_idx %arg8[%shift_right_logical3A_267, %and3A_269] : memref<8x128xf32, #tpu.memory_space<vmem>>[vector<16xi32>, vector<16xi32>], vector<16xf32>,
        %gt3A = arith.constant -1.500000e+00 : f32
        %gt3A_284 = vector.broadcast %gt3A : f32 to vector<16xf32>
        %gt3A_285 = arith.cmpf ogt, %gather3A_283, %gt3A_284 : vector<16xf32>
        %add3A_286 = arith.constant 0 : i32
        %add3A_287 = vector.broadcast %add3A_286 : i32 to vector<16xi32>
        %add3A_288 = arith.addi %iota3A, %add3A_287 : vector<16xi32>
        %gather3A_289 = tpu.vector_load_idx %arg9[%add3A_288, %add3A_282] : memref<64x256xf32, #tpu.memory_space<vmem>>[vector<16xi32>, vector<16xi32>], vector<16xf32>,
        %gather3A_290 = tpu.vector_load_idx %arg11[%add3A_288, %add3A_282] : memref<64x256xf32, #tpu.memory_space<vmem>>[vector<16xi32>, vector<16xi32>], vector<16xf32>,
        %add3A_291 = arith.addf %gather3A_289, %gather3A_290 : vector<16xf32>
        %jit3A = arith.constant 1.000000e+00 : f32
        %broadcast_in_dim3A_292 = vector.broadcast %jit3A : f32 to vector<16xf32>
        %select_n3A = arith.select %gt3A_285, %add3A_291, %broadcast_in_dim3A_292 : vector<16xi1>, vector<16xf32>
        tpu.vector_store_idx %arg13[%add3A_288, %add3A_265], %select_n3A : memref<64x896xf32, #tpu.memory_space<vmem>>[vector<16xi32>, vector<16xi32>], vector<16xf32>,
        %add3A_293 = arith.constant 16 : i32
        %add3A_294 = vector.broadcast %add3A_293 : i32 to vector<16xi32>
        %add3A_295 = arith.addi %iota3A, %add3A_294 : vector<16xi32>
        %gather3A_296 = tpu.vector_load_idx %arg9[%add3A_295, %add3A_282] : memref<64x256xf32, #tpu.memory_space<vmem>>[vector<16xi32>, vector<16xi32>], vector<16xf32>,
        %gather3A_297 = tpu.vector_load_idx %arg11[%add3A_295, %add3A_282] : memref<64x256xf32, #tpu.memory_space<vmem>>[vector<16xi32>, vector<16xi32>], vector<16xf32>,
        %add3A_298 = arith.addf %gather3A_296, %gather3A_297 : vector<16xf32>
        %jit3A_299 = arith.constant 1.000000e+00 : f32
        %broadcast_in_dim3A_300 = vector.broadcast %jit3A_299 : f32 to vector<16xf32>
        %select_n3A_301 = arith.select %gt3A_285, %add3A_298, %broadcast_in_dim3A_300 : vector<16xi1>, vector<16xf32>
        tpu.vector_store_idx %arg13[%add3A_295, %add3A_265], %select_n3A_301 : memref<64x896xf32, #tpu.memory_space<vmem>>[vector<16xi32>, vector<16xi32>], vector<16xf32>,
        %add3A_302 = arith.constant 32 : i32
        %add3A_303 = vector.broadcast %add3A_302 : i32 to vector<16xi32>
        %add3A_304 = arith.addi %iota3A, %add3A_303 : vector<16xi32>
        %gather3A_305 = tpu.vector_load_idx %arg9[%add3A_304, %add3A_282] : memref<64x256xf32, #tpu.memory_space<vmem>>[vector<16xi32>, vector<16xi32>], vector<16xf32>,
        %gather3A_306 = tpu.vector_load_idx %arg11[%add3A_304, %add3A_282] : memref<64x256xf32, #tpu.memory_space<vmem>>[vector<16xi32>, vector<16xi32>], vector<16xf32>,
        %add3A_307 = arith.addf %gather3A_305, %gather3A_306 : vector<16xf32>
        %jit3A_308 = arith.constant 1.000000e+00 : f32
        %broadcast_in_dim3A_309 = vector.broadcast %jit3A_308 : f32 to vector<16xf32>
        %select_n3A_310 = arith.select %gt3A_285, %add3A_307, %broadcast_in_dim3A_309 : vector<16xi1>, vector<16xf32>
        tpu.vector_store_idx %arg13[%add3A_304, %add3A_265], %select_n3A_310 : memref<64x896xf32, #tpu.memory_space<vmem>>[vector<16xi32>, vector<16xi32>], vector<16xf32>,
        %add3A_311 = arith.constant 48 : i32
        %add3A_312 = vector.broadcast %add3A_311 : i32 to vector<16xi32>
        %add3A_313 = arith.addi %iota3A, %add3A_312 : vector<16xi32>
        %gather3A_314 = tpu.vector_load_idx %arg9[%add3A_313, %add3A_282] : memref<64x256xf32, #tpu.memory_space<vmem>>[vector<16xi32>, vector<16xi32>], vector<16xf32>,
        %gather3A_315 = tpu.vector_load_idx %arg11[%add3A_313, %add3A_282] : memref<64x256xf32, #tpu.memory_space<vmem>>[vector<16xi32>, vector<16xi32>], vector<16xf32>,
        %add3A_316 = arith.addf %gather3A_314, %gather3A_315 : vector<16xf32>
        %jit3A_317 = arith.constant 1.000000e+00 : f32
        %broadcast_in_dim3A_318 = vector.broadcast %jit3A_317 : f32 to vector<16xf32>
        %select_n3A_319 = arith.select %gt3A_285, %add3A_316, %broadcast_in_dim3A_318 : vector<16xi1>, vector<16xf32>
        tpu.vector_store_idx %arg13[%add3A_313, %add3A_265], %select_n3A_319 : memref<64x896xf32, #tpu.memory_space<vmem>>[vector<16xi32>, vector<16xi32>], vector<16xf32>,
        %while3A_320 = arith.constant 0 : i32
        scf.yield %while3A_320 : i32
      }
      %while3A_187 = arith.constant 1 : i32
      %while3A_188 = scf.for %while3A_261 = %while3A_184 to %while3A_180 step %while3A_187 iter_args(%while3A_262 = %while3A_186) -> (i32)  : i32 {
        %broadcast_in_dim3A = arith.constant 0 : i32
        %broadcast_in_dim3A_263 = vector.broadcast %broadcast_in_dim3A : i32 to vector<16xi32>
        %add3A_264 = vector.broadcast %while3A_261 : i32 to vector<16xi32>
        %add3A_265 = arith.addi %broadcast_in_dim3A_263, %add3A_264 : vector<16xi32>
        %shift_right_logical3A = arith.constant 7 : i32
        %shift_right_logical3A_266 = vector.broadcast %shift_right_logical3A : i32 to vector<16xi32>
        %shift_right_logical3A_267 = arith.shrui %add3A_265, %shift_right_logical3A_266 : vector<16xi32>
        %and3A = arith.constant 127 : i32
        %and3A_268 = vector.broadcast %and3A : i32 to vector<16xi32>
        %and3A_269 = arith.andi %add3A_265, %and3A_268 : vector<16xi32>
        %gather3A = tpu.vector_load_idx %arg7[%shift_right_logical3A_267, %and3A_269] : memref<8x128xi32, #tpu.memory_space<vmem>>[vector<16xi32>, vector<16xi32>], vector<16xi32>,
        %reduce_max3A = arith.constant true
        %reduce_max3A_270 = vector.broadcast %reduce_max3A : i1 to vector<16xi1>
        %reduce_max3A_271 = arith.constant -2147483648 : i32
        %reduce_max3A_272 = vector.broadcast %reduce_max3A_271 : i32 to vector<16xi32>
        %reduce_max3A_273 = arith.xori %gather3A, %reduce_max3A_272 : vector<16xi32>
        %reduce_max3A_274 = tpu.scan <max>, %reduce_max3A_273 masked %reduce_max3A_270 : vector<16xi32>, vector<16xi1> -> vector<16xi32>
        %reduce_max3A_275 = arith.xori %reduce_max3A_274, %reduce_max3A_272 : vector<16xi32>
        %reduce_max3A_276 = vector.extract %reduce_max3A_275[15] : i32 from vector<16xi32>
        %broadcast_in_dim3A_277 = arith.constant 0 : i32
        %broadcast_in_dim3A_278 = vector.broadcast %broadcast_in_dim3A_277 : i32 to vector<16xi32>
        %mul3A_279 = arith.constant 256 : i32
        %mul3A_280 = arith.muli %mul3A_157, %mul3A_279 : i32
        %sub3A = arith.subi %reduce_max3A_276, %mul3A_280 : i32
        %add3A_281 = vector.broadcast %sub3A : i32 to vector<16xi32>
        %add3A_282 = arith.addi %broadcast_in_dim3A_278, %add3A_281 : vector<16xi32>
        %gather3A_283 = tpu.vector_load_idx %arg8[%shift_right_logical3A_267, %and3A_269] : memref<8x128xf32, #tpu.memory_space<vmem>>[vector<16xi32>, vector<16xi32>], vector<16xf32>,
        %gt3A = arith.constant -1.500000e+00 : f32
        %gt3A_284 = vector.broadcast %gt3A : f32 to vector<16xf32>
        %gt3A_285 = arith.cmpf ogt, %gather3A_283, %gt3A_284 : vector<16xf32>
        %add3A_286 = arith.constant 0 : i32
        %add3A_287 = vector.broadcast %add3A_286 : i32 to vector<16xi32>
        %add3A_288 = arith.addi %iota3A, %add3A_287 : vector<16xi32>
        %gather3A_289 = tpu.vector_load_idx %arg9[%add3A_288, %add3A_282] : memref<64x256xf32, #tpu.memory_space<vmem>>[vector<16xi32>, vector<16xi32>], vector<16xf32>,
        %gather3A_290 = tpu.vector_load_idx %arg11[%add3A_288, %add3A_282] : memref<64x256xf32, #tpu.memory_space<vmem>>[vector<16xi32>, vector<16xi32>], vector<16xf32>,
        %add3A_291 = arith.addf %gather3A_289, %gather3A_290 : vector<16xf32>
        %jit3A = arith.constant 1.000000e+00 : f32
        %broadcast_in_dim3A_292 = vector.broadcast %jit3A : f32 to vector<16xf32>
        %select_n3A = arith.select %gt3A_285, %add3A_291, %broadcast_in_dim3A_292 : vector<16xi1>, vector<16xf32>
        tpu.vector_store_idx %arg13[%add3A_288, %add3A_265], %select_n3A : memref<64x896xf32, #tpu.memory_space<vmem>>[vector<16xi32>, vector<16xi32>], vector<16xf32>,
        %add3A_293 = arith.constant 16 : i32
        %add3A_294 = vector.broadcast %add3A_293 : i32 to vector<16xi32>
        %add3A_295 = arith.addi %iota3A, %add3A_294 : vector<16xi32>
        %gather3A_296 = tpu.vector_load_idx %arg9[%add3A_295, %add3A_282] : memref<64x256xf32, #tpu.memory_space<vmem>>[vector<16xi32>, vector<16xi32>], vector<16xf32>,
        %gather3A_297 = tpu.vector_load_idx %arg11[%add3A_295, %add3A_282] : memref<64x256xf32, #tpu.memory_space<vmem>>[vector<16xi32>, vector<16xi32>], vector<16xf32>,
        %add3A_298 = arith.addf %gather3A_296, %gather3A_297 : vector<16xf32>
        %jit3A_299 = arith.constant 1.000000e+00 : f32
        %broadcast_in_dim3A_300 = vector.broadcast %jit3A_299 : f32 to vector<16xf32>
        %select_n3A_301 = arith.select %gt3A_285, %add3A_298, %broadcast_in_dim3A_300 : vector<16xi1>, vector<16xf32>
        tpu.vector_store_idx %arg13[%add3A_295, %add3A_265], %select_n3A_301 : memref<64x896xf32, #tpu.memory_space<vmem>>[vector<16xi32>, vector<16xi32>], vector<16xf32>,
        %add3A_302 = arith.constant 32 : i32
        %add3A_303 = vector.broadcast %add3A_302 : i32 to vector<16xi32>
        %add3A_304 = arith.addi %iota3A, %add3A_303 : vector<16xi32>
        %gather3A_305 = tpu.vector_load_idx %arg9[%add3A_304, %add3A_282] : memref<64x256xf32, #tpu.memory_space<vmem>>[vector<16xi32>, vector<16xi32>], vector<16xf32>,
        %gather3A_306 = tpu.vector_load_idx %arg11[%add3A_304, %add3A_282] : memref<64x256xf32, #tpu.memory_space<vmem>>[vector<16xi32>, vector<16xi32>], vector<16xf32>,
        %add3A_307 = arith.addf %gather3A_305, %gather3A_306 : vector<16xf32>
        %jit3A_308 = arith.constant 1.000000e+00 : f32
        %broadcast_in_dim3A_309 = vector.broadcast %jit3A_308 : f32 to vector<16xf32>
        %select_n3A_310 = arith.select %gt3A_285, %add3A_307, %broadcast_in_dim3A_309 : vector<16xi1>, vector<16xf32>
        tpu.vector_store_idx %arg13[%add3A_304, %add3A_265], %select_n3A_310 : memref<64x896xf32, #tpu.memory_space<vmem>>[vector<16xi32>, vector<16xi32>], vector<16xf32>,
        %add3A_311 = arith.constant 48 : i32
        %add3A_312 = vector.broadcast %add3A_311 : i32 to vector<16xi32>
        %add3A_313 = arith.addi %iota3A, %add3A_312 : vector<16xi32>
        %gather3A_314 = tpu.vector_load_idx %arg9[%add3A_313, %add3A_282] : memref<64x256xf32, #tpu.memory_space<vmem>>[vector<16xi32>, vector<16xi32>], vector<16xf32>,
        %gather3A_315 = tpu.vector_load_idx %arg11[%add3A_313, %add3A_282] : memref<64x256xf32, #tpu.memory_space<vmem>>[vector<16xi32>, vector<16xi32>], vector<16xf32>,
        %add3A_316 = arith.addf %gather3A_314, %gather3A_315 : vector<16xf32>
        %jit3A_317 = arith.constant 1.000000e+00 : f32
        %broadcast_in_dim3A_318 = vector.broadcast %jit3A_317 : f32 to vector<16xf32>
        %select_n3A_319 = arith.select %gt3A_285, %add3A_316, %broadcast_in_dim3A_318 : vector<16xi1>, vector<16xf32>
        tpu.vector_store_idx %arg13[%add3A_313, %add3A_265], %select_n3A_319 : memref<64x896xf32, #tpu.memory_space<vmem>>[vector<16xi32>, vector<16xi32>], vector<16xf32>,
        %while3A_320 = arith.constant 0 : i32
        scf.yield %while3A_320 : i32
      }
      %add3A_189 = arith.constant 2 : i32
      %add3A_190 = arith.addi %mul3A_157, %add3A_189 : i32
      %min3A_191 = arith.constant 31 : i32
      %min3A_192 = arith.minsi %add3A_190, %min3A_191 : i32
      %mul3A_193 = arith.constant 256 : i32
      %mul3A_194 = arith.muli %min3A_192, %mul3A_193 : i32
      %multiple_of3A_195 = tpu.assume_multiple %mul3A_194, 256 : i32
      %dma_start3A_196 = arith.constant 0 : i32
      %dma_start3A_197 = tpu.memref_slice %arg2[%add3A_78, %dma_start3A_196, %multiple_of3A_195] : memref<64x64x8192xf32, #tpu.memory_space<hbm>> -> memref<1x64x256xf32, #tpu.memory_space<hbm>>
      %dma_start3A_198 = tpu.memref_squeeze %dma_start3A_197 : memref<1x64x256xf32, #tpu.memory_space<hbm>> -> memref<64x256xf32, #tpu.memory_space<hbm>>
      %dma_start3A_199 = arith.constant 0 : i32
      %dma_start3A_200 = tpu.memref_slice %arg2[%add3A_78, %dma_start3A_199, %multiple_of3A_195] : memref<64x64x8192xf32, #tpu.memory_space<hbm>> -> memref<1x64x256xf32, #tpu.memory_space<hbm>>
      %dma_start3A_201 = tpu.memref_squeeze %dma_start3A_200 : memref<1x64x256xf32, #tpu.memory_space<hbm>> -> memref<64x256xf32, #tpu.memory_space<hbm>>
      tpu.enqueue_dma source(%dma_start3A_201 : memref<64x256xf32, #tpu.memory_space<hbm>>) target(%arg9 : memref<64x256xf32, #tpu.memory_space<vmem>>) target_semaphore(%arg14 : memref<!tpu.dma_semaphore, #tpu.memory_space<semaphore_mem>>)
      %dma_start3A_202 = arith.constant 0 : i32
      %dma_start3A_203 = tpu.memref_slice %arg3[%add3A_78, %dma_start3A_202, %multiple_of3A_195] : memref<64x64x8192xf32, #tpu.memory_space<hbm>> -> memref<1x64x256xf32, #tpu.memory_space<hbm>>
      %dma_start3A_204 = tpu.memref_squeeze %dma_start3A_203 : memref<1x64x256xf32, #tpu.memory_space<hbm>> -> memref<64x256xf32, #tpu.memory_space<hbm>>
      %dma_start3A_205 = arith.constant 0 : i32
      %dma_start3A_206 = tpu.memref_slice %arg3[%add3A_78, %dma_start3A_205, %multiple_of3A_195] : memref<64x64x8192xf32, #tpu.memory_space<hbm>> -> memref<1x64x256xf32, #tpu.memory_space<hbm>>
      %dma_start3A_207 = tpu.memref_squeeze %dma_start3A_206 : memref<1x64x256xf32, #tpu.memory_space<hbm>> -> memref<64x256xf32, #tpu.memory_space<hbm>>
      tpu.enqueue_dma source(%dma_start3A_207 : memref<64x256xf32, #tpu.memory_space<hbm>>) target(%arg11 : memref<64x256xf32, #tpu.memory_space<vmem>>) target_semaphore(%arg16 : memref<!tpu.dma_semaphore, #tpu.memory_space<semaphore_mem>>)
      %dma_wait3A_208 = arith.constant 0 : i32
      %dma_wait3A_209 = arith.constant 0 : i32
      %dma_wait3A_210 = tpu.memref_slice %arg2[%add3A_78, %dma_wait3A_208, %dma_wait3A_209] : memref<64x64x8192xf32, #tpu.memory_space<hbm>> -> memref<1x64x256xf32, #tpu.memory_space<hbm>>
      %dma_wait3A_211 = tpu.memref_squeeze %dma_wait3A_210 : memref<1x64x256xf32, #tpu.memory_space<hbm>> -> memref<64x256xf32, #tpu.memory_space<hbm>>
      %dma_wait3A_212 = arith.constant 0 : i32
      %dma_wait3A_213 = arith.constant 0 : i32
      %dma_wait3A_214 = tpu.memref_slice %arg2[%add3A_78, %dma_wait3A_212, %dma_wait3A_213] : memref<64x64x8192xf32, #tpu.memory_space<hbm>> -> memref<1x64x256xf32, #tpu.memory_space<hbm>>
      %dma_wait3A_215 = tpu.memref_squeeze %dma_wait3A_214 : memref<1x64x256xf32, #tpu.memory_space<hbm>> -> memref<64x256xf32, #tpu.memory_space<hbm>>
      tpu.wait_dma2 semaphore(%arg15 : memref<!tpu.dma_semaphore, #tpu.memory_space<semaphore_mem>>) src(%dma_wait3A_215 : memref<64x256xf32, #tpu.memory_space<hbm>>) dst(%arg10 : memref<64x256xf32, #tpu.memory_space<vmem>>)
      %dma_wait3A_216 = arith.constant 0 : i32
      %dma_wait3A_217 = arith.constant 0 : i32
      %dma_wait3A_218 = tpu.memref_slice %arg3[%add3A_78, %dma_wait3A_216, %dma_wait3A_217] : memref<64x64x8192xf32, #tpu.memory_space<hbm>> -> memref<1x64x256xf32, #tpu.memory_space<hbm>>
      %dma_wait3A_219 = tpu.memref_squeeze %dma_wait3A_218 : memref<1x64x256xf32, #tpu.memory_space<hbm>> -> memref<64x256xf32, #tpu.memory_space<hbm>>
      %dma_wait3A_220 = arith.constant 0 : i32
      %dma_wait3A_221 = arith.constant 0 : i32
      %dma_wait3A_222 = tpu.memref_slice %arg3[%add3A_78, %dma_wait3A_220, %dma_wait3A_221] : memref<64x64x8192xf32, #tpu.memory_space<hbm>> -> memref<1x64x256xf32, #tpu.memory_space<hbm>>
      %dma_wait3A_223 = tpu.memref_squeeze %dma_wait3A_222 : memref<1x64x256xf32, #tpu.memory_space<hbm>> -> memref<64x256xf32, #tpu.memory_space<hbm>>
      tpu.wait_dma2 semaphore(%arg17 : memref<!tpu.dma_semaphore, #tpu.memory_space<semaphore_mem>>) src(%dma_wait3A_223 : memref<64x256xf32, #tpu.memory_space<hbm>>) dst(%arg12 : memref<64x256xf32, #tpu.memory_space<vmem>>)
      %add3A_224 = arith.constant 1 : i32
      %add3A_225 = arith.addi %mul3A_157, %add3A_224 : i32
      %mul3A_226 = arith.constant 256 : i32
      %mul3A_227 = arith.muli %add3A_225, %mul3A_226 : i32
      %add3A_228 = arith.constant 256 : i32
      %add3A_229 = arith.addi %mul3A_227, %add3A_228 : i32
      %while3A_230 = scf.while (%while3A_261 = %while3A) : (i32) -> i32 {
        %lt3A = arith.constant 832 : i32
        %lt3A_262 = arith.cmpi slt, %while3A_261, %lt3A : i32
        %broadcast_in_dim3A = arith.constant 0 : i32
        %broadcast_in_dim3A_263 = vector.broadcast %broadcast_in_dim3A : i32 to vector<16xi32>
        %add3A_264 = vector.broadcast %while3A_261 : i32 to vector<16xi32>
        %add3A_265 = arith.addi %broadcast_in_dim3A_263, %add3A_264 : vector<16xi32>
        %shift_right_logical3A = arith.constant 7 : i32
        %shift_right_logical3A_266 = vector.broadcast %shift_right_logical3A : i32 to vector<16xi32>
        %shift_right_logical3A_267 = arith.shrui %add3A_265, %shift_right_logical3A_266 : vector<16xi32>
        %and3A = arith.constant 127 : i32
        %and3A_268 = vector.broadcast %and3A : i32 to vector<16xi32>
        %and3A_269 = arith.andi %add3A_265, %and3A_268 : vector<16xi32>
        %gather3A = tpu.vector_load_idx %arg7[%shift_right_logical3A_267, %and3A_269] : memref<8x128xi32, #tpu.memory_space<vmem>>[vector<16xi32>, vector<16xi32>], vector<16xi32>,
        %reduce_max3A = arith.constant true
        %reduce_max3A_270 = vector.broadcast %reduce_max3A : i1 to vector<16xi1>
        %reduce_max3A_271 = arith.constant -2147483648 : i32
        %reduce_max3A_272 = vector.broadcast %reduce_max3A_271 : i32 to vector<16xi32>
        %reduce_max3A_273 = arith.xori %gather3A, %reduce_max3A_272 : vector<16xi32>
        %reduce_max3A_274 = tpu.scan <max>, %reduce_max3A_273 masked %reduce_max3A_270 : vector<16xi32>, vector<16xi1> -> vector<16xi32>
        %reduce_max3A_275 = arith.xori %reduce_max3A_274, %reduce_max3A_272 : vector<16xi32>
        %reduce_max3A_276 = vector.extract %reduce_max3A_275[15] : i32 from vector<16xi32>
        %lt3A_277 = arith.cmpi slt, %reduce_max3A_276, %add3A_229 : i32
        %and3A_278 = arith.andi %lt3A_262, %lt3A_277 : i1
        scf.condition(%and3A_278) %while3A_261 : i32
      } do {
      ^bb0(%while3A_261: i32):
        %add3A_262 = arith.constant 1 : i32
        %add3A_263 = arith.addi %while3A_261, %add3A_262 : i32
        scf.yield %add3A_263 : i32
      }
      %while3A_231 = arith.constant 0 : i32
      %while3A_232 = arith.subi %while3A_230, %while3A : i32
      %while3A_233 = arith.addi %while3A, %while3A_232 : i32
      %while3A_234 = arith.constant 1 : i32
      %while3A_235 = arith.divsi %while3A_232, %while3A_234 : i32
      %while3A_236 = arith.muli %while3A_235, %while3A_234 : i32
      %while3A_237 = arith.addi %while3A, %while3A_236 : i32
      %while3A_238 = arith.constant 1 : i32
      %while3A_239 = scf.for %while3A_261 = %while3A to %while3A_237 step %while3A_238 iter_args(%while3A_262 = %while3A_231) -> (i32)  : i32 {
        %broadcast_in_dim3A = arith.constant 0 : i32
        %broadcast_in_dim3A_263 = vector.broadcast %broadcast_in_dim3A : i32 to vector<16xi32>
        %add3A_264 = vector.broadcast %while3A_261 : i32 to vector<16xi32>
        %add3A_265 = arith.addi %broadcast_in_dim3A_263, %add3A_264 : vector<16xi32>
        %shift_right_logical3A = arith.constant 7 : i32
        %shift_right_logical3A_266 = vector.broadcast %shift_right_logical3A : i32 to vector<16xi32>
        %shift_right_logical3A_267 = arith.shrui %add3A_265, %shift_right_logical3A_266 : vector<16xi32>
        %and3A = arith.constant 127 : i32
        %and3A_268 = vector.broadcast %and3A : i32 to vector<16xi32>
        %and3A_269 = arith.andi %add3A_265, %and3A_268 : vector<16xi32>
        %gather3A = tpu.vector_load_idx %arg7[%shift_right_logical3A_267, %and3A_269] : memref<8x128xi32, #tpu.memory_space<vmem>>[vector<16xi32>, vector<16xi32>], vector<16xi32>,
        %reduce_max3A = arith.constant true
        %reduce_max3A_270 = vector.broadcast %reduce_max3A : i1 to vector<16xi1>
        %reduce_max3A_271 = arith.constant -2147483648 : i32
        %reduce_max3A_272 = vector.broadcast %reduce_max3A_271 : i32 to vector<16xi32>
        %reduce_max3A_273 = arith.xori %gather3A, %reduce_max3A_272 : vector<16xi32>
        %reduce_max3A_274 = tpu.scan <max>, %reduce_max3A_273 masked %reduce_max3A_270 : vector<16xi32>, vector<16xi1> -> vector<16xi32>
        %reduce_max3A_275 = arith.xori %reduce_max3A_274, %reduce_max3A_272 : vector<16xi32>
        %reduce_max3A_276 = vector.extract %reduce_max3A_275[15] : i32 from vector<16xi32>
        %broadcast_in_dim3A_277 = arith.constant 0 : i32
        %broadcast_in_dim3A_278 = vector.broadcast %broadcast_in_dim3A_277 : i32 to vector<16xi32>
        %mul3A_279 = arith.constant 256 : i32
        %mul3A_280 = arith.muli %add3A_225, %mul3A_279 : i32
        %sub3A = arith.subi %reduce_max3A_276, %mul3A_280 : i32
        %add3A_281 = vector.broadcast %sub3A : i32 to vector<16xi32>
        %add3A_282 = arith.addi %broadcast_in_dim3A_278, %add3A_281 : vector<16xi32>
        %gather3A_283 = tpu.vector_load_idx %arg8[%shift_right_logical3A_267, %and3A_269] : memref<8x128xf32, #tpu.memory_space<vmem>>[vector<16xi32>, vector<16xi32>], vector<16xf32>,
        %gt3A = arith.constant -1.500000e+00 : f32
        %gt3A_284 = vector.broadcast %gt3A : f32 to vector<16xf32>
        %gt3A_285 = arith.cmpf ogt, %gather3A_283, %gt3A_284 : vector<16xf32>
        %add3A_286 = arith.constant 0 : i32
        %add3A_287 = vector.broadcast %add3A_286 : i32 to vector<16xi32>
        %add3A_288 = arith.addi %iota3A, %add3A_287 : vector<16xi32>
        %gather3A_289 = tpu.vector_load_idx %arg10[%add3A_288, %add3A_282] : memref<64x256xf32, #tpu.memory_space<vmem>>[vector<16xi32>, vector<16xi32>], vector<16xf32>,
        %gather3A_290 = tpu.vector_load_idx %arg12[%add3A_288, %add3A_282] : memref<64x256xf32, #tpu.memory_space<vmem>>[vector<16xi32>, vector<16xi32>], vector<16xf32>,
        %add3A_291 = arith.addf %gather3A_289, %gather3A_290 : vector<16xf32>
        %jit3A = arith.constant 1.000000e+00 : f32
        %broadcast_in_dim3A_292 = vector.broadcast %jit3A : f32 to vector<16xf32>
        %select_n3A = arith.select %gt3A_285, %add3A_291, %broadcast_in_dim3A_292 : vector<16xi1>, vector<16xf32>
        tpu.vector_store_idx %arg13[%add3A_288, %add3A_265], %select_n3A : memref<64x896xf32, #tpu.memory_space<vmem>>[vector<16xi32>, vector<16xi32>], vector<16xf32>,
        %add3A_293 = arith.constant 16 : i32
        %add3A_294 = vector.broadcast %add3A_293 : i32 to vector<16xi32>
        %add3A_295 = arith.addi %iota3A, %add3A_294 : vector<16xi32>
        %gather3A_296 = tpu.vector_load_idx %arg10[%add3A_295, %add3A_282] : memref<64x256xf32, #tpu.memory_space<vmem>>[vector<16xi32>, vector<16xi32>], vector<16xf32>,
        %gather3A_297 = tpu.vector_load_idx %arg12[%add3A_295, %add3A_282] : memref<64x256xf32, #tpu.memory_space<vmem>>[vector<16xi32>, vector<16xi32>], vector<16xf32>,
        %add3A_298 = arith.addf %gather3A_296, %gather3A_297 : vector<16xf32>
        %jit3A_299 = arith.constant 1.000000e+00 : f32
        %broadcast_in_dim3A_300 = vector.broadcast %jit3A_299 : f32 to vector<16xf32>
        %select_n3A_301 = arith.select %gt3A_285, %add3A_298, %broadcast_in_dim3A_300 : vector<16xi1>, vector<16xf32>
        tpu.vector_store_idx %arg13[%add3A_295, %add3A_265], %select_n3A_301 : memref<64x896xf32, #tpu.memory_space<vmem>>[vector<16xi32>, vector<16xi32>], vector<16xf32>,
        %add3A_302 = arith.constant 32 : i32
        %add3A_303 = vector.broadcast %add3A_302 : i32 to vector<16xi32>
        %add3A_304 = arith.addi %iota3A, %add3A_303 : vector<16xi32>
        %gather3A_305 = tpu.vector_load_idx %arg10[%add3A_304, %add3A_282] : memref<64x256xf32, #tpu.memory_space<vmem>>[vector<16xi32>, vector<16xi32>], vector<16xf32>,
        %gather3A_306 = tpu.vector_load_idx %arg12[%add3A_304, %add3A_282] : memref<64x256xf32, #tpu.memory_space<vmem>>[vector<16xi32>, vector<16xi32>], vector<16xf32>,
        %add3A_307 = arith.addf %gather3A_305, %gather3A_306 : vector<16xf32>
        %jit3A_308 = arith.constant 1.000000e+00 : f32
        %broadcast_in_dim3A_309 = vector.broadcast %jit3A_308 : f32 to vector<16xf32>
        %select_n3A_310 = arith.select %gt3A_285, %add3A_307, %broadcast_in_dim3A_309 : vector<16xi1>, vector<16xf32>
        tpu.vector_store_idx %arg13[%add3A_304, %add3A_265], %select_n3A_310 : memref<64x896xf32, #tpu.memory_space<vmem>>[vector<16xi32>, vector<16xi32>], vector<16xf32>,
        %add3A_311 = arith.constant 48 : i32
        %add3A_312 = vector.broadcast %add3A_311 : i32 to vector<16xi32>
        %add3A_313 = arith.addi %iota3A, %add3A_312 : vector<16xi32>
        %gather3A_314 = tpu.vector_load_idx %arg10[%add3A_313, %add3A_282] : memref<64x256xf32, #tpu.memory_space<vmem>>[vector<16xi32>, vector<16xi32>], vector<16xf32>,
        %gather3A_315 = tpu.vector_load_idx %arg12[%add3A_313, %add3A_282] : memref<64x256xf32, #tpu.memory_space<vmem>>[vector<16xi32>, vector<16xi32>], vector<16xf32>,
        %add3A_316 = arith.addf %gather3A_314, %gather3A_315 : vector<16xf32>
        %jit3A_317 = arith.constant 1.000000e+00 : f32
        %broadcast_in_dim3A_318 = vector.broadcast %jit3A_317 : f32 to vector<16xf32>
        %select_n3A_319 = arith.select %gt3A_285, %add3A_316, %broadcast_in_dim3A_318 : vector<16xi1>, vector<16xf32>
        tpu.vector_store_idx %arg13[%add3A_313, %add3A_265], %select_n3A_319 : memref<64x896xf32, #tpu.memory_space<vmem>>[vector<16xi32>, vector<16xi32>], vector<16xf32>,
        %while3A_320 = arith.constant 0 : i32
        scf.yield %while3A_320 : i32
      }
      %while3A_240 = arith.constant 1 : i32
      %while3A_241 = scf.for %while3A_261 = %while3A_237 to %while3A_233 step %while3A_240 iter_args(%while3A_262 = %while3A_239) -> (i32)  : i32 {
        %broadcast_in_dim3A = arith.constant 0 : i32
        %broadcast_in_dim3A_263 = vector.broadcast %broadcast_in_dim3A : i32 to vector<16xi32>
        %add3A_264 = vector.broadcast %while3A_261 : i32 to vector<16xi32>
        %add3A_265 = arith.addi %broadcast_in_dim3A_263, %add3A_264 : vector<16xi32>
        %shift_right_logical3A = arith.constant 7 : i32
        %shift_right_logical3A_266 = vector.broadcast %shift_right_logical3A : i32 to vector<16xi32>
        %shift_right_logical3A_267 = arith.shrui %add3A_265, %shift_right_logical3A_266 : vector<16xi32>
        %and3A = arith.constant 127 : i32
        %and3A_268 = vector.broadcast %and3A : i32 to vector<16xi32>
        %and3A_269 = arith.andi %add3A_265, %and3A_268 : vector<16xi32>
        %gather3A = tpu.vector_load_idx %arg7[%shift_right_logical3A_267, %and3A_269] : memref<8x128xi32, #tpu.memory_space<vmem>>[vector<16xi32>, vector<16xi32>], vector<16xi32>,
        %reduce_max3A = arith.constant true
        %reduce_max3A_270 = vector.broadcast %reduce_max3A : i1 to vector<16xi1>
        %reduce_max3A_271 = arith.constant -2147483648 : i32
        %reduce_max3A_272 = vector.broadcast %reduce_max3A_271 : i32 to vector<16xi32>
        %reduce_max3A_273 = arith.xori %gather3A, %reduce_max3A_272 : vector<16xi32>
        %reduce_max3A_274 = tpu.scan <max>, %reduce_max3A_273 masked %reduce_max3A_270 : vector<16xi32>, vector<16xi1> -> vector<16xi32>
        %reduce_max3A_275 = arith.xori %reduce_max3A_274, %reduce_max3A_272 : vector<16xi32>
        %reduce_max3A_276 = vector.extract %reduce_max3A_275[15] : i32 from vector<16xi32>
        %broadcast_in_dim3A_277 = arith.constant 0 : i32
        %broadcast_in_dim3A_278 = vector.broadcast %broadcast_in_dim3A_277 : i32 to vector<16xi32>
        %mul3A_279 = arith.constant 256 : i32
        %mul3A_280 = arith.muli %add3A_225, %mul3A_279 : i32
        %sub3A = arith.subi %reduce_max3A_276, %mul3A_280 : i32
        %add3A_281 = vector.broadcast %sub3A : i32 to vector<16xi32>
        %add3A_282 = arith.addi %broadcast_in_dim3A_278, %add3A_281 : vector<16xi32>
        %gather3A_283 = tpu.vector_load_idx %arg8[%shift_right_logical3A_267, %and3A_269] : memref<8x128xf32, #tpu.memory_space<vmem>>[vector<16xi32>, vector<16xi32>], vector<16xf32>,
        %gt3A = arith.constant -1.500000e+00 : f32
        %gt3A_284 = vector.broadcast %gt3A : f32 to vector<16xf32>
        %gt3A_285 = arith.cmpf ogt, %gather3A_283, %gt3A_284 : vector<16xf32>
        %add3A_286 = arith.constant 0 : i32
        %add3A_287 = vector.broadcast %add3A_286 : i32 to vector<16xi32>
        %add3A_288 = arith.addi %iota3A, %add3A_287 : vector<16xi32>
        %gather3A_289 = tpu.vector_load_idx %arg10[%add3A_288, %add3A_282] : memref<64x256xf32, #tpu.memory_space<vmem>>[vector<16xi32>, vector<16xi32>], vector<16xf32>,
        %gather3A_290 = tpu.vector_load_idx %arg12[%add3A_288, %add3A_282] : memref<64x256xf32, #tpu.memory_space<vmem>>[vector<16xi32>, vector<16xi32>], vector<16xf32>,
        %add3A_291 = arith.addf %gather3A_289, %gather3A_290 : vector<16xf32>
        %jit3A = arith.constant 1.000000e+00 : f32
        %broadcast_in_dim3A_292 = vector.broadcast %jit3A : f32 to vector<16xf32>
        %select_n3A = arith.select %gt3A_285, %add3A_291, %broadcast_in_dim3A_292 : vector<16xi1>, vector<16xf32>
        tpu.vector_store_idx %arg13[%add3A_288, %add3A_265], %select_n3A : memref<64x896xf32, #tpu.memory_space<vmem>>[vector<16xi32>, vector<16xi32>], vector<16xf32>,
        %add3A_293 = arith.constant 16 : i32
        %add3A_294 = vector.broadcast %add3A_293 : i32 to vector<16xi32>
        %add3A_295 = arith.addi %iota3A, %add3A_294 : vector<16xi32>
        %gather3A_296 = tpu.vector_load_idx %arg10[%add3A_295, %add3A_282] : memref<64x256xf32, #tpu.memory_space<vmem>>[vector<16xi32>, vector<16xi32>], vector<16xf32>,
        %gather3A_297 = tpu.vector_load_idx %arg12[%add3A_295, %add3A_282] : memref<64x256xf32, #tpu.memory_space<vmem>>[vector<16xi32>, vector<16xi32>], vector<16xf32>,
        %add3A_298 = arith.addf %gather3A_296, %gather3A_297 : vector<16xf32>
        %jit3A_299 = arith.constant 1.000000e+00 : f32
        %broadcast_in_dim3A_300 = vector.broadcast %jit3A_299 : f32 to vector<16xf32>
        %select_n3A_301 = arith.select %gt3A_285, %add3A_298, %broadcast_in_dim3A_300 : vector<16xi1>, vector<16xf32>
        tpu.vector_store_idx %arg13[%add3A_295, %add3A_265], %select_n3A_301 : memref<64x896xf32, #tpu.memory_space<vmem>>[vector<16xi32>, vector<16xi32>], vector<16xf32>,
        %add3A_302 = arith.constant 32 : i32
        %add3A_303 = vector.broadcast %add3A_302 : i32 to vector<16xi32>
        %add3A_304 = arith.addi %iota3A, %add3A_303 : vector<16xi32>
        %gather3A_305 = tpu.vector_load_idx %arg10[%add3A_304, %add3A_282] : memref<64x256xf32, #tpu.memory_space<vmem>>[vector<16xi32>, vector<16xi32>], vector<16xf32>,
        %gather3A_306 = tpu.vector_load_idx %arg12[%add3A_304, %add3A_282] : memref<64x256xf32, #tpu.memory_space<vmem>>[vector<16xi32>, vector<16xi32>], vector<16xf32>,
        %add3A_307 = arith.addf %gather3A_305, %gather3A_306 : vector<16xf32>
        %jit3A_308 = arith.constant 1.000000e+00 : f32
        %broadcast_in_dim3A_309 = vector.broadcast %jit3A_308 : f32 to vector<16xf32>
        %select_n3A_310 = arith.select %gt3A_285, %add3A_307, %broadcast_in_dim3A_309 : vector<16xi1>, vector<16xf32>
        tpu.vector_store_idx %arg13[%add3A_304, %add3A_265], %select_n3A_310 : memref<64x896xf32, #tpu.memory_space<vmem>>[vector<16xi32>, vector<16xi32>], vector<16xf32>,
        %add3A_311 = arith.constant 48 : i32
        %add3A_312 = vector.broadcast %add3A_311 : i32 to vector<16xi32>
        %add3A_313 = arith.addi %iota3A, %add3A_312 : vector<16xi32>
        %gather3A_314 = tpu.vector_load_idx %arg10[%add3A_313, %add3A_282] : memref<64x256xf32, #tpu.memory_space<vmem>>[vector<16xi32>, vector<16xi32>], vector<16xf32>,
        %gather3A_315 = tpu.vector_load_idx %arg12[%add3A_313, %add3A_282] : memref<64x256xf32, #tpu.memory_space<vmem>>[vector<16xi32>, vector<16xi32>], vector<16xf32>,
        %add3A_316 = arith.addf %gather3A_314, %gather3A_315 : vector<16xf32>
        %jit3A_317 = arith.constant 1.000000e+00 : f32
        %broadcast_in_dim3A_318 = vector.broadcast %jit3A_317 : f32 to vector<16xf32>
        %select_n3A_319 = arith.select %gt3A_285, %add3A_316, %broadcast_in_dim3A_318 : vector<16xi1>, vector<16xf32>
        tpu.vector_store_idx %arg13[%add3A_313, %add3A_265], %select_n3A_319 : memref<64x896xf32, #tpu.memory_space<vmem>>[vector<16xi32>, vector<16xi32>], vector<16xf32>,
        %while3A_320 = arith.constant 0 : i32
        scf.yield %while3A_320 : i32
      }
      %add3A_242 = arith.constant 3 : i32
      %add3A_243 = arith.addi %mul3A_157, %add3A_242 : i32
      %min3A_244 = arith.constant 31 : i32
      %min3A_245 = arith.minsi %add3A_243, %min3A_244 : i32
      %mul3A_246 = arith.constant 256 : i32
      %mul3A_247 = arith.muli %min3A_245, %mul3A_246 : i32
      %multiple_of3A_248 = tpu.assume_multiple %mul3A_247, 256 : i32
      %dma_start3A_249 = arith.constant 0 : i32
      %dma_start3A_250 = tpu.memref_slice %arg2[%add3A_78, %dma_start3A_249, %multiple_of3A_248] : memref<64x64x8192xf32, #tpu.memory_space<hbm>> -> memref<1x64x256xf32, #tpu.memory_space<hbm>>
      %dma_start3A_251 = tpu.memref_squeeze %dma_start3A_250 : memref<1x64x256xf32, #tpu.memory_space<hbm>> -> memref<64x256xf32, #tpu.memory_space<hbm>>
      %dma_start3A_252 = arith.constant 0 : i32
      %dma_start3A_253 = tpu.memref_slice %arg2[%add3A_78, %dma_start3A_252, %multiple_of3A_248] : memref<64x64x8192xf32, #tpu.memory_space<hbm>> -> memref<1x64x256xf32, #tpu.memory_space<hbm>>
      %dma_start3A_254 = tpu.memref_squeeze %dma_start3A_253 : memref<1x64x256xf32, #tpu.memory_space<hbm>> -> memref<64x256xf32, #tpu.memory_space<hbm>>
      tpu.enqueue_dma source(%dma_start3A_254 : memref<64x256xf32, #tpu.memory_space<hbm>>) target(%arg10 : memref<64x256xf32, #tpu.memory_space<vmem>>) target_semaphore(%arg15 : memref<!tpu.dma_semaphore, #tpu.memory_space<semaphore_mem>>)
      %dma_start3A_255 = arith.constant 0 : i32
      %dma_start3A_256 = tpu.memref_slice %arg3[%add3A_78, %dma_start3A_255, %multiple_of3A_248] : memref<64x64x8192xf32, #tpu.memory_space<hbm>> -> memref<1x64x256xf32, #tpu.memory_space<hbm>>
      %dma_start3A_257 = tpu.memref_squeeze %dma_start3A_256 : memref<1x64x256xf32, #tpu.memory_space<hbm>> -> memref<64x256xf32, #tpu.memory_space<hbm>>
      %dma_start3A_258 = arith.constant 0 : i32
      %dma_start3A_259 = tpu.memref_slice %arg3[%add3A_78, %dma_start3A_258, %multiple_of3A_248] : memref<64x64x8192xf32, #tpu.memory_space<hbm>> -> memref<1x64x256xf32, #tpu.memory_space<hbm>>
      %dma_start3A_260 = tpu.memref_squeeze %dma_start3A_259 : memref<1x64x256xf32, #tpu.memory_space<hbm>> -> memref<64x256xf32, #tpu.memory_space<hbm>>
      tpu.enqueue_dma source(%dma_start3A_260 : memref<64x256xf32, #tpu.memory_space<hbm>>) target(%arg12 : memref<64x256xf32, #tpu.memory_space<vmem>>) target_semaphore(%arg17 : memref<!tpu.dma_semaphore, #tpu.memory_space<semaphore_mem>>)
      scf.yield %while3A_230 : i32
    }
    %scan3A_121 = arith.constant 16 : i32
    %dma_wait3A_122 = arith.constant 0 : i32
    %dma_wait3A_123 = arith.constant 0 : i32
    %dma_wait3A_124 = tpu.memref_slice %arg2[%add3A_78, %dma_wait3A_122, %dma_wait3A_123] : memref<64x64x8192xf32, #tpu.memory_space<hbm>> -> memref<1x64x256xf32, #tpu.memory_space<hbm>>
    %dma_wait3A_125 = tpu.memref_squeeze %dma_wait3A_124 : memref<1x64x256xf32, #tpu.memory_space<hbm>> -> memref<64x256xf32, #tpu.memory_space<hbm>>
    %dma_wait3A_126 = arith.constant 0 : i32
    %dma_wait3A_127 = arith.constant 0 : i32
    %dma_wait3A_128 = tpu.memref_slice %arg2[%add3A_78, %dma_wait3A_126, %dma_wait3A_127] : memref<64x64x8192xf32, #tpu.memory_space<hbm>> -> memref<1x64x256xf32, #tpu.memory_space<hbm>>
    %dma_wait3A_129 = tpu.memref_squeeze %dma_wait3A_128 : memref<1x64x256xf32, #tpu.memory_space<hbm>> -> memref<64x256xf32, #tpu.memory_space<hbm>>
    tpu.wait_dma2 semaphore(%arg14 : memref<!tpu.dma_semaphore, #tpu.memory_space<semaphore_mem>>) src(%dma_wait3A_129 : memref<64x256xf32, #tpu.memory_space<hbm>>) dst(%arg9 : memref<64x256xf32, #tpu.memory_space<vmem>>)
    %dma_wait3A_130 = arith.constant 0 : i32
    %dma_wait3A_131 = arith.constant 0 : i32
    %dma_wait3A_132 = tpu.memref_slice %arg3[%add3A_78, %dma_wait3A_130, %dma_wait3A_131] : memref<64x64x8192xf32, #tpu.memory_space<hbm>> -> memref<1x64x256xf32, #tpu.memory_space<hbm>>
    %dma_wait3A_133 = tpu.memref_squeeze %dma_wait3A_132 : memref<1x64x256xf32, #tpu.memory_space<hbm>> -> memref<64x256xf32, #tpu.memory_space<hbm>>
    %dma_wait3A_134 = arith.constant 0 : i32
    %dma_wait3A_135 = arith.constant 0 : i32
    %dma_wait3A_136 = tpu.memref_slice %arg3[%add3A_78, %dma_wait3A_134, %dma_wait3A_135] : memref<64x64x8192xf32, #tpu.memory_space<hbm>> -> memref<1x64x256xf32, #tpu.memory_space<hbm>>
    %dma_wait3A_137 = tpu.memref_squeeze %dma_wait3A_136 : memref<1x64x256xf32, #tpu.memory_space<hbm>> -> memref<64x256xf32, #tpu.memory_space<hbm>>
    tpu.wait_dma2 semaphore(%arg16 : memref<!tpu.dma_semaphore, #tpu.memory_space<semaphore_mem>>) src(%dma_wait3A_137 : memref<64x256xf32, #tpu.memory_space<hbm>>) dst(%arg11 : memref<64x256xf32, #tpu.memory_space<vmem>>)
    %dma_wait3A_138 = arith.constant 0 : i32
    %dma_wait3A_139 = arith.constant 0 : i32
    %dma_wait3A_140 = tpu.memref_slice %arg2[%add3A_78, %dma_wait3A_138, %dma_wait3A_139] : memref<64x64x8192xf32, #tpu.memory_space<hbm>> -> memref<1x64x256xf32, #tpu.memory_space<hbm>>
    %dma_wait3A_141 = tpu.memref_squeeze %dma_wait3A_140 : memref<1x64x256xf32, #tpu.memory_space<hbm>> -> memref<64x256xf32, #tpu.memory_space<hbm>>
    %dma_wait3A_142 = arith.constant 0 : i32
    %dma_wait3A_143 = arith.constant 0 : i32
    %dma_wait3A_144 = tpu.memref_slice %arg2[%add3A_78, %dma_wait3A_142, %dma_wait3A_143] : memref<64x64x8192xf32, #tpu.memory_space<hbm>> -> memref<1x64x256xf32, #tpu.memory_space<hbm>>
    %dma_wait3A_145 = tpu.memref_squeeze %dma_wait3A_144 : memref<1x64x256xf32, #tpu.memory_space<hbm>> -> memref<64x256xf32, #tpu.memory_space<hbm>>
    tpu.wait_dma2 semaphore(%arg15 : memref<!tpu.dma_semaphore, #tpu.memory_space<semaphore_mem>>) src(%dma_wait3A_145 : memref<64x256xf32, #tpu.memory_space<hbm>>) dst(%arg10 : memref<64x256xf32, #tpu.memory_space<vmem>>)
    %dma_wait3A_146 = arith.constant 0 : i32
    %dma_wait3A_147 = arith.constant 0 : i32
    %dma_wait3A_148 = tpu.memref_slice %arg3[%add3A_78, %dma_wait3A_146, %dma_wait3A_147] : memref<64x64x8192xf32, #tpu.memory_space<hbm>> -> memref<1x64x256xf32, #tpu.memory_space<hbm>>
    %dma_wait3A_149 = tpu.memref_squeeze %dma_wait3A_148 : memref<1x64x256xf32, #tpu.memory_space<hbm>> -> memref<64x256xf32, #tpu.memory_space<hbm>>
    %dma_wait3A_150 = arith.constant 0 : i32
    %dma_wait3A_151 = arith.constant 0 : i32
    %dma_wait3A_152 = tpu.memref_slice %arg3[%add3A_78, %dma_wait3A_150, %dma_wait3A_151] : memref<64x64x8192xf32, #tpu.memory_space<hbm>> -> memref<1x64x256xf32, #tpu.memory_space<hbm>>
    %dma_wait3A_153 = tpu.memref_squeeze %dma_wait3A_152 : memref<1x64x256xf32, #tpu.memory_space<hbm>> -> memref<64x256xf32, #tpu.memory_space<hbm>>
    tpu.wait_dma2 semaphore(%arg17 : memref<!tpu.dma_semaphore, #tpu.memory_space<semaphore_mem>>) src(%dma_wait3A_153 : memref<64x256xf32, #tpu.memory_space<hbm>>) dst(%arg12 : memref<64x256xf32, #tpu.memory_space<vmem>>)
    "tpu.region"() ({
      %run_scoped3A = tpu.sem_alloc : memref<!tpu.dma_semaphore, #tpu.memory_space<semaphore_mem>>
      %dma_start3A_154 = arith.constant 0 : i32
      %dma_start3A_155 = arith.constant 0 : i32
      %dma_start3A_156 = tpu.memref_slice %arg6[%add3A_78, %dma_start3A_154, %dma_start3A_155] : memref<64x64x896xf32, #tpu.memory_space<hbm>> -> memref<1x64x896xf32, #tpu.memory_space<hbm>>
      %dma_start3A_157 = tpu.memref_squeeze %dma_start3A_156 : memref<1x64x896xf32, #tpu.memory_space<hbm>> -> memref<64x896xf32, #tpu.memory_space<hbm>>
      %dma_start3A_158 = arith.constant 0 : i32
      %dma_start3A_159 = arith.constant 0 : i32
      %dma_start3A_160 = tpu.memref_slice %arg6[%add3A_78, %dma_start3A_158, %dma_start3A_159] : memref<64x64x896xf32, #tpu.memory_space<hbm>> -> memref<1x64x896xf32, #tpu.memory_space<hbm>>
      %dma_start3A_161 = tpu.memref_squeeze %dma_start3A_160 : memref<1x64x896xf32, #tpu.memory_space<hbm>> -> memref<64x896xf32, #tpu.memory_space<hbm>>
      tpu.enqueue_dma source(%arg13 : memref<64x896xf32, #tpu.memory_space<vmem>>) target(%dma_start3A_161 : memref<64x896xf32, #tpu.memory_space<hbm>>) target_semaphore(%run_scoped3A : memref<!tpu.dma_semaphore, #tpu.memory_space<semaphore_mem>>)
      %dma_wait3A_162 = arith.constant 0 : i32
      %dma_wait3A_163 = arith.constant 0 : i32
      %dma_wait3A_164 = tpu.memref_slice %arg6[%add3A_78, %dma_wait3A_162, %dma_wait3A_163] : memref<64x64x896xf32, #tpu.memory_space<hbm>> -> memref<1x64x896xf32, #tpu.memory_space<hbm>>
      %dma_wait3A_165 = tpu.memref_squeeze %dma_wait3A_164 : memref<1x64x896xf32, #tpu.memory_space<hbm>> -> memref<64x896xf32, #tpu.memory_space<hbm>>
      %dma_wait3A_166 = arith.constant 0 : i32
      %dma_wait3A_167 = arith.constant 0 : i32
      %dma_wait3A_168 = tpu.memref_slice %arg6[%add3A_78, %dma_wait3A_166, %dma_wait3A_167] : memref<64x64x896xf32, #tpu.memory_space<hbm>> -> memref<1x64x896xf32, #tpu.memory_space<hbm>>
      %dma_wait3A_169 = tpu.memref_squeeze %dma_wait3A_168 : memref<1x64x896xf32, #tpu.memory_space<hbm>> -> memref<64x896xf32, #tpu.memory_space<hbm>>
      tpu.wait_dma2 semaphore(%run_scoped3A : memref<!tpu.dma_semaphore, #tpu.memory_space<semaphore_mem>>) src(%arg13 : memref<64x896xf32, #tpu.memory_space<vmem>>) dst(%dma_wait3A_169 : memref<64x896xf32, #tpu.memory_space<hbm>>)
      tpu.yield
    }) : () -> ()
    return
  }
}

#map = affine_map<(d0, d1) -> (0, 0, 0)>
module attributes {stable_mosaic.version = 14 : i64} {
  func.func @_b1_body(%arg0: i32, %arg1: i32, %arg2: memref<64x64x128xf32, #tpu.memory_space<hbm>>, %arg3: memref<64x256x128xf32, #tpu.memory_space<hbm>>, %arg4: memref<64x64x128xf32, #tpu.memory_space<hbm>>, %arg5: memref<64x64x128xf32, #tpu.memory_space<hbm>>, %arg6: memref<64x8x128xi32, #tpu.memory_space<hbm>>, %arg7: memref<64x8x128xf32, #tpu.memory_space<hbm>>, %arg8: memref<64x28x128xf32, #tpu.memory_space<hbm>>, %arg9: memref<64x8x128xf32, #tpu.memory_space<hbm>>, %arg10: memref<64x8x128xf32, #tpu.memory_space<hbm>>, %arg11: memref<64x128xf32, #tpu.memory_space<vmem>>, %arg12: memref<8x128xi32, #tpu.memory_space<vmem>>, %arg13: memref<8x128xf32, #tpu.memory_space<vmem>>, %arg14: memref<256x128xf32, #tpu.memory_space<vmem>>, %arg15: memref<64x128xf32, #tpu.memory_space<vmem>>, %arg16: memref<64x128xf32, #tpu.memory_space<vmem>>, %arg17: memref<28x128xf32, #tpu.memory_space<vmem>>, %arg18: memref<8x128xf32, #tpu.memory_space<vmem>>, %arg19: memref<8x128xf32, #tpu.memory_space<vmem>>) attributes {dimension_semantics = [#tpu.dimension_semantics<core_parallel>, #tpu.dimension_semantics<subcore_parallel>], iteration_bounds = array<i64: 2, 16>, scalar_prefetch = 0 : i64, scratch_operands = 9 : i64, tpu.core_type = #tpu.core_type<sc_vector_subcore>, window_params = [{transform_indices = #map}, {transform_indices = #map}, {transform_indices = #map}, {transform_indices = #map}, {transform_indices = #map}, {transform_indices = #map}, {transform_indices = #map}, {transform_indices = #map}, {transform_indices = #map}]} {
    %mul3A = arith.constant 2 : i32
    %mul3A_0 = arith.muli %arg1, %mul3A : i32
    %add3A = arith.addi %mul3A_0, %arg0 : i32
    %mul3A_1 = arith.constant 2 : i32
    %mul3A_2 = arith.muli %add3A, %mul3A_1 : i32
    %add3A_3 = arith.constant 0 : i32
    %add3A_4 = arith.addi %mul3A_2, %add3A_3 : i32
    "tpu.region"() ({
      %run_scoped3A = tpu.sem_alloc : memref<!tpu.dma_semaphore, #tpu.memory_space<semaphore_mem>>
      %dma_start3A = arith.constant 0 : i32
      %dma_start3A_50 = arith.constant 0 : i32
      %dma_start3A_51 = tpu.memref_slice %arg2[%add3A_4, %dma_start3A, %dma_start3A_50] : memref<64x64x128xf32, #tpu.memory_space<hbm>> -> memref<1x64x128xf32, #tpu.memory_space<hbm>>
      %dma_start3A_52 = tpu.memref_squeeze %dma_start3A_51 : memref<1x64x128xf32, #tpu.memory_space<hbm>> -> memref<64x128xf32, #tpu.memory_space<hbm>>
      %dma_start3A_53 = arith.constant 0 : i32
      %dma_start3A_54 = arith.constant 0 : i32
      %dma_start3A_55 = tpu.memref_slice %arg2[%add3A_4, %dma_start3A_53, %dma_start3A_54] : memref<64x64x128xf32, #tpu.memory_space<hbm>> -> memref<1x64x128xf32, #tpu.memory_space<hbm>>
      %dma_start3A_56 = tpu.memref_squeeze %dma_start3A_55 : memref<1x64x128xf32, #tpu.memory_space<hbm>> -> memref<64x128xf32, #tpu.memory_space<hbm>>
      tpu.enqueue_dma source(%dma_start3A_56 : memref<64x128xf32, #tpu.memory_space<hbm>>) target(%arg11 : memref<64x128xf32, #tpu.memory_space<vmem>>) target_semaphore(%run_scoped3A : memref<!tpu.dma_semaphore, #tpu.memory_space<semaphore_mem>>)
      %dma_wait3A = arith.constant 0 : i32
      %dma_wait3A_57 = arith.constant 0 : i32
      %dma_wait3A_58 = tpu.memref_slice %arg2[%add3A_4, %dma_wait3A, %dma_wait3A_57] : memref<64x64x128xf32, #tpu.memory_space<hbm>> -> memref<1x64x128xf32, #tpu.memory_space<hbm>>
      %dma_wait3A_59 = tpu.memref_squeeze %dma_wait3A_58 : memref<1x64x128xf32, #tpu.memory_space<hbm>> -> memref<64x128xf32, #tpu.memory_space<hbm>>
      %dma_wait3A_60 = arith.constant 0 : i32
      %dma_wait3A_61 = arith.constant 0 : i32
      %dma_wait3A_62 = tpu.memref_slice %arg2[%add3A_4, %dma_wait3A_60, %dma_wait3A_61] : memref<64x64x128xf32, #tpu.memory_space<hbm>> -> memref<1x64x128xf32, #tpu.memory_space<hbm>>
      %dma_wait3A_63 = tpu.memref_squeeze %dma_wait3A_62 : memref<1x64x128xf32, #tpu.memory_space<hbm>> -> memref<64x128xf32, #tpu.memory_space<hbm>>
      tpu.wait_dma2 semaphore(%run_scoped3A : memref<!tpu.dma_semaphore, #tpu.memory_space<semaphore_mem>>) src(%dma_wait3A_63 : memref<64x128xf32, #tpu.memory_space<hbm>>) dst(%arg11 : memref<64x128xf32, #tpu.memory_space<vmem>>)
      tpu.yield
    }) : () -> ()
    "tpu.region"() ({
      %run_scoped3A = tpu.sem_alloc : memref<!tpu.dma_semaphore, #tpu.memory_space<semaphore_mem>>
      %dma_start3A = arith.constant 0 : i32
      %dma_start3A_50 = arith.constant 0 : i32
      %dma_start3A_51 = tpu.memref_slice %arg3[%add3A_4, %dma_start3A, %dma_start3A_50] : memref<64x256x128xf32, #tpu.memory_space<hbm>> -> memref<1x256x128xf32, #tpu.memory_space<hbm>>
      %dma_start3A_52 = tpu.memref_squeeze %dma_start3A_51 : memref<1x256x128xf32, #tpu.memory_space<hbm>> -> memref<256x128xf32, #tpu.memory_space<hbm>>
      %dma_start3A_53 = arith.constant 0 : i32
      %dma_start3A_54 = arith.constant 0 : i32
      %dma_start3A_55 = tpu.memref_slice %arg3[%add3A_4, %dma_start3A_53, %dma_start3A_54] : memref<64x256x128xf32, #tpu.memory_space<hbm>> -> memref<1x256x128xf32, #tpu.memory_space<hbm>>
      %dma_start3A_56 = tpu.memref_squeeze %dma_start3A_55 : memref<1x256x128xf32, #tpu.memory_space<hbm>> -> memref<256x128xf32, #tpu.memory_space<hbm>>
      tpu.enqueue_dma source(%dma_start3A_56 : memref<256x128xf32, #tpu.memory_space<hbm>>) target(%arg14 : memref<256x128xf32, #tpu.memory_space<vmem>>) target_semaphore(%run_scoped3A : memref<!tpu.dma_semaphore, #tpu.memory_space<semaphore_mem>>)
      %dma_wait3A = arith.constant 0 : i32
      %dma_wait3A_57 = arith.constant 0 : i32
      %dma_wait3A_58 = tpu.memref_slice %arg3[%add3A_4, %dma_wait3A, %dma_wait3A_57] : memref<64x256x128xf32, #tpu.memory_space<hbm>> -> memref<1x256x128xf32, #tpu.memory_space<hbm>>
      %dma_wait3A_59 = tpu.memref_squeeze %dma_wait3A_58 : memref<1x256x128xf32, #tpu.memory_space<hbm>> -> memref<256x128xf32, #tpu.memory_space<hbm>>
      %dma_wait3A_60 = arith.constant 0 : i32
      %dma_wait3A_61 = arith.constant 0 : i32
      %dma_wait3A_62 = tpu.memref_slice %arg3[%add3A_4, %dma_wait3A_60, %dma_wait3A_61] : memref<64x256x128xf32, #tpu.memory_space<hbm>> -> memref<1x256x128xf32, #tpu.memory_space<hbm>>
      %dma_wait3A_63 = tpu.memref_squeeze %dma_wait3A_62 : memref<1x256x128xf32, #tpu.memory_space<hbm>> -> memref<256x128xf32, #tpu.memory_space<hbm>>
      tpu.wait_dma2 semaphore(%run_scoped3A : memref<!tpu.dma_semaphore, #tpu.memory_space<semaphore_mem>>) src(%dma_wait3A_63 : memref<256x128xf32, #tpu.memory_space<hbm>>) dst(%arg14 : memref<256x128xf32, #tpu.memory_space<vmem>>)
      tpu.yield
    }) : () -> ()
    "tpu.region"() ({
      %run_scoped3A = tpu.sem_alloc : memref<!tpu.dma_semaphore, #tpu.memory_space<semaphore_mem>>
      %dma_start3A = arith.constant 0 : i32
      %dma_start3A_50 = arith.constant 0 : i32
      %dma_start3A_51 = tpu.memref_slice %arg4[%add3A_4, %dma_start3A, %dma_start3A_50] : memref<64x64x128xf32, #tpu.memory_space<hbm>> -> memref<1x64x128xf32, #tpu.memory_space<hbm>>
      %dma_start3A_52 = tpu.memref_squeeze %dma_start3A_51 : memref<1x64x128xf32, #tpu.memory_space<hbm>> -> memref<64x128xf32, #tpu.memory_space<hbm>>
      %dma_start3A_53 = arith.constant 0 : i32
      %dma_start3A_54 = arith.constant 0 : i32
      %dma_start3A_55 = tpu.memref_slice %arg4[%add3A_4, %dma_start3A_53, %dma_start3A_54] : memref<64x64x128xf32, #tpu.memory_space<hbm>> -> memref<1x64x128xf32, #tpu.memory_space<hbm>>
      %dma_start3A_56 = tpu.memref_squeeze %dma_start3A_55 : memref<1x64x128xf32, #tpu.memory_space<hbm>> -> memref<64x128xf32, #tpu.memory_space<hbm>>
      tpu.enqueue_dma source(%dma_start3A_56 : memref<64x128xf32, #tpu.memory_space<hbm>>) target(%arg15 : memref<64x128xf32, #tpu.memory_space<vmem>>) target_semaphore(%run_scoped3A : memref<!tpu.dma_semaphore, #tpu.memory_space<semaphore_mem>>)
      %dma_wait3A = arith.constant 0 : i32
      %dma_wait3A_57 = arith.constant 0 : i32
      %dma_wait3A_58 = tpu.memref_slice %arg4[%add3A_4, %dma_wait3A, %dma_wait3A_57] : memref<64x64x128xf32, #tpu.memory_space<hbm>> -> memref<1x64x128xf32, #tpu.memory_space<hbm>>
      %dma_wait3A_59 = tpu.memref_squeeze %dma_wait3A_58 : memref<1x64x128xf32, #tpu.memory_space<hbm>> -> memref<64x128xf32, #tpu.memory_space<hbm>>
      %dma_wait3A_60 = arith.constant 0 : i32
      %dma_wait3A_61 = arith.constant 0 : i32
      %dma_wait3A_62 = tpu.memref_slice %arg4[%add3A_4, %dma_wait3A_60, %dma_wait3A_61] : memref<64x64x128xf32, #tpu.memory_space<hbm>> -> memref<1x64x128xf32, #tpu.memory_space<hbm>>
      %dma_wait3A_63 = tpu.memref_squeeze %dma_wait3A_62 : memref<1x64x128xf32, #tpu.memory_space<hbm>> -> memref<64x128xf32, #tpu.memory_space<hbm>>
      tpu.wait_dma2 semaphore(%run_scoped3A : memref<!tpu.dma_semaphore, #tpu.memory_space<semaphore_mem>>) src(%dma_wait3A_63 : memref<64x128xf32, #tpu.memory_space<hbm>>) dst(%arg15 : memref<64x128xf32, #tpu.memory_space<vmem>>)
      tpu.yield
    }) : () -> ()
    "tpu.region"() ({
      %run_scoped3A = tpu.sem_alloc : memref<!tpu.dma_semaphore, #tpu.memory_space<semaphore_mem>>
      %dma_start3A = arith.constant 0 : i32
      %dma_start3A_50 = arith.constant 0 : i32
      %dma_start3A_51 = tpu.memref_slice %arg5[%add3A_4, %dma_start3A, %dma_start3A_50] : memref<64x64x128xf32, #tpu.memory_space<hbm>> -> memref<1x64x128xf32, #tpu.memory_space<hbm>>
      %dma_start3A_52 = tpu.memref_squeeze %dma_start3A_51 : memref<1x64x128xf32, #tpu.memory_space<hbm>> -> memref<64x128xf32, #tpu.memory_space<hbm>>
      %dma_start3A_53 = arith.constant 0 : i32
      %dma_start3A_54 = arith.constant 0 : i32
      %dma_start3A_55 = tpu.memref_slice %arg5[%add3A_4, %dma_start3A_53, %dma_start3A_54] : memref<64x64x128xf32, #tpu.memory_space<hbm>> -> memref<1x64x128xf32, #tpu.memory_space<hbm>>
      %dma_start3A_56 = tpu.memref_squeeze %dma_start3A_55 : memref<1x64x128xf32, #tpu.memory_space<hbm>> -> memref<64x128xf32, #tpu.memory_space<hbm>>
      tpu.enqueue_dma source(%dma_start3A_56 : memref<64x128xf32, #tpu.memory_space<hbm>>) target(%arg16 : memref<64x128xf32, #tpu.memory_space<vmem>>) target_semaphore(%run_scoped3A : memref<!tpu.dma_semaphore, #tpu.memory_space<semaphore_mem>>)
      %dma_wait3A = arith.constant 0 : i32
      %dma_wait3A_57 = arith.constant 0 : i32
      %dma_wait3A_58 = tpu.memref_slice %arg5[%add3A_4, %dma_wait3A, %dma_wait3A_57] : memref<64x64x128xf32, #tpu.memory_space<hbm>> -> memref<1x64x128xf32, #tpu.memory_space<hbm>>
      %dma_wait3A_59 = tpu.memref_squeeze %dma_wait3A_58 : memref<1x64x128xf32, #tpu.memory_space<hbm>> -> memref<64x128xf32, #tpu.memory_space<hbm>>
      %dma_wait3A_60 = arith.constant 0 : i32
      %dma_wait3A_61 = arith.constant 0 : i32
      %dma_wait3A_62 = tpu.memref_slice %arg5[%add3A_4, %dma_wait3A_60, %dma_wait3A_61] : memref<64x64x128xf32, #tpu.memory_space<hbm>> -> memref<1x64x128xf32, #tpu.memory_space<hbm>>
      %dma_wait3A_63 = tpu.memref_squeeze %dma_wait3A_62 : memref<1x64x128xf32, #tpu.memory_space<hbm>> -> memref<64x128xf32, #tpu.memory_space<hbm>>
      tpu.wait_dma2 semaphore(%run_scoped3A : memref<!tpu.dma_semaphore, #tpu.memory_space<semaphore_mem>>) src(%dma_wait3A_63 : memref<64x128xf32, #tpu.memory_space<hbm>>) dst(%arg16 : memref<64x128xf32, #tpu.memory_space<vmem>>)
      tpu.yield
    }) : () -> ()
    %scan3A = arith.constant 0 : i32
    %scan3A_5 = arith.constant 0 : i32
    %scan3A_6 = arith.constant 64 : i32
    %scan3A_7 = arith.addi %scan3A_5, %scan3A_6 : i32
    %scan3A_8 = arith.constant 1 : i32
    %scan3A_9 = scf.for %scan3A_50 = %scan3A_5 to %scan3A_7 step %scan3A_8 iter_args(%scan3A_51 = %scan3A) -> (i32)  : i32 {
      %broadcast_in_dim3A = arith.constant 8191 : i32
      %broadcast_in_dim3A_52 = vector.broadcast %broadcast_in_dim3A : i32 to vector<16xi32>
      %shift_right_logical3A = arith.constant 3 : i32
      %shift_right_logical3A_53 = arith.shrui %scan3A_50, %shift_right_logical3A : i32
      %and3A = arith.constant 7 : i32
      %and3A_54 = arith.andi %scan3A_50, %and3A : i32
      %mul3A_55 = arith.constant 16 : i32
      %mul3A_56 = arith.muli %and3A_54, %mul3A_55 : i32
      %swap3A = arith.index_cast %shift_right_logical3A_53 : i32 to index
      %swap3A_57 = arith.index_cast %mul3A_56 : i32 to index
      %swap3A_58 = tpu.vector_load %arg12[%swap3A, %swap3A_57] {strides = array<i32>} : memref<8x128xi32, #tpu.memory_space<vmem>>, vector<16xi32>,
      tpu.vector_store %arg12[%swap3A, %swap3A_57], %broadcast_in_dim3A_52 {strides = array<i32>} : memref<8x128xi32, #tpu.memory_space<vmem>>, vector<16xi32>,
      %scan3A_59 = arith.constant 0 : i32
      scf.yield %scan3A_59 : i32
    }
    %scan3A_10 = arith.constant 64 : i32
    %scan3A_11 = arith.constant 0 : i32
    %scan3A_12 = arith.constant 0 : i32
    %scan3A_13 = arith.constant 512 : i32
    %scan3A_14 = arith.addi %scan3A_12, %scan3A_13 : i32
    %scan3A_15 = arith.constant 1 : i32
    %scan3A_16 = scf.for %scan3A_50 = %scan3A_12 to %scan3A_14 step %scan3A_15 iter_args(%scan3A_51 = %scan3A_11) -> (i32)  : i32 {
      %shift_right_logical3A = arith.constant 3 : i32
      %shift_right_logical3A_52 = arith.shrui %scan3A_50, %shift_right_logical3A : i32
      %and3A = arith.constant 7 : i32
      %and3A_53 = arith.andi %scan3A_50, %and3A : i32
      %mul3A_54 = arith.constant 16 : i32
      %mul3A_55 = arith.muli %and3A_53, %mul3A_54 : i32
      %get3A = arith.index_cast %shift_right_logical3A_52 : i32 to index
      %get3A_56 = arith.index_cast %mul3A_55 : i32 to index
      %get3A_57 = tpu.vector_load %arg11[%get3A, %get3A_56] {strides = array<i32>} : memref<64x128xf32, #tpu.memory_space<vmem>>, vector<16xf32>,
      %ne3A = arith.constant 0.000000e+00 : f32
      %ne3A_58 = vector.broadcast %ne3A : f32 to vector<16xf32>
      %ne3A_59 = arith.cmpf one, %get3A_57, %ne3A_58 : vector<16xf32>
      %jit3A = arith.constant 1 : i32
      %jit3A_60 = arith.constant 0 : i32
      %broadcast_in_dim3A = vector.broadcast %jit3A : i32 to vector<16xi32>
      %broadcast_in_dim3A_61 = vector.broadcast %jit3A_60 : i32 to vector<16xi32>
      %select_n3A = arith.select %ne3A_59, %broadcast_in_dim3A, %broadcast_in_dim3A_61 : vector<16xi1>, vector<16xi32>
      %broadcast_in_dim3A_62 = arith.constant true
      %broadcast_in_dim3A_63 = vector.broadcast %broadcast_in_dim3A_62 : i1 to vector<16xi1>
      %masked_cumsum3A = tpu.scan <sum>, %select_n3A masked %broadcast_in_dim3A_63 : vector<16xi32>, vector<16xi1> -> vector<16xi32>
      %add3A_64 = vector.broadcast %scan3A_51 : i32 to vector<16xi32>
      %add3A_65 = arith.addi %add3A_64, %masked_cumsum3A : vector<16xi32>
      %sub3A = arith.constant 1 : i32
      %sub3A_66 = vector.broadcast %sub3A : i32 to vector<16xi32>
      %sub3A_67 = arith.subi %add3A_65, %sub3A_66 : vector<16xi32>
      %iota3A = tpu.iota {dimensions = array<i32: 0>} : vector<16xi32>
      %mul3A_68 = arith.constant 16 : i32
      %mul3A_69 = arith.muli %scan3A_50, %mul3A_68 : i32
      %add3A_70 = vector.broadcast %mul3A_69 : i32 to vector<16xi32>
      %add3A_71 = arith.addi %iota3A, %add3A_70 : vector<16xi32>
      %shift_right_logical3A_72 = arith.constant 7 : i32
      %shift_right_logical3A_73 = vector.broadcast %shift_right_logical3A_72 : i32 to vector<16xi32>
      %shift_right_logical3A_74 = arith.shrui %sub3A_67, %shift_right_logical3A_73 : vector<16xi32>
      %and3A_75 = arith.constant 127 : i32
      %and3A_76 = vector.broadcast %and3A_75 : i32 to vector<16xi32>
      %and3A_77 = arith.andi %sub3A_67, %and3A_76 : vector<16xi32>
      tpu.vector_store_idx %arg12[%shift_right_logical3A_74, %and3A_77], %add3A_71 masked %ne3A_59 : memref<8x128xi32, #tpu.memory_space<vmem>>[vector<16xi32>, vector<16xi32>], vector<16xi32>, vector<16xi1>
      tpu.vector_store_idx %arg13[%shift_right_logical3A_74, %and3A_77], %get3A_57 masked %ne3A_59 : memref<8x128xf32, #tpu.memory_space<vmem>>[vector<16xi32>, vector<16xi32>], vector<16xf32>, vector<16xi1>
      %reduce_max3A = arith.constant true
      %reduce_max3A_78 = vector.broadcast %reduce_max3A : i1 to vector<16xi1>
      %reduce_max3A_79 = arith.constant -2147483648 : i32
      %reduce_max3A_80 = vector.broadcast %reduce_max3A_79 : i32 to vector<16xi32>
      %reduce_max3A_81 = arith.xori %masked_cumsum3A, %reduce_max3A_80 : vector<16xi32>
      %reduce_max3A_82 = tpu.scan <max>, %reduce_max3A_81 masked %reduce_max3A_78 : vector<16xi32>, vector<16xi1> -> vector<16xi32>
      %reduce_max3A_83 = arith.xori %reduce_max3A_82, %reduce_max3A_80 : vector<16xi32>
      %reduce_max3A_84 = vector.extract %reduce_max3A_83[15] : i32 from vector<16xi32>
      %add3A_85 = arith.addi %scan3A_51, %reduce_max3A_84 : i32
      scf.yield %add3A_85 : i32
    }
    %scan3A_17 = arith.constant 512 : i32
    %scan3A_18 = arith.constant 0 : i32
    %scan3A_19 = arith.constant 0 : i32
    %scan3A_20 = arith.constant 52 : i32
    %scan3A_21 = arith.addi %scan3A_19, %scan3A_20 : i32
    %scan3A_22 = arith.constant 1 : i32
    %scan3A_23 = scf.for %scan3A_50 = %scan3A_19 to %scan3A_21 step %scan3A_22 iter_args(%scan3A_51 = %scan3A_18) -> (i32)  : i32 {
      %shift_right_logical3A = arith.constant 3 : i32
      %shift_right_logical3A_52 = arith.shrui %scan3A_50, %shift_right_logical3A : i32
      %and3A = arith.constant 7 : i32
      %and3A_53 = arith.andi %scan3A_50, %and3A : i32
      %mul3A_54 = arith.constant 16 : i32
      %mul3A_55 = arith.muli %and3A_53, %mul3A_54 : i32
      %get3A = arith.index_cast %shift_right_logical3A_52 : i32 to index
      %get3A_56 = arith.index_cast %mul3A_55 : i32 to index
      %get3A_57 = tpu.vector_load %arg12[%get3A, %get3A_56] {strides = array<i32>} : memref<8x128xi32, #tpu.memory_space<vmem>>, vector<16xi32>,
      %get3A_58 = arith.index_cast %shift_right_logical3A_52 : i32 to index
      %get3A_59 = arith.index_cast %mul3A_55 : i32 to index
      %get3A_60 = tpu.vector_load %arg13[%get3A_58, %get3A_59] {strides = array<i32>} : memref<8x128xf32, #tpu.memory_space<vmem>>, vector<16xf32>,
      %gt3A = arith.constant -1.500000e+00 : f32
      %gt3A_61 = vector.broadcast %gt3A : f32 to vector<16xf32>
      %gt3A_62 = arith.cmpf ogt, %get3A_60, %gt3A_61 : vector<16xf32>
      %gt3A_63 = arith.constant 0.000000e+00 : f32
      %gt3A_64 = vector.broadcast %gt3A_63 : f32 to vector<16xf32>
      %gt3A_65 = arith.cmpf ogt, %get3A_60, %gt3A_64 : vector<16xf32>
      %jit3A = arith.constant 1.000000e+00 : f32
      %jit3A_66 = arith.constant -1.000000e+00 : f32
      %broadcast_in_dim3A = vector.broadcast %jit3A : f32 to vector<16xf32>
      %broadcast_in_dim3A_67 = vector.broadcast %jit3A_66 : f32 to vector<16xf32>
      %select_n3A = arith.select %gt3A_65, %broadcast_in_dim3A, %broadcast_in_dim3A_67 : vector<16xi1>, vector<16xf32>
      %swap3A = arith.index_cast %shift_right_logical3A_52 : i32 to index
      %swap3A_68 = arith.index_cast %mul3A_55 : i32 to index
      %swap3A_69 = tpu.vector_load %arg18[%swap3A, %swap3A_68] {strides = array<i32>} : memref<8x128xf32, #tpu.memory_space<vmem>>, vector<16xf32>,
      tpu.vector_store %arg18[%swap3A, %swap3A_68], %select_n3A {strides = array<i32>} : memref<8x128xf32, #tpu.memory_space<vmem>>, vector<16xf32>,
      %shift_right_logical3A_70 = arith.constant 7 : i32
      %shift_right_logical3A_71 = vector.broadcast %shift_right_logical3A_70 : i32 to vector<16xi32>
      %shift_right_logical3A_72 = arith.shrui %get3A_57, %shift_right_logical3A_71 : vector<16xi32>
      %and3A_73 = arith.constant 127 : i32
      %and3A_74 = vector.broadcast %and3A_73 : i32 to vector<16xi32>
      %and3A_75 = arith.andi %get3A_57, %and3A_74 : vector<16xi32>
      %gather3A = tpu.vector_load_idx %arg15[%shift_right_logical3A_72, %and3A_75] : memref<64x128xf32, #tpu.memory_space<vmem>>[vector<16xi32>, vector<16xi32>], vector<16xf32>,
      %shift_right_logical3A_76 = arith.constant 7 : i32
      %shift_right_logical3A_77 = vector.broadcast %shift_right_logical3A_76 : i32 to vector<16xi32>
      %shift_right_logical3A_78 = arith.shrui %get3A_57, %shift_right_logical3A_77 : vector<16xi32>
      %and3A_79 = arith.constant 127 : i32
      %and3A_80 = vector.broadcast %and3A_79 : i32 to vector<16xi32>
      %and3A_81 = arith.andi %get3A_57, %and3A_80 : vector<16xi32>
      %gather3A_82 = tpu.vector_load_idx %arg16[%shift_right_logical3A_78, %and3A_81] : memref<64x128xf32, #tpu.memory_space<vmem>>[vector<16xi32>, vector<16xi32>], vector<16xf32>,
      %add3A_83 = arith.addf %gather3A, %gather3A_82 : vector<16xf32>
      %jit3A_84 = arith.constant 1.000000e+00 : f32
      %broadcast_in_dim3A_85 = vector.broadcast %jit3A_84 : f32 to vector<16xf32>
      %select_n3A_86 = arith.select %gt3A_62, %add3A_83, %broadcast_in_dim3A_85 : vector<16xi1>, vector<16xf32>
      %swap3A_87 = arith.index_cast %shift_right_logical3A_52 : i32 to index
      %swap3A_88 = arith.index_cast %mul3A_55 : i32 to index
      %swap3A_89 = tpu.vector_load %arg19[%swap3A_87, %swap3A_88] {strides = array<i32>} : memref<8x128xf32, #tpu.memory_space<vmem>>, vector<16xf32>,
      tpu.vector_store %arg19[%swap3A_87, %swap3A_88], %select_n3A_86 {strides = array<i32>} : memref<8x128xf32, #tpu.memory_space<vmem>>, vector<16xf32>,
      %iota3A = tpu.iota {dimensions = array<i32: 0>} : vector<16xi32>
      %mul3A_90 = arith.constant 16 : i32
      %mul3A_91 = arith.muli %scan3A_50, %mul3A_90 : i32
      %add3A_92 = vector.broadcast %mul3A_91 : i32 to vector<16xi32>
      %add3A_93 = arith.addi %iota3A, %add3A_92 : vector<16xi32>
      %mul3A_94 = arith.constant 4 : i32
      %mul3A_95 = vector.broadcast %mul3A_94 : i32 to vector<16xi32>
      %mul3A_96 = arith.muli %add3A_93, %mul3A_95 : vector<16xi32>
      %mul3A_97 = arith.constant 4 : i32
      %mul3A_98 = vector.broadcast %mul3A_97 : i32 to vector<16xi32>
      %mul3A_99 = arith.muli %get3A_57, %mul3A_98 : vector<16xi32>
      %add3A_100 = arith.constant 0 : i32
      %add3A_101 = vector.broadcast %add3A_100 : i32 to vector<16xi32>
      %add3A_102 = arith.addi %mul3A_99, %add3A_101 : vector<16xi32>
      %shift_right_logical3A_103 = arith.constant 7 : i32
      %shift_right_logical3A_104 = vector.broadcast %shift_right_logical3A_103 : i32 to vector<16xi32>
      %shift_right_logical3A_105 = arith.shrui %add3A_102, %shift_right_logical3A_104 : vector<16xi32>
      %and3A_106 = arith.constant 127 : i32
      %and3A_107 = vector.broadcast %and3A_106 : i32 to vector<16xi32>
      %and3A_108 = arith.andi %add3A_102, %and3A_107 : vector<16xi32>
      %gather3A_109 = tpu.vector_load_idx %arg14[%shift_right_logical3A_105, %and3A_108] : memref<256x128xf32, #tpu.memory_space<vmem>>[vector<16xi32>, vector<16xi32>], vector<16xf32>,
      %add3A_110 = arith.constant 0 : i32
      %add3A_111 = vector.broadcast %add3A_110 : i32 to vector<16xi32>
      %add3A_112 = arith.addi %mul3A_96, %add3A_111 : vector<16xi32>
      %shift_right_logical3A_113 = arith.constant 7 : i32
      %shift_right_logical3A_114 = vector.broadcast %shift_right_logical3A_113 : i32 to vector<16xi32>
      %shift_right_logical3A_115 = arith.shrui %add3A_112, %shift_right_logical3A_114 : vector<16xi32>
      %and3A_116 = arith.constant 127 : i32
      %and3A_117 = vector.broadcast %and3A_116 : i32 to vector<16xi32>
      %and3A_118 = arith.andi %add3A_112, %and3A_117 : vector<16xi32>
      tpu.vector_store_idx %arg17[%shift_right_logical3A_115, %and3A_118], %gather3A_109 : memref<28x128xf32, #tpu.memory_space<vmem>>[vector<16xi32>, vector<16xi32>], vector<16xf32>,
      %mul3A_119 = arith.constant 4 : i32
      %mul3A_120 = vector.broadcast %mul3A_119 : i32 to vector<16xi32>
      %mul3A_121 = arith.muli %get3A_57, %mul3A_120 : vector<16xi32>
      %add3A_122 = arith.constant 1 : i32
      %add3A_123 = vector.broadcast %add3A_122 : i32 to vector<16xi32>
      %add3A_124 = arith.addi %mul3A_121, %add3A_123 : vector<16xi32>
      %shift_right_logical3A_125 = arith.constant 7 : i32
      %shift_right_logical3A_126 = vector.broadcast %shift_right_logical3A_125 : i32 to vector<16xi32>
      %shift_right_logical3A_127 = arith.shrui %add3A_124, %shift_right_logical3A_126 : vector<16xi32>
      %and3A_128 = arith.constant 127 : i32
      %and3A_129 = vector.broadcast %and3A_128 : i32 to vector<16xi32>
      %and3A_130 = arith.andi %add3A_124, %and3A_129 : vector<16xi32>
      %gather3A_131 = tpu.vector_load_idx %arg14[%shift_right_logical3A_127, %and3A_130] : memref<256x128xf32, #tpu.memory_space<vmem>>[vector<16xi32>, vector<16xi32>], vector<16xf32>,
      %add3A_132 = arith.constant 1 : i32
      %add3A_133 = vector.broadcast %add3A_132 : i32 to vector<16xi32>
      %add3A_134 = arith.addi %mul3A_96, %add3A_133 : vector<16xi32>
      %shift_right_logical3A_135 = arith.constant 7 : i32
      %shift_right_logical3A_136 = vector.broadcast %shift_right_logical3A_135 : i32 to vector<16xi32>
      %shift_right_logical3A_137 = arith.shrui %add3A_134, %shift_right_logical3A_136 : vector<16xi32>
      %and3A_138 = arith.constant 127 : i32
      %and3A_139 = vector.broadcast %and3A_138 : i32 to vector<16xi32>
      %and3A_140 = arith.andi %add3A_134, %and3A_139 : vector<16xi32>
      tpu.vector_store_idx %arg17[%shift_right_logical3A_137, %and3A_140], %gather3A_131 : memref<28x128xf32, #tpu.memory_space<vmem>>[vector<16xi32>, vector<16xi32>], vector<16xf32>,
      %mul3A_141 = arith.constant 4 : i32
      %mul3A_142 = vector.broadcast %mul3A_141 : i32 to vector<16xi32>
      %mul3A_143 = arith.muli %get3A_57, %mul3A_142 : vector<16xi32>
      %add3A_144 = arith.constant 2 : i32
      %add3A_145 = vector.broadcast %add3A_144 : i32 to vector<16xi32>
      %add3A_146 = arith.addi %mul3A_143, %add3A_145 : vector<16xi32>
      %shift_right_logical3A_147 = arith.constant 7 : i32
      %shift_right_logical3A_148 = vector.broadcast %shift_right_logical3A_147 : i32 to vector<16xi32>
      %shift_right_logical3A_149 = arith.shrui %add3A_146, %shift_right_logical3A_148 : vector<16xi32>
      %and3A_150 = arith.constant 127 : i32
      %and3A_151 = vector.broadcast %and3A_150 : i32 to vector<16xi32>
      %and3A_152 = arith.andi %add3A_146, %and3A_151 : vector<16xi32>
      %gather3A_153 = tpu.vector_load_idx %arg14[%shift_right_logical3A_149, %and3A_152] : memref<256x128xf32, #tpu.memory_space<vmem>>[vector<16xi32>, vector<16xi32>], vector<16xf32>,
      %add3A_154 = arith.constant 2 : i32
      %add3A_155 = vector.broadcast %add3A_154 : i32 to vector<16xi32>
      %add3A_156 = arith.addi %mul3A_96, %add3A_155 : vector<16xi32>
      %shift_right_logical3A_157 = arith.constant 7 : i32
      %shift_right_logical3A_158 = vector.broadcast %shift_right_logical3A_157 : i32 to vector<16xi32>
      %shift_right_logical3A_159 = arith.shrui %add3A_156, %shift_right_logical3A_158 : vector<16xi32>
      %and3A_160 = arith.constant 127 : i32
      %and3A_161 = vector.broadcast %and3A_160 : i32 to vector<16xi32>
      %and3A_162 = arith.andi %add3A_156, %and3A_161 : vector<16xi32>
      tpu.vector_store_idx %arg17[%shift_right_logical3A_159, %and3A_162], %gather3A_153 : memref<28x128xf32, #tpu.memory_space<vmem>>[vector<16xi32>, vector<16xi32>], vector<16xf32>,
      %mul3A_163 = arith.constant 4 : i32
      %mul3A_164 = vector.broadcast %mul3A_163 : i32 to vector<16xi32>
      %mul3A_165 = arith.muli %get3A_57, %mul3A_164 : vector<16xi32>
      %add3A_166 = arith.constant 3 : i32
      %add3A_167 = vector.broadcast %add3A_166 : i32 to vector<16xi32>
      %add3A_168 = arith.addi %mul3A_165, %add3A_167 : vector<16xi32>
      %shift_right_logical3A_169 = arith.constant 7 : i32
      %shift_right_logical3A_170 = vector.broadcast %shift_right_logical3A_169 : i32 to vector<16xi32>
      %shift_right_logical3A_171 = arith.shrui %add3A_168, %shift_right_logical3A_170 : vector<16xi32>
      %and3A_172 = arith.constant 127 : i32
      %and3A_173 = vector.broadcast %and3A_172 : i32 to vector<16xi32>
      %and3A_174 = arith.andi %add3A_168, %and3A_173 : vector<16xi32>
      %gather3A_175 = tpu.vector_load_idx %arg14[%shift_right_logical3A_171, %and3A_174] : memref<256x128xf32, #tpu.memory_space<vmem>>[vector<16xi32>, vector<16xi32>], vector<16xf32>,
      %add3A_176 = arith.constant 3 : i32
      %add3A_177 = vector.broadcast %add3A_176 : i32 to vector<16xi32>
      %add3A_178 = arith.addi %mul3A_96, %add3A_177 : vector<16xi32>
      %shift_right_logical3A_179 = arith.constant 7 : i32
      %shift_right_logical3A_180 = vector.broadcast %shift_right_logical3A_179 : i32 to vector<16xi32>
      %shift_right_logical3A_181 = arith.shrui %add3A_178, %shift_right_logical3A_180 : vector<16xi32>
      %and3A_182 = arith.constant 127 : i32
      %and3A_183 = vector.broadcast %and3A_182 : i32 to vector<16xi32>
      %and3A_184 = arith.andi %add3A_178, %and3A_183 : vector<16xi32>
      tpu.vector_store_idx %arg17[%shift_right_logical3A_181, %and3A_184], %gather3A_175 : memref<28x128xf32, #tpu.memory_space<vmem>>[vector<16xi32>, vector<16xi32>], vector<16xf32>,
      %scan3A_185 = arith.constant 0 : i32
      scf.yield %scan3A_185 : i32
    }
    %scan3A_24 = arith.constant 52 : i32
    "tpu.region"() ({
      %run_scoped3A = tpu.sem_alloc : memref<!tpu.dma_semaphore, #tpu.memory_space<semaphore_mem>>
      %dma_start3A = arith.constant 0 : i32
      %dma_start3A_50 = arith.constant 0 : i32
      %dma_start3A_51 = tpu.memref_slice %arg6[%add3A_4, %dma_start3A, %dma_start3A_50] : memref<64x8x128xi32, #tpu.memory_space<hbm>> -> memref<1x8x128xi32, #tpu.memory_space<hbm>>
      %dma_start3A_52 = tpu.memref_squeeze %dma_start3A_51 : memref<1x8x128xi32, #tpu.memory_space<hbm>> -> memref<8x128xi32, #tpu.memory_space<hbm>>
      %dma_start3A_53 = arith.constant 0 : i32
      %dma_start3A_54 = arith.constant 0 : i32
      %dma_start3A_55 = tpu.memref_slice %arg6[%add3A_4, %dma_start3A_53, %dma_start3A_54] : memref<64x8x128xi32, #tpu.memory_space<hbm>> -> memref<1x8x128xi32, #tpu.memory_space<hbm>>
      %dma_start3A_56 = tpu.memref_squeeze %dma_start3A_55 : memref<1x8x128xi32, #tpu.memory_space<hbm>> -> memref<8x128xi32, #tpu.memory_space<hbm>>
      tpu.enqueue_dma source(%arg12 : memref<8x128xi32, #tpu.memory_space<vmem>>) target(%dma_start3A_56 : memref<8x128xi32, #tpu.memory_space<hbm>>) target_semaphore(%run_scoped3A : memref<!tpu.dma_semaphore, #tpu.memory_space<semaphore_mem>>)
      %dma_wait3A = arith.constant 0 : i32
      %dma_wait3A_57 = arith.constant 0 : i32
      %dma_wait3A_58 = tpu.memref_slice %arg6[%add3A_4, %dma_wait3A, %dma_wait3A_57] : memref<64x8x128xi32, #tpu.memory_space<hbm>> -> memref<1x8x128xi32, #tpu.memory_space<hbm>>
      %dma_wait3A_59 = tpu.memref_squeeze %dma_wait3A_58 : memref<1x8x128xi32, #tpu.memory_space<hbm>> -> memref<8x128xi32, #tpu.memory_space<hbm>>
      %dma_wait3A_60 = arith.constant 0 : i32
      %dma_wait3A_61 = arith.constant 0 : i32
      %dma_wait3A_62 = tpu.memref_slice %arg6[%add3A_4, %dma_wait3A_60, %dma_wait3A_61] : memref<64x8x128xi32, #tpu.memory_space<hbm>> -> memref<1x8x128xi32, #tpu.memory_space<hbm>>
      %dma_wait3A_63 = tpu.memref_squeeze %dma_wait3A_62 : memref<1x8x128xi32, #tpu.memory_space<hbm>> -> memref<8x128xi32, #tpu.memory_space<hbm>>
      tpu.wait_dma2 semaphore(%run_scoped3A : memref<!tpu.dma_semaphore, #tpu.memory_space<semaphore_mem>>) src(%arg12 : memref<8x128xi32, #tpu.memory_space<vmem>>) dst(%dma_wait3A_63 : memref<8x128xi32, #tpu.memory_space<hbm>>)
      tpu.yield
    }) : () -> ()
    "tpu.region"() ({
      %run_scoped3A = tpu.sem_alloc : memref<!tpu.dma_semaphore, #tpu.memory_space<semaphore_mem>>
      %dma_start3A = arith.constant 0 : i32
      %dma_start3A_50 = arith.constant 0 : i32
      %dma_start3A_51 = tpu.memref_slice %arg7[%add3A_4, %dma_start3A, %dma_start3A_50] : memref<64x8x128xf32, #tpu.memory_space<hbm>> -> memref<1x8x128xf32, #tpu.memory_space<hbm>>
      %dma_start3A_52 = tpu.memref_squeeze %dma_start3A_51 : memref<1x8x128xf32, #tpu.memory_space<hbm>> -> memref<8x128xf32, #tpu.memory_space<hbm>>
      %dma_start3A_53 = arith.constant 0 : i32
      %dma_start3A_54 = arith.constant 0 : i32
      %dma_start3A_55 = tpu.memref_slice %arg7[%add3A_4, %dma_start3A_53, %dma_start3A_54] : memref<64x8x128xf32, #tpu.memory_space<hbm>> -> memref<1x8x128xf32, #tpu.memory_space<hbm>>
      %dma_start3A_56 = tpu.memref_squeeze %dma_start3A_55 : memref<1x8x128xf32, #tpu.memory_space<hbm>> -> memref<8x128xf32, #tpu.memory_space<hbm>>
      tpu.enqueue_dma source(%arg13 : memref<8x128xf32, #tpu.memory_space<vmem>>) target(%dma_start3A_56 : memref<8x128xf32, #tpu.memory_space<hbm>>) target_semaphore(%run_scoped3A : memref<!tpu.dma_semaphore, #tpu.memory_space<semaphore_mem>>)
      %dma_wait3A = arith.constant 0 : i32
      %dma_wait3A_57 = arith.constant 0 : i32
      %dma_wait3A_58 = tpu.memref_slice %arg7[%add3A_4, %dma_wait3A, %dma_wait3A_57] : memref<64x8x128xf32, #tpu.memory_space<hbm>> -> memref<1x8x128xf32, #tpu.memory_space<hbm>>
      %dma_wait3A_59 = tpu.memref_squeeze %dma_wait3A_58 : memref<1x8x128xf32, #tpu.memory_space<hbm>> -> memref<8x128xf32, #tpu.memory_space<hbm>>
      %dma_wait3A_60 = arith.constant 0 : i32
      %dma_wait3A_61 = arith.constant 0 : i32
      %dma_wait3A_62 = tpu.memref_slice %arg7[%add3A_4, %dma_wait3A_60, %dma_wait3A_61] : memref<64x8x128xf32, #tpu.memory_space<hbm>> -> memref<1x8x128xf32, #tpu.memory_space<hbm>>
      %dma_wait3A_63 = tpu.memref_squeeze %dma_wait3A_62 : memref<1x8x128xf32, #tpu.memory_space<hbm>> -> memref<8x128xf32, #tpu.memory_space<hbm>>
      tpu.wait_dma2 semaphore(%run_scoped3A : memref<!tpu.dma_semaphore, #tpu.memory_space<semaphore_mem>>) src(%arg13 : memref<8x128xf32, #tpu.memory_space<vmem>>) dst(%dma_wait3A_63 : memref<8x128xf32, #tpu.memory_space<hbm>>)
      tpu.yield
    }) : () -> ()
    "tpu.region"() ({
      %run_scoped3A = tpu.sem_alloc : memref<!tpu.dma_semaphore, #tpu.memory_space<semaphore_mem>>
      %dma_start3A = arith.constant 0 : i32
      %dma_start3A_50 = arith.constant 0 : i32
      %dma_start3A_51 = tpu.memref_slice %arg9[%add3A_4, %dma_start3A, %dma_start3A_50] : memref<64x8x128xf32, #tpu.memory_space<hbm>> -> memref<1x8x128xf32, #tpu.memory_space<hbm>>
      %dma_start3A_52 = tpu.memref_squeeze %dma_start3A_51 : memref<1x8x128xf32, #tpu.memory_space<hbm>> -> memref<8x128xf32, #tpu.memory_space<hbm>>
      %dma_start3A_53 = arith.constant 0 : i32
      %dma_start3A_54 = arith.constant 0 : i32
      %dma_start3A_55 = tpu.memref_slice %arg9[%add3A_4, %dma_start3A_53, %dma_start3A_54] : memref<64x8x128xf32, #tpu.memory_space<hbm>> -> memref<1x8x128xf32, #tpu.memory_space<hbm>>
      %dma_start3A_56 = tpu.memref_squeeze %dma_start3A_55 : memref<1x8x128xf32, #tpu.memory_space<hbm>> -> memref<8x128xf32, #tpu.memory_space<hbm>>
      tpu.enqueue_dma source(%arg18 : memref<8x128xf32, #tpu.memory_space<vmem>>) target(%dma_start3A_56 : memref<8x128xf32, #tpu.memory_space<hbm>>) target_semaphore(%run_scoped3A : memref<!tpu.dma_semaphore, #tpu.memory_space<semaphore_mem>>)
      %dma_wait3A = arith.constant 0 : i32
      %dma_wait3A_57 = arith.constant 0 : i32
      %dma_wait3A_58 = tpu.memref_slice %arg9[%add3A_4, %dma_wait3A, %dma_wait3A_57] : memref<64x8x128xf32, #tpu.memory_space<hbm>> -> memref<1x8x128xf32, #tpu.memory_space<hbm>>
      %dma_wait3A_59 = tpu.memref_squeeze %dma_wait3A_58 : memref<1x8x128xf32, #tpu.memory_space<hbm>> -> memref<8x128xf32, #tpu.memory_space<hbm>>
      %dma_wait3A_60 = arith.constant 0 : i32
      %dma_wait3A_61 = arith.constant 0 : i32
      %dma_wait3A_62 = tpu.memref_slice %arg9[%add3A_4, %dma_wait3A_60, %dma_wait3A_61] : memref<64x8x128xf32, #tpu.memory_space<hbm>> -> memref<1x8x128xf32, #tpu.memory_space<hbm>>
      %dma_wait3A_63 = tpu.memref_squeeze %dma_wait3A_62 : memref<1x8x128xf32, #tpu.memory_space<hbm>> -> memref<8x128xf32, #tpu.memory_space<hbm>>
      tpu.wait_dma2 semaphore(%run_scoped3A : memref<!tpu.dma_semaphore, #tpu.memory_space<semaphore_mem>>) src(%arg18 : memref<8x128xf32, #tpu.memory_space<vmem>>) dst(%dma_wait3A_63 : memref<8x128xf32, #tpu.memory_space<hbm>>)
      tpu.yield
    }) : () -> ()
    "tpu.region"() ({
      %run_scoped3A = tpu.sem_alloc : memref<!tpu.dma_semaphore, #tpu.memory_space<semaphore_mem>>
      %dma_start3A = arith.constant 0 : i32
      %dma_start3A_50 = arith.constant 0 : i32
      %dma_start3A_51 = tpu.memref_slice %arg10[%add3A_4, %dma_start3A, %dma_start3A_50] : memref<64x8x128xf32, #tpu.memory_space<hbm>> -> memref<1x8x128xf32, #tpu.memory_space<hbm>>
      %dma_start3A_52 = tpu.memref_squeeze %dma_start3A_51 : memref<1x8x128xf32, #tpu.memory_space<hbm>> -> memref<8x128xf32, #tpu.memory_space<hbm>>
      %dma_start3A_53 = arith.constant 0 : i32
      %dma_start3A_54 = arith.constant 0 : i32
      %dma_start3A_55 = tpu.memref_slice %arg10[%add3A_4, %dma_start3A_53, %dma_start3A_54] : memref<64x8x128xf32, #tpu.memory_space<hbm>> -> memref<1x8x128xf32, #tpu.memory_space<hbm>>
      %dma_start3A_56 = tpu.memref_squeeze %dma_start3A_55 : memref<1x8x128xf32, #tpu.memory_space<hbm>> -> memref<8x128xf32, #tpu.memory_space<hbm>>
      tpu.enqueue_dma source(%arg19 : memref<8x128xf32, #tpu.memory_space<vmem>>) target(%dma_start3A_56 : memref<8x128xf32, #tpu.memory_space<hbm>>) target_semaphore(%run_scoped3A : memref<!tpu.dma_semaphore, #tpu.memory_space<semaphore_mem>>)
      %dma_wait3A = arith.constant 0 : i32
      %dma_wait3A_57 = arith.constant 0 : i32
      %dma_wait3A_58 = tpu.memref_slice %arg10[%add3A_4, %dma_wait3A, %dma_wait3A_57] : memref<64x8x128xf32, #tpu.memory_space<hbm>> -> memref<1x8x128xf32, #tpu.memory_space<hbm>>
      %dma_wait3A_59 = tpu.memref_squeeze %dma_wait3A_58 : memref<1x8x128xf32, #tpu.memory_space<hbm>> -> memref<8x128xf32, #tpu.memory_space<hbm>>
      %dma_wait3A_60 = arith.constant 0 : i32
      %dma_wait3A_61 = arith.constant 0 : i32
      %dma_wait3A_62 = tpu.memref_slice %arg10[%add3A_4, %dma_wait3A_60, %dma_wait3A_61] : memref<64x8x128xf32, #tpu.memory_space<hbm>> -> memref<1x8x128xf32, #tpu.memory_space<hbm>>
      %dma_wait3A_63 = tpu.memref_squeeze %dma_wait3A_62 : memref<1x8x128xf32, #tpu.memory_space<hbm>> -> memref<8x128xf32, #tpu.memory_space<hbm>>
      tpu.wait_dma2 semaphore(%run_scoped3A : memref<!tpu.dma_semaphore, #tpu.memory_space<semaphore_mem>>) src(%arg19 : memref<8x128xf32, #tpu.memory_space<vmem>>) dst(%dma_wait3A_63 : memref<8x128xf32, #tpu.memory_space<hbm>>)
      tpu.yield
    }) : () -> ()
    "tpu.region"() ({
      %run_scoped3A = tpu.sem_alloc : memref<!tpu.dma_semaphore, #tpu.memory_space<semaphore_mem>>
      %dma_start3A = arith.constant 0 : i32
      %dma_start3A_50 = arith.constant 0 : i32
      %dma_start3A_51 = tpu.memref_slice %arg8[%add3A_4, %dma_start3A, %dma_start3A_50] : memref<64x28x128xf32, #tpu.memory_space<hbm>> -> memref<1x28x128xf32, #tpu.memory_space<hbm>>
      %dma_start3A_52 = tpu.memref_squeeze %dma_start3A_51 : memref<1x28x128xf32, #tpu.memory_space<hbm>> -> memref<28x128xf32, #tpu.memory_space<hbm>>
      %dma_start3A_53 = arith.constant 0 : i32
      %dma_start3A_54 = arith.constant 0 : i32
      %dma_start3A_55 = tpu.memref_slice %arg8[%add3A_4, %dma_start3A_53, %dma_start3A_54] : memref<64x28x128xf32, #tpu.memory_space<hbm>> -> memref<1x28x128xf32, #tpu.memory_space<hbm>>
      %dma_start3A_56 = tpu.memref_squeeze %dma_start3A_55 : memref<1x28x128xf32, #tpu.memory_space<hbm>> -> memref<28x128xf32, #tpu.memory_space<hbm>>
      tpu.enqueue_dma source(%arg17 : memref<28x128xf32, #tpu.memory_space<vmem>>) target(%dma_start3A_56 : memref<28x128xf32, #tpu.memory_space<hbm>>) target_semaphore(%run_scoped3A : memref<!tpu.dma_semaphore, #tpu.memory_space<semaphore_mem>>)
      %dma_wait3A = arith.constant 0 : i32
      %dma_wait3A_57 = arith.constant 0 : i32
      %dma_wait3A_58 = tpu.memref_slice %arg8[%add3A_4, %dma_wait3A, %dma_wait3A_57] : memref<64x28x128xf32, #tpu.memory_space<hbm>> -> memref<1x28x128xf32, #tpu.memory_space<hbm>>
      %dma_wait3A_59 = tpu.memref_squeeze %dma_wait3A_58 : memref<1x28x128xf32, #tpu.memory_space<hbm>> -> memref<28x128xf32, #tpu.memory_space<hbm>>
      %dma_wait3A_60 = arith.constant 0 : i32
      %dma_wait3A_61 = arith.constant 0 : i32
      %dma_wait3A_62 = tpu.memref_slice %arg8[%add3A_4, %dma_wait3A_60, %dma_wait3A_61] : memref<64x28x128xf32, #tpu.memory_space<hbm>> -> memref<1x28x128xf32, #tpu.memory_space<hbm>>
      %dma_wait3A_63 = tpu.memref_squeeze %dma_wait3A_62 : memref<1x28x128xf32, #tpu.memory_space<hbm>> -> memref<28x128xf32, #tpu.memory_space<hbm>>
      tpu.wait_dma2 semaphore(%run_scoped3A : memref<!tpu.dma_semaphore, #tpu.memory_space<semaphore_mem>>) src(%arg17 : memref<28x128xf32, #tpu.memory_space<vmem>>) dst(%dma_wait3A_63 : memref<28x128xf32, #tpu.memory_space<hbm>>)
      tpu.yield
    }) : () -> ()
    %mul3A_25 = arith.constant 2 : i32
    %mul3A_26 = arith.muli %add3A, %mul3A_25 : i32
    %add3A_27 = arith.constant 1 : i32
    %add3A_28 = arith.addi %mul3A_26, %add3A_27 : i32
    "tpu.region"() ({
      %run_scoped3A = tpu.sem_alloc : memref<!tpu.dma_semaphore, #tpu.memory_space<semaphore_mem>>
      %dma_start3A = arith.constant 0 : i32
      %dma_start3A_50 = arith.constant 0 : i32
      %dma_start3A_51 = tpu.memref_slice %arg2[%add3A_28, %dma_start3A, %dma_start3A_50] : memref<64x64x128xf32, #tpu.memory_space<hbm>> -> memref<1x64x128xf32, #tpu.memory_space<hbm>>
      %dma_start3A_52 = tpu.memref_squeeze %dma_start3A_51 : memref<1x64x128xf32, #tpu.memory_space<hbm>> -> memref<64x128xf32, #tpu.memory_space<hbm>>
      %dma_start3A_53 = arith.constant 0 : i32
      %dma_start3A_54 = arith.constant 0 : i32
      %dma_start3A_55 = tpu.memref_slice %arg2[%add3A_28, %dma_start3A_53, %dma_start3A_54] : memref<64x64x128xf32, #tpu.memory_space<hbm>> -> memref<1x64x128xf32, #tpu.memory_space<hbm>>
      %dma_start3A_56 = tpu.memref_squeeze %dma_start3A_55 : memref<1x64x128xf32, #tpu.memory_space<hbm>> -> memref<64x128xf32, #tpu.memory_space<hbm>>
      tpu.enqueue_dma source(%dma_start3A_56 : memref<64x128xf32, #tpu.memory_space<hbm>>) target(%arg11 : memref<64x128xf32, #tpu.memory_space<vmem>>) target_semaphore(%run_scoped3A : memref<!tpu.dma_semaphore, #tpu.memory_space<semaphore_mem>>)
      %dma_wait3A = arith.constant 0 : i32
      %dma_wait3A_57 = arith.constant 0 : i32
      %dma_wait3A_58 = tpu.memref_slice %arg2[%add3A_28, %dma_wait3A, %dma_wait3A_57] : memref<64x64x128xf32, #tpu.memory_space<hbm>> -> memref<1x64x128xf32, #tpu.memory_space<hbm>>
      %dma_wait3A_59 = tpu.memref_squeeze %dma_wait3A_58 : memref<1x64x128xf32, #tpu.memory_space<hbm>> -> memref<64x128xf32, #tpu.memory_space<hbm>>
      %dma_wait3A_60 = arith.constant 0 : i32
      %dma_wait3A_61 = arith.constant 0 : i32
      %dma_wait3A_62 = tpu.memref_slice %arg2[%add3A_28, %dma_wait3A_60, %dma_wait3A_61] : memref<64x64x128xf32, #tpu.memory_space<hbm>> -> memref<1x64x128xf32, #tpu.memory_space<hbm>>
      %dma_wait3A_63 = tpu.memref_squeeze %dma_wait3A_62 : memref<1x64x128xf32, #tpu.memory_space<hbm>> -> memref<64x128xf32, #tpu.memory_space<hbm>>
      tpu.wait_dma2 semaphore(%run_scoped3A : memref<!tpu.dma_semaphore, #tpu.memory_space<semaphore_mem>>) src(%dma_wait3A_63 : memref<64x128xf32, #tpu.memory_space<hbm>>) dst(%arg11 : memref<64x128xf32, #tpu.memory_space<vmem>>)
      tpu.yield
    }) : () -> ()
    "tpu.region"() ({
      %run_scoped3A = tpu.sem_alloc : memref<!tpu.dma_semaphore, #tpu.memory_space<semaphore_mem>>
      %dma_start3A = arith.constant 0 : i32
      %dma_start3A_50 = arith.constant 0 : i32
      %dma_start3A_51 = tpu.memref_slice %arg3[%add3A_28, %dma_start3A, %dma_start3A_50] : memref<64x256x128xf32, #tpu.memory_space<hbm>> -> memref<1x256x128xf32, #tpu.memory_space<hbm>>
      %dma_start3A_52 = tpu.memref_squeeze %dma_start3A_51 : memref<1x256x128xf32, #tpu.memory_space<hbm>> -> memref<256x128xf32, #tpu.memory_space<hbm>>
      %dma_start3A_53 = arith.constant 0 : i32
      %dma_start3A_54 = arith.constant 0 : i32
      %dma_start3A_55 = tpu.memref_slice %arg3[%add3A_28, %dma_start3A_53, %dma_start3A_54] : memref<64x256x128xf32, #tpu.memory_space<hbm>> -> memref<1x256x128xf32, #tpu.memory_space<hbm>>
      %dma_start3A_56 = tpu.memref_squeeze %dma_start3A_55 : memref<1x256x128xf32, #tpu.memory_space<hbm>> -> memref<256x128xf32, #tpu.memory_space<hbm>>
      tpu.enqueue_dma source(%dma_start3A_56 : memref<256x128xf32, #tpu.memory_space<hbm>>) target(%arg14 : memref<256x128xf32, #tpu.memory_space<vmem>>) target_semaphore(%run_scoped3A : memref<!tpu.dma_semaphore, #tpu.memory_space<semaphore_mem>>)
      %dma_wait3A = arith.constant 0 : i32
      %dma_wait3A_57 = arith.constant 0 : i32
      %dma_wait3A_58 = tpu.memref_slice %arg3[%add3A_28, %dma_wait3A, %dma_wait3A_57] : memref<64x256x128xf32, #tpu.memory_space<hbm>> -> memref<1x256x128xf32, #tpu.memory_space<hbm>>
      %dma_wait3A_59 = tpu.memref_squeeze %dma_wait3A_58 : memref<1x256x128xf32, #tpu.memory_space<hbm>> -> memref<256x128xf32, #tpu.memory_space<hbm>>
      %dma_wait3A_60 = arith.constant 0 : i32
      %dma_wait3A_61 = arith.constant 0 : i32
      %dma_wait3A_62 = tpu.memref_slice %arg3[%add3A_28, %dma_wait3A_60, %dma_wait3A_61] : memref<64x256x128xf32, #tpu.memory_space<hbm>> -> memref<1x256x128xf32, #tpu.memory_space<hbm>>
      %dma_wait3A_63 = tpu.memref_squeeze %dma_wait3A_62 : memref<1x256x128xf32, #tpu.memory_space<hbm>> -> memref<256x128xf32, #tpu.memory_space<hbm>>
      tpu.wait_dma2 semaphore(%run_scoped3A : memref<!tpu.dma_semaphore, #tpu.memory_space<semaphore_mem>>) src(%dma_wait3A_63 : memref<256x128xf32, #tpu.memory_space<hbm>>) dst(%arg14 : memref<256x128xf32, #tpu.memory_space<vmem>>)
      tpu.yield
    }) : () -> ()
    "tpu.region"() ({
      %run_scoped3A = tpu.sem_alloc : memref<!tpu.dma_semaphore, #tpu.memory_space<semaphore_mem>>
      %dma_start3A = arith.constant 0 : i32
      %dma_start3A_50 = arith.constant 0 : i32
      %dma_start3A_51 = tpu.memref_slice %arg4[%add3A_28, %dma_start3A, %dma_start3A_50] : memref<64x64x128xf32, #tpu.memory_space<hbm>> -> memref<1x64x128xf32, #tpu.memory_space<hbm>>
      %dma_start3A_52 = tpu.memref_squeeze %dma_start3A_51 : memref<1x64x128xf32, #tpu.memory_space<hbm>> -> memref<64x128xf32, #tpu.memory_space<hbm>>
      %dma_start3A_53 = arith.constant 0 : i32
      %dma_start3A_54 = arith.constant 0 : i32
      %dma_start3A_55 = tpu.memref_slice %arg4[%add3A_28, %dma_start3A_53, %dma_start3A_54] : memref<64x64x128xf32, #tpu.memory_space<hbm>> -> memref<1x64x128xf32, #tpu.memory_space<hbm>>
      %dma_start3A_56 = tpu.memref_squeeze %dma_start3A_55 : memref<1x64x128xf32, #tpu.memory_space<hbm>> -> memref<64x128xf32, #tpu.memory_space<hbm>>
      tpu.enqueue_dma source(%dma_start3A_56 : memref<64x128xf32, #tpu.memory_space<hbm>>) target(%arg15 : memref<64x128xf32, #tpu.memory_space<vmem>>) target_semaphore(%run_scoped3A : memref<!tpu.dma_semaphore, #tpu.memory_space<semaphore_mem>>)
      %dma_wait3A = arith.constant 0 : i32
      %dma_wait3A_57 = arith.constant 0 : i32
      %dma_wait3A_58 = tpu.memref_slice %arg4[%add3A_28, %dma_wait3A, %dma_wait3A_57] : memref<64x64x128xf32, #tpu.memory_space<hbm>> -> memref<1x64x128xf32, #tpu.memory_space<hbm>>
      %dma_wait3A_59 = tpu.memref_squeeze %dma_wait3A_58 : memref<1x64x128xf32, #tpu.memory_space<hbm>> -> memref<64x128xf32, #tpu.memory_space<hbm>>
      %dma_wait3A_60 = arith.constant 0 : i32
      %dma_wait3A_61 = arith.constant 0 : i32
      %dma_wait3A_62 = tpu.memref_slice %arg4[%add3A_28, %dma_wait3A_60, %dma_wait3A_61] : memref<64x64x128xf32, #tpu.memory_space<hbm>> -> memref<1x64x128xf32, #tpu.memory_space<hbm>>
      %dma_wait3A_63 = tpu.memref_squeeze %dma_wait3A_62 : memref<1x64x128xf32, #tpu.memory_space<hbm>> -> memref<64x128xf32, #tpu.memory_space<hbm>>
      tpu.wait_dma2 semaphore(%run_scoped3A : memref<!tpu.dma_semaphore, #tpu.memory_space<semaphore_mem>>) src(%dma_wait3A_63 : memref<64x128xf32, #tpu.memory_space<hbm>>) dst(%arg15 : memref<64x128xf32, #tpu.memory_space<vmem>>)
      tpu.yield
    }) : () -> ()
    "tpu.region"() ({
      %run_scoped3A = tpu.sem_alloc : memref<!tpu.dma_semaphore, #tpu.memory_space<semaphore_mem>>
      %dma_start3A = arith.constant 0 : i32
      %dma_start3A_50 = arith.constant 0 : i32
      %dma_start3A_51 = tpu.memref_slice %arg5[%add3A_28, %dma_start3A, %dma_start3A_50] : memref<64x64x128xf32, #tpu.memory_space<hbm>> -> memref<1x64x128xf32, #tpu.memory_space<hbm>>
      %dma_start3A_52 = tpu.memref_squeeze %dma_start3A_51 : memref<1x64x128xf32, #tpu.memory_space<hbm>> -> memref<64x128xf32, #tpu.memory_space<hbm>>
      %dma_start3A_53 = arith.constant 0 : i32
      %dma_start3A_54 = arith.constant 0 : i32
      %dma_start3A_55 = tpu.memref_slice %arg5[%add3A_28, %dma_start3A_53, %dma_start3A_54] : memref<64x64x128xf32, #tpu.memory_space<hbm>> -> memref<1x64x128xf32, #tpu.memory_space<hbm>>
      %dma_start3A_56 = tpu.memref_squeeze %dma_start3A_55 : memref<1x64x128xf32, #tpu.memory_space<hbm>> -> memref<64x128xf32, #tpu.memory_space<hbm>>
      tpu.enqueue_dma source(%dma_start3A_56 : memref<64x128xf32, #tpu.memory_space<hbm>>) target(%arg16 : memref<64x128xf32, #tpu.memory_space<vmem>>) target_semaphore(%run_scoped3A : memref<!tpu.dma_semaphore, #tpu.memory_space<semaphore_mem>>)
      %dma_wait3A = arith.constant 0 : i32
      %dma_wait3A_57 = arith.constant 0 : i32
      %dma_wait3A_58 = tpu.memref_slice %arg5[%add3A_28, %dma_wait3A, %dma_wait3A_57] : memref<64x64x128xf32, #tpu.memory_space<hbm>> -> memref<1x64x128xf32, #tpu.memory_space<hbm>>
      %dma_wait3A_59 = tpu.memref_squeeze %dma_wait3A_58 : memref<1x64x128xf32, #tpu.memory_space<hbm>> -> memref<64x128xf32, #tpu.memory_space<hbm>>
      %dma_wait3A_60 = arith.constant 0 : i32
      %dma_wait3A_61 = arith.constant 0 : i32
      %dma_wait3A_62 = tpu.memref_slice %arg5[%add3A_28, %dma_wait3A_60, %dma_wait3A_61] : memref<64x64x128xf32, #tpu.memory_space<hbm>> -> memref<1x64x128xf32, #tpu.memory_space<hbm>>
      %dma_wait3A_63 = tpu.memref_squeeze %dma_wait3A_62 : memref<1x64x128xf32, #tpu.memory_space<hbm>> -> memref<64x128xf32, #tpu.memory_space<hbm>>
      tpu.wait_dma2 semaphore(%run_scoped3A : memref<!tpu.dma_semaphore, #tpu.memory_space<semaphore_mem>>) src(%dma_wait3A_63 : memref<64x128xf32, #tpu.memory_space<hbm>>) dst(%arg16 : memref<64x128xf32, #tpu.memory_space<vmem>>)
      tpu.yield
    }) : () -> ()
    %scan3A_29 = arith.constant 0 : i32
    %scan3A_30 = arith.constant 0 : i32
    %scan3A_31 = arith.constant 64 : i32
    %scan3A_32 = arith.addi %scan3A_30, %scan3A_31 : i32
    %scan3A_33 = arith.constant 1 : i32
    %scan3A_34 = scf.for %scan3A_50 = %scan3A_30 to %scan3A_32 step %scan3A_33 iter_args(%scan3A_51 = %scan3A_29) -> (i32)  : i32 {
      %broadcast_in_dim3A = arith.constant 8191 : i32
      %broadcast_in_dim3A_52 = vector.broadcast %broadcast_in_dim3A : i32 to vector<16xi32>
      %shift_right_logical3A = arith.constant 3 : i32
      %shift_right_logical3A_53 = arith.shrui %scan3A_50, %shift_right_logical3A : i32
      %and3A = arith.constant 7 : i32
      %and3A_54 = arith.andi %scan3A_50, %and3A : i32
      %mul3A_55 = arith.constant 16 : i32
      %mul3A_56 = arith.muli %and3A_54, %mul3A_55 : i32
      %swap3A = arith.index_cast %shift_right_logical3A_53 : i32 to index
      %swap3A_57 = arith.index_cast %mul3A_56 : i32 to index
      %swap3A_58 = tpu.vector_load %arg12[%swap3A, %swap3A_57] {strides = array<i32>} : memref<8x128xi32, #tpu.memory_space<vmem>>, vector<16xi32>,
      tpu.vector_store %arg12[%swap3A, %swap3A_57], %broadcast_in_dim3A_52 {strides = array<i32>} : memref<8x128xi32, #tpu.memory_space<vmem>>, vector<16xi32>,
      %scan3A_59 = arith.constant 0 : i32
      scf.yield %scan3A_59 : i32
    }
    %scan3A_35 = arith.constant 64 : i32
    %scan3A_36 = arith.constant 0 : i32
    %scan3A_37 = arith.constant 0 : i32
    %scan3A_38 = arith.constant 512 : i32
    %scan3A_39 = arith.addi %scan3A_37, %scan3A_38 : i32
    %scan3A_40 = arith.constant 1 : i32
    %scan3A_41 = scf.for %scan3A_50 = %scan3A_37 to %scan3A_39 step %scan3A_40 iter_args(%scan3A_51 = %scan3A_36) -> (i32)  : i32 {
      %shift_right_logical3A = arith.constant 3 : i32
      %shift_right_logical3A_52 = arith.shrui %scan3A_50, %shift_right_logical3A : i32
      %and3A = arith.constant 7 : i32
      %and3A_53 = arith.andi %scan3A_50, %and3A : i32
      %mul3A_54 = arith.constant 16 : i32
      %mul3A_55 = arith.muli %and3A_53, %mul3A_54 : i32
      %get3A = arith.index_cast %shift_right_logical3A_52 : i32 to index
      %get3A_56 = arith.index_cast %mul3A_55 : i32 to index
      %get3A_57 = tpu.vector_load %arg11[%get3A, %get3A_56] {strides = array<i32>} : memref<64x128xf32, #tpu.memory_space<vmem>>, vector<16xf32>,
      %ne3A = arith.constant 0.000000e+00 : f32
      %ne3A_58 = vector.broadcast %ne3A : f32 to vector<16xf32>
      %ne3A_59 = arith.cmpf one, %get3A_57, %ne3A_58 : vector<16xf32>
      %jit3A = arith.constant 1 : i32
      %jit3A_60 = arith.constant 0 : i32
      %broadcast_in_dim3A = vector.broadcast %jit3A : i32 to vector<16xi32>
      %broadcast_in_dim3A_61 = vector.broadcast %jit3A_60 : i32 to vector<16xi32>
      %select_n3A = arith.select %ne3A_59, %broadcast_in_dim3A, %broadcast_in_dim3A_61 : vector<16xi1>, vector<16xi32>
      %broadcast_in_dim3A_62 = arith.constant true
      %broadcast_in_dim3A_63 = vector.broadcast %broadcast_in_dim3A_62 : i1 to vector<16xi1>
      %masked_cumsum3A = tpu.scan <sum>, %select_n3A masked %broadcast_in_dim3A_63 : vector<16xi32>, vector<16xi1> -> vector<16xi32>
      %add3A_64 = vector.broadcast %scan3A_51 : i32 to vector<16xi32>
      %add3A_65 = arith.addi %add3A_64, %masked_cumsum3A : vector<16xi32>
      %sub3A = arith.constant 1 : i32
      %sub3A_66 = vector.broadcast %sub3A : i32 to vector<16xi32>
      %sub3A_67 = arith.subi %add3A_65, %sub3A_66 : vector<16xi32>
      %iota3A = tpu.iota {dimensions = array<i32: 0>} : vector<16xi32>
      %mul3A_68 = arith.constant 16 : i32
      %mul3A_69 = arith.muli %scan3A_50, %mul3A_68 : i32
      %add3A_70 = vector.broadcast %mul3A_69 : i32 to vector<16xi32>
      %add3A_71 = arith.addi %iota3A, %add3A_70 : vector<16xi32>
      %shift_right_logical3A_72 = arith.constant 7 : i32
      %shift_right_logical3A_73 = vector.broadcast %shift_right_logical3A_72 : i32 to vector<16xi32>
      %shift_right_logical3A_74 = arith.shrui %sub3A_67, %shift_right_logical3A_73 : vector<16xi32>
      %and3A_75 = arith.constant 127 : i32
      %and3A_76 = vector.broadcast %and3A_75 : i32 to vector<16xi32>
      %and3A_77 = arith.andi %sub3A_67, %and3A_76 : vector<16xi32>
      tpu.vector_store_idx %arg12[%shift_right_logical3A_74, %and3A_77], %add3A_71 masked %ne3A_59 : memref<8x128xi32, #tpu.memory_space<vmem>>[vector<16xi32>, vector<16xi32>], vector<16xi32>, vector<16xi1>
      tpu.vector_store_idx %arg13[%shift_right_logical3A_74, %and3A_77], %get3A_57 masked %ne3A_59 : memref<8x128xf32, #tpu.memory_space<vmem>>[vector<16xi32>, vector<16xi32>], vector<16xf32>, vector<16xi1>
      %reduce_max3A = arith.constant true
      %reduce_max3A_78 = vector.broadcast %reduce_max3A : i1 to vector<16xi1>
      %reduce_max3A_79 = arith.constant -2147483648 : i32
      %reduce_max3A_80 = vector.broadcast %reduce_max3A_79 : i32 to vector<16xi32>
      %reduce_max3A_81 = arith.xori %masked_cumsum3A, %reduce_max3A_80 : vector<16xi32>
      %reduce_max3A_82 = tpu.scan <max>, %reduce_max3A_81 masked %reduce_max3A_78 : vector<16xi32>, vector<16xi1> -> vector<16xi32>
      %reduce_max3A_83 = arith.xori %reduce_max3A_82, %reduce_max3A_80 : vector<16xi32>
      %reduce_max3A_84 = vector.extract %reduce_max3A_83[15] : i32 from vector<16xi32>
      %add3A_85 = arith.addi %scan3A_51, %reduce_max3A_84 : i32
      scf.yield %add3A_85 : i32
    }
    %scan3A_42 = arith.constant 512 : i32
    %scan3A_43 = arith.constant 0 : i32
    %scan3A_44 = arith.constant 0 : i32
    %scan3A_45 = arith.constant 52 : i32
    %scan3A_46 = arith.addi %scan3A_44, %scan3A_45 : i32
    %scan3A_47 = arith.constant 1 : i32
    %scan3A_48 = scf.for %scan3A_50 = %scan3A_44 to %scan3A_46 step %scan3A_47 iter_args(%scan3A_51 = %scan3A_43) -> (i32)  : i32 {
      %shift_right_logical3A = arith.constant 3 : i32
      %shift_right_logical3A_52 = arith.shrui %scan3A_50, %shift_right_logical3A : i32
      %and3A = arith.constant 7 : i32
      %and3A_53 = arith.andi %scan3A_50, %and3A : i32
      %mul3A_54 = arith.constant 16 : i32
      %mul3A_55 = arith.muli %and3A_53, %mul3A_54 : i32
      %get3A = arith.index_cast %shift_right_logical3A_52 : i32 to index
      %get3A_56 = arith.index_cast %mul3A_55 : i32 to index
      %get3A_57 = tpu.vector_load %arg12[%get3A, %get3A_56] {strides = array<i32>} : memref<8x128xi32, #tpu.memory_space<vmem>>, vector<16xi32>,
      %get3A_58 = arith.index_cast %shift_right_logical3A_52 : i32 to index
      %get3A_59 = arith.index_cast %mul3A_55 : i32 to index
      %get3A_60 = tpu.vector_load %arg13[%get3A_58, %get3A_59] {strides = array<i32>} : memref<8x128xf32, #tpu.memory_space<vmem>>, vector<16xf32>,
      %gt3A = arith.constant -1.500000e+00 : f32
      %gt3A_61 = vector.broadcast %gt3A : f32 to vector<16xf32>
      %gt3A_62 = arith.cmpf ogt, %get3A_60, %gt3A_61 : vector<16xf32>
      %gt3A_63 = arith.constant 0.000000e+00 : f32
      %gt3A_64 = vector.broadcast %gt3A_63 : f32 to vector<16xf32>
      %gt3A_65 = arith.cmpf ogt, %get3A_60, %gt3A_64 : vector<16xf32>
      %jit3A = arith.constant 1.000000e+00 : f32
      %jit3A_66 = arith.constant -1.000000e+00 : f32
      %broadcast_in_dim3A = vector.broadcast %jit3A : f32 to vector<16xf32>
      %broadcast_in_dim3A_67 = vector.broadcast %jit3A_66 : f32 to vector<16xf32>
      %select_n3A = arith.select %gt3A_65, %broadcast_in_dim3A, %broadcast_in_dim3A_67 : vector<16xi1>, vector<16xf32>
      %swap3A = arith.index_cast %shift_right_logical3A_52 : i32 to index
      %swap3A_68 = arith.index_cast %mul3A_55 : i32 to index
      %swap3A_69 = tpu.vector_load %arg18[%swap3A, %swap3A_68] {strides = array<i32>} : memref<8x128xf32, #tpu.memory_space<vmem>>, vector<16xf32>,
      tpu.vector_store %arg18[%swap3A, %swap3A_68], %select_n3A {strides = array<i32>} : memref<8x128xf32, #tpu.memory_space<vmem>>, vector<16xf32>,
      %shift_right_logical3A_70 = arith.constant 7 : i32
      %shift_right_logical3A_71 = vector.broadcast %shift_right_logical3A_70 : i32 to vector<16xi32>
      %shift_right_logical3A_72 = arith.shrui %get3A_57, %shift_right_logical3A_71 : vector<16xi32>
      %and3A_73 = arith.constant 127 : i32
      %and3A_74 = vector.broadcast %and3A_73 : i32 to vector<16xi32>
      %and3A_75 = arith.andi %get3A_57, %and3A_74 : vector<16xi32>
      %gather3A = tpu.vector_load_idx %arg15[%shift_right_logical3A_72, %and3A_75] : memref<64x128xf32, #tpu.memory_space<vmem>>[vector<16xi32>, vector<16xi32>], vector<16xf32>,
      %shift_right_logical3A_76 = arith.constant 7 : i32
      %shift_right_logical3A_77 = vector.broadcast %shift_right_logical3A_76 : i32 to vector<16xi32>
      %shift_right_logical3A_78 = arith.shrui %get3A_57, %shift_right_logical3A_77 : vector<16xi32>
      %and3A_79 = arith.constant 127 : i32
      %and3A_80 = vector.broadcast %and3A_79 : i32 to vector<16xi32>
      %and3A_81 = arith.andi %get3A_57, %and3A_80 : vector<16xi32>
      %gather3A_82 = tpu.vector_load_idx %arg16[%shift_right_logical3A_78, %and3A_81] : memref<64x128xf32, #tpu.memory_space<vmem>>[vector<16xi32>, vector<16xi32>], vector<16xf32>,
      %add3A_83 = arith.addf %gather3A, %gather3A_82 : vector<16xf32>
      %jit3A_84 = arith.constant 1.000000e+00 : f32
      %broadcast_in_dim3A_85 = vector.broadcast %jit3A_84 : f32 to vector<16xf32>
      %select_n3A_86 = arith.select %gt3A_62, %add3A_83, %broadcast_in_dim3A_85 : vector<16xi1>, vector<16xf32>
      %swap3A_87 = arith.index_cast %shift_right_logical3A_52 : i32 to index
      %swap3A_88 = arith.index_cast %mul3A_55 : i32 to index
      %swap3A_89 = tpu.vector_load %arg19[%swap3A_87, %swap3A_88] {strides = array<i32>} : memref<8x128xf32, #tpu.memory_space<vmem>>, vector<16xf32>,
      tpu.vector_store %arg19[%swap3A_87, %swap3A_88], %select_n3A_86 {strides = array<i32>} : memref<8x128xf32, #tpu.memory_space<vmem>>, vector<16xf32>,
      %iota3A = tpu.iota {dimensions = array<i32: 0>} : vector<16xi32>
      %mul3A_90 = arith.constant 16 : i32
      %mul3A_91 = arith.muli %scan3A_50, %mul3A_90 : i32
      %add3A_92 = vector.broadcast %mul3A_91 : i32 to vector<16xi32>
      %add3A_93 = arith.addi %iota3A, %add3A_92 : vector<16xi32>
      %mul3A_94 = arith.constant 4 : i32
      %mul3A_95 = vector.broadcast %mul3A_94 : i32 to vector<16xi32>
      %mul3A_96 = arith.muli %add3A_93, %mul3A_95 : vector<16xi32>
      %mul3A_97 = arith.constant 4 : i32
      %mul3A_98 = vector.broadcast %mul3A_97 : i32 to vector<16xi32>
      %mul3A_99 = arith.muli %get3A_57, %mul3A_98 : vector<16xi32>
      %add3A_100 = arith.constant 0 : i32
      %add3A_101 = vector.broadcast %add3A_100 : i32 to vector<16xi32>
      %add3A_102 = arith.addi %mul3A_99, %add3A_101 : vector<16xi32>
      %shift_right_logical3A_103 = arith.constant 7 : i32
      %shift_right_logical3A_104 = vector.broadcast %shift_right_logical3A_103 : i32 to vector<16xi32>
      %shift_right_logical3A_105 = arith.shrui %add3A_102, %shift_right_logical3A_104 : vector<16xi32>
      %and3A_106 = arith.constant 127 : i32
      %and3A_107 = vector.broadcast %and3A_106 : i32 to vector<16xi32>
      %and3A_108 = arith.andi %add3A_102, %and3A_107 : vector<16xi32>
      %gather3A_109 = tpu.vector_load_idx %arg14[%shift_right_logical3A_105, %and3A_108] : memref<256x128xf32, #tpu.memory_space<vmem>>[vector<16xi32>, vector<16xi32>], vector<16xf32>,
      %add3A_110 = arith.constant 0 : i32
      %add3A_111 = vector.broadcast %add3A_110 : i32 to vector<16xi32>
      %add3A_112 = arith.addi %mul3A_96, %add3A_111 : vector<16xi32>
      %shift_right_logical3A_113 = arith.constant 7 : i32
      %shift_right_logical3A_114 = vector.broadcast %shift_right_logical3A_113 : i32 to vector<16xi32>
      %shift_right_logical3A_115 = arith.shrui %add3A_112, %shift_right_logical3A_114 : vector<16xi32>
      %and3A_116 = arith.constant 127 : i32
      %and3A_117 = vector.broadcast %and3A_116 : i32 to vector<16xi32>
      %and3A_118 = arith.andi %add3A_112, %and3A_117 : vector<16xi32>
      tpu.vector_store_idx %arg17[%shift_right_logical3A_115, %and3A_118], %gather3A_109 : memref<28x128xf32, #tpu.memory_space<vmem>>[vector<16xi32>, vector<16xi32>], vector<16xf32>,
      %mul3A_119 = arith.constant 4 : i32
      %mul3A_120 = vector.broadcast %mul3A_119 : i32 to vector<16xi32>
      %mul3A_121 = arith.muli %get3A_57, %mul3A_120 : vector<16xi32>
      %add3A_122 = arith.constant 1 : i32
      %add3A_123 = vector.broadcast %add3A_122 : i32 to vector<16xi32>
      %add3A_124 = arith.addi %mul3A_121, %add3A_123 : vector<16xi32>
      %shift_right_logical3A_125 = arith.constant 7 : i32
      %shift_right_logical3A_126 = vector.broadcast %shift_right_logical3A_125 : i32 to vector<16xi32>
      %shift_right_logical3A_127 = arith.shrui %add3A_124, %shift_right_logical3A_126 : vector<16xi32>
      %and3A_128 = arith.constant 127 : i32
      %and3A_129 = vector.broadcast %and3A_128 : i32 to vector<16xi32>
      %and3A_130 = arith.andi %add3A_124, %and3A_129 : vector<16xi32>
      %gather3A_131 = tpu.vector_load_idx %arg14[%shift_right_logical3A_127, %and3A_130] : memref<256x128xf32, #tpu.memory_space<vmem>>[vector<16xi32>, vector<16xi32>], vector<16xf32>,
      %add3A_132 = arith.constant 1 : i32
      %add3A_133 = vector.broadcast %add3A_132 : i32 to vector<16xi32>
      %add3A_134 = arith.addi %mul3A_96, %add3A_133 : vector<16xi32>
      %shift_right_logical3A_135 = arith.constant 7 : i32
      %shift_right_logical3A_136 = vector.broadcast %shift_right_logical3A_135 : i32 to vector<16xi32>
      %shift_right_logical3A_137 = arith.shrui %add3A_134, %shift_right_logical3A_136 : vector<16xi32>
      %and3A_138 = arith.constant 127 : i32
      %and3A_139 = vector.broadcast %and3A_138 : i32 to vector<16xi32>
      %and3A_140 = arith.andi %add3A_134, %and3A_139 : vector<16xi32>
      tpu.vector_store_idx %arg17[%shift_right_logical3A_137, %and3A_140], %gather3A_131 : memref<28x128xf32, #tpu.memory_space<vmem>>[vector<16xi32>, vector<16xi32>], vector<16xf32>,
      %mul3A_141 = arith.constant 4 : i32
      %mul3A_142 = vector.broadcast %mul3A_141 : i32 to vector<16xi32>
      %mul3A_143 = arith.muli %get3A_57, %mul3A_142 : vector<16xi32>
      %add3A_144 = arith.constant 2 : i32
      %add3A_145 = vector.broadcast %add3A_144 : i32 to vector<16xi32>
      %add3A_146 = arith.addi %mul3A_143, %add3A_145 : vector<16xi32>
      %shift_right_logical3A_147 = arith.constant 7 : i32
      %shift_right_logical3A_148 = vector.broadcast %shift_right_logical3A_147 : i32 to vector<16xi32>
      %shift_right_logical3A_149 = arith.shrui %add3A_146, %shift_right_logical3A_148 : vector<16xi32>
      %and3A_150 = arith.constant 127 : i32
      %and3A_151 = vector.broadcast %and3A_150 : i32 to vector<16xi32>
      %and3A_152 = arith.andi %add3A_146, %and3A_151 : vector<16xi32>
      %gather3A_153 = tpu.vector_load_idx %arg14[%shift_right_logical3A_149, %and3A_152] : memref<256x128xf32, #tpu.memory_space<vmem>>[vector<16xi32>, vector<16xi32>], vector<16xf32>,
      %add3A_154 = arith.constant 2 : i32
      %add3A_155 = vector.broadcast %add3A_154 : i32 to vector<16xi32>
      %add3A_156 = arith.addi %mul3A_96, %add3A_155 : vector<16xi32>
      %shift_right_logical3A_157 = arith.constant 7 : i32
      %shift_right_logical3A_158 = vector.broadcast %shift_right_logical3A_157 : i32 to vector<16xi32>
      %shift_right_logical3A_159 = arith.shrui %add3A_156, %shift_right_logical3A_158 : vector<16xi32>
      %and3A_160 = arith.constant 127 : i32
      %and3A_161 = vector.broadcast %and3A_160 : i32 to vector<16xi32>
      %and3A_162 = arith.andi %add3A_156, %and3A_161 : vector<16xi32>
      tpu.vector_store_idx %arg17[%shift_right_logical3A_159, %and3A_162], %gather3A_153 : memref<28x128xf32, #tpu.memory_space<vmem>>[vector<16xi32>, vector<16xi32>], vector<16xf32>,
      %mul3A_163 = arith.constant 4 : i32
      %mul3A_164 = vector.broadcast %mul3A_163 : i32 to vector<16xi32>
      %mul3A_165 = arith.muli %get3A_57, %mul3A_164 : vector<16xi32>
      %add3A_166 = arith.constant 3 : i32
      %add3A_167 = vector.broadcast %add3A_166 : i32 to vector<16xi32>
      %add3A_168 = arith.addi %mul3A_165, %add3A_167 : vector<16xi32>
      %shift_right_logical3A_169 = arith.constant 7 : i32
      %shift_right_logical3A_170 = vector.broadcast %shift_right_logical3A_169 : i32 to vector<16xi32>
      %shift_right_logical3A_171 = arith.shrui %add3A_168, %shift_right_logical3A_170 : vector<16xi32>
      %and3A_172 = arith.constant 127 : i32
      %and3A_173 = vector.broadcast %and3A_172 : i32 to vector<16xi32>
      %and3A_174 = arith.andi %add3A_168, %and3A_173 : vector<16xi32>
      %gather3A_175 = tpu.vector_load_idx %arg14[%shift_right_logical3A_171, %and3A_174] : memref<256x128xf32, #tpu.memory_space<vmem>>[vector<16xi32>, vector<16xi32>], vector<16xf32>,
      %add3A_176 = arith.constant 3 : i32
      %add3A_177 = vector.broadcast %add3A_176 : i32 to vector<16xi32>
      %add3A_178 = arith.addi %mul3A_96, %add3A_177 : vector<16xi32>
      %shift_right_logical3A_179 = arith.constant 7 : i32
      %shift_right_logical3A_180 = vector.broadcast %shift_right_logical3A_179 : i32 to vector<16xi32>
      %shift_right_logical3A_181 = arith.shrui %add3A_178, %shift_right_logical3A_180 : vector<16xi32>
      %and3A_182 = arith.constant 127 : i32
      %and3A_183 = vector.broadcast %and3A_182 : i32 to vector<16xi32>
      %and3A_184 = arith.andi %add3A_178, %and3A_183 : vector<16xi32>
      tpu.vector_store_idx %arg17[%shift_right_logical3A_181, %and3A_184], %gather3A_175 : memref<28x128xf32, #tpu.memory_space<vmem>>[vector<16xi32>, vector<16xi32>], vector<16xf32>,
      %scan3A_185 = arith.constant 0 : i32
      scf.yield %scan3A_185 : i32
    }
    %scan3A_49 = arith.constant 52 : i32
    "tpu.region"() ({
      %run_scoped3A = tpu.sem_alloc : memref<!tpu.dma_semaphore, #tpu.memory_space<semaphore_mem>>
      %dma_start3A = arith.constant 0 : i32
      %dma_start3A_50 = arith.constant 0 : i32
      %dma_start3A_51 = tpu.memref_slice %arg6[%add3A_28, %dma_start3A, %dma_start3A_50] : memref<64x8x128xi32, #tpu.memory_space<hbm>> -> memref<1x8x128xi32, #tpu.memory_space<hbm>>
      %dma_start3A_52 = tpu.memref_squeeze %dma_start3A_51 : memref<1x8x128xi32, #tpu.memory_space<hbm>> -> memref<8x128xi32, #tpu.memory_space<hbm>>
      %dma_start3A_53 = arith.constant 0 : i32
      %dma_start3A_54 = arith.constant 0 : i32
      %dma_start3A_55 = tpu.memref_slice %arg6[%add3A_28, %dma_start3A_53, %dma_start3A_54] : memref<64x8x128xi32, #tpu.memory_space<hbm>> -> memref<1x8x128xi32, #tpu.memory_space<hbm>>
      %dma_start3A_56 = tpu.memref_squeeze %dma_start3A_55 : memref<1x8x128xi32, #tpu.memory_space<hbm>> -> memref<8x128xi32, #tpu.memory_space<hbm>>
      tpu.enqueue_dma source(%arg12 : memref<8x128xi32, #tpu.memory_space<vmem>>) target(%dma_start3A_56 : memref<8x128xi32, #tpu.memory_space<hbm>>) target_semaphore(%run_scoped3A : memref<!tpu.dma_semaphore, #tpu.memory_space<semaphore_mem>>)
      %dma_wait3A = arith.constant 0 : i32
      %dma_wait3A_57 = arith.constant 0 : i32
      %dma_wait3A_58 = tpu.memref_slice %arg6[%add3A_28, %dma_wait3A, %dma_wait3A_57] : memref<64x8x128xi32, #tpu.memory_space<hbm>> -> memref<1x8x128xi32, #tpu.memory_space<hbm>>
      %dma_wait3A_59 = tpu.memref_squeeze %dma_wait3A_58 : memref<1x8x128xi32, #tpu.memory_space<hbm>> -> memref<8x128xi32, #tpu.memory_space<hbm>>
      %dma_wait3A_60 = arith.constant 0 : i32
      %dma_wait3A_61 = arith.constant 0 : i32
      %dma_wait3A_62 = tpu.memref_slice %arg6[%add3A_28, %dma_wait3A_60, %dma_wait3A_61] : memref<64x8x128xi32, #tpu.memory_space<hbm>> -> memref<1x8x128xi32, #tpu.memory_space<hbm>>
      %dma_wait3A_63 = tpu.memref_squeeze %dma_wait3A_62 : memref<1x8x128xi32, #tpu.memory_space<hbm>> -> memref<8x128xi32, #tpu.memory_space<hbm>>
      tpu.wait_dma2 semaphore(%run_scoped3A : memref<!tpu.dma_semaphore, #tpu.memory_space<semaphore_mem>>) src(%arg12 : memref<8x128xi32, #tpu.memory_space<vmem>>) dst(%dma_wait3A_63 : memref<8x128xi32, #tpu.memory_space<hbm>>)
      tpu.yield
    }) : () -> ()
    "tpu.region"() ({
      %run_scoped3A = tpu.sem_alloc : memref<!tpu.dma_semaphore, #tpu.memory_space<semaphore_mem>>
      %dma_start3A = arith.constant 0 : i32
      %dma_start3A_50 = arith.constant 0 : i32
      %dma_start3A_51 = tpu.memref_slice %arg7[%add3A_28, %dma_start3A, %dma_start3A_50] : memref<64x8x128xf32, #tpu.memory_space<hbm>> -> memref<1x8x128xf32, #tpu.memory_space<hbm>>
      %dma_start3A_52 = tpu.memref_squeeze %dma_start3A_51 : memref<1x8x128xf32, #tpu.memory_space<hbm>> -> memref<8x128xf32, #tpu.memory_space<hbm>>
      %dma_start3A_53 = arith.constant 0 : i32
      %dma_start3A_54 = arith.constant 0 : i32
      %dma_start3A_55 = tpu.memref_slice %arg7[%add3A_28, %dma_start3A_53, %dma_start3A_54] : memref<64x8x128xf32, #tpu.memory_space<hbm>> -> memref<1x8x128xf32, #tpu.memory_space<hbm>>
      %dma_start3A_56 = tpu.memref_squeeze %dma_start3A_55 : memref<1x8x128xf32, #tpu.memory_space<hbm>> -> memref<8x128xf32, #tpu.memory_space<hbm>>
      tpu.enqueue_dma source(%arg13 : memref<8x128xf32, #tpu.memory_space<vmem>>) target(%dma_start3A_56 : memref<8x128xf32, #tpu.memory_space<hbm>>) target_semaphore(%run_scoped3A : memref<!tpu.dma_semaphore, #tpu.memory_space<semaphore_mem>>)
      %dma_wait3A = arith.constant 0 : i32
      %dma_wait3A_57 = arith.constant 0 : i32
      %dma_wait3A_58 = tpu.memref_slice %arg7[%add3A_28, %dma_wait3A, %dma_wait3A_57] : memref<64x8x128xf32, #tpu.memory_space<hbm>> -> memref<1x8x128xf32, #tpu.memory_space<hbm>>
      %dma_wait3A_59 = tpu.memref_squeeze %dma_wait3A_58 : memref<1x8x128xf32, #tpu.memory_space<hbm>> -> memref<8x128xf32, #tpu.memory_space<hbm>>
      %dma_wait3A_60 = arith.constant 0 : i32
      %dma_wait3A_61 = arith.constant 0 : i32
      %dma_wait3A_62 = tpu.memref_slice %arg7[%add3A_28, %dma_wait3A_60, %dma_wait3A_61] : memref<64x8x128xf32, #tpu.memory_space<hbm>> -> memref<1x8x128xf32, #tpu.memory_space<hbm>>
      %dma_wait3A_63 = tpu.memref_squeeze %dma_wait3A_62 : memref<1x8x128xf32, #tpu.memory_space<hbm>> -> memref<8x128xf32, #tpu.memory_space<hbm>>
      tpu.wait_dma2 semaphore(%run_scoped3A : memref<!tpu.dma_semaphore, #tpu.memory_space<semaphore_mem>>) src(%arg13 : memref<8x128xf32, #tpu.memory_space<vmem>>) dst(%dma_wait3A_63 : memref<8x128xf32, #tpu.memory_space<hbm>>)
      tpu.yield
    }) : () -> ()
    "tpu.region"() ({
      %run_scoped3A = tpu.sem_alloc : memref<!tpu.dma_semaphore, #tpu.memory_space<semaphore_mem>>
      %dma_start3A = arith.constant 0 : i32
      %dma_start3A_50 = arith.constant 0 : i32
      %dma_start3A_51 = tpu.memref_slice %arg9[%add3A_28, %dma_start3A, %dma_start3A_50] : memref<64x8x128xf32, #tpu.memory_space<hbm>> -> memref<1x8x128xf32, #tpu.memory_space<hbm>>
      %dma_start3A_52 = tpu.memref_squeeze %dma_start3A_51 : memref<1x8x128xf32, #tpu.memory_space<hbm>> -> memref<8x128xf32, #tpu.memory_space<hbm>>
      %dma_start3A_53 = arith.constant 0 : i32
      %dma_start3A_54 = arith.constant 0 : i32
      %dma_start3A_55 = tpu.memref_slice %arg9[%add3A_28, %dma_start3A_53, %dma_start3A_54] : memref<64x8x128xf32, #tpu.memory_space<hbm>> -> memref<1x8x128xf32, #tpu.memory_space<hbm>>
      %dma_start3A_56 = tpu.memref_squeeze %dma_start3A_55 : memref<1x8x128xf32, #tpu.memory_space<hbm>> -> memref<8x128xf32, #tpu.memory_space<hbm>>
      tpu.enqueue_dma source(%arg18 : memref<8x128xf32, #tpu.memory_space<vmem>>) target(%dma_start3A_56 : memref<8x128xf32, #tpu.memory_space<hbm>>) target_semaphore(%run_scoped3A : memref<!tpu.dma_semaphore, #tpu.memory_space<semaphore_mem>>)
      %dma_wait3A = arith.constant 0 : i32
      %dma_wait3A_57 = arith.constant 0 : i32
      %dma_wait3A_58 = tpu.memref_slice %arg9[%add3A_28, %dma_wait3A, %dma_wait3A_57] : memref<64x8x128xf32, #tpu.memory_space<hbm>> -> memref<1x8x128xf32, #tpu.memory_space<hbm>>
      %dma_wait3A_59 = tpu.memref_squeeze %dma_wait3A_58 : memref<1x8x128xf32, #tpu.memory_space<hbm>> -> memref<8x128xf32, #tpu.memory_space<hbm>>
      %dma_wait3A_60 = arith.constant 0 : i32
      %dma_wait3A_61 = arith.constant 0 : i32
      %dma_wait3A_62 = tpu.memref_slice %arg9[%add3A_28, %dma_wait3A_60, %dma_wait3A_61] : memref<64x8x128xf32, #tpu.memory_space<hbm>> -> memref<1x8x128xf32, #tpu.memory_space<hbm>>
      %dma_wait3A_63 = tpu.memref_squeeze %dma_wait3A_62 : memref<1x8x128xf32, #tpu.memory_space<hbm>> -> memref<8x128xf32, #tpu.memory_space<hbm>>
      tpu.wait_dma2 semaphore(%run_scoped3A : memref<!tpu.dma_semaphore, #tpu.memory_space<semaphore_mem>>) src(%arg18 : memref<8x128xf32, #tpu.memory_space<vmem>>) dst(%dma_wait3A_63 : memref<8x128xf32, #tpu.memory_space<hbm>>)
      tpu.yield
    }) : () -> ()
    "tpu.region"() ({
      %run_scoped3A = tpu.sem_alloc : memref<!tpu.dma_semaphore, #tpu.memory_space<semaphore_mem>>
      %dma_start3A = arith.constant 0 : i32
      %dma_start3A_50 = arith.constant 0 : i32
      %dma_start3A_51 = tpu.memref_slice %arg10[%add3A_28, %dma_start3A, %dma_start3A_50] : memref<64x8x128xf32, #tpu.memory_space<hbm>> -> memref<1x8x128xf32, #tpu.memory_space<hbm>>
      %dma_start3A_52 = tpu.memref_squeeze %dma_start3A_51 : memref<1x8x128xf32, #tpu.memory_space<hbm>> -> memref<8x128xf32, #tpu.memory_space<hbm>>
      %dma_start3A_53 = arith.constant 0 : i32
      %dma_start3A_54 = arith.constant 0 : i32
      %dma_start3A_55 = tpu.memref_slice %arg10[%add3A_28, %dma_start3A_53, %dma_start3A_54] : memref<64x8x128xf32, #tpu.memory_space<hbm>> -> memref<1x8x128xf32, #tpu.memory_space<hbm>>
      %dma_start3A_56 = tpu.memref_squeeze %dma_start3A_55 : memref<1x8x128xf32, #tpu.memory_space<hbm>> -> memref<8x128xf32, #tpu.memory_space<hbm>>
      tpu.enqueue_dma source(%arg19 : memref<8x128xf32, #tpu.memory_space<vmem>>) target(%dma_start3A_56 : memref<8x128xf32, #tpu.memory_space<hbm>>) target_semaphore(%run_scoped3A : memref<!tpu.dma_semaphore, #tpu.memory_space<semaphore_mem>>)
      %dma_wait3A = arith.constant 0 : i32
      %dma_wait3A_57 = arith.constant 0 : i32
      %dma_wait3A_58 = tpu.memref_slice %arg10[%add3A_28, %dma_wait3A, %dma_wait3A_57] : memref<64x8x128xf32, #tpu.memory_space<hbm>> -> memref<1x8x128xf32, #tpu.memory_space<hbm>>
      %dma_wait3A_59 = tpu.memref_squeeze %dma_wait3A_58 : memref<1x8x128xf32, #tpu.memory_space<hbm>> -> memref<8x128xf32, #tpu.memory_space<hbm>>
      %dma_wait3A_60 = arith.constant 0 : i32
      %dma_wait3A_61 = arith.constant 0 : i32
      %dma_wait3A_62 = tpu.memref_slice %arg10[%add3A_28, %dma_wait3A_60, %dma_wait3A_61] : memref<64x8x128xf32, #tpu.memory_space<hbm>> -> memref<1x8x128xf32, #tpu.memory_space<hbm>>
      %dma_wait3A_63 = tpu.memref_squeeze %dma_wait3A_62 : memref<1x8x128xf32, #tpu.memory_space<hbm>> -> memref<8x128xf32, #tpu.memory_space<hbm>>
      tpu.wait_dma2 semaphore(%run_scoped3A : memref<!tpu.dma_semaphore, #tpu.memory_space<semaphore_mem>>) src(%arg19 : memref<8x128xf32, #tpu.memory_space<vmem>>) dst(%dma_wait3A_63 : memref<8x128xf32, #tpu.memory_space<hbm>>)
      tpu.yield
    }) : () -> ()
    "tpu.region"() ({
      %run_scoped3A = tpu.sem_alloc : memref<!tpu.dma_semaphore, #tpu.memory_space<semaphore_mem>>
      %dma_start3A = arith.constant 0 : i32
      %dma_start3A_50 = arith.constant 0 : i32
      %dma_start3A_51 = tpu.memref_slice %arg8[%add3A_28, %dma_start3A, %dma_start3A_50] : memref<64x28x128xf32, #tpu.memory_space<hbm>> -> memref<1x28x128xf32, #tpu.memory_space<hbm>>
      %dma_start3A_52 = tpu.memref_squeeze %dma_start3A_51 : memref<1x28x128xf32, #tpu.memory_space<hbm>> -> memref<28x128xf32, #tpu.memory_space<hbm>>
      %dma_start3A_53 = arith.constant 0 : i32
      %dma_start3A_54 = arith.constant 0 : i32
      %dma_start3A_55 = tpu.memref_slice %arg8[%add3A_28, %dma_start3A_53, %dma_start3A_54] : memref<64x28x128xf32, #tpu.memory_space<hbm>> -> memref<1x28x128xf32, #tpu.memory_space<hbm>>
      %dma_start3A_56 = tpu.memref_squeeze %dma_start3A_55 : memref<1x28x128xf32, #tpu.memory_space<hbm>> -> memref<28x128xf32, #tpu.memory_space<hbm>>
      tpu.enqueue_dma source(%arg17 : memref<28x128xf32, #tpu.memory_space<vmem>>) target(%dma_start3A_56 : memref<28x128xf32, #tpu.memory_space<hbm>>) target_semaphore(%run_scoped3A : memref<!tpu.dma_semaphore, #tpu.memory_space<semaphore_mem>>)
      %dma_wait3A = arith.constant 0 : i32
      %dma_wait3A_57 = arith.constant 0 : i32
      %dma_wait3A_58 = tpu.memref_slice %arg8[%add3A_28, %dma_wait3A, %dma_wait3A_57] : memref<64x28x128xf32, #tpu.memory_space<hbm>> -> memref<1x28x128xf32, #tpu.memory_space<hbm>>
      %dma_wait3A_59 = tpu.memref_squeeze %dma_wait3A_58 : memref<1x28x128xf32, #tpu.memory_space<hbm>> -> memref<28x128xf32, #tpu.memory_space<hbm>>
      %dma_wait3A_60 = arith.constant 0 : i32
      %dma_wait3A_61 = arith.constant 0 : i32
      %dma_wait3A_62 = tpu.memref_slice %arg8[%add3A_28, %dma_wait3A_60, %dma_wait3A_61] : memref<64x28x128xf32, #tpu.memory_space<hbm>> -> memref<1x28x128xf32, #tpu.memory_space<hbm>>
      %dma_wait3A_63 = tpu.memref_squeeze %dma_wait3A_62 : memref<1x28x128xf32, #tpu.memory_space<hbm>> -> memref<28x128xf32, #tpu.memory_space<hbm>>
      tpu.wait_dma2 semaphore(%run_scoped3A : memref<!tpu.dma_semaphore, #tpu.memory_space<semaphore_mem>>) src(%arg17 : memref<28x128xf32, #tpu.memory_space<vmem>>) dst(%dma_wait3A_63 : memref<28x128xf32, #tpu.memory_space<hbm>>)
      tpu.yield
    }) : () -> ()
    return
  }
}

module attributes {stable_mosaic.version = 14 : i64} {
  func.func @_tc_body(%arg0: memref<64x8192xf32, #tpu.memory_space<vmem>>, %arg1: memref<64x8192xi32, #tpu.memory_space<vmem>>, %arg2: memref<64x8192xf32, #tpu.memory_space<vmem>>) attributes {dimension_semantics = [], scalar_prefetch = 0 : i64, scratch_operands = 0 : i64, tpu.core_type = #tpu.core_type<tc>} {
    %get3A = arith.constant 0 : index
    %get3A_0 = arith.constant 0 : index
    %get3A_1 = vector.load %arg0[%get3A, %get3A_0] : memref<64x8192xf32, #tpu.memory_space<vmem>>, vector<64x8192xf32>
    %get3A_2 = arith.constant 0 : index
    %get3A_3 = arith.constant 0 : index
    %get3A_4 = vector.load %arg1[%get3A_2, %get3A_3] : memref<64x8192xi32, #tpu.memory_space<vmem>>, vector<64x8192xi32>
    %gt3A = arith.constant 5.000000e-01 : f32
    %gt3A_5 = vector.broadcast %gt3A : f32 to vector<64x8192xf32>
    %gt3A_6 = arith.cmpf ogt, %get3A_1, %gt3A_5 : vector<64x8192xf32>
    %jit3A = arith.constant 1 : i32
    %jit3A_7 = arith.constant 0 : i32
    %broadcast_in_dim3A = vector.broadcast %jit3A : i32 to vector<64x8192xi32>
    %broadcast_in_dim3A_8 = vector.broadcast %jit3A_7 : i32 to vector<64x8192xi32>
    %select_n3A = arith.select %gt3A_6, %broadcast_in_dim3A, %broadcast_in_dim3A_8 : vector<64x8192xi1>, vector<64x8192xi32>
    %iota3A = tpu.iota {dimensions = array<i32: 1>} : vector<64x8192xi32>
    %broadcast_in_dim3A_9 = arith.constant 0 : i32
    %broadcast_in_dim3A_10 = vector.broadcast %broadcast_in_dim3A_9 : i32 to vector<64x8192xi32>
    %broadcast_in_dim3A_11 = arith.constant 0 : i32
    %broadcast_in_dim3A_12 = vector.broadcast %broadcast_in_dim3A_11 : i32 to vector<64x8192xi32>
    %scan3A = arith.constant 0 : i32
    %scan3A_13 = arith.constant 10 : i32
    %scan3A_14 = arith.addi %scan3A, %scan3A_13 : i32
    %scan3A_15 = arith.constant 1 : i32
    %scan3A_16:3 = scf.for %scan3A_44 = %scan3A to %scan3A_14 step %scan3A_15 iter_args(%scan3A_45 = %select_n3A, %scan3A_46 = %broadcast_in_dim3A_10, %scan3A_47 = %broadcast_in_dim3A_12) -> (vector<64x8192xi32>, vector<64x8192xi32>, vector<64x8192xi32>)  : i32 {
      %convert_element_type3A_48 = arith.sitofp %scan3A_45 : vector<64x8192xi32> to vector<64x8192xf32>
      %mul3A_49 = arith.mulf %get3A_1, %convert_element_type3A_48 : vector<64x8192xf32>
      %sub3A_50 = arith.constant 1.000000e+00 : f32
      %sub3A_51 = vector.broadcast %sub3A_50 : f32 to vector<64x8192xf32>
      %sub3A_52 = arith.subf %convert_element_type3A_48, %sub3A_51 : vector<64x8192xf32>
      %add3A = arith.addf %mul3A_49, %sub3A_52 : vector<64x8192xf32>
      %reduce_max3A = arith.constant dense<0xFF800000> : vector<64xf32>
      %reduce_max3A_53 = vector.multi_reduction <maximumf>, %add3A, %reduce_max3A [1] : vector<64x8192xf32> to vector<64xf32>
      %broadcast_in_dim3A_54 = vector.shape_cast %reduce_max3A_53 : vector<64xf32> to vector<64x1xf32>
      %eq3A = vector.broadcast %broadcast_in_dim3A_54 : vector<64x1xf32> to vector<64x8192xf32>
      %eq3A_55 = arith.cmpf oeq, %get3A_1, %eq3A : vector<64x8192xf32>
      %jit3A_56 = arith.constant 1 : i32
      %jit3A_57 = arith.constant 0 : i32
      %broadcast_in_dim3A_58 = vector.broadcast %jit3A_56 : i32 to vector<64x8192xi32>
      %broadcast_in_dim3A_59 = vector.broadcast %jit3A_57 : i32 to vector<64x8192xi32>
      %select_n3A_60 = arith.select %eq3A_55, %broadcast_in_dim3A_58, %broadcast_in_dim3A_59 : vector<64x8192xi1>, vector<64x8192xi32>
      %mul3A_61 = arith.muli %scan3A_45, %select_n3A_60 : vector<64x8192xi32>
      %mul3A_62 = arith.muli %mul3A_61, %iota3A : vector<64x8192xi32>
      %sub3A_63 = arith.constant 1 : i32
      %sub3A_64 = vector.broadcast %sub3A_63 : i32 to vector<64x8192xi32>
      %sub3A_65 = arith.subi %mul3A_61, %sub3A_64 : vector<64x8192xi32>
      %add3A_66 = arith.addi %mul3A_62, %sub3A_65 : vector<64x8192xi32>
      %reduce_max3A_67 = arith.constant dense<-2147483648> : vector<64xi32>
      %reduce_max3A_68 = vector.multi_reduction <maxsi>, %add3A_66, %reduce_max3A_67 [1] : vector<64x8192xi32> to vector<64xi32>
      %broadcast_in_dim3A_69 = vector.shape_cast %reduce_max3A_68 : vector<64xi32> to vector<64x1xi32>
      %eq3A_70 = vector.broadcast %broadcast_in_dim3A_69 : vector<64x1xi32> to vector<64x8192xi32>
      %eq3A_71 = arith.cmpi eq, %iota3A, %eq3A_70 : vector<64x8192xi32>
      %jit3A_72 = arith.constant 1 : i32
      %jit3A_73 = arith.constant 0 : i32
      %broadcast_in_dim3A_74 = vector.broadcast %jit3A_72 : i32 to vector<64x8192xi32>
      %broadcast_in_dim3A_75 = vector.broadcast %jit3A_73 : i32 to vector<64x8192xi32>
      %select_n3A_76 = arith.select %eq3A_71, %broadcast_in_dim3A_74, %broadcast_in_dim3A_75 : vector<64x8192xi1>, vector<64x8192xi32>
      %mul3A_77 = arith.muli %scan3A_45, %select_n3A_76 : vector<64x8192xi32>
      %mul3A_78 = arith.muli %mul3A_77, %get3A_4 : vector<64x8192xi32>
      %sub3A_79 = arith.constant 1 : i32
      %sub3A_80 = vector.broadcast %sub3A_79 : i32 to vector<64x8192xi32>
      %sub3A_81 = arith.subi %mul3A_77, %sub3A_80 : vector<64x8192xi32>
      %add3A_82 = arith.addi %mul3A_78, %sub3A_81 : vector<64x8192xi32>
      %reduce_max3A_83 = arith.constant dense<-2147483648> : vector<64xi32>
      %reduce_max3A_84 = vector.multi_reduction <maxsi>, %add3A_82, %reduce_max3A_83 [1] : vector<64x8192xi32> to vector<64xi32>
      %broadcast_in_dim3A_85 = vector.shape_cast %reduce_max3A_84 : vector<64xi32> to vector<64x1xi32>
      %ge3A = arith.constant 0 : i32
      %ge3A_86 = vector.broadcast %ge3A : i32 to vector<64x1xi32>
      %ge3A_87 = arith.cmpi sge, %broadcast_in_dim3A_69, %ge3A_86 : vector<64x1xi32>
      %jit3A_88 = arith.constant 1 : i32
      %jit3A_89 = arith.constant 0 : i32
      %broadcast_in_dim3A_90 = vector.broadcast %jit3A_88 : i32 to vector<64x1xi32>
      %broadcast_in_dim3A_91 = vector.broadcast %jit3A_89 : i32 to vector<64x1xi32>
      %select_n3A_92 = arith.select %ge3A_87, %broadcast_in_dim3A_90, %broadcast_in_dim3A_91 : vector<64x1xi1>, vector<64x1xi32>
      %lt3A_93 = vector.broadcast %broadcast_in_dim3A_85 : vector<64x1xi32> to vector<64x8192xi32>
      %lt3A_94 = arith.cmpi slt, %lt3A_93, %get3A_4 : vector<64x8192xi32>
      %jit3A_95 = arith.constant 1 : i32
      %jit3A_96 = arith.constant 0 : i32
      %broadcast_in_dim3A_97 = vector.broadcast %jit3A_95 : i32 to vector<64x8192xi32>
      %broadcast_in_dim3A_98 = vector.broadcast %jit3A_96 : i32 to vector<64x8192xi32>
      %select_n3A_99 = arith.select %lt3A_94, %broadcast_in_dim3A_97, %broadcast_in_dim3A_98 : vector<64x8192xi1>, vector<64x8192xi32>
      %mul3A_100 = vector.broadcast %select_n3A_92 : vector<64x1xi32> to vector<64x8192xi32>
      %mul3A_101 = arith.muli %mul3A_100, %select_n3A_99 : vector<64x8192xi32>
      %add3A_102 = arith.addi %scan3A_47, %mul3A_101 : vector<64x8192xi32>
      %max3A = arith.maxsi %scan3A_46, %mul3A_77 : vector<64x8192xi32>
      %sub3A_103 = arith.constant 1 : i32
      %sub3A_104 = vector.broadcast %sub3A_103 : i32 to vector<64x8192xi32>
      %sub3A_105 = arith.subi %sub3A_104, %mul3A_77 : vector<64x8192xi32>
      %mul3A_106 = arith.muli %scan3A_45, %sub3A_105 : vector<64x8192xi32>
      scf.yield %mul3A_106, %max3A, %add3A_102 : vector<64x8192xi32>, vector<64x8192xi32>, vector<64x8192xi32>
    }
    %reduce_sum3A = arith.constant dense<0> : vector<64xi32>
    %reduce_sum3A_17 = vector.multi_reduction <add>, %scan3A_16#1, %reduce_sum3A [1] : vector<64x8192xi32> to vector<64xi32>
    %broadcast_in_dim3A_18 = vector.shape_cast %reduce_sum3A_17 : vector<64xi32> to vector<64x1xi32>
    %sub3A = arith.constant 829 : i32
    %sub3A_19 = vector.broadcast %sub3A : i32 to vector<64x1xi32>
    %sub3A_20 = arith.subi %sub3A_19, %broadcast_in_dim3A_18 : vector<64x1xi32>
    %sub3A_21 = arith.constant 1 : i32
    %sub3A_22 = vector.broadcast %sub3A_21 : i32 to vector<64x8192xi32>
    %sub3A_23 = arith.subi %sub3A_22, %scan3A_16#1 : vector<64x8192xi32>
    %sub3A_24 = arith.subi %get3A_4, %scan3A_16#2 : vector<64x8192xi32>
    %lt3A = vector.broadcast %sub3A_20 : vector<64x1xi32> to vector<64x8192xi32>
    %lt3A_25 = arith.cmpi slt, %sub3A_24, %lt3A : vector<64x8192xi32>
    %jit3A_26 = arith.constant 1 : i32
    %jit3A_27 = arith.constant 0 : i32
    %broadcast_in_dim3A_28 = vector.broadcast %jit3A_26 : i32 to vector<64x8192xi32>
    %broadcast_in_dim3A_29 = vector.broadcast %jit3A_27 : i32 to vector<64x8192xi32>
    %select_n3A_30 = arith.select %lt3A_25, %broadcast_in_dim3A_28, %broadcast_in_dim3A_29 : vector<64x8192xi1>, vector<64x8192xi32>
    %mul3A = arith.muli %sub3A_23, %select_n3A_30 : vector<64x8192xi32>
    %convert_element_type3A = arith.sitofp %scan3A_16#1 : vector<64x8192xi32> to vector<64x8192xf32>
    %convert_element_type3A_31 = arith.sitofp %mul3A : vector<64x8192xi32> to vector<64x8192xf32>
    %gt3A_32 = arith.constant 1.000000e-03 : f32
    %gt3A_33 = vector.broadcast %gt3A_32 : f32 to vector<64x8192xf32>
    %gt3A_34 = arith.cmpf ogt, %get3A_1, %gt3A_33 : vector<64x8192xf32>
    %jit3A_35 = arith.constant 1.000000e+00 : f32
    %jit3A_36 = arith.constant 2.000000e+00 : f32
    %broadcast_in_dim3A_37 = vector.broadcast %jit3A_35 : f32 to vector<64x8192xf32>
    %broadcast_in_dim3A_38 = vector.broadcast %jit3A_36 : f32 to vector<64x8192xf32>
    %select_n3A_39 = arith.select %gt3A_34, %broadcast_in_dim3A_37, %broadcast_in_dim3A_38 : vector<64x8192xi1>, vector<64x8192xf32>
    %mul3A_40 = arith.mulf %convert_element_type3A_31, %select_n3A_39 : vector<64x8192xf32>
    %sub3A_41 = arith.subf %convert_element_type3A, %mul3A_40 : vector<64x8192xf32>
    %swap3A = arith.constant 0 : index
    %swap3A_42 = arith.constant 0 : index
    %swap3A_43 = vector.load %arg2[%swap3A, %swap3A_42] : memref<64x8192xf32, #tpu.memory_space<vmem>>, vector<64x8192xf32>
    tpu.vector_store %arg2[%swap3A, %swap3A_42], %sub3A_41 {strides = array<i32>} : memref<64x8192xf32, #tpu.memory_space<vmem>>, vector<64x8192xf32>,
    return
  }
}

</mosaic_0001>

<sc_bundles>
// kernel: kernel.5.cloned.1.call-start
scs
__scs_entry_jumppad:
0x0: {  	(pc) =	sbr.rel $0x88, $3  }
0x1: {  	(tag) =	ssettag $0x0;
	lr =	simm.s32 $0x1  }
0x2: {  	[smem:$0x3F9B] =	sst lr;
	_ =	strace $0xD0000000  }
0x3: {  	_ = 	snop  }
0x4: {  	_ = 	snop  }
0x5: {  	_ = 	snop  }
0x6: {  	_ = 	snop  }
0x7: {  	_ = 	snop  }
__scs_overlays_trampoline_lowered:
0x8: {  	[smem:$0x3FAA] =	sst s0  }
0x9: {  	[smem:$0x3FAB] =	sst s1  }
0xa: {  	[smem:$0x3FAC] =	sst s2  }
0xb: {  	[smem:$0x3FAD] =	sst s3  }
0xc: {  	[smem:$0x3FAE] =	sst s4  }
0xd: {  	[smem:$0x3FAF] =	sst s5  }
0xe: {  	[smem:$0x3FB0] =	sst s6  }
0xf: {  	[smem:$0x3FB1] =	sst s7  }
0x10: {  	[smem:$0x3FB2] =	sst s8  }
0x11: {  	[smem:$0x3FB3] =	sst s9;
	s0 =	simm.s32 @!p0 $0x0  }
0x12: {  	s1 =	sld [smem:$0x3F99];
	s0 =	simm.s32 @p0 $0x1  }
0x13: {  	[smem:$0x3FB4] =	sst s0;
	s0 =	simm.s32 @!p1 $0x0  }
0x14: {  	s2 =	sld [smem:$0x3F98];
	s0 =	simm.s32 @p1 $0x1  }
0x15: {  	[smem:$0x3FB5] =	sst s0;
	s0 =	simm.s32 @!p2 $0x0  }
0x16: {  	s3 =	sld [smem:$0x3FDB];
	s0 =	simm.s32 @p2 $0x1  }
0x17: {  	s4 =	simm.s32 $0x1BF5;
	[smem:$0x3FB7] =	sst s0  }
0x18: {  	s0 =	sld [smem:$0x3F9A];
	_ =	swait.ge [sflag:s4], $0x0  }
0x19: {  	s7 =	sld [smem:$0x3F9B]  }
0x1a: {  	s8 =	sadd.s32 $0xFFFFE003, lr  }
0x1b: {  	s9 =	sadd.s32 $0xFFFFFEF7, lr;
	s5 =	simm.s32 $0xFFFFFFFF;
	p2 =	slt.u32 s8, $0xFFFFF086  }
0x1c: {  	p1 =	slt.u32 s9, $0xF7A;
	s5 =	simm.s32 @!p2 $0x0  }
0x1d: {  	s5 =	simm.s32 @p1 $0x1;
	p0 =	seq.s32 s7, s2  }
0x1e: {  	s7 =	smul.u32 @!p0 $0xF7A, s2;
	p2 =	seq.s32 @!p0 s5, $0x0  }
0x1f: {  	s9 =	smul.u32 $0xF7A, s1;
	s8 =	simm.s32 @!p0 $0x1BF5;
	p2 =	por !p2, p0  }
0x20: {  	[sflag:s8] =	ssyncset.s32 @!p0 $0xFFFFF086;
	s6 =	sadd.s32 @!p0 s3, s7;
	s7 =	simm.s32 @!p0 $0x108  }
0x21: {  	s3 =	sadd.s32 s3, s9;
	s6 =	sadd.s32 @!p0 $0x88, s6;
	s7 =	simm.s32 @p2 $0x1082  }
0x22: {  	[simem:s7], [sflag:s8] =	dma.local @!p0 [hbm:s6], $0xF7A  }
0x23: {  	s9 =	sor.u32 $0xD0000000, s2;
	s6 =	simm.s32 $0x108;
	_ =	swait.ge @!p0 [sflag:s8], $0x0  }
0x24: {  	s3 =	sadd.s32 $0x88, s3;
	s6 =	simm.s32 @!p1 $0x1082;
	[sflag:s4] =	ssyncset.s32 $0xFFFFF086  }
0x25: {  	[simem:s6], [sflag:s4] =	dma.local [hbm:s3], $0xF7A  }
0x26: {  	[smem:$0x3F9B] =	sst s1;
	(tag) =	ssettag s2;
	_ =	strace s9  }
0x27: {  	s1 =	sld [smem:$0x3FAB]  }
0x28: {  	s2 =	sld [smem:$0x3FAC]  }
0x29: {  	s4 =	sld [smem:$0x3FAE]  }
0x2a: {  	p0 =	seq.s32 s5, $0x0;
	s5 =	sld [smem:$0x3FAF]  }
0x2b: {  	s6 =	sld [smem:$0x3FB0]  }
0x2c: {  	s7 =	sld [smem:$0x3FB1]  }
0x2d: {  	s3 =	simm.s32 $0x108;
	s8 =	sld [smem:$0x3FB2]  }
0x2e: {  	s3 =	simm.s32 @!p0 $0x1082;
	s9 =	sld [smem:$0x3FB3]  }
0x2f: {  	lr =	sadd.s32 s0, s3;
	s0 =	sld [smem:$0x3FAA]  }
0x30: {  	s3 =	sld [smem:$0x3FAD]  }
0x31: {  	[smem:$0x3FB6] =	sst s10  }
0x32: {  	s10 =	sld [smem:$0x3FB4];
	_ =	sdelay $0x3  }
0x33: {  	p0 =	seq.s32 s10, $0x1;
	s10 =	sld [smem:$0x3FB6];
	_ =	sdelay $0x3  }
0x34: {  	[smem:$0x3FB6] =	sst s10  }
0x35: {  	s10 =	sld [smem:$0x3FB5];
	_ =	sdelay $0x3  }
0x36: {  	p1 =	seq.s32 s10, $0x1;
	s10 =	sld [smem:$0x3FB6];
	_ =	sdelay $0x3  }
0x37: {  	[smem:$0x3FB6] =	sst s10  }
0x38: {  	s10 =	sld [smem:$0x3FB7]  }
0x39: {  	_ = 	snop;
	(pc) =	sbr.ind lr, $3  }
0x3a: {  	_ = 	snop  }
0x3b: {  	_ = 	snop  }
0x3c: {  	p2 =	seq.s32 s10, $0x1;
	s10 =	sld [smem:$0x3FB6]  }
0x3d: {  	_ =	shalt  }
0x3e: {  	_ =	shalt  }
0x3f: {  	_ =	shalt  }
0x40: {  	_ =	shalt  }
0x41: {  	_ =	shalt  }
0x42: {  	_ =	shalt  }
0x43: {  	_ =	shalt  }
0x44: {  	_ =	shalt  }
0x45: {  	_ =	shalt  }
0x46: {  	_ =	shalt  }
0x47: {  	_ =	shalt  }
0x48: {  	_ =	shalt  }
0x49: {  	_ =	shalt  }
0x4a: {  	_ =	shalt  }
0x4b: {  	_ =	shalt  }
0x4c: {  	_ =	shalt  }
0x4d: {  	_ =	shalt  }
0x4e: {  	_ =	shalt  }
0x4f: {  	_ =	shalt  }
0x50: {  	_ =	shalt  }
0x51: {  	_ =	shalt  }
0x52: {  	_ =	shalt  }
0x53: {  	_ =	shalt  }
0x54: {  	_ =	shalt  }
0x55: {  	_ =	shalt  }
0x56: {  	_ =	shalt  }
0x57: {  	_ =	shalt  }
0x58: {  	_ =	shalt  }
0x59: {  	_ =	shalt  }
0x5a: {  	_ =	shalt  }
0x5b: {  	_ =	shalt  }
0x5c: {  	_ =	shalt  }
0x5d: {  	_ =	shalt  }
0x5e: {  	_ =	shalt  }
0x5f: {  	_ =	shalt  }
0x60: {  	_ =	shalt  }
0x61: {  	_ =	shalt  }
0x62: {  	_ =	shalt  }
0x63: {  	_ =	shalt  }
0x64: {  	_ =	shalt  }
0x65: {  	_ =	shalt  }
0x66: {  	_ =	shalt  }
0x67: {  	_ =	shalt  }
0x68: {  	_ =	shalt  }
0x69: {  	_ =	shalt  }
0x6a: {  	_ =	shalt  }
0x6b: {  	_ =	shalt  }
0x6c: {  	_ =	shalt  }
0x6d: {  	_ =	shalt  }
0x6e: {  	_ =	shalt  }
0x6f: {  	_ =	shalt  }
0x70: {  	_ =	shalt  }
0x71: {  	_ =	shalt  }
0x72: {  	_ =	shalt  }
0x73: {  	_ =	shalt  }
0x74: {  	_ =	shalt  }
0x75: {  	_ =	shalt  }
0x76: {  	_ =	shalt  }
0x77: {  	_ =	shalt  }
0x78: {  	_ =	shalt  }
0x79: {  	_ =	shalt  }
0x7a: {  	_ =	shalt  }
0x7b: {  	_ =	shalt  }
0x7c: {  	_ =	shalt  }
0x7d: {  	_ =	shalt  }
0x7e: {  	_ =	shalt  }
0x7f: {  	_ =	shalt  }
0x80: {  	_ =	shalt  }
0x81: {  	_ =	shalt  }
0x82: {  	_ =	shalt  }
0x83: {  	_ =	shalt  }
0x84: {  	_ =	shalt  }
0x85: {  	_ =	shalt  }
0x86: {  	_ =	shalt  }
0x87: {  	_ =	shalt  }
.Lfunc_end0:
.L_simem_size_0:
called_computation_lowered:
.L_overlay_start_0:
0x88: {  	s2 =	sld [smem:$0x3FD9]  }
0x89: {  	s3 =	sld [smem:$0x3FFE];
	_ =	sdelay $0x1  }
0x8a: {  	s1 =	srdreg.scid  }
0x8b: {  	s0 =	sand.u32 $0x1, s1  }
0x8c: {  	s14 =	sshll.u32 s0, $0xA;
	s2 =	sadd.s32 s3, s2  }
0x8d: {  	s2 =	sadd.s32 s2, s14  }
0x8e: {  	[smem:$0x3FC2] =	sst s2  }
0x8f: {  	_ = 	snop  }
0x90: {  	s2 =	sld [smem:$0x3FD0];
	_ =	sdelay $0x1  }
0x91: {  	s15 =	sld [smem:$0x3FC5]  }
0x92: {  	s5 =	simm.s32 $0xA;
	s6 =	simm.s32 $0x10;
	s4 =	sld [smem:$0x3FC4]  }
0x93: {  	[smem:s6], [sflag:s5] =	dma.local [hbm:s2], $0x1  }
0x94: {  	_ =	swait.eq [sflag:s5], $0x1  }
0x95: {  	[sflag:s5] =	ssyncset.done $0x0  }
0x96: {  	s16 =	sld [smem:$0x10];
	[sflag:s5] =	ssyncadd.s32 $0xFFFFFFFF  }
0x97: {  	s17 =	sld [smem:$0x12];
	(tm) =	ssettm $0x1  }
0x98: {  	s18 =	sld [smem:$0x3FFB];
	_ =	sdelay $0x3  }
0x99: {  	_ =	strace s18  }
0x9a: {  	s6 =	sld [smem:$0x3FFC];
	_ =	sdelay $0x3  }
0x9b: {  	_ =	strace s6  }
0x9c: {  	s6 =	sld [smem:$0x3FFD];
	_ =	sdelay $0x3  }
0x9d: {  	_ =	strace s6  }
0x9e: {  	_ =	strace $0x8FFFFFFF  }
0x9f: {  	s19 =	sld [smem:$0x3FDB];
	_ =	sdelay $0x1  }
0xa0: {  	s7 =	simm.s32 $_scs_section_size  }
0xa1: {  	s8 =	simm.s32 $_size__tile_overlayer_lowered;
	s9 =	simm.s32 $_tile_overlayer_lowered  }
0xa2: {  	s22 =	simm.s32 $0x1BFF;
	s21 =	sshll.u32 s9, $0x1;
	s6 =	sadd.s32 s7, s19  }
0xa3: {  	s10 =	simm.s32 $0x0;
	s20 =	sshll.u32 s8, $0x1;
	s8 =	sadd.s32 s21, s6  }
0xa4: {  	[timem:s10], [sflag:s22] =	dma.local [hbm:s8], s20  }
0xa5: {  	_ =	swait.ge [sflag:s22], s20  }
0xa6: {  	s7 =	ssub.s32 $0x0, s20;
	[sflag:s22] =	ssyncset.done $0x0  }
0xa7: {  	[sflag:s22] =	ssyncadd.s32 s7;
	_ =	sdelay $0x1  }
0xa8: {  	s23 =	simm.s32 $0x1B8B  }
0xa9: {  	_ =	swait.ge [sflag:s23], $0x1  }
0xaa: {  	[sflag:s23] =	ssyncset.done $0x0  }
0xab: {  	s25 =	simm.s32 $0x1B8E;
	s24 =	sld [smem:$0x3FFE];
	[sflag:s23] =	ssyncadd.s32 $0xFFFFFFFF  }
0xac: {  	s26 =	simm.s32 $execute0_lowered;
	[smem:$0x3FD2] =	sst s25  }
0xad: {  	s8 =	sshll.u32 s26, $0x1;
	_ =	strace $0x80000046;
	[dreg:$0x1] =	wrdreg $0xFFFFFFFF  }
0xae: {  	s28 =	simm.s32 $_size_execute0_lowered;
	s6 =	sadd.s32 s6, s8;
	[dreg:$0x0] =	wrdreg $0x0  }
0xaf: {  	s8 =	sshll.u32 s28, $0x1;
	[dreg:$0x2] =	wrdreg s6  }
0xb0: {  	[dreg:$0x3] =	wrdreg s8  }
0xb1: {  	[dreg:$0x4] =	wrdreg $0xC0  }
0xb2: {  	_ =	task [dreg:s10], $0x5FFFF  }
0xb3: {  	[dreg:$0x1] =	wrdreg $0xFFFFFFFF  }
0xb4: {  	[dreg:$0x0] =	wrdreg $0x60  }
0xb5: {  	[dreg:$0x2] =	wrdreg s24  }
0xb6: {  	[dreg:$0x3] =	wrdreg s17  }
0xb7: {  	[dreg:$0x4] =	wrdreg s15  }
0xb8: {  	[dreg:$0x5] =	wrdreg s4  }
0xb9: {  	[dreg:$0x6] =	wrdreg s16  }
0xba: {  	[dreg:$0x7] =	wrdreg $0x9  }
0xbb: {  	_ =	task.clear_ibuf [dreg:s10], $0x8FFFF;
	_ =	strace $0x90000046  }
0xbc: {  	s29 =	simm.s32 $0x9;
	_ =	strace $0x80000048  }
0xbd: {  	_ =	swait.ge [sflag:s29], $0x1  }
0xbe: {  	[sflag:s29] =	ssyncadd.s32 $0xFFFFFFFF  }
0xbf: {  	_ =	strace $0x90000048  }
0xc0: {  	_ =	sfence  }
0xc1: {  	s30 =	sld [smem:$0x0];
	_ =	sdelay $0x2  }
0xc2: {  	s31 =	sshll.u32 s1, $0xD;
	s1 =	sshrl.u32 s1, $0x2  }
0xc3: {  	s3 =	sand.u32 $0x4000, s31;
	s1 =	sadd.s32 s1, s30  }
0xc4: {  	s0 =	sor.u32 s3, s0;
	s1 =	sshll.u32 s1, $0x11  }
0xc5: {  	s0 =	sor.u32 s1, s0  }
0xc6: {  	s0 =	sadd.s32 $0x8F2B, s0  }
0xc7: {  	[sflag:s0] =	ssyncadd.remote.s32 $0x1  }
0xc8: {  	_ =	sfence.sel $0xFFFF  }
0xc9: {  	[dreg:$0x0] =	wrdreg $0xFFFFFFFF;
	(pc) =	sbr.abs _section_cstart, $3  }
0xca: {  	[dreg:$0x1] =	wrdreg $0xFFFFFFFF  }
0xcb: {  	_ =	task.clear_ibuf [dreg:s10], $0x2FFFF;
	_ =	strace $0x9FFFFFFF  }
0xcc: {  	(tm) =	ssettm $0x7FFFFFFF  }
0xcd: {  	_ =	shalt  }
tec
execute0_lowered:
.L_overlay_start_1:
0x0: {  	(tag) =	ssettag $0x1  }
0x1: {  	s0 =	rddreg [dreg:$0x0]  }
0x2: {  	s2 =	rddreg [dreg:$0x1]  }
0x3: {  	s3 =	rddreg [dreg:$0x2]  }
0x4: {  	s4 =	rddreg [dreg:$0x3]  }
0x5: {  	s5 =	rddreg [dreg:$0x4];
	s1 =	simm.s32 $0x0;
	s9 =	srdreg.scid  }
0x6: {  	s11 =	stileid.u32;
	s28 =	simm.s32 $0x2000;
	s29 =	simm.s32 $0x2400  }
0x7: {  	s30 =	simm.s32 $0xF800;
	s31 =	simm.s32 $0xFC00;
	s9 =	sand.u32 $0x1, s9  }
0x8: {  	s11 =	sshll.u32 s11, $0x2;
	s10 =	ssub.s32 $0x2, s9;
	s9 =	sshll.u32 s9, $0x1  }
0x9: {  	[smem:$0x7FF] =	sst s1;
	s6 =	sadd.s32 $0x1600, s0;
	s9 =	sor.u32 s9, s11  }
0xa: {  	s7 =	sadd.s32 $0x1B600, s0;
	s8 =	sadd.s32 $0x1D600, s0;
	s15 =	sshll.u32 s9, $0xA  }
0xb: {  	_ =	strace $0x80000047;
	s11 =	sshll.u32 s9, $0xC;
	s16 =	sadd.s32 s6, s15  }
0xc: {  	s12 =	sshrl.u32 s10, $0x1;
	s11 =	sadd.s32 s2, s11;
	[dreg:$0x6] =	wrdreg s16  }
0xd: {  	s21 =	ssub.s32 s10, s12;
	s18 =	sadd.s32 s3, s15;
	[dreg:$0x7] =	wrdreg s11  }
0xe: {  	s17 =	sshll.u32 s9, $0x7;
	s10 =	sadd.s32 s4, s15;
	[dreg:$0x8] =	wrdreg s18  }
0xf: {  	s20 =	sadd.s32 $0x13600, s0;
	s19 =	sadd.s32 s7, s17;
	[dreg:$0x9] =	wrdreg s10  }
0x10: {  	s0 =	sadd.s32 $0x11600, s0;
	s22 =	sadd.s32 s8, s17;
	[dreg:$0xa] =	wrdreg s19  }
0x11: {  	s23 =	sadd.s32 s5, s17;
	s21 =	smax.u32 s21, $0x1;
	[dreg:$0xb] =	wrdreg s22  }
0x12: {  	[dreg:$0xc] =	wrdreg s23;
	s22 =	sor.u32 $0x1, s9;
	s10 =	sadd.s32 s0, s17  }
0x13: {  	s9 =	sshll.u32 s9, $0x9;
	s23 =	simm.s32 $0x2800;
	s15 =	sshll.u32 s22, $0xA  }
0x14: {  	s11 =	sadd.s32 s20, s9;
	s24 =	sshll.u32 s22, $0xC;
	s25 =	sshll.u32 s22, $0x7  }
0x15: {  	s26 =	sshll.u32 s22, $0x9;
	s22 =	simm.s32 $0x1;
	s12 =	sadd.s32 s6, s15  }
0x16: {  	s13 =	sadd.s32 s2, s24;
	s14 =	sadd.s32 s3, s15;
	s15 =	sadd.s32 s4, s15  }
0x17: {  	s16 =	sadd.s32 s7, s25;
	s17 =	sadd.s32 s8, s25;
	s18 =	sadd.s32 s5, s25  }
0x18: {  	v0 =	vimm.s32 $0x1FFF;
	v1 =	vlaneseq.u32;
	s19 =	sadd.s32 s0, s25;
	s20 =	sadd.s32 s20, s26;
	s24 =	simm.s32 $0xA800  }
0x19: {  	v2 =	vimm.s32 $0x0;
	v3 =	vimm.f32 $-1.000000000e+00;
	v4 =	vmul.u32 $0x4, v1;
	s25 =	simm.s32 $0xC800;
	s26 =	simm.s32 $0xE800;
	s0 =	simm.s32 $0x0  }
.LBB2_1:
0x1a: {  	s2 =	rddreg [dreg:$0x6]  }
0x1b: {  	[tilespmem:s1], [sflag:$0x1] =	stream.linear.gather [hbm4b:s2+s1], $0x2000, $0x38;
	[tilespmem:$0x10000] =	vst v63  }
0x1c: {  	_ =	swait.ge [sflag:s22], $0x2000  }
0x1d: {  	[sflag:s22] =	ssyncset.done $0x0  }
0x1e: {  	s7 =	rddreg [dreg:$0x7];
	[sflag:s22] =	ssyncadd.s32 $0xFFFFE000  }
0x1f: {  	[tilespmem:s23], [sflag:$0x1] =	stream.linear.gather [hbm4b:s7+s1], $0x8000, $0x38;
	[tilespmem:$0x10000] =	vst v63  }
0x20: {  	_ =	swait.ge [sflag:s22], $0x8000  }
0x21: {  	[sflag:s22] =	ssyncset.done $0x0  }
0x22: {  	s8 =	rddreg [dreg:$0x8];
	[sflag:s22] =	ssyncadd.s32 $0xFFFF8000  }
0x23: {  	[tilespmem:s24], [sflag:$0x1] =	stream.linear.gather [hbm4b:s8+s1], $0x2000, $0x38;
	[tilespmem:$0x10000] =	vst v63  }
0x24: {  	_ =	swait.ge [sflag:s22], $0x2000  }
0x25: {  	[sflag:s22] =	ssyncset.done $0x0  }
0x26: {  	s9 =	rddreg [dreg:$0x9];
	[sflag:s22] =	ssyncadd.s32 $0xFFFFE000  }
0x27: {  	[tilespmem:s25], [sflag:$0x1] =	stream.linear.gather [hbm4b:s9+s1], $0x2000, $0x38;
	[tilespmem:$0x10000] =	vst v63  }
0x28: {  	_ =	swait.ge [sflag:s22], $0x2000  }
0x29: {  	[sflag:s22] =	ssyncset.done $0x0  }
0x2a: {  	s3 =	sand.u32 $0x3F0, s1;
	s2 =	simm.s32 $0x10;
	[sflag:s22] =	ssyncadd.s32 $0xFFFFE000  }
.LBB2_2:
0x2b: {  	p0 =	sne.s32 s2, $0x3F0;
	[tilespmem:s3+$0x2000] =	vst v0;
	s3 =	smov.u32 s2;
	s2 =	sadd.s32 $0x10, s2  }
.Ltmp0:
0x2c: {  	(pc) =	sbr.rel @p0 .LBB2_2-.Ltmp0, $2  }
0x2d: {  	_ =	sdelay $0x2  }
0x2e: {  	s3 =	sand.u32 $0x3F0, s3  }
0x2f: {  	s6 =	simm.s32 $0x0  }
0x30: {  	[tilespmem:s3+$0x2000] =	vst v0;
	s2 =	sand.u32 $0x1FF0, s6  }
0x31: {  	v5 =	vld [tilespmem:s2+$0x0];
	_ =	sdelay $0x4  }
0x32: {  	vm0 =	vlt.f32 v5, $0.0e+00;
	vm1 =	vgt.f32 v5, $0.0e+00  }
0x33: {  	vm0 =	vmor vm1, vm0  }
0x34: {  	v6 =	vsel vm0, $0x1, v2  }
0x35: {  	(xrf0) =	vadd.scan.msk.s32 $0xffff, v6;
	_ =	sdelay $0x5  }
0x36: {  	v7, _, _ =	vpop (xrf0)  }
0x37: {  	v6 =	vmov s6;
	v8 =	vxor.u32 $0x80000000, v7  }
0x38: {  	v6 =	vadd.s32 $0xFFFFFFFF, v6;
	(xrf0) =	vmax.scan.msk.u32 $0xffff, v8  }
0x39: {  	v6 =	vbroadcast v6, $0x0;
	_ =	sdelay $0x1  }
0x3a: {  	v6 =	vadd.s32 v7, v6;
	_ =	sdelay $0x2  }
0x3b: {  	v8, _, _ =	vpop (xrf0)  }
0x3c: {  	s4 =	simm.s32 $0x2000;
	v7 =	vor.u32 s6, v1;
	(v2sf) =	vpush v8, $0xF  }
0x3d: {  	s7 =	simm.s32 $0x2400;
	s8 =	simm.s32 $0x20;
	s2 =	simm.s32 $0x10;
	[tilespmem:v6+s4+$0x0] =	vst.idx.msk vm0, v7  }
0x3e: {  	s5 =	simm.s32 $0x0;
	s3 =	simm.s32 $0x10;
	s9 =	sand.u32 $0x1FF0, s2;
	[tilespmem:v6+s7+$0x0] =	vst.idx.msk vm0, v5  }
.LBB2_4:
0x3f: {  	p0 =	sne.s32 s8, $0x1FF0;
	v5 =	vld [tilespmem:s9+$0x0];
	_ =	sdelay $0x4  }
0x40: {  	vm0 =	vlt.f32 v5, $0.0e+00;
	vm1 =	vgt.f32 v5, $0.0e+00  }
0x41: {  	vm0 =	vmor vm1, vm0  }
0x42: {  	v6 =	vsel vm0, $0x1, v2  }
0x43: {  	(xrf0) =	vadd.scan.msk.s32 $0xffff, v6;
	_ =	sdelay $0x3  }
0x44: {  	s9 =	spop (v2sf)  }
0x45: {  	s5 =	sadd.s32 s9, s5  }
0x46: {  	v6, _, _ =	vpop (xrf0);
	s5 =	sadd.s32 $0x80000000, s5  }
0x47: {  	v7 =	vmov s5;
	v8 =	vxor.u32 $0x80000000, v6  }
0x48: {  	v7 =	vadd.s32 $0xFFFFFFFF, v7;
	(xrf0) =	vmax.scan.msk.u32 $0xffff, v8  }
0x49: {  	v7 =	vbroadcast v7, $0x0;
	_ =	sdelay $0x1  }
0x4a: {  	v6 =	vadd.s32 v6, v7;
	_ =	sdelay $0x1  }
.Ltmp1:
0x4b: {  	(pc) =	sbr.rel @p0 .LBB2_4-.Ltmp1, $4  }
0x4c: {  	v7, _, _ =	vpop (xrf0)  }
0x4d: {  	v8 =	vor.u32 s3, v1;
	s3 =	smov.u32 s8;
	(v2sf) =	vpush v7, $0xF  }
0x4e: {  	[tilespmem:v6+s4+$0x0] =	vst.idx.msk vm0, v8  }
0x4f: {  	s8 =	sadd.s32 $0x10, s8;
	s9 =	sand.u32 $0x1FF0, s3;
	[tilespmem:v6+s7+$0x0] =	vst.idx.msk vm0, v5  }
0x50: {  	_ =	sdelay $0x3  }
0x51: {  	v5 =	vld [tilespmem:s9+$0x0];
	_ =	sdelay $0x4  }
0x52: {  	vm0 =	vlt.f32 v5, $0.0e+00;
	vm1 =	vgt.f32 v5, $0.0e+00  }
0x53: {  	vm0 =	vmor vm1, vm0  }
0x54: {  	v6 =	vsel vm0, $0x1, v2  }
0x55: {  	(xrf0) =	vadd.scan.msk.s32 $0xffff, v6;
	s4 =	spop (v2sf)  }
0x56: {  	s4 =	sadd.s32 s4, s5  }
0x57: {  	s4 =	sadd.s32 $0x80000000, s4  }
0x58: {  	v6 =	vmov s4  }
0x59: {  	v6 =	vadd.s32 $0xFFFFFFFF, v6  }
0x5a: {  	v6 =	vbroadcast v6, $0x0  }
0x5b: {  	v7, _, _ =	vpop (xrf0)  }
0x5c: {  	v6 =	vadd.s32 v7, v6;
	_ =	sdelay $0x3  }
0x5d: {  	v8 =	vor.u32 s3, v1;
	s3 =	simm.s32 $0x2000  }
0x5e: {  	s4 =	simm.s32 $0x2400;
	[tilespmem:v6+s3+$0x0] =	vst.idx.msk vm0, v8  }
0x5f: {  	[tilespmem:v6+s4+$0x0] =	vst.idx.msk vm0, v5  }
0x60: {  	v5 =	vld [tilespmem:s3+$0x0]  }
0x61: {  	v6 =	vld [tilespmem:s4+$0x0];
	_ =	sdelay $0x4  }
0x62: {  	vm14 =	vgt.f32 v6, $0.0e+00  }
0x63: {  	s5 =	simm.s32 $0xF800;
	v8 =	vsel vm14, $0x3F800000, v3  }
0x64: {  	[tilespmem:s5+$0x0] =	vst v8  }
0x65: {  	v8 =	vld.idx.msk [tilespmem:v5+s24+$0x0], $0xffff  }
0x66: {  	v9 =	vld.idx.msk [tilespmem:v5+s25+$0x0], $0xffff;
	_ =	sdelay $0x3  }
0x67: {  	v7 =	vxor.u32 $0x80000000, v7;
	v5 =	vshll.u32 v5, $0x2  }
0x68: {  	(xrf0) =	vmax.scan.msk.u32 $0xffff, v7;
	v7 =	vadd.f32 v9, v8  }
0x69: {  	vm15 =	vgt.f32 v6, $-1.500000000e+00  }
0x6a: {  	s7 =	simm.s32 $0xFC00;
	v6 =	vnsel vm15, $0x3F800000, v7;
	v7 =	vmov s6  }
0x6b: {  	[tilespmem:s7+$0x0] =	vst v6;
	v6 =	vshll.u32 v7, $0x2  }
0x6c: {  	v6 =	vor.u32 v4, v6;
	v7 =	vld.idx.msk [tilespmem:v5+s23+$0x0], $0xffff  }
0x6d: {  	v8 =	vor.u32 $0x1, v5;
	_ =	sdelay $0x3  }
0x6e: {  	v62, _, _ =	vpop (xrf0);
	[tilespmem:v6+s26+$0x0] =	vst.idx.msk $0xffff, v7  }
0x6f: {  	(v2sf) =	vpush v62, $0xF;
	v7 =	vld.idx.msk [tilespmem:v8+s23+$0x0], $0xffff;
	v8 =	vor.u32 $0x1, v6  }
0x70: {  	v63 =	vor.u32 $0x2, v5;
	_ =	sdelay $0x3  }
0x71: {  	[tilespmem:v8+s26+$0x0] =	vst.idx.msk $0xffff, v7  }
0x72: {  	v8 =	vor.u32 $0x2, v6;
	v7 =	vld.idx.msk [tilespmem:v63+s23+$0x0], $0xffff  }
0x73: {  	v5 =	vor.u32 $0x3, v5;
	_ =	sdelay $0x3  }
0x74: {  	[tilespmem:v8+s26+$0x0] =	vst.idx.msk $0xffff, v7  }
0x75: {  	v6 =	vor.u32 $0x3, v6;
	v5 =	vld.idx.msk [tilespmem:v5+s23+$0x0], $0xffff;
	_ =	sdelay $0x2  }
0x76: {  	s6 =	simm.s32 $0xFC10;
	s9 =	spop (v2sf)  }
.LBB2_6:
0x77: {  	s3 =	sadd.s32 $0x10, s3;
	s4 =	sadd.s32 $0x10, s4;
	s5 =	sadd.s32 $0x10, s5  }
0x78: {  	p0 =	sne.s32 s2, $0x330;
	s7 =	smov.u32 s2;
	s2 =	sadd.s32 $0x10, s2;
	[tilespmem:v6+s26+$0x0] =	vst.idx.msk $0xffff, v5  }
0x79: {  	v5 =	vld [tilespmem:s3+$0x0]  }
0x7a: {  	v6 =	vld [tilespmem:s4+$0x0];
	_ =	sdelay $0x4  }
0x7b: {  	vm0 =	vgt.f32 v6, $0.0e+00  }
0x7c: {  	v7 =	vsel vm0, $0x3F800000, v3  }
0x7d: {  	[tilespmem:s5+$0x0] =	vst v7  }
0x7e: {  	v7 =	vld.idx.msk [tilespmem:v5+s24+$0x0], $0xffff  }
0x7f: {  	v8 =	vld.idx.msk [tilespmem:v5+s25+$0x0], $0xffff;
	_ =	sdelay $0x3  }
0x80: {  	v5 =	vshll.u32 v5, $0x2;
	_ =	sdelay $0x1  }
0x81: {  	vm0 =	vgt.f32 v6, $-1.500000000e+00;
	v6 =	vadd.f32 v8, v7;
	_ =	sdelay $0x1  }
0x82: {  	v7 =	vmov s7;
	v6 =	vnsel vm0, $0x3F800000, v6  }
0x83: {  	[tilespmem:s6+$0x0] =	vst v6;
	v6 =	vshll.u32 v7, $0x2  }
0x84: {  	v6 =	vor.u32 v4, v6;
	v7 =	vld.idx.msk [tilespmem:v5+s23+$0x0], $0xffff  }
0x85: {  	v8 =	vor.u32 $0x1, v5;
	_ =	sdelay $0x4  }
0x86: {  	[tilespmem:v6+s26+$0x0] =	vst.idx.msk $0xffff, v7  }
0x87: {  	v7 =	vld.idx.msk [tilespmem:v8+s23+$0x0], $0xffff;
	v8 =	vor.u32 $0x1, v6  }
0x88: {  	v9 =	vor.u32 $0x2, v5;
	_ =	sdelay $0x4  }
0x89: {  	[tilespmem:v8+s26+$0x0] =	vst.idx.msk $0xffff, v7  }
0x8a: {  	v8 =	vor.u32 $0x2, v6;
	v7 =	vld.idx.msk [tilespmem:v9+s23+$0x0], $0xffff  }
0x8b: {  	v5 =	vor.u32 $0x3, v5;
	_ =	sdelay $0x4  }
0x8c: {  	[tilespmem:v8+s26+$0x0] =	vst.idx.msk $0xffff, v7  }
.Ltmp2:
0x8d: {  	v6 =	vor.u32 $0x3, v6;
	v5 =	vld.idx.msk [tilespmem:v5+s23+$0x0], $0xffff;
	(pc) =	sbr.rel @p0 .LBB2_6-.Ltmp2, $2  }
0x8e: {  	_ =	sdelay $0x2  }
0x8f: {  	s6 =	sadd.s32 $0x10, s6  }
0x90: {  	_ =	sdelay $0x3  }
0x91: {  	[tilespmem:v6+s26+$0x0] =	vst.idx.msk $0xffff, v5;
	s2 =	simm.s32 $0x0;
	s3 =	rddreg [dreg:$0xa]  }
0x92: {  	[hbm4b:s3+s2] =	stream.linear.scatter [tilespmem:s28], [sflag:$0x1], $0x400, $0x38;
	[tilespmem:$0x10000] =	vst v63  }
0x93: {  	_ =	swait.ge [sflag:s22], $0x400  }
0x94: {  	[sflag:s22] =	ssyncset.done $0x0  }
0x95: {  	s8 =	rddreg [dreg:$0xb];
	[sflag:s22] =	ssyncadd.s32 $0xFFFFFC00  }
0x96: {  	[hbm4b:s8+s2] =	stream.linear.scatter [tilespmem:s29], [sflag:$0x1], $0x400, $0x38;
	[tilespmem:$0x10000] =	vst v63  }
0x97: {  	_ =	swait.ge [sflag:s22], $0x400  }
0x98: {  	[sflag:s22] =	ssyncset.done $0x0  }
0x99: {  	s9 =	rddreg [dreg:$0xc];
	[sflag:s22] =	ssyncadd.s32 $0xFFFFFC00  }
0x9a: {  	[hbm4b:s9+s2] =	stream.linear.scatter [tilespmem:s30], [sflag:$0x1], $0x400, $0x38;
	[tilespmem:$0x10000] =	vst v63  }
0x9b: {  	_ =	swait.ge [sflag:s22], $0x400  }
0x9c: {  	[sflag:s22] =	ssyncset.done $0x0  }
0x9d: {  	[sflag:s22] =	ssyncadd.s32 $0xFFFFFC00  }
0x9e: {  	[hbm4b:s10+s2] =	stream.linear.scatter [tilespmem:s31], [sflag:$0x1], $0x400, $0x38;
	[tilespmem:$0x10000] =	vst v63  }
0x9f: {  	_ =	swait.ge [sflag:s22], $0x400  }
0xa0: {  	[sflag:s22] =	ssyncset.done $0x0  }
0xa1: {  	[sflag:s22] =	ssyncadd.s32 $0xFFFFFC00  }
0xa2: {  	[hbm4b:s11+s2] =	stream.linear.scatter [tilespmem:s26], [sflag:$0x1], $0xE00, $0x38;
	[tilespmem:$0x10000] =	vst v63  }
0xa3: {  	_ =	swait.ge [sflag:s22], $0xE00  }
0xa4: {  	[sflag:s22] =	ssyncset.done $0x0  }
0xa5: {  	[sflag:s22] =	ssyncadd.s32 $0xFFFFF200  }
0xa6: {  	[tilespmem:s2], [sflag:$0x1] =	stream.linear.gather [hbm4b:s12+s2], $0x2000, $0x38;
	[tilespmem:$0x10000] =	vst v63  }
0xa7: {  	_ =	swait.ge [sflag:s22], $0x2000  }
0xa8: {  	[sflag:s22] =	ssyncset.done $0x0  }
0xa9: {  	[sflag:s22] =	ssyncadd.s32 $0xFFFFE000  }
0xaa: {  	[tilespmem:s23], [sflag:$0x1] =	stream.linear.gather [hbm4b:s13+s2], $0x8000, $0x38;
	[tilespmem:$0x10000] =	vst v63  }
0xab: {  	_ =	swait.ge [sflag:s22], $0x8000  }
0xac: {  	[sflag:s22] =	ssyncset.done $0x0  }
0xad: {  	[sflag:s22] =	ssyncadd.s32 $0xFFFF8000  }
0xae: {  	[tilespmem:s24], [sflag:$0x1] =	stream.linear.gather [hbm4b:s14+s2], $0x2000, $0x38;
	[tilespmem:$0x10000] =	vst v63  }
0xaf: {  	_ =	swait.ge [sflag:s22], $0x2000  }
0xb0: {  	[sflag:s22] =	ssyncset.done $0x0  }
0xb1: {  	[sflag:s22] =	ssyncadd.s32 $0xFFFFE000  }
0xb2: {  	[tilespmem:s25], [sflag:$0x1] =	stream.linear.gather [hbm4b:s15+s2], $0x2000, $0x38;
	[tilespmem:$0x10000] =	vst v63  }
0xb3: {  	_ =	swait.ge [sflag:s22], $0x2000  }
0xb4: {  	[sflag:s22] =	ssyncset.done $0x0  }
0xb5: {  	s3 =	simm.s32 $0x10;
	s4 =	sand.u32 $0x3F0, s2;
	[sflag:s22] =	ssyncadd.s32 $0xFFFFE000  }
.LBB2_8:
0xb6: {  	p0 =	sne.s32 s3, $0x3F0;
	[tilespmem:s4+$0x2000] =	vst v0;
	s4 =	smov.u32 s3;
	s3 =	sadd.s32 $0x10, s3  }
.Ltmp3:
0xb7: {  	(pc) =	sbr.rel @p0 .LBB2_8-.Ltmp3, $2  }
0xb8: {  	_ =	sdelay $0x2  }
0xb9: {  	s4 =	sand.u32 $0x3F0, s4  }
0xba: {  	[tilespmem:s4+$0x2000] =	vst v0;
	s3 =	sand.u32 $0x1FF0, s2  }
0xbb: {  	v5 =	vld [tilespmem:s3+$0x0];
	_ =	sdelay $0x4  }
0xbc: {  	vm0 =	vlt.f32 v5, $0.0e+00;
	vm1 =	vgt.f32 v5, $0.0e+00  }
0xbd: {  	vm0 =	vmor vm1, vm0  }
0xbe: {  	v6 =	vsel vm0, $0x1, v2  }
0xbf: {  	(xrf0) =	vadd.scan.msk.s32 $0xffff, v6;
	_ =	sdelay $0x5  }
0xc0: {  	v7, _, _ =	vpop (xrf0)  }
0xc1: {  	v6 =	vmov s2;
	v8 =	vxor.u32 $0x80000000, v7  }
0xc2: {  	v6 =	vadd.s32 $0xFFFFFFFF, v6;
	(xrf0) =	vmax.scan.msk.u32 $0xffff, v8  }
0xc3: {  	v6 =	vbroadcast v6, $0x0;
	_ =	sdelay $0x1  }
0xc4: {  	v6 =	vadd.s32 v7, v6;
	_ =	sdelay $0x2  }
0xc5: {  	v8, _, _ =	vpop (xrf0)  }
0xc6: {  	s4 =	simm.s32 $0x2000;
	v7 =	vor.u32 s2, v1;
	(v2sf) =	vpush v8, $0xF  }
0xc7: {  	s5 =	simm.s32 $0x2400;
	s3 =	simm.s32 $0x10;
	[tilespmem:v6+s4+$0x0] =	vst.idx.msk vm0, v7  }
0xc8: {  	s6 =	simm.s32 $0x20;
	s7 =	sand.u32 $0x1FF0, s3;
	[tilespmem:v6+s5+$0x0] =	vst.idx.msk vm0, v5  }
.LBB2_10:
0xc9: {  	p0 =	sne.s32 s6, $0x1FF0;
	v5 =	vld [tilespmem:s7+$0x0];
	_ =	sdelay $0x4  }
0xca: {  	vm0 =	vlt.f32 v5, $0.0e+00;
	vm1 =	vgt.f32 v5, $0.0e+00  }
0xcb: {  	vm0 =	vmor vm1, vm0  }
0xcc: {  	v6 =	vsel vm0, $0x1, v2  }
0xcd: {  	(xrf0) =	vadd.scan.msk.s32 $0xffff, v6;
	_ =	sdelay $0x3  }
0xce: {  	s7 =	spop (v2sf)  }
0xcf: {  	s2 =	sadd.s32 s7, s2  }
0xd0: {  	v6, _, _ =	vpop (xrf0);
	s2 =	sadd.s32 $0x80000000, s2  }
0xd1: {  	v7 =	vmov s2;
	v8 =	vxor.u32 $0x80000000, v6  }
0xd2: {  	v7 =	vadd.s32 $0xFFFFFFFF, v7;
	(xrf0) =	vmax.scan.msk.u32 $0xffff, v8  }
0xd3: {  	v7 =	vbroadcast v7, $0x0;
	_ =	sdelay $0x1  }
0xd4: {  	v6 =	vadd.s32 v6, v7;
	_ =	sdelay $0x1  }
.Ltmp4:
0xd5: {  	(pc) =	sbr.rel @p0 .LBB2_10-.Ltmp4, $4  }
0xd6: {  	v7, _, _ =	vpop (xrf0)  }
0xd7: {  	v8 =	vor.u32 s3, v1;
	s3 =	smov.u32 s6;
	(v2sf) =	vpush v7, $0xF  }
0xd8: {  	[tilespmem:v6+s4+$0x0] =	vst.idx.msk vm0, v8  }
0xd9: {  	s6 =	sadd.s32 $0x10, s6;
	s7 =	sand.u32 $0x1FF0, s3;
	[tilespmem:v6+s5+$0x0] =	vst.idx.msk vm0, v5  }
0xda: {  	_ =	sdelay $0x3  }
0xdb: {  	v5 =	vld [tilespmem:s7+$0x0];
	_ =	sdelay $0x4  }
0xdc: {  	vm0 =	vlt.f32 v5, $0.0e+00;
	vm1 =	vgt.f32 v5, $0.0e+00  }
0xdd: {  	vm0 =	vmor vm1, vm0  }
0xde: {  	v6 =	vsel vm0, $0x1, v2  }
0xdf: {  	(xrf0) =	vadd.scan.msk.s32 $0xffff, v6;
	s4 =	spop (v2sf)  }
0xe0: {  	s2 =	sadd.s32 s4, s2  }
0xe1: {  	s2 =	sadd.s32 $0x80000000, s2  }
0xe2: {  	v6 =	vmov s2  }
0xe3: {  	v6 =	vadd.s32 $0xFFFFFFFF, v6  }
0xe4: {  	v6 =	vbroadcast v6, $0x0  }
0xe5: {  	v7, _, _ =	vpop (xrf0)  }
0xe6: {  	v6 =	vadd.s32 v7, v6;
	_ =	sdelay $0x3  }
0xe7: {  	v8 =	vor.u32 s3, v1;
	s2 =	simm.s32 $0x2000  }
0xe8: {  	s3 =	simm.s32 $0x2400;
	[tilespmem:v6+s2+$0x0] =	vst.idx.msk vm0, v8  }
0xe9: {  	[tilespmem:v6+s3+$0x0] =	vst.idx.msk vm0, v5  }
0xea: {  	v5 =	vld [tilespmem:s2+$0x0]  }
0xeb: {  	v6 =	vld [tilespmem:s3+$0x0];
	_ =	sdelay $0x4  }
0xec: {  	vm14 =	vgt.f32 v6, $0.0e+00  }
0xed: {  	s4 =	simm.s32 $0xF800;
	v8 =	vsel vm14, $0x3F800000, v3  }
0xee: {  	[tilespmem:s4+$0x0] =	vst v8  }
0xef: {  	v8 =	vld.idx.msk [tilespmem:v5+s24+$0x0], $0xffff  }
0xf0: {  	v9 =	vld.idx.msk [tilespmem:v5+s25+$0x0], $0xffff;
	_ =	sdelay $0x3  }
0xf1: {  	v7 =	vxor.u32 $0x80000000, v7;
	v5 =	vshll.u32 v5, $0x2  }
0xf2: {  	(xrf0) =	vmax.scan.msk.u32 $0xffff, v7;
	v7 =	vadd.f32 v9, v8  }
0xf3: {  	s5 =	simm.s32 $0x0;
	vm15 =	vgt.f32 v6, $-1.500000000e+00  }
0xf4: {  	s6 =	simm.s32 $0xFC00;
	v6 =	vnsel vm15, $0x3F800000, v7;
	v7 =	vmov s5  }
0xf5: {  	[tilespmem:s6+$0x0] =	vst v6;
	v6 =	vshll.u32 v7, $0x2  }
0xf6: {  	v6 =	vor.u32 v4, v6;
	v7 =	vld.idx.msk [tilespmem:v5+s23+$0x0], $0xffff  }
0xf7: {  	v8 =	vor.u32 $0x1, v5;
	_ =	sdelay $0x3  }
0xf8: {  	v62, _, _ =	vpop (xrf0);
	[tilespmem:v6+s26+$0x0] =	vst.idx.msk $0xffff, v7  }
0xf9: {  	(v2sf) =	vpush v62, $0xF;
	v7 =	vld.idx.msk [tilespmem:v8+s23+$0x0], $0xffff;
	v8 =	vor.u32 $0x1, v6  }
0xfa: {  	v63 =	vor.u32 $0x2, v5;
	_ =	sdelay $0x3  }
0xfb: {  	[tilespmem:v8+s26+$0x0] =	vst.idx.msk $0xffff, v7  }
0xfc: {  	v8 =	vor.u32 $0x2, v6;
	v7 =	vld.idx.msk [tilespmem:v63+s23+$0x0], $0xffff  }
0xfd: {  	v5 =	vor.u32 $0x3, v5;
	_ =	sdelay $0x3  }
0xfe: {  	[tilespmem:v8+s26+$0x0] =	vst.idx.msk $0xffff, v7  }
0xff: {  	v6 =	vor.u32 $0x3, v6;
	v5 =	vld.idx.msk [tilespmem:v5+s23+$0x0], $0xffff;
	_ =	sdelay $0x2  }
0x100: {  	s5 =	simm.s32 $0x10;
	s9 =	spop (v2sf);
	s6 =	simm.s32 $0xFC10  }
.LBB2_12:
0x101: {  	s2 =	sadd.s32 $0x10, s2;
	s3 =	sadd.s32 $0x10, s3;
	s4 =	sadd.s32 $0x10, s4  }
0x102: {  	p0 =	sne.s32 s5, $0x330;
	s7 =	smov.u32 s5;
	s5 =	sadd.s32 $0x10, s5;
	[tilespmem:v6+s26+$0x0] =	vst.idx.msk $0xffff, v5  }
0x103: {  	v5 =	vld [tilespmem:s2+$0x0]  }
0x104: {  	v6 =	vld [tilespmem:s3+$0x0];
	_ =	sdelay $0x4  }
0x105: {  	vm0 =	vgt.f32 v6, $0.0e+00  }
0x106: {  	v7 =	vsel vm0, $0x3F800000, v3  }
0x107: {  	[tilespmem:s4+$0x0] =	vst v7  }
0x108: {  	v7 =	vld.idx.msk [tilespmem:v5+s24+$0x0], $0xffff  }
0x109: {  	v8 =	vld.idx.msk [tilespmem:v5+s25+$0x0], $0xffff;
	_ =	sdelay $0x3  }
0x10a: {  	v5 =	vshll.u32 v5, $0x2;
	_ =	sdelay $0x1  }
0x10b: {  	vm0 =	vgt.f32 v6, $-1.500000000e+00;
	v6 =	vadd.f32 v8, v7;
	_ =	sdelay $0x1  }
0x10c: {  	v7 =	vmov s7;
	v6 =	vnsel vm0, $0x3F800000, v6  }
0x10d: {  	[tilespmem:s6+$0x0] =	vst v6;
	v6 =	vshll.u32 v7, $0x2  }
0x10e: {  	v6 =	vor.u32 v4, v6;
	v7 =	vld.idx.msk [tilespmem:v5+s23+$0x0], $0xffff  }
0x10f: {  	v8 =	vor.u32 $0x1, v5;
	_ =	sdelay $0x4  }
0x110: {  	[tilespmem:v6+s26+$0x0] =	vst.idx.msk $0xffff, v7  }
0x111: {  	v7 =	vld.idx.msk [tilespmem:v8+s23+$0x0], $0xffff;
	v8 =	vor.u32 $0x1, v6  }
0x112: {  	v9 =	vor.u32 $0x2, v5;
	_ =	sdelay $0x4  }
0x113: {  	[tilespmem:v8+s26+$0x0] =	vst.idx.msk $0xffff, v7  }
0x114: {  	v8 =	vor.u32 $0x2, v6;
	v7 =	vld.idx.msk [tilespmem:v9+s23+$0x0], $0xffff  }
0x115: {  	v5 =	vor.u32 $0x3, v5;
	_ =	sdelay $0x4  }
0x116: {  	[tilespmem:v8+s26+$0x0] =	vst.idx.msk $0xffff, v7  }
.Ltmp5:
0x117: {  	v6 =	vor.u32 $0x3, v6;
	v5 =	vld.idx.msk [tilespmem:v5+s23+$0x0], $0xffff;
	(pc) =	sbr.rel @p0 .LBB2_12-.Ltmp5, $2  }
0x118: {  	_ =	sdelay $0x2  }
0x119: {  	s6 =	sadd.s32 $0x10, s6  }
0x11a: {  	_ =	sdelay $0x3  }
0x11b: {  	[tilespmem:v6+s26+$0x0] =	vst.idx.msk $0xffff, v5  }
0x11c: {  	[hbm4b:s16+s1] =	stream.linear.scatter [tilespmem:s28], [sflag:$0x1], $0x400, $0x38;
	[tilespmem:$0x10000] =	vst v63  }
0x11d: {  	_ =	swait.ge [sflag:s22], $0x400  }
0x11e: {  	[sflag:s22] =	ssyncset.done $0x0  }
0x11f: {  	[sflag:s22] =	ssyncadd.s32 $0xFFFFFC00  }
0x120: {  	[hbm4b:s17+s1] =	stream.linear.scatter [tilespmem:s29], [sflag:$0x1], $0x400, $0x38;
	[tilespmem:$0x10000] =	vst v63  }
0x121: {  	_ =	swait.ge [sflag:s22], $0x400  }
0x122: {  	[sflag:s22] =	ssyncset.done $0x0  }
0x123: {  	[sflag:s22] =	ssyncadd.s32 $0xFFFFFC00  }
0x124: {  	[hbm4b:s18+s1] =	stream.linear.scatter [tilespmem:s30], [sflag:$0x1], $0x400, $0x38;
	[tilespmem:$0x10000] =	vst v63  }
0x125: {  	_ =	swait.ge [sflag:s22], $0x400  }
0x126: {  	[sflag:s22] =	ssyncset.done $0x0  }
0x127: {  	[sflag:s22] =	ssyncadd.s32 $0xFFFFFC00  }
0x128: {  	[hbm4b:s19+s1] =	stream.linear.scatter [tilespmem:s31], [sflag:$0x1], $0x400, $0x38;
	[tilespmem:$0x10000] =	vst v63  }
0x129: {  	s0 =	sadd.s32 $0x1, s0;
	_ =	swait.ge [sflag:s22], $0x400  }
0x12a: {  	p0 =	sne.s32 s0, s21;
	[sflag:s22] =	ssyncset.done $0x0  }
.Ltmp6:
0x12b: {  	[sflag:s22] =	ssyncadd.s32 $0xFFFFFC00;
	(pc) =	sbr.rel @p0 .LBB2_1-.Ltmp6, $4  }
0x12c: {  	[hbm4b:s20+s1] =	stream.linear.scatter [tilespmem:s26], [sflag:$0x1], $0xE00, $0x38;
	[tilespmem:$0x10000] =	vst v63  }
0x12d: {  	_ =	swait.ge [sflag:s22], $0xE00  }
0x12e: {  	[sflag:s22] =	ssyncset.done $0x0  }
0x12f: {  	[sflag:s22] =	ssyncadd.s32 $0xFFFFF200  }
0x130: {  	_ =	sfence.sel $0x180000  }
0x131: {  	[bflag:$0x0] =	sbarrier.arrive $0xFFFF  }
0x132: {  	_ =	strace $0x90000047  }
0x133: {  	s0 =	stileid.u32;
	[bflag:$0x2] =	sbarrier.arrive $0xFFFF  }
0x134: {  	p0 =	sne.s32 s0, $0x0;
	s0 =	rddreg [dreg:$0x5]  }
0x135: {  	s0 =	sadd.s32 @!p0 $0x100000, s0  }
0x136: {  	[sflag:s0] =	ssyncadd.tile.s32 @!p0 $0x1;
	_ =	shalt  }
.Lfunc_end2:
_tile_overlayer_lowered:
.L_overlay_start_2:
0x137: {  	(tag) =	ssettag $0x2  }
0x138: {  	s0 =	rddreg [dreg:$0x0];
	s2 =	stileid.u32  }
0x139: {  	s1 =	rddreg [dreg:$0x1];
	p0 =	sne.s32 s2, $0x0  }
0x13a: {  	s3 =	rddreg [dreg:$0x2];
	[bflag:$0x3] =	sbarrier.arrive $0xFFFF;
	s2 =	simm.s32 @!p0 $0x1C01  }
0x13b: {  	[timem:s3], [sflag:s2] =	dma.local @!p0 [hbm:s0], s1  }
0x13c: {  	s0 =	simm.s32 @!p0 $0x1  }
0x13d: {  	_ =	swait.ge @!p0 [sflag:s0], s1  }
0x13e: {  	s1 =	ssub.s32 @!p0 $0x0, s1;
	[sflag:s0] =	ssyncset.done @!p0 $0x0  }
0x13f: {  	[sflag:s0] =	ssyncadd.s32 @!p0 s1  }
0x140: {  	[bflag:$0x3] =	sbarrier.arrive $0xFFFF  }
0x141: {  	_ =	shalt  }

// kernel: kernel.8.cloned.1.call-start
scs
__scs_entry_jumppad:
0x0: {  	(pc) =	sbr.rel $0x88, $3  }
0x1: {  	(tag) =	ssettag $0x0;
	lr =	simm.s32 $0x1  }
0x2: {  	[smem:$0x3F9B] =	sst lr;
	_ =	strace $0xD0000000  }
0x3: {  	_ = 	snop  }
0x4: {  	_ = 	snop  }
0x5: {  	_ = 	snop  }
0x6: {  	_ = 	snop  }
0x7: {  	_ = 	snop  }
__scs_overlays_trampoline_lowered:
0x8: {  	[smem:$0x3FAA] =	sst s0  }
0x9: {  	[smem:$0x3FAB] =	sst s1  }
0xa: {  	[smem:$0x3FAC] =	sst s2  }
0xb: {  	[smem:$0x3FAD] =	sst s3  }
0xc: {  	[smem:$0x3FAE] =	sst s4  }
0xd: {  	[smem:$0x3FAF] =	sst s5  }
0xe: {  	[smem:$0x3FB0] =	sst s6  }
0xf: {  	[smem:$0x3FB1] =	sst s7  }
0x10: {  	[smem:$0x3FB2] =	sst s8  }
0x11: {  	[smem:$0x3FB3] =	sst s9;
	s0 =	simm.s32 @!p0 $0x0  }
0x12: {  	s1 =	sld [smem:$0x3F99];
	s0 =	simm.s32 @p0 $0x1  }
0x13: {  	[smem:$0x3FB4] =	sst s0;
	s0 =	simm.s32 @!p1 $0x0  }
0x14: {  	s2 =	sld [smem:$0x3F98];
	s0 =	simm.s32 @p1 $0x1  }
0x15: {  	[smem:$0x3FB5] =	sst s0;
	s0 =	simm.s32 @!p2 $0x0  }
0x16: {  	s3 =	sld [smem:$0x3FDB];
	s0 =	simm.s32 @p2 $0x1  }
0x17: {  	s4 =	simm.s32 $0x1BF5;
	[smem:$0x3FB7] =	sst s0  }
0x18: {  	s0 =	sld [smem:$0x3F9A];
	_ =	swait.ge [sflag:s4], $0x0  }
0x19: {  	s7 =	sld [smem:$0x3F9B]  }
0x1a: {  	s8 =	sadd.s32 $0xFFFFE003, lr  }
0x1b: {  	s9 =	sadd.s32 $0xFFFFFEF7, lr;
	s5 =	simm.s32 $0xFFFFFFFF;
	p2 =	slt.u32 s8, $0xFFFFF086  }
0x1c: {  	p1 =	slt.u32 s9, $0xF7A;
	s5 =	simm.s32 @!p2 $0x0  }
0x1d: {  	s5 =	simm.s32 @p1 $0x1;
	p0 =	seq.s32 s7, s2  }
0x1e: {  	s7 =	smul.u32 @!p0 $0xF7A, s2;
	p2 =	seq.s32 @!p0 s5, $0x0  }
0x1f: {  	s9 =	smul.u32 $0xF7A, s1;
	s8 =	simm.s32 @!p0 $0x1BF5;
	p2 =	por !p2, p0  }
0x20: {  	[sflag:s8] =	ssyncset.s32 @!p0 $0xFFFFF086;
	s6 =	sadd.s32 @!p0 s3, s7;
	s7 =	simm.s32 @!p0 $0x108  }
0x21: {  	s3 =	sadd.s32 s3, s9;
	s6 =	sadd.s32 @!p0 $0x88, s6;
	s7 =	simm.s32 @p2 $0x1082  }
0x22: {  	[simem:s7], [sflag:s8] =	dma.local @!p0 [hbm:s6], $0xF7A  }
0x23: {  	s9 =	sor.u32 $0xD0000000, s2;
	s6 =	simm.s32 $0x108;
	_ =	swait.ge @!p0 [sflag:s8], $0x0  }
0x24: {  	s3 =	sadd.s32 $0x88, s3;
	s6 =	simm.s32 @!p1 $0x1082;
	[sflag:s4] =	ssyncset.s32 $0xFFFFF086  }
0x25: {  	[simem:s6], [sflag:s4] =	dma.local [hbm:s3], $0xF7A  }
0x26: {  	[smem:$0x3F9B] =	sst s1;
	(tag) =	ssettag s2;
	_ =	strace s9  }
0x27: {  	s1 =	sld [smem:$0x3FAB]  }
0x28: {  	s2 =	sld [smem:$0x3FAC]  }
0x29: {  	s4 =	sld [smem:$0x3FAE]  }
0x2a: {  	p0 =	seq.s32 s5, $0x0;
	s5 =	sld [smem:$0x3FAF]  }
0x2b: {  	s6 =	sld [smem:$0x3FB0]  }
0x2c: {  	s7 =	sld [smem:$0x3FB1]  }
0x2d: {  	s3 =	simm.s32 $0x108;
	s8 =	sld [smem:$0x3FB2]  }
0x2e: {  	s3 =	simm.s32 @!p0 $0x1082;
	s9 =	sld [smem:$0x3FB3]  }
0x2f: {  	lr =	sadd.s32 s0, s3;
	s0 =	sld [smem:$0x3FAA]  }
0x30: {  	s3 =	sld [smem:$0x3FAD]  }
0x31: {  	[smem:$0x3FB6] =	sst s10  }
0x32: {  	s10 =	sld [smem:$0x3FB4];
	_ =	sdelay $0x3  }
0x33: {  	p0 =	seq.s32 s10, $0x1;
	s10 =	sld [smem:$0x3FB6];
	_ =	sdelay $0x3  }
0x34: {  	[smem:$0x3FB6] =	sst s10  }
0x35: {  	s10 =	sld [smem:$0x3FB5];
	_ =	sdelay $0x3  }
0x36: {  	p1 =	seq.s32 s10, $0x1;
	s10 =	sld [smem:$0x3FB6];
	_ =	sdelay $0x3  }
0x37: {  	[smem:$0x3FB6] =	sst s10  }
0x38: {  	s10 =	sld [smem:$0x3FB7]  }
0x39: {  	_ = 	snop;
	(pc) =	sbr.ind lr, $3  }
0x3a: {  	_ = 	snop  }
0x3b: {  	_ = 	snop  }
0x3c: {  	p2 =	seq.s32 s10, $0x1;
	s10 =	sld [smem:$0x3FB6]  }
0x3d: {  	_ =	shalt  }
0x3e: {  	_ =	shalt  }
0x3f: {  	_ =	shalt  }
0x40: {  	_ =	shalt  }
0x41: {  	_ =	shalt  }
0x42: {  	_ =	shalt  }
0x43: {  	_ =	shalt  }
0x44: {  	_ =	shalt  }
0x45: {  	_ =	shalt  }
0x46: {  	_ =	shalt  }
0x47: {  	_ =	shalt  }
0x48: {  	_ =	shalt  }
0x49: {  	_ =	shalt  }
0x4a: {  	_ =	shalt  }
0x4b: {  	_ =	shalt  }
0x4c: {  	_ =	shalt  }
0x4d: {  	_ =	shalt  }
0x4e: {  	_ =	shalt  }
0x4f: {  	_ =	shalt  }
0x50: {  	_ =	shalt  }
0x51: {  	_ =	shalt  }
0x52: {  	_ =	shalt  }
0x53: {  	_ =	shalt  }
0x54: {  	_ =	shalt  }
0x55: {  	_ =	shalt  }
0x56: {  	_ =	shalt  }
0x57: {  	_ =	shalt  }
0x58: {  	_ =	shalt  }
0x59: {  	_ =	shalt  }
0x5a: {  	_ =	shalt  }
0x5b: {  	_ =	shalt  }
0x5c: {  	_ =	shalt  }
0x5d: {  	_ =	shalt  }
0x5e: {  	_ =	shalt  }
0x5f: {  	_ =	shalt  }
0x60: {  	_ =	shalt  }
0x61: {  	_ =	shalt  }
0x62: {  	_ =	shalt  }
0x63: {  	_ =	shalt  }
0x64: {  	_ =	shalt  }
0x65: {  	_ =	shalt  }
0x66: {  	_ =	shalt  }
0x67: {  	_ =	shalt  }
0x68: {  	_ =	shalt  }
0x69: {  	_ =	shalt  }
0x6a: {  	_ =	shalt  }
0x6b: {  	_ =	shalt  }
0x6c: {  	_ =	shalt  }
0x6d: {  	_ =	shalt  }
0x6e: {  	_ =	shalt  }
0x6f: {  	_ =	shalt  }
0x70: {  	_ =	shalt  }
0x71: {  	_ =	shalt  }
0x72: {  	_ =	shalt  }
0x73: {  	_ =	shalt  }
0x74: {  	_ =	shalt  }
0x75: {  	_ =	shalt  }
0x76: {  	_ =	shalt  }
0x77: {  	_ =	shalt  }
0x78: {  	_ =	shalt  }
0x79: {  	_ =	shalt  }
0x7a: {  	_ =	shalt  }
0x7b: {  	_ =	shalt  }
0x7c: {  	_ =	shalt  }
0x7d: {  	_ =	shalt  }
0x7e: {  	_ =	shalt  }
0x7f: {  	_ =	shalt  }
0x80: {  	_ =	shalt  }
0x81: {  	_ =	shalt  }
0x82: {  	_ =	shalt  }
0x83: {  	_ =	shalt  }
0x84: {  	_ =	shalt  }
0x85: {  	_ =	shalt  }
0x86: {  	_ =	shalt  }
0x87: {  	_ =	shalt  }
.Lfunc_end0:
.L_simem_size_0:
called_computation.1_lowered:
.L_overlay_start_0:
0x88: {  	s2 =	sld [smem:$0x3FD9]  }
0x89: {  	s3 =	sld [smem:$0x3FFE];
	_ =	sdelay $0x1  }
0x8a: {  	s1 =	srdreg.scid  }
0x8b: {  	s0 =	sand.u32 $0x1, s1  }
0x8c: {  	s17 =	sshll.u32 s0, $0xA;
	s2 =	sadd.s32 s3, s2  }
0x8d: {  	s2 =	sadd.s32 s2, s17  }
0x8e: {  	[smem:$0x3FC2] =	sst s2  }
0x8f: {  	_ = 	snop  }
0x90: {  	s2 =	sld [smem:$0x3FC7]  }
0x91: {  	s18 =	sld [smem:$0x3FC6];
	(tm) =	ssettm $0x1  }
0x92: {  	s4 =	sld [smem:$0x3FFB];
	_ =	sdelay $0x3  }
0x93: {  	_ =	strace s4  }
0x94: {  	s4 =	sld [smem:$0x3FFC];
	_ =	sdelay $0x3  }
0x95: {  	_ =	strace s4  }
0x96: {  	s4 =	sld [smem:$0x3FFD];
	_ =	sdelay $0x3  }
0x97: {  	_ =	strace s4  }
0x98: {  	_ =	strace $0x8FFFFFFF  }
0x99: {  	s19 =	sld [smem:$0x3FDB];
	_ =	sdelay $0x1  }
0x9a: {  	s5 =	simm.s32 $_scs_section_size  }
0x9b: {  	s6 =	simm.s32 $_size__tile_overlayer_lowered;
	s7 =	simm.s32 $_tile_overlayer_lowered  }
0x9c: {  	s22 =	simm.s32 $0x1BFF;
	s21 =	sshll.u32 s7, $0x1;
	s4 =	sadd.s32 s5, s19  }
0x9d: {  	s8 =	simm.s32 $0x0;
	s20 =	sshll.u32 s6, $0x1;
	s6 =	sadd.s32 s21, s4  }
0x9e: {  	[timem:s8], [sflag:s22] =	dma.local [hbm:s6], s20  }
0x9f: {  	_ =	swait.ge [sflag:s22], s20  }
0xa0: {  	s5 =	ssub.s32 $0x0, s20;
	[sflag:s22] =	ssyncset.done $0x0  }
0xa1: {  	[sflag:s22] =	ssyncadd.s32 s5;
	_ =	sdelay $0x1  }
0xa2: {  	s23 =	simm.s32 $0x1B8B  }
0xa3: {  	_ =	swait.ge [sflag:s23], $0x1  }
0xa4: {  	[sflag:s23] =	ssyncset.done $0x0  }
0xa5: {  	s25 =	simm.s32 $0x1B8E;
	s24 =	sld [smem:$0x3FFE];
	[sflag:s23] =	ssyncadd.s32 $0xFFFFFFFF  }
0xa6: {  	s26 =	simm.s32 $execute0_lowered;
	[smem:$0x3FD2] =	sst s25  }
0xa7: {  	s6 =	sshll.u32 s26, $0x1;
	_ =	strace $0x80000049;
	[dreg:$0x1] =	wrdreg $0xFFFFFFFF  }
0xa8: {  	s28 =	simm.s32 $_size_execute0_lowered;
	s4 =	sadd.s32 s4, s6;
	[dreg:$0x0] =	wrdreg $0x0  }
0xa9: {  	s6 =	sshll.u32 s28, $0x1;
	[dreg:$0x2] =	wrdreg s4  }
0xaa: {  	[dreg:$0x3] =	wrdreg s6  }
0xab: {  	[dreg:$0x4] =	wrdreg $0xC0  }
0xac: {  	_ =	task [dreg:s8], $0x5FFFF  }
0xad: {  	[dreg:$0x1] =	wrdreg $0xFFFFFFFF  }
0xae: {  	[dreg:$0x0] =	wrdreg $0x60  }
0xaf: {  	[dreg:$0x2] =	wrdreg s2  }
0xb0: {  	[dreg:$0x3] =	wrdreg s18  }
0xb1: {  	[dreg:$0x4] =	wrdreg s24  }
0xb2: {  	[dreg:$0x5] =	wrdreg $0x9  }
0xb3: {  	_ =	task.clear_ibuf [dreg:s8], $0x6FFFF;
	_ =	strace $0x90000049  }
0xb4: {  	s29 =	simm.s32 $0x9;
	_ =	strace $0x8000004B  }
0xb5: {  	_ =	swait.ge [sflag:s29], $0x1  }
0xb6: {  	[sflag:s29] =	ssyncadd.s32 $0xFFFFFFFF  }
0xb7: {  	_ =	strace $0x9000004B  }
0xb8: {  	_ =	sfence  }
0xb9: {  	s30 =	sld [smem:$0x0];
	_ =	sdelay $0x2  }
0xba: {  	s31 =	sshll.u32 s1, $0xD;
	s1 =	sshrl.u32 s1, $0x2  }
0xbb: {  	s3 =	sand.u32 $0x4000, s31;
	s1 =	sadd.s32 s1, s30  }
0xbc: {  	s0 =	sor.u32 s3, s0;
	s1 =	sshll.u32 s1, $0x11  }
0xbd: {  	s0 =	sor.u32 s1, s0  }
0xbe: {  	s0 =	sadd.s32 $0x8F2B, s0  }
0xbf: {  	[sflag:s0] =	ssyncadd.remote.s32 $0x1  }
0xc0: {  	_ =	sfence.sel $0xFFFF  }
0xc1: {  	[dreg:$0x0] =	wrdreg $0xFFFFFFFF;
	(pc) =	sbr.abs _section_cstart, $3  }
0xc2: {  	[dreg:$0x1] =	wrdreg $0xFFFFFFFF  }
0xc3: {  	_ =	task.clear_ibuf [dreg:s8], $0x2FFFF;
	_ =	strace $0x9FFFFFFF  }
0xc4: {  	(tm) =	ssettm $0x7FFFFFFF  }
0xc5: {  	_ =	shalt  }
tec
execute0_lowered:
.L_overlay_start_1:
0x0: {  	(tag) =	ssettag $0x1  }
0x1: {  	v0 =	vimm.s32 $0xB80;
	vm14 =	vcmask $0x300  }
0x2: {  	v1 =	vimm.s32 $0x1F80;
	vm13 =	vcmask $0x704;
	vm12 =	vcmask $0xB08  }
0x3: {  	vm11 =	vcmask $0xF0C;
	vm10 =	vcmask $0x1310;
	vm9 =	vcmask $0x1714  }
0x4: {  	vm8 =	vcmask $0x1B18;
	vm7 =	vcmask $0x1F1C;
	vm6 =	vcmask $0x2320  }
0x5: {  	vm5 =	vcmask $0x2724;
	vm4 =	vcmask $0x2B28;
	vm3 =	vcmask $0x2F2C  }
0x6: {  	vm2 =	vcmask $0x3330;
	vm1 =	vcmask $0x3734;
	vm0 =	vcmask $0x3B38  }
0x7: {  	v2 =	vimm.s32 $0x1B80;
	v3 =	vimm.s32 $0x5780;
	v4 =	vimm.s32 $0x2B80  }
0x8: {  	v5 =	vimm.s32 $0x8F80;
	v6 =	vimm.s32 $0x3B80;
	v7 =	vimm.s32 $0xC780  }
0x9: {  	v0 =	vsel vm14, $0x0, v0;
	v1 =	vsel vm14, $0x0, v1;
	v2 =	vsel vm14, $0x1000, v2  }
0xa: {  	v3 =	vsel vm14, $0x3800, v3;
	v4 =	vsel vm14, $0x2000, v4;
	v5 =	vsel vm14, $0x7000, v5  }
0xb: {  	v6 =	vsel vm14, $0x3000, v6;
	v7 =	vsel vm14, $0xA800, v7;
	v0 =	vsel vm13, $0x80, v0  }
0xc: {  	v1 =	vsel vm13, $0x80, v1;
	v2 =	vsel vm13, $0x1080, v2;
	v3 =	vsel vm13, $0x3880, v3  }
0xd: {  	v4 =	vsel vm13, $0x2080, v4;
	v5 =	vsel vm13, $0x7080, v5;
	v6 =	vsel vm13, $0x3080, v6  }
0xe: {  	v7 =	vsel vm13, $0xA880, v7;
	v0 =	vsel vm12, $0x100, v0;
	v1 =	vsel vm12, $0x100, v1  }
0xf: {  	v2 =	vsel vm12, $0x1100, v2;
	v3 =	vsel vm12, $0x3900, v3;
	v4 =	vsel vm12, $0x2100, v4  }
0x10: {  	v5 =	vsel vm12, $0x7100, v5;
	v6 =	vsel vm12, $0x3100, v6;
	v7 =	vsel vm12, $0xA900, v7  }
0x11: {  	v0 =	vsel vm11, $0x180, v0;
	v1 =	vsel vm11, $0x180, v1;
	v2 =	vsel vm11, $0x1180, v2  }
0x12: {  	v3 =	vsel vm11, $0x3980, v3;
	v4 =	vsel vm11, $0x2180, v4;
	v5 =	vsel vm11, $0x7180, v5  }
0x13: {  	v6 =	vsel vm11, $0x3180, v6;
	v7 =	vsel vm11, $0xA980, v7;
	v0 =	vsel vm10, $0x200, v0  }
0x14: {  	v1 =	vsel vm10, $0x200, v1;
	v2 =	vsel vm10, $0x1200, v2;
	v3 =	vsel vm10, $0x3A00, v3  }
0x15: {  	v4 =	vsel vm10, $0x2200, v4;
	v5 =	vsel vm10, $0x7200, v5;
	v6 =	vsel vm10, $0x3200, v6  }
0x16: {  	v7 =	vsel vm10, $0xAA00, v7;
	v0 =	vsel vm9, $0x280, v0;
	v1 =	vsel vm9, $0x280, v1  }
0x17: {  	s0 =	rddreg [dreg:$0x0];
	v2 =	vsel vm9, $0x1280, v2;
	v3 =	vsel vm9, $0x3A80, v3;
	v4 =	vsel vm9, $0x2280, v4  }
0x18: {  	s1 =	rddreg [dreg:$0x1];
	v5 =	vsel vm9, $0x7280, v5;
	v6 =	vsel vm9, $0x3280, v6;
	v7 =	vsel vm9, $0xAA80, v7  }
0x19: {  	s2 =	rddreg [dreg:$0x2];
	s3 =	simm.s32 $0x0;
	s4 =	srdreg.scid;
	v0 =	vsel vm8, $0x300, v0;
	v1 =	vsel vm8, $0x300, v1;
	v2 =	vsel vm8, $0x1300, v2  }
0x1a: {  	s7 =	stileid.u32;
	s28 =	simm.s32 $0x800;
	s29 =	simm.s32 $0x8800;
	v3 =	vsel vm8, $0x3B00, v3;
	v4 =	vsel vm8, $0x2300, v4;
	v5 =	vsel vm8, $0x7300, v5  }
0x1b: {  	s30 =	simm.s32 $0x4800;
	s31 =	simm.s32 $0xC800;
	[smem:$0x7FF] =	sst s3;
	v6 =	vsel vm8, $0x3300, v6;
	v7 =	vsel vm8, $0xAB00, v7;
	v0 =	vsel vm7, $0x380, v0  }
0x1c: {  	s5 =	sadd.s32 $0x1B600, s2;
	s4 =	sand.u32 $0x1, s4;
	s7 =	sshll.u32 s7, $0x2;
	v1 =	vsel vm7, $0x380, v1;
	v2 =	vsel vm7, $0x1380, v2;
	v3 =	vsel vm7, $0x3B80, v3  }
0x1d: {  	s8 =	sadd.s32 $0x1D600, s2;
	s6 =	ssub.s32 $0x2, s4;
	s4 =	sshll.u32 s4, $0x1;
	v4 =	vsel vm7, $0x2380, v4;
	v5 =	vsel vm7, $0x7380, v5;
	v6 =	vsel vm7, $0x3380, v6  }
0x1e: {  	s2 =	sadd.s32 $0x1F600, s2;
	s9 =	sshrl.u32 s6, $0x1;
	s4 =	sor.u32 s4, s7;
	v7 =	vsel vm7, $0xAB80, v7;
	v0 =	vsel vm6, $0x800, v0;
	v1 =	vsel vm6, $0x1C00, v1  }
0x1f: {  	_ =	strace $0x8000004A;
	s6 =	ssub.s32 s6, s9;
	s7 =	sshll.u32 s4, $0x7;
	v2 =	vsel vm6, $0x1800, v2;
	v3 =	vsel vm6, $0x5400, v3;
	v4 =	vsel vm6, $0x2800, v4  }
0x20: {  	s15 =	sshll.u32 s4, $0x10;
	s16 =	sshll.u32 s4, $0x13;
	s19 =	smul.u32 $0x1C00, s4;
	v5 =	vsel vm6, $0x8C00, v5;
	v6 =	vsel vm6, $0x3800, v6;
	v7 =	vsel vm6, $0xC400, v7  }
0x21: {  	s4 =	sor.u32 $0x1, s4;
	s14 =	sadd.s32 s5, s7;
	s7 =	sadd.s32 s8, s7;
	v0 =	vsel vm5, $0x880, v0;
	v1 =	vsel vm5, $0x1C80, v1;
	v2 =	vsel vm5, $0x1880, v2  }
0x22: {  	s10 =	sadd.s32 s0, s15;
	s17 =	sor.u32 $0x100, s15;
	[dreg:$0x4] =	wrdreg s14;
	v3 =	vsel vm5, $0x5480, v3;
	v4 =	vsel vm5, $0x2880, v4;
	v5 =	vsel vm5, $0x8C80, v5  }
0x23: {  	s11 =	sor.u32 $0x1000, s16;
	s12 =	sor.u32 $0x1800, s16;
	[dreg:$0x5] =	wrdreg s7;
	v6 =	vsel vm5, $0x3880, v6;
	v7 =	vsel vm5, $0xC480, v7;
	v0 =	vsel vm4, $0x900, v0  }
0x24: {  	s20 =	sshll.u32 s4, $0x7;
	[dreg:$0x6] =	wrdreg s10;
	s7 =	sadd.s32 s1, s15;
	v1 =	vsel vm4, $0x1D00, v1;
	v2 =	vsel vm4, $0x1900, v2;
	v3 =	vsel vm4, $0x5500, v3  }
0x25: {  	s22 =	sshll.u32 s4, $0x10;
	s18 =	sadd.s32 s0, s17;
	[dreg:$0x7] =	wrdreg s7;
	v4 =	vsel vm4, $0x2900, v4;
	v5 =	vsel vm4, $0x8D00, v5;
	v6 =	vsel vm4, $0x3900, v6  }
0x26: {  	s23 =	sshll.u32 s4, $0x13;
	s10 =	sadd.s32 s1, s17;
	[dreg:$0x8] =	wrdreg s18;
	v7 =	vsel vm4, $0xC500, v7;
	v0 =	vsel vm3, $0x980, v0;
	v1 =	vsel vm3, $0x1D80, v1  }
0x27: {  	s4 =	smul.u32 $0x1C00, s4;
	s5 =	sadd.s32 s5, s20;
	[dreg:$0x9] =	wrdreg s10;
	v2 =	vsel vm3, $0x1980, v2;
	v3 =	vsel vm3, $0x5580, v3;
	v4 =	vsel vm3, $0x2980, v4  }
0x28: {  	s21 =	sadd.s32 s8, s20;
	s24 =	sadd.s32 s0, s22;
	[dreg:$0xb] =	wrdreg s5;
	v5 =	vsel vm3, $0x8D80, v5;
	v6 =	vsel vm3, $0x3980, v6;
	v7 =	vsel vm3, $0xC580, v7  }
0x29: {  	s25 =	sor.u32 $0x100, s22;
	s20 =	sor.u32 $0x1000, s23;
	[dreg:$0xc] =	wrdreg s21;
	v0 =	vsel vm2, $0xA00, v0;
	v1 =	vsel vm2, $0x1E00, v1;
	v2 =	vsel vm2, $0x1A00, v2  }
0x2a: {  	s8 =	simm.s32 $0x0;
	s7 =	sadd.s32 s2, s19;
	[dreg:$0xd] =	wrdreg s24;
	v3 =	vsel vm2, $0x5600, v3;
	v4 =	vsel vm2, $0x2A00, v4;
	v5 =	vsel vm2, $0x8E00, v5  }
0x2b: {  	s5 =	sadd.s32 s1, s22;
	s26 =	sadd.s32 s0, s25;
	s19 =	sadd.s32 s1, s25;
	v6 =	vsel vm2, $0x3A00, v6;
	v7 =	vsel vm2, $0xC600, v7;
	v0 =	vsel vm1, $0xA80, v0  }
.Ltmp0:
0x2c: {  	s21 =	sor.u32 $0x1800, s23;
	s22 =	sadd.s32 s2, s4;
	v1 =	vsel vm1, $0x1E80, v1;
	v2 =	vsel vm1, $0x1A80, v2;
	v3 =	vsel vm1, $0x5680, v3;
	(pc) =	sbr.rel .LBB2_1-.Ltmp0, $4  }
0x2d: {  	s23 =	smax.u32 s6, $0x1;
	s24 =	simm.s32 $0x5;
	[dreg:$0xa] =	wrdreg s7;
	v4 =	vsel vm1, $0x2A80, v4;
	v5 =	vsel vm1, $0x8E80, v5;
	v6 =	vsel vm1, $0x3A80, v6  }
0x2e: {  	s25 =	simm.s32 $0x400;
	s2 =	simm.s32 $0x1;
	[dreg:$0xe] =	wrdreg s5;
	v7 =	vsel vm1, $0xC680, v7;
	v0 =	vsel vm0, $0xB00, v0;
	v1 =	vsel vm0, $0x1F00, v1  }
0x2f: {  	s4 =	simm.s32 $0x3;
	s6 =	simm.s32 $0x2;
	[dreg:$0xf] =	wrdreg s26;
	v2 =	vsel vm0, $0x1B00, v2;
	v3 =	vsel vm0, $0x5700, v3;
	v4 =	vsel vm0, $0x2B00, v4  }
0x30: {  	s26 =	simm.s32 $0x10000;
	s5 =	simm.s32 $0x10800;
	s7 =	simm.s32 $0x4;
	v5 =	vsel vm0, $0x8F00, v5;
	v6 =	vsel vm0, $0x3B00, v6;
	v7 =	vsel vm0, $0xC700, v7  }
.LBB2_37:
0x31: {  	_ =	swait.ge [sflag:s2], $0x4000  }
0x32: {  	[sflag:s2] =	ssyncset.done $0x0  }
0x33: {  	[sflag:s2] =	ssyncadd.s32 $0xFFFFC000  }
0x34: {  	_ =	swait.ge [sflag:s4], $0x4000  }
0x35: {  	[sflag:s4] =	ssyncset.done $0x0  }
0x36: {  	[sflag:s4] =	ssyncadd.s32 $0xFFFFC000  }
0x37: {  	_ =	swait.ge [sflag:s6], $0x4000  }
0x38: {  	[sflag:s6] =	ssyncset.done $0x0  }
0x39: {  	[sflag:s6] =	ssyncadd.s32 $0xFFFFC000  }
0x3a: {  	s8 =	sadd.s32 $0x1, s8;
	_ =	swait.ge [sflag:s7], $0x4000  }
0x3b: {  	p0 =	sne.s32 s8, s23;
	[sflag:s7] =	ssyncset.done $0x0  }
.Ltmp1:
0x3c: {  	[sflag:s7] =	ssyncadd.s32 $0xFFFFC000;
	(pc) =	sbr.rel @!p0 .LBB2_38-.Ltmp1, $4  }
0x3d: {  	[hbm4b:s22+s3] =	stream.linear.scatter [tilespmem:s5], [sflag:$0x5], $0xE000, $0x38;
	[tilespmem:$0x1E800] =	vst v63  }
0x3e: {  	_ =	swait.ge [sflag:s24], $0xE000  }
0x3f: {  	[sflag:s24] =	ssyncset.done $0x0  }
0x40: {  	[sflag:s24] =	ssyncadd.s32 $0xFFFF2000  }
.LBB2_1:
0x41: {  	s9 =	rddreg [dreg:$0x4]  }
0x42: {  	[tilespmem:s3], [sflag:$0x5] =	stream.linear.gather [hbm4b:s9+s3], $0x400, $0x38;
	[tilespmem:$0x1E800] =	vst v63  }
0x43: {  	_ =	swait.ge [sflag:s24], $0x400  }
0x44: {  	[sflag:s24] =	ssyncset.done $0x0  }
0x45: {  	s14 =	rddreg [dreg:$0x5];
	[sflag:s24] =	ssyncadd.s32 $0xFFFFFC00  }
0x46: {  	[tilespmem:s25], [sflag:$0x5] =	stream.linear.gather [hbm4b:s14+s3], $0x400, $0x38;
	[tilespmem:$0x1E800] =	vst v63  }
0x47: {  	_ =	swait.ge [sflag:s24], $0x400  }
0x48: {  	[sflag:s24] =	ssyncset.done $0x0  }
0x49: {  	s15 =	rddreg [dreg:$0x6];
	[sflag:s24] =	ssyncadd.s32 $0xFFFFFC00  }
0x4a: {  	[tilespmem:s28], [sflag:$0x1] =	stream.strided.gather [hbm4b:s15+s28], $0x4000, s26, s28, $0x38;
	[tilespmem:$0x1E800] =	vst v63  }
0x4b: {  	s16 =	rddreg [dreg:$0x7]  }
0x4c: {  	[tilespmem:s29], [sflag:$0x3] =	stream.strided.gather [hbm4b:s16+s28], $0x4000, s26, s28, $0x38;
	[tilespmem:$0x1E800] =	vst v63  }
.Ltmp2:
0x4d: {  	_ = 	snop;
	(pc) =	sbr.rel .LBB2_2-.Ltmp2, $4  }
0x4e: {  	s17 =	rddreg [dreg:$0x8]  }
0x4f: {  	[tilespmem:s30], [sflag:$0x2] =	stream.strided.gather [hbm4b:s17+s28], $0x4000, s26, s28, $0x38;
	[tilespmem:$0x1E800] =	vst v63  }
0x50: {  	s13 =	simm.s32 $0x0;
	s9 =	simm.s32 $0x0;
	s18 =	rddreg [dreg:$0x9]  }
0x51: {  	[tilespmem:s31], [sflag:$0x4] =	stream.strided.gather [hbm4b:s18+s28], $0x4000, s26, s28, $0x38;
	[tilespmem:$0x1E800] =	vst v63  }
.LBB2_14:
0x52: {  	_ = 	snop  }
.LBB2_17:
0x53: {  	v11 =	vmov s14  }
0x54: {  	v9 =	vadd.f32 @p0 v10, v9;
	_ =	sdelay $0x1  }
0x55: {  	v9 =	vnsel @p0 vm0, $0x3F800000, v9  }
0x56: {  	[tilespmem:v8+s5+$0x0] =	vst.idx.msk @p0 $0xffff, v9  }
0x57: {  	v8 =	vld.idx.msk [tilespmem:v11+s3+$0x0], $0xffff;
	_ =	sdelay $0x4  }
0x58: {  	v8 =	vxor.u32 $0x80000000, v8  }
0x59: {  	(xrf0) =	vmax.scan.msk.u32 $0xffff, v8;
	_ =	sdelay $0x5  }
0x5a: {  	v8, _, _ =	vpop (xrf0)  }
0x5b: {  	(v2sf) =	vpush v8, $0xF;
	_ =	sdelay $0xe  }
0x5c: {  	s18 =	spop (v2sf)  }
0x5d: {  	s10 =	ssub.s32 s18, s10  }
0x5e: {  	v8 =	vmov s10  }
0x5f: {  	v56 =	vshll.u32 v8, $0x3  }
0x60: {  	v8 =	vand.u32 $0x7F, v8;
	v9 =	vand.u32 $0xFFFFFC00, v56  }
0x61: {  	v8 =	vor.u32 v8, v9  }
0x62: {  	v9 =	vadd.s32 v0, v8;
	_ =	sdelay $0x4  }
0x63: {  	v57 =	vld.idx.msk [tilespmem:v9+s30+$0x0], $0xffff  }
0x64: {  	v12 =	vshll.u32 v11, $0x3;
	v9 =	vld.idx.msk [tilespmem:v9+s31+$0x0], $0xffff  }
0x65: {  	v13 =	vand.u32 $0x7F, v11;
	v12 =	vand.u32 $0xFFFFFC00, v12;
	v11 =	vld.idx.msk [tilespmem:v11+s25+$0x0], $0xffff  }
0x66: {  	v12 =	vor.u32 v13, v12  }
0x67: {  	v13 =	vadd.s32 v1, v12  }
0x68: {  	v14 =	vadd.s32 v2, v8  }
0x69: {  	v9 =	vadd.f32 v9, v57  }
0x6a: {  	vm15 =	vgt.f32 v11, $-1.500000000e+00  }
0x6b: {  	v9 =	vnsel vm15, $0x3F800000, v9  }
0x6c: {  	[tilespmem:v13+s5+$0x0] =	vst.idx.msk $0xffff, v9  }
0x6d: {  	v9 =	vld.idx.msk [tilespmem:v14+s30+$0x0], $0xffff  }
0x6e: {  	v58 =	vld.idx.msk [tilespmem:v14+s31+$0x0], $0xffff;
	_ =	sdelay $0x2  }
0x6f: {  	v59 =	vadd.s32 v3, v12  }
0x70: {  	v60 =	vadd.s32 v4, v8  }
0x71: {  	v9 =	vadd.f32 v58, v9;
	_ =	sdelay $0x1  }
0x72: {  	v9 =	vnsel vm15, $0x3F800000, v9  }
0x73: {  	[tilespmem:v59+s5+$0x0] =	vst.idx.msk $0xffff, v9  }
0x74: {  	v9 =	vld.idx.msk [tilespmem:v60+s30+$0x0], $0xffff  }
0x75: {  	v61 =	vld.idx.msk [tilespmem:v60+s31+$0x0], $0xffff;
	_ =	sdelay $0x2  }
0x76: {  	v62 =	vadd.s32 v5, v12  }
0x77: {  	v8 =	vadd.s32 v6, v8  }
0x78: {  	v9 =	vadd.f32 v61, v9;
	_ =	sdelay $0x1  }
0x79: {  	v9 =	vnsel vm15, $0x3F800000, v9  }
0x7a: {  	[tilespmem:v62+s5+$0x0] =	vst.idx.msk $0xffff, v9  }
0x7b: {  	v9 =	vld.idx.msk [tilespmem:v8+s30+$0x0], $0xffff  }
0x7c: {  	v8 =	vld.idx.msk [tilespmem:v8+s31+$0x0], $0xffff;
	_ =	sdelay $0x2  }
0x7d: {  	v63 =	vadd.s32 v7, v12;
	_ =	sdelay $0x1  }
0x7e: {  	v8 =	vadd.f32 v8, v9;
	_ =	sdelay $0x1  }
0x7f: {  	v8 =	vnsel vm15, $0x3F800000, v8  }
0x80: {  	[tilespmem:v63+s5+$0x0] =	vst.idx.msk $0xffff, v8  }
.LBB2_18:
0x81: {  	s10 =	smin.u32 s16, $0x1C  }
0x82: {  	s9 =	sadd.s32 $0x1, s9;
	s10 =	sshll.u32 s10, $0xB  }
0x83: {  	p0 =	sne.s32 s9, $0x10;
	s10 =	sadd.s32 s12, s10  }
.Ltmp3:
0x84: {  	s10 =	sshrl.u32 s10, $0x3;
	(pc) =	sbr.rel @!p0 .LBB2_19-.Ltmp3, $4  }
0x85: {  	s14 =	sadd.s32 s0, s10  }
0x86: {  	[tilespmem:s30], [sflag:$0x2] =	stream.strided.gather [hbm4b:s14+s28], $0x4000, s26, s28, $0x38;
	[tilespmem:$0x1E800] =	vst v63  }
0x87: {  	s10 =	sadd.s32 s1, s10  }
0x88: {  	[tilespmem:s31], [sflag:$0x4] =	stream.strided.gather [hbm4b:s10+s28], $0x4000, s26, s28, $0x38;
	[tilespmem:$0x1E800] =	vst v63  }
.LBB2_2:
0x89: {  	_ =	swait.ge [sflag:s2], $0x4000  }
0x8a: {  	[sflag:s2] =	ssyncset.done $0x0  }
0x8b: {  	[sflag:s2] =	ssyncadd.s32 $0xFFFFC000  }
0x8c: {  	_ =	swait.ge [sflag:s4], $0x4000  }
0x8d: {  	s15 =	sshll.u32 s9, $0x9;
	s14 =	sadd.s32 $0xFFFFFFFF, s13;
	[sflag:s4] =	ssyncset.done $0x0  }
0x8e: {  	s16 =	simm.s32 $0x0;
	s10 =	sor.u32 $0x100, s15;
	[sflag:s4] =	ssyncadd.s32 $0xFFFFC000  }
.LBB2_3:
0x8f: {  	s17 =	smov.u32 s14;
	s14 =	sadd.s32 $0x1, s14  }
0x90: {  	v8 =	vmov s14;
	_ =	sdelay $0x4  }
0x91: {  	v8 =	vld.idx.msk [tilespmem:v8+s3+$0x0], $0xffff;
	_ =	sdelay $0x4  }
0x92: {  	v8 =	vxor.u32 $0x80000000, v8  }
0x93: {  	(xrf0) =	vmax.scan.msk.u32 $0xffff, v8;
	_ =	sdelay $0x5  }
0x94: {  	v8, _, _ =	vpop (xrf0)  }
0x95: {  	(v2sf) =	vpush v8, $0xF;
	_ =	sdelay $0xe  }
0x96: {  	s18 =	spop (v2sf)  }
0x97: {  	p0 =	sgt.s32 s14, $0x33F;
	s18 =	sxor.u32 $0x80000000, s18  }
0x98: {  	p1 =	slt.s32 @!p0 s18, s10  }
0x99: {  	p0 =	por p0, !p1  }
.Ltmp4:
0x9a: {  	_ = 	snop;
	(pc) =	sbr.rel @!p0 .LBB2_3-.Ltmp4, $2  }
0x9b: {  	_ =	sdelay $0x2  }
0x9c: {  	s18 =	smov.u32 s16;
	s16 =	sadd.s32 $0x1, s16  }
0x9d: {  	p0 =	sge.s32 s13, s14  }
.Ltmp5:
0x9e: {  	_ = 	snop;
	(pc) =	sbr.rel @p0 .LBB2_10-.Ltmp5, $1  }
0x9f: {  	_ =	sdelay $0x3  }
0xa0: {  	p1 =	sne.s32 s18, $0x1  }
.Ltmp6:
0xa1: {  	_ = 	snop;
	(pc) =	sbr.rel @!p1 .LBB2_6-.Ltmp6, $2  }
0xa2: {  	_ =	sdelay $0x2  }
0xa3: {  	s16 =	sadd.s32 $0xFFFFFFFF, s18;
	p0 =	por $0x0, $0x0  }
0xa4: {  	v8 =	vmov s13;
	_ =	sdelay $0x4  }
0xa5: {  	v9 =	vld.idx.msk [tilespmem:v8+s3+$0x0], $0xffff;
	_ =	sdelay $0x4  }
0xa6: {  	v9 =	vxor.u32 $0x80000000, v9  }
0xa7: {  	(xrf0) =	vmax.scan.msk.u32 $0xffff, v9;
	_ =	sdelay $0x5  }
0xa8: {  	v9, _, _ =	vpop (xrf0)  }
0xa9: {  	(v2sf) =	vpush v9, $0xF;
	_ =	sdelay $0xe  }
0xaa: {  	s18 =	spop (v2sf)  }
0xab: {  	s18 =	ssub.s32 s18, s15  }
0xac: {  	v9 =	vmov s18  }
0xad: {  	v10 =	vshll.u32 v9, $0x3  }
0xae: {  	v9 =	vand.u32 $0x7F, v9;
	v10 =	vand.u32 $0xFFFFFC00, v10  }
0xaf: {  	v9 =	vor.u32 v9, v10  }
0xb0: {  	v10 =	vadd.s32 v0, v9;
	_ =	sdelay $0x4  }
0xb1: {  	v11 =	vld.idx.msk [tilespmem:v10+s28+$0x0], $0xffff  }
0xb2: {  	v12 =	vshll.u32 v8, $0x3;
	v10 =	vld.idx.msk [tilespmem:v10+s29+$0x0], $0xffff  }
0xb3: {  	v13 =	vand.u32 $0x7F, v8;
	v12 =	vand.u32 $0xFFFFFC00, v12;
	v8 =	vld.idx.msk [tilespmem:v8+s25+$0x0], $0xffff  }
0xb4: {  	v12 =	vor.u32 v13, v12  }
0xb5: {  	v13 =	vadd.s32 v1, v12  }
0xb6: {  	v14 =	vadd.s32 v2, v9  }
0xb7: {  	v10 =	vadd.f32 v10, v11  }
0xb8: {  	vm0 =	vgt.f32 v8, $-1.500000000e+00  }
0xb9: {  	v8 =	vnsel vm0, $0x3F800000, v10  }
0xba: {  	[tilespmem:v13+s5+$0x0] =	vst.idx.msk $0xffff, v8  }
0xbb: {  	v8 =	vld.idx.msk [tilespmem:v14+s28+$0x0], $0xffff  }
0xbc: {  	v10 =	vld.idx.msk [tilespmem:v14+s29+$0x0], $0xffff;
	_ =	sdelay $0x2  }
0xbd: {  	v11 =	vadd.s32 v3, v12  }
0xbe: {  	v62 =	vadd.s32 v4, v9  }
0xbf: {  	v8 =	vadd.f32 v10, v8;
	_ =	sdelay $0x1  }
0xc0: {  	v8 =	vnsel vm0, $0x3F800000, v8  }
0xc1: {  	[tilespmem:v11+s5+$0x0] =	vst.idx.msk $0xffff, v8  }
0xc2: {  	v8 =	vld.idx.msk [tilespmem:v62+s28+$0x0], $0xffff  }
0xc3: {  	v10 =	vld.idx.msk [tilespmem:v62+s29+$0x0], $0xffff;
	_ =	sdelay $0x2  }
0xc4: {  	v11 =	vadd.s32 v5, v12  }
0xc5: {  	v63 =	vadd.s32 v6, v9  }
0xc6: {  	v8 =	vadd.f32 v10, v8;
	_ =	sdelay $0x1  }
0xc7: {  	v8 =	vnsel vm0, $0x3F800000, v8  }
0xc8: {  	p1 =	sne.s32 s16, $0x1;
	[tilespmem:v11+s5+$0x0] =	vst.idx.msk $0xffff, v8  }
.Ltmp7:
0xc9: {  	v9 =	vld.idx.msk [tilespmem:v63+s28+$0x0], $0xffff;
	(pc) =	sbr.rel @!p1 .LBB2_9-.Ltmp7, $2  }
0xca: {  	v10 =	vld.idx.msk [tilespmem:v63+s29+$0x0], $0xffff;
	_ =	sdelay $0x2  }
0xcb: {  	s16 =	sadd.s32 $0xFFFFFFFF, s16;
	s13 =	sadd.s32 $0x1, s13;
	p0 =	por $0x1, $0x1;
	v8 =	vadd.s32 v7, v12  }
.LBB2_8:
0xcc: {  	p1 =	sne.s32 s16, $0x1;
	s16 =	sadd.s32 $0xFFFFFFFF, s16;
	v11 =	vmov s13  }
0xcd: {  	v9 =	vadd.f32 v10, v9;
	v12 =	vshll.u32 v11, $0x3  }
0xce: {  	v10 =	vand.u32 $0x7F, v11;
	v12 =	vand.u32 $0xFFFFFC00, v12  }
0xcf: {  	v9 =	vnsel vm0, $0x3F800000, v9;
	v12 =	vor.u32 v10, v12  }
0xd0: {  	[tilespmem:v8+s5+$0x0] =	vst.idx.msk $0xffff, v9  }
0xd1: {  	v8 =	vld.idx.msk [tilespmem:v11+s3+$0x0], $0xffff;
	_ =	sdelay $0x5  }
0xd2: {  	v8 =	vxor.u32 $0x80000000, v8  }
0xd3: {  	(xrf0) =	vmax.scan.msk.u32 $0xffff, v8;
	_ =	sdelay $0x5  }
0xd4: {  	v8, _, _ =	vpop (xrf0)  }
0xd5: {  	(v2sf) =	vpush v8, $0xF;
	_ =	sdelay $0xe  }
0xd6: {  	s18 =	spop (v2sf)  }
0xd7: {  	s18 =	ssub.s32 s18, s15  }
0xd8: {  	v8 =	vmov s18  }
0xd9: {  	v9 =	vshll.u32 v8, $0x3  }
0xda: {  	v8 =	vand.u32 $0x7F, v8;
	v9 =	vand.u32 $0xFFFFFC00, v9  }
0xdb: {  	v8 =	vor.u32 v8, v9  }
0xdc: {  	v9 =	vadd.s32 v0, v8;
	_ =	sdelay $0x3  }
0xdd: {  	v10 =	vld.idx.msk [tilespmem:v11+s25+$0x0], $0xffff  }
0xde: {  	v11 =	vld.idx.msk [tilespmem:v9+s28+$0x0], $0xffff  }
0xdf: {  	v9 =	vld.idx.msk [tilespmem:v9+s29+$0x0], $0xffff;
	_ =	sdelay $0x2  }
0xe0: {  	v13 =	vadd.s32 v1, v12;
	_ =	sdelay $0x1  }
0xe1: {  	v14 =	vadd.s32 v2, v8  }
0xe2: {  	vm0 =	vgt.f32 v10, $-1.500000000e+00;
	v9 =	vadd.f32 v9, v11;
	_ =	sdelay $0x1  }
0xe3: {  	v9 =	vnsel vm0, $0x3F800000, v9  }
0xe4: {  	[tilespmem:v13+s5+$0x0] =	vst.idx.msk $0xffff, v9  }
0xe5: {  	v9 =	vld.idx.msk [tilespmem:v14+s28+$0x0], $0xffff  }
0xe6: {  	v10 =	vld.idx.msk [tilespmem:v14+s29+$0x0], $0xffff;
	_ =	sdelay $0x1  }
0xe7: {  	v11 =	vadd.s32 v3, v12;
	_ =	sdelay $0x2  }
0xe8: {  	v13 =	vadd.s32 v4, v8  }
0xe9: {  	v9 =	vadd.f32 v10, v9;
	_ =	sdelay $0x1  }
0xea: {  	v9 =	vnsel vm0, $0x3F800000, v9  }
0xeb: {  	[tilespmem:v11+s5+$0x0] =	vst.idx.msk $0xffff, v9  }
0xec: {  	v9 =	vld.idx.msk [tilespmem:v13+s28+$0x0], $0xffff  }
0xed: {  	v10 =	vld.idx.msk [tilespmem:v13+s29+$0x0], $0xffff  }
0xee: {  	v11 =	vadd.s32 v5, v12;
	_ =	sdelay $0x3  }
0xef: {  	v8 =	vadd.s32 v6, v8  }
0xf0: {  	v9 =	vadd.f32 v10, v9;
	_ =	sdelay $0x1  }
0xf1: {  	v9 =	vnsel vm0, $0x3F800000, v9  }
0xf2: {  	[tilespmem:v11+s5+$0x0] =	vst.idx.msk $0xffff, v9  }
0xf3: {  	v9 =	vld.idx.msk [tilespmem:v8+s28+$0x0], $0xffff  }
.Ltmp8:
0xf4: {  	v10 =	vld.idx.msk [tilespmem:v8+s29+$0x0], $0xffff;
	v8 =	vadd.s32 v7, v12;
	(pc) =	sbr.rel @p1 .LBB2_8-.Ltmp8, $2  }
0xf5: {  	_ =	sdelay $0x2  }
0xf6: {  	s13 =	sadd.s32 $0x1, s13  }
.LBB2_9:
0xf7: {  	v11 =	vmov s13  }
0xf8: {  	v9 =	vadd.f32 @p0 v10, v9;
	_ =	sdelay $0x1  }
0xf9: {  	v9 =	vnsel @p0 vm0, $0x3F800000, v9  }
0xfa: {  	[tilespmem:v8+s5+$0x0] =	vst.idx.msk @p0 $0xffff, v9  }
0xfb: {  	v8 =	vld.idx.msk [tilespmem:v11+s3+$0x0], $0xffff;
	_ =	sdelay $0x4  }
0xfc: {  	v8 =	vxor.u32 $0x80000000, v8  }
0xfd: {  	(xrf0) =	vmax.scan.msk.u32 $0xffff, v8;
	_ =	sdelay $0x5  }
0xfe: {  	v8, _, _ =	vpop (xrf0)  }
0xff: {  	(v2sf) =	vpush v8, $0xF;
	_ =	sdelay $0xe  }
0x100: {  	s18 =	spop (v2sf)  }
0x101: {  	s13 =	ssub.s32 s18, s15  }
0x102: {  	v8 =	vmov s13  }
0x103: {  	v56 =	vshll.u32 v8, $0x3  }
0x104: {  	v8 =	vand.u32 $0x7F, v8;
	v9 =	vand.u32 $0xFFFFFC00, v56  }
0x105: {  	v8 =	vor.u32 v8, v9  }
0x106: {  	v9 =	vadd.s32 v0, v8;
	_ =	sdelay $0x4  }
0x107: {  	v57 =	vld.idx.msk [tilespmem:v9+s28+$0x0], $0xffff  }
0x108: {  	v12 =	vshll.u32 v11, $0x3;
	v9 =	vld.idx.msk [tilespmem:v9+s29+$0x0], $0xffff  }
0x109: {  	v13 =	vand.u32 $0x7F, v11;
	v12 =	vand.u32 $0xFFFFFC00, v12;
	v11 =	vld.idx.msk [tilespmem:v11+s25+$0x0], $0xffff  }
0x10a: {  	v12 =	vor.u32 v13, v12  }
0x10b: {  	v13 =	vadd.s32 v1, v12  }
0x10c: {  	v14 =	vadd.s32 v2, v8  }
0x10d: {  	v9 =	vadd.f32 v9, v57  }
0x10e: {  	vm15 =	vgt.f32 v11, $-1.500000000e+00  }
0x10f: {  	v9 =	vnsel vm15, $0x3F800000, v9  }
0x110: {  	[tilespmem:v13+s5+$0x0] =	vst.idx.msk $0xffff, v9  }
0x111: {  	v9 =	vld.idx.msk [tilespmem:v14+s28+$0x0], $0xffff  }
0x112: {  	v58 =	vld.idx.msk [tilespmem:v14+s29+$0x0], $0xffff;
	_ =	sdelay $0x2  }
0x113: {  	v59 =	vadd.s32 v3, v12  }
0x114: {  	v60 =	vadd.s32 v4, v8  }
0x115: {  	v9 =	vadd.f32 v58, v9;
	_ =	sdelay $0x1  }
0x116: {  	v9 =	vnsel vm15, $0x3F800000, v9  }
0x117: {  	[tilespmem:v59+s5+$0x0] =	vst.idx.msk $0xffff, v9  }
0x118: {  	v9 =	vld.idx.msk [tilespmem:v60+s28+$0x0], $0xffff  }
0x119: {  	v61 =	vld.idx.msk [tilespmem:v60+s29+$0x0], $0xffff;
	_ =	sdelay $0x2  }
0x11a: {  	v62 =	vadd.s32 v5, v12  }
0x11b: {  	v8 =	vadd.s32 v6, v8  }
0x11c: {  	v9 =	vadd.f32 v61, v9;
	_ =	sdelay $0x1  }
0x11d: {  	v9 =	vnsel vm15, $0x3F800000, v9  }
0x11e: {  	[tilespmem:v62+s5+$0x0] =	vst.idx.msk $0xffff, v9  }
0x11f: {  	v9 =	vld.idx.msk [tilespmem:v8+s28+$0x0], $0xffff  }
0x120: {  	v8 =	vld.idx.msk [tilespmem:v8+s29+$0x0], $0xffff;
	_ =	sdelay $0x2  }
0x121: {  	v63 =	vadd.s32 v7, v12;
	_ =	sdelay $0x1  }
0x122: {  	v8 =	vadd.f32 v8, v9;
	_ =	sdelay $0x1  }
0x123: {  	v8 =	vnsel vm15, $0x3F800000, v8  }
0x124: {  	[tilespmem:v63+s5+$0x0] =	vst.idx.msk $0xffff, v8  }
.LBB2_10:
0x125: {  	s16 =	sshll.u32 s9, $0x1  }
0x126: {  	s13 =	smin.u32 s16, $0x1D  }
0x127: {  	s13 =	sshll.u32 s13, $0xB  }
0x128: {  	s13 =	sadd.s32 s11, s13  }
0x129: {  	s13 =	sshrl.u32 s13, $0x3  }
0x12a: {  	s18 =	sadd.s32 s0, s13  }
0x12b: {  	[tilespmem:s28], [sflag:$0x1] =	stream.strided.gather [hbm4b:s18+s28], $0x4000, s26, s28, $0x38;
	[tilespmem:$0x1E800] =	vst v63  }
0x12c: {  	s13 =	sadd.s32 s1, s13  }
0x12d: {  	[tilespmem:s29], [sflag:$0x3] =	stream.strided.gather [hbm4b:s13+s28], $0x4000, s26, s28, $0x38;
	[tilespmem:$0x1E800] =	vst v63  }
0x12e: {  	_ =	swait.ge [sflag:s6], $0x4000  }
0x12f: {  	[sflag:s6] =	ssyncset.done $0x0  }
0x130: {  	[sflag:s6] =	ssyncadd.s32 $0xFFFFC000  }
0x131: {  	_ =	swait.ge [sflag:s7], $0x4000  }
0x132: {  	s15 =	sadd.s32 $0x200, s15;
	[sflag:s7] =	ssyncset.done $0x0  }
0x133: {  	s18 =	simm.s32 $0x0;
	s13 =	smov.u32 s17;
	[sflag:s7] =	ssyncadd.s32 $0xFFFFC000  }
.LBB2_11:
0x134: {  	s13 =	sadd.s32 $0x1, s13  }
0x135: {  	v8 =	vmov s13;
	_ =	sdelay $0x4  }
0x136: {  	v8 =	vld.idx.msk [tilespmem:v8+s3+$0x0], $0xffff;
	_ =	sdelay $0x4  }
0x137: {  	v8 =	vxor.u32 $0x80000000, v8  }
0x138: {  	(xrf0) =	vmax.scan.msk.u32 $0xffff, v8;
	_ =	sdelay $0x5  }
0x139: {  	v8, _, _ =	vpop (xrf0)  }
0x13a: {  	(v2sf) =	vpush v8, $0xF;
	_ =	sdelay $0xe  }
0x13b: {  	s17 =	spop (v2sf)  }
0x13c: {  	p0 =	sgt.s32 s13, $0x33F;
	s17 =	sxor.u32 $0x80000000, s17  }
0x13d: {  	p1 =	slt.s32 @!p0 s17, s15  }
0x13e: {  	p0 =	por p0, !p1  }
.Ltmp9:
0x13f: {  	_ = 	snop;
	(pc) =	sbr.rel @!p0 .LBB2_11-.Ltmp9, $2  }
0x140: {  	_ =	sdelay $0x2  }
0x141: {  	s17 =	smov.u32 s18;
	s18 =	sadd.s32 $0x1, s18  }
0x142: {  	p0 =	sge.s32 s14, s13  }
.Ltmp10:
0x143: {  	_ = 	snop;
	(pc) =	sbr.rel @p0 .LBB2_18-.Ltmp10, $1  }
0x144: {  	_ =	sdelay $0x3  }
0x145: {  	p1 =	sne.s32 s17, $0x1  }
.Ltmp11:
0x146: {  	_ = 	snop;
	(pc) =	sbr.rel @!p1 .LBB2_14-.Ltmp11, $2  }
0x147: {  	_ =	sdelay $0x2  }
0x148: {  	s15 =	sadd.s32 $0xFFFFFFFF, s17;
	p0 =	por $0x0, $0x0  }
0x149: {  	v8 =	vmov s14;
	_ =	sdelay $0x4  }
0x14a: {  	v9 =	vld.idx.msk [tilespmem:v8+s3+$0x0], $0xffff;
	_ =	sdelay $0x4  }
0x14b: {  	v9 =	vxor.u32 $0x80000000, v9  }
0x14c: {  	(xrf0) =	vmax.scan.msk.u32 $0xffff, v9;
	_ =	sdelay $0x5  }
0x14d: {  	v9, _, _ =	vpop (xrf0)  }
0x14e: {  	(v2sf) =	vpush v9, $0xF;
	_ =	sdelay $0xe  }
0x14f: {  	s17 =	spop (v2sf)  }
0x150: {  	s17 =	ssub.s32 s17, s10  }
0x151: {  	v9 =	vmov s17  }
0x152: {  	v10 =	vshll.u32 v9, $0x3  }
0x153: {  	v9 =	vand.u32 $0x7F, v9;
	v10 =	vand.u32 $0xFFFFFC00, v10  }
0x154: {  	v9 =	vor.u32 v9, v10  }
0x155: {  	v10 =	vadd.s32 v0, v9;
	_ =	sdelay $0x4  }
0x156: {  	v11 =	vld.idx.msk [tilespmem:v10+s30+$0x0], $0xffff  }
0x157: {  	v12 =	vshll.u32 v8, $0x3;
	v10 =	vld.idx.msk [tilespmem:v10+s31+$0x0], $0xffff  }
0x158: {  	v13 =	vand.u32 $0x7F, v8;
	v12 =	vand.u32 $0xFFFFFC00, v12;
	v8 =	vld.idx.msk [tilespmem:v8+s25+$0x0], $0xffff  }
0x159: {  	v12 =	vor.u32 v13, v12  }
0x15a: {  	v13 =	vadd.s32 v1, v12  }
0x15b: {  	v14 =	vadd.s32 v2, v9  }
0x15c: {  	v10 =	vadd.f32 v10, v11  }
0x15d: {  	vm0 =	vgt.f32 v8, $-1.500000000e+00  }
0x15e: {  	v8 =	vnsel vm0, $0x3F800000, v10  }
0x15f: {  	[tilespmem:v13+s5+$0x0] =	vst.idx.msk $0xffff, v8  }
0x160: {  	v8 =	vld.idx.msk [tilespmem:v14+s30+$0x0], $0xffff  }
0x161: {  	v10 =	vld.idx.msk [tilespmem:v14+s31+$0x0], $0xffff;
	_ =	sdelay $0x2  }
0x162: {  	v11 =	vadd.s32 v3, v12  }
0x163: {  	v62 =	vadd.s32 v4, v9  }
0x164: {  	v8 =	vadd.f32 v10, v8;
	_ =	sdelay $0x1  }
0x165: {  	v8 =	vnsel vm0, $0x3F800000, v8  }
0x166: {  	[tilespmem:v11+s5+$0x0] =	vst.idx.msk $0xffff, v8  }
0x167: {  	v8 =	vld.idx.msk [tilespmem:v62+s30+$0x0], $0xffff  }
0x168: {  	v10 =	vld.idx.msk [tilespmem:v62+s31+$0x0], $0xffff;
	_ =	sdelay $0x2  }
0x169: {  	v11 =	vadd.s32 v5, v12  }
0x16a: {  	v63 =	vadd.s32 v6, v9  }
0x16b: {  	v8 =	vadd.f32 v10, v8;
	_ =	sdelay $0x1  }
0x16c: {  	v8 =	vnsel vm0, $0x3F800000, v8  }
0x16d: {  	p1 =	sne.s32 s15, $0x1;
	[tilespmem:v11+s5+$0x0] =	vst.idx.msk $0xffff, v8  }
.Ltmp12:
0x16e: {  	v9 =	vld.idx.msk [tilespmem:v63+s30+$0x0], $0xffff;
	(pc) =	sbr.rel @!p1 .LBB2_17-.Ltmp12, $2  }
0x16f: {  	v10 =	vld.idx.msk [tilespmem:v63+s31+$0x0], $0xffff;
	_ =	sdelay $0x2  }
0x170: {  	s15 =	sadd.s32 $0xFFFFFFFF, s15;
	s14 =	sadd.s32 $0x1, s14;
	p0 =	por $0x1, $0x1;
	v8 =	vadd.s32 v7, v12  }
.LBB2_16:
0x171: {  	p1 =	sne.s32 s15, $0x1;
	s15 =	sadd.s32 $0xFFFFFFFF, s15;
	v11 =	vmov s14  }
0x172: {  	v9 =	vadd.f32 v10, v9;
	v12 =	vshll.u32 v11, $0x3  }
0x173: {  	v10 =	vand.u32 $0x7F, v11;
	v12 =	vand.u32 $0xFFFFFC00, v12  }
0x174: {  	v9 =	vnsel vm0, $0x3F800000, v9;
	v12 =	vor.u32 v10, v12  }
0x175: {  	[tilespmem:v8+s5+$0x0] =	vst.idx.msk $0xffff, v9  }
0x176: {  	v8 =	vld.idx.msk [tilespmem:v11+s3+$0x0], $0xffff;
	_ =	sdelay $0x5  }
0x177: {  	v8 =	vxor.u32 $0x80000000, v8  }
0x178: {  	(xrf0) =	vmax.scan.msk.u32 $0xffff, v8;
	_ =	sdelay $0x5  }
0x179: {  	v8, _, _ =	vpop (xrf0)  }
0x17a: {  	(v2sf) =	vpush v8, $0xF;
	_ =	sdelay $0xe  }
0x17b: {  	s17 =	spop (v2sf)  }
0x17c: {  	s17 =	ssub.s32 s17, s10  }
0x17d: {  	v8 =	vmov s17  }
0x17e: {  	v9 =	vshll.u32 v8, $0x3  }
0x17f: {  	v8 =	vand.u32 $0x7F, v8;
	v9 =	vand.u32 $0xFFFFFC00, v9  }
0x180: {  	v8 =	vor.u32 v8, v9  }
0x181: {  	v9 =	vadd.s32 v0, v8;
	_ =	sdelay $0x3  }
0x182: {  	v10 =	vld.idx.msk [tilespmem:v11+s25+$0x0], $0xffff  }
0x183: {  	v11 =	vld.idx.msk [tilespmem:v9+s30+$0x0], $0xffff  }
0x184: {  	v9 =	vld.idx.msk [tilespmem:v9+s31+$0x0], $0xffff;
	_ =	sdelay $0x2  }
0x185: {  	v13 =	vadd.s32 v1, v12;
	_ =	sdelay $0x1  }
0x186: {  	v14 =	vadd.s32 v2, v8  }
0x187: {  	vm0 =	vgt.f32 v10, $-1.500000000e+00;
	v9 =	vadd.f32 v9, v11;
	_ =	sdelay $0x1  }
0x188: {  	v9 =	vnsel vm0, $0x3F800000, v9  }
0x189: {  	[tilespmem:v13+s5+$0x0] =	vst.idx.msk $0xffff, v9  }
0x18a: {  	v9 =	vld.idx.msk [tilespmem:v14+s30+$0x0], $0xffff  }
0x18b: {  	v10 =	vld.idx.msk [tilespmem:v14+s31+$0x0], $0xffff;
	_ =	sdelay $0x1  }
0x18c: {  	v11 =	vadd.s32 v3, v12;
	_ =	sdelay $0x2  }
0x18d: {  	v13 =	vadd.s32 v4, v8  }
0x18e: {  	v9 =	vadd.f32 v10, v9;
	_ =	sdelay $0x1  }
0x18f: {  	v9 =	vnsel vm0, $0x3F800000, v9  }
0x190: {  	[tilespmem:v11+s5+$0x0] =	vst.idx.msk $0xffff, v9  }
0x191: {  	v9 =	vld.idx.msk [tilespmem:v13+s30+$0x0], $0xffff  }
0x192: {  	v10 =	vld.idx.msk [tilespmem:v13+s31+$0x0], $0xffff  }
0x193: {  	v11 =	vadd.s32 v5, v12;
	_ =	sdelay $0x3  }
0x194: {  	v8 =	vadd.s32 v6, v8  }
0x195: {  	v9 =	vadd.f32 v10, v9;
	_ =	sdelay $0x1  }
0x196: {  	v9 =	vnsel vm0, $0x3F800000, v9  }
0x197: {  	[tilespmem:v11+s5+$0x0] =	vst.idx.msk $0xffff, v9  }
0x198: {  	v9 =	vld.idx.msk [tilespmem:v8+s30+$0x0], $0xffff  }
.Ltmp13:
0x199: {  	v10 =	vld.idx.msk [tilespmem:v8+s31+$0x0], $0xffff;
	v8 =	vadd.s32 v7, v12;
	(pc) =	sbr.rel @p1 .LBB2_16-.Ltmp13, $2  }
0x19a: {  	_ =	sdelay $0x2  }
0x19b: {  	s14 =	sadd.s32 $0x1, s14  }
.Ltmp14:
0x19c: {  	_ = 	snop;
	(pc) =	sbr.rel .LBB2_17-.Ltmp14, $1  }
0x19d: {  	_ =	sdelay $0x3  }
.LBB2_6:
.Ltmp15:
0x19e: {  	(pc) =	sbr.rel .LBB2_9-.Ltmp15, $2  }
0x19f: {  	_ =	sdelay $0x2  }
0x1a0: {  	_ = 	snop  }
.LBB2_19:
0x1a1: {  	_ =	swait.ge [sflag:s2], $0x4000  }
0x1a2: {  	[sflag:s2] =	ssyncset.done $0x0  }
0x1a3: {  	[sflag:s2] =	ssyncadd.s32 $0xFFFFC000  }
0x1a4: {  	_ =	swait.ge [sflag:s4], $0x4000  }
0x1a5: {  	[sflag:s4] =	ssyncset.done $0x0  }
0x1a6: {  	[sflag:s4] =	ssyncadd.s32 $0xFFFFC000  }
0x1a7: {  	_ =	swait.ge [sflag:s6], $0x4000  }
0x1a8: {  	[sflag:s6] =	ssyncset.done $0x0  }
0x1a9: {  	[sflag:s6] =	ssyncadd.s32 $0xFFFFC000  }
0x1aa: {  	_ =	swait.ge [sflag:s7], $0x4000  }
0x1ab: {  	[sflag:s7] =	ssyncset.done $0x0  }
0x1ac: {  	s10 =	simm.s32 $0x0;
	s9 =	rddreg [dreg:$0xa];
	[sflag:s7] =	ssyncadd.s32 $0xFFFFC000  }
0x1ad: {  	[hbm4b:s9+s10] =	stream.linear.scatter [tilespmem:s5], [sflag:$0x5], $0xE000, $0x38;
	[tilespmem:$0x1E800] =	vst v63  }
0x1ae: {  	_ =	swait.ge [sflag:s24], $0xE000  }
0x1af: {  	[sflag:s24] =	ssyncset.done $0x0  }
0x1b0: {  	s14 =	rddreg [dreg:$0xb];
	[sflag:s24] =	ssyncadd.s32 $0xFFFF2000  }
0x1b1: {  	[tilespmem:s10], [sflag:$0x5] =	stream.linear.gather [hbm4b:s14+s10], $0x400, $0x38;
	[tilespmem:$0x1E800] =	vst v63  }
0x1b2: {  	_ =	swait.ge [sflag:s24], $0x400  }
0x1b3: {  	[sflag:s24] =	ssyncset.done $0x0  }
0x1b4: {  	s15 =	rddreg [dreg:$0xc];
	[sflag:s24] =	ssyncadd.s32 $0xFFFFFC00  }
0x1b5: {  	[tilespmem:s25], [sflag:$0x5] =	stream.linear.gather [hbm4b:s15+s10], $0x400, $0x38;
	[tilespmem:$0x1E800] =	vst v63  }
0x1b6: {  	_ =	swait.ge [sflag:s24], $0x400  }
0x1b7: {  	[sflag:s24] =	ssyncset.done $0x0  }
0x1b8: {  	s16 =	rddreg [dreg:$0xd];
	[sflag:s24] =	ssyncadd.s32 $0xFFFFFC00  }
0x1b9: {  	[tilespmem:s28], [sflag:$0x1] =	stream.strided.gather [hbm4b:s16+s28], $0x4000, s26, s28, $0x38;
	[tilespmem:$0x1E800] =	vst v63  }
0x1ba: {  	s17 =	rddreg [dreg:$0xe]  }
0x1bb: {  	[tilespmem:s29], [sflag:$0x3] =	stream.strided.gather [hbm4b:s17+s28], $0x4000, s26, s28, $0x38;
	[tilespmem:$0x1E800] =	vst v63  }
.Ltmp16:
0x1bc: {  	_ = 	snop;
	(pc) =	sbr.rel .LBB2_20-.Ltmp16, $4  }
0x1bd: {  	s18 =	rddreg [dreg:$0xf]  }
0x1be: {  	[tilespmem:s30], [sflag:$0x2] =	stream.strided.gather [hbm4b:s18+s28], $0x4000, s26, s28, $0x38;
	[tilespmem:$0x1E800] =	vst v63  }
0x1bf: {  	s9 =	simm.s32 $0x0  }
0x1c0: {  	[tilespmem:s31], [sflag:$0x4] =	stream.strided.gather [hbm4b:s19+s28], $0x4000, s26, s28, $0x38;
	[tilespmem:$0x1E800] =	vst v63  }
.LBB2_32:
0x1c1: {  	_ = 	snop  }
.LBB2_35:
0x1c2: {  	v11 =	vmov s14  }
0x1c3: {  	v9 =	vadd.f32 @p0 v10, v9;
	_ =	sdelay $0x1  }
0x1c4: {  	v9 =	vnsel @p0 vm0, $0x3F800000, v9  }
0x1c5: {  	[tilespmem:v8+s5+$0x0] =	vst.idx.msk @p0 $0xffff, v9  }
0x1c6: {  	v8 =	vld.idx.msk [tilespmem:v11+s3+$0x0], $0xffff;
	_ =	sdelay $0x4  }
0x1c7: {  	v8 =	vxor.u32 $0x80000000, v8  }
0x1c8: {  	(xrf0) =	vmax.scan.msk.u32 $0xffff, v8;
	_ =	sdelay $0x5  }
0x1c9: {  	v8, _, _ =	vpop (xrf0)  }
0x1ca: {  	(v2sf) =	vpush v8, $0xF;
	_ =	sdelay $0xe  }
0x1cb: {  	s18 =	spop (v2sf)  }
0x1cc: {  	s13 =	ssub.s32 s18, s13  }
0x1cd: {  	v8 =	vmov s13  }
0x1ce: {  	v56 =	vshll.u32 v8, $0x3  }
0x1cf: {  	v8 =	vand.u32 $0x7F, v8;
	v9 =	vand.u32 $0xFFFFFC00, v56  }
0x1d0: {  	v8 =	vor.u32 v8, v9  }
0x1d1: {  	v9 =	vadd.s32 v0, v8;
	_ =	sdelay $0x4  }
0x1d2: {  	v57 =	vld.idx.msk [tilespmem:v9+s30+$0x0], $0xffff  }
0x1d3: {  	v12 =	vshll.u32 v11, $0x3;
	v9 =	vld.idx.msk [tilespmem:v9+s31+$0x0], $0xffff  }
0x1d4: {  	v13 =	vand.u32 $0x7F, v11;
	v12 =	vand.u32 $0xFFFFFC00, v12;
	v11 =	vld.idx.msk [tilespmem:v11+s25+$0x0], $0xffff  }
0x1d5: {  	v12 =	vor.u32 v13, v12  }
0x1d6: {  	v13 =	vadd.s32 v1, v12  }
0x1d7: {  	v14 =	vadd.s32 v2, v8  }
0x1d8: {  	v9 =	vadd.f32 v9, v57  }
0x1d9: {  	vm15 =	vgt.f32 v11, $-1.500000000e+00  }
0x1da: {  	v9 =	vnsel vm15, $0x3F800000, v9  }
0x1db: {  	[tilespmem:v13+s5+$0x0] =	vst.idx.msk $0xffff, v9  }
0x1dc: {  	v9 =	vld.idx.msk [tilespmem:v14+s30+$0x0], $0xffff  }
0x1dd: {  	v58 =	vld.idx.msk [tilespmem:v14+s31+$0x0], $0xffff;
	_ =	sdelay $0x2  }
0x1de: {  	v59 =	vadd.s32 v3, v12  }
0x1df: {  	v60 =	vadd.s32 v4, v8  }
0x1e0: {  	v9 =	vadd.f32 v58, v9;
	_ =	sdelay $0x1  }
0x1e1: {  	v9 =	vnsel vm15, $0x3F800000, v9  }
0x1e2: {  	[tilespmem:v59+s5+$0x0] =	vst.idx.msk $0xffff, v9  }
0x1e3: {  	v9 =	vld.idx.msk [tilespmem:v60+s30+$0x0], $0xffff  }
0x1e4: {  	v61 =	vld.idx.msk [tilespmem:v60+s31+$0x0], $0xffff;
	_ =	sdelay $0x2  }
0x1e5: {  	v62 =	vadd.s32 v5, v12  }
0x1e6: {  	v8 =	vadd.s32 v6, v8  }
0x1e7: {  	v9 =	vadd.f32 v61, v9;
	_ =	sdelay $0x1  }
0x1e8: {  	v9 =	vnsel vm15, $0x3F800000, v9  }
0x1e9: {  	[tilespmem:v62+s5+$0x0] =	vst.idx.msk $0xffff, v9  }
0x1ea: {  	v9 =	vld.idx.msk [tilespmem:v8+s30+$0x0], $0xffff  }
0x1eb: {  	v8 =	vld.idx.msk [tilespmem:v8+s31+$0x0], $0xffff;
	_ =	sdelay $0x2  }
0x1ec: {  	v63 =	vadd.s32 v7, v12;
	_ =	sdelay $0x1  }
0x1ed: {  	v8 =	vadd.f32 v8, v9;
	_ =	sdelay $0x1  }
0x1ee: {  	v8 =	vnsel vm15, $0x3F800000, v8  }
0x1ef: {  	[tilespmem:v63+s5+$0x0] =	vst.idx.msk $0xffff, v8  }
.LBB2_36:
0x1f0: {  	s13 =	smin.u32 s16, $0x1C  }
0x1f1: {  	s9 =	sadd.s32 $0x1, s9;
	s13 =	sshll.u32 s13, $0xB  }
0x1f2: {  	p0 =	sne.s32 s9, $0x10;
	s13 =	sadd.s32 s21, s13  }
.Ltmp17:
0x1f3: {  	s13 =	sshrl.u32 s13, $0x3;
	(pc) =	sbr.rel @!p0 .LBB2_37-.Ltmp17, $4  }
0x1f4: {  	s14 =	sadd.s32 s0, s13  }
0x1f5: {  	[tilespmem:s30], [sflag:$0x2] =	stream.strided.gather [hbm4b:s14+s28], $0x4000, s26, s28, $0x38;
	[tilespmem:$0x1E800] =	vst v63  }
0x1f6: {  	s13 =	sadd.s32 s1, s13  }
0x1f7: {  	[tilespmem:s31], [sflag:$0x4] =	stream.strided.gather [hbm4b:s13+s28], $0x4000, s26, s28, $0x38;
	[tilespmem:$0x1E800] =	vst v63  }
.LBB2_20:
0x1f8: {  	_ =	swait.ge [sflag:s2], $0x4000  }
0x1f9: {  	[sflag:s2] =	ssyncset.done $0x0  }
0x1fa: {  	[sflag:s2] =	ssyncadd.s32 $0xFFFFC000  }
0x1fb: {  	_ =	swait.ge [sflag:s4], $0x4000  }
0x1fc: {  	s15 =	sshll.u32 s9, $0x9;
	s14 =	sadd.s32 $0xFFFFFFFF, s10;
	[sflag:s4] =	ssyncset.done $0x0  }
0x1fd: {  	s16 =	simm.s32 $0x0;
	s13 =	sor.u32 $0x100, s15;
	[sflag:s4] =	ssyncadd.s32 $0xFFFFC000  }
.LBB2_21:
0x1fe: {  	s17 =	smov.u32 s14;
	s14 =	sadd.s32 $0x1, s14  }
0x1ff: {  	v8 =	vmov s14;
	_ =	sdelay $0x4  }
0x200: {  	v8 =	vld.idx.msk [tilespmem:v8+s3+$0x0], $0xffff;
	_ =	sdelay $0x4  }
0x201: {  	v8 =	vxor.u32 $0x80000000, v8  }
0x202: {  	(xrf0) =	vmax.scan.msk.u32 $0xffff, v8;
	_ =	sdelay $0x5  }
0x203: {  	v8, _, _ =	vpop (xrf0)  }
0x204: {  	(v2sf) =	vpush v8, $0xF;
	_ =	sdelay $0xe  }
0x205: {  	s18 =	spop (v2sf)  }
0x206: {  	p0 =	sgt.s32 s14, $0x33F;
	s18 =	sxor.u32 $0x80000000, s18  }
0x207: {  	p1 =	slt.s32 @!p0 s18, s13  }
0x208: {  	p0 =	por p0, !p1  }
.Ltmp18:
0x209: {  	_ = 	snop;
	(pc) =	sbr.rel @!p0 .LBB2_21-.Ltmp18, $2  }
0x20a: {  	_ =	sdelay $0x2  }
0x20b: {  	s18 =	smov.u32 s16;
	s16 =	sadd.s32 $0x1, s16  }
0x20c: {  	p0 =	sge.s32 s10, s14  }
.Ltmp19:
0x20d: {  	_ = 	snop;
	(pc) =	sbr.rel @p0 .LBB2_28-.Ltmp19, $1  }
0x20e: {  	_ =	sdelay $0x3  }
0x20f: {  	p1 =	sne.s32 s18, $0x1  }
.Ltmp20:
0x210: {  	_ = 	snop;
	(pc) =	sbr.rel @!p1 .LBB2_24-.Ltmp20, $2  }
0x211: {  	_ =	sdelay $0x2  }
0x212: {  	s16 =	sadd.s32 $0xFFFFFFFF, s18;
	p0 =	por $0x0, $0x0  }
0x213: {  	v8 =	vmov s10;
	_ =	sdelay $0x4  }
0x214: {  	v9 =	vld.idx.msk [tilespmem:v8+s3+$0x0], $0xffff;
	_ =	sdelay $0x4  }
0x215: {  	v9 =	vxor.u32 $0x80000000, v9  }
0x216: {  	(xrf0) =	vmax.scan.msk.u32 $0xffff, v9;
	_ =	sdelay $0x5  }
0x217: {  	v9, _, _ =	vpop (xrf0)  }
0x218: {  	(v2sf) =	vpush v9, $0xF;
	_ =	sdelay $0xe  }
0x219: {  	s18 =	spop (v2sf)  }
0x21a: {  	s18 =	ssub.s32 s18, s15  }
0x21b: {  	v9 =	vmov s18  }
0x21c: {  	v10 =	vshll.u32 v9, $0x3  }
0x21d: {  	v9 =	vand.u32 $0x7F, v9;
	v10 =	vand.u32 $0xFFFFFC00, v10  }
0x21e: {  	v9 =	vor.u32 v9, v10  }
0x21f: {  	v10 =	vadd.s32 v0, v9;
	_ =	sdelay $0x4  }
0x220: {  	v11 =	vld.idx.msk [tilespmem:v10+s28+$0x0], $0xffff  }
0x221: {  	v12 =	vshll.u32 v8, $0x3;
	v10 =	vld.idx.msk [tilespmem:v10+s29+$0x0], $0xffff  }
0x222: {  	v13 =	vand.u32 $0x7F, v8;
	v12 =	vand.u32 $0xFFFFFC00, v12;
	v8 =	vld.idx.msk [tilespmem:v8+s25+$0x0], $0xffff  }
0x223: {  	v12 =	vor.u32 v13, v12  }
0x224: {  	v13 =	vadd.s32 v1, v12  }
0x225: {  	v14 =	vadd.s32 v2, v9  }
0x226: {  	v10 =	vadd.f32 v10, v11  }
0x227: {  	vm0 =	vgt.f32 v8, $-1.500000000e+00  }
0x228: {  	v8 =	vnsel vm0, $0x3F800000, v10  }
0x229: {  	[tilespmem:v13+s5+$0x0] =	vst.idx.msk $0xffff, v8  }
0x22a: {  	v8 =	vld.idx.msk [tilespmem:v14+s28+$0x0], $0xffff  }
0x22b: {  	v10 =	vld.idx.msk [tilespmem:v14+s29+$0x0], $0xffff;
	_ =	sdelay $0x2  }
0x22c: {  	v11 =	vadd.s32 v3, v12  }
0x22d: {  	v62 =	vadd.s32 v4, v9  }
0x22e: {  	v8 =	vadd.f32 v10, v8;
	_ =	sdelay $0x1  }
0x22f: {  	v8 =	vnsel vm0, $0x3F800000, v8  }
0x230: {  	[tilespmem:v11+s5+$0x0] =	vst.idx.msk $0xffff, v8  }
0x231: {  	v8 =	vld.idx.msk [tilespmem:v62+s28+$0x0], $0xffff  }
0x232: {  	v10 =	vld.idx.msk [tilespmem:v62+s29+$0x0], $0xffff;
	_ =	sdelay $0x2  }
0x233: {  	v11 =	vadd.s32 v5, v12  }
0x234: {  	v63 =	vadd.s32 v6, v9  }
0x235: {  	v8 =	vadd.f32 v10, v8;
	_ =	sdelay $0x1  }
0x236: {  	v8 =	vnsel vm0, $0x3F800000, v8  }
0x237: {  	p1 =	sne.s32 s16, $0x1;
	[tilespmem:v11+s5+$0x0] =	vst.idx.msk $0xffff, v8  }
.Ltmp21:
0x238: {  	v9 =	vld.idx.msk [tilespmem:v63+s28+$0x0], $0xffff;
	(pc) =	sbr.rel @!p1 .LBB2_27-.Ltmp21, $2  }
0x239: {  	v10 =	vld.idx.msk [tilespmem:v63+s29+$0x0], $0xffff;
	_ =	sdelay $0x2  }
0x23a: {  	s16 =	sadd.s32 $0xFFFFFFFF, s16;
	s10 =	sadd.s32 $0x1, s10;
	p0 =	por $0x1, $0x1;
	v8 =	vadd.s32 v7, v12  }
.LBB2_26:
0x23b: {  	p1 =	sne.s32 s16, $0x1;
	s16 =	sadd.s32 $0xFFFFFFFF, s16;
	v11 =	vmov s10  }
0x23c: {  	v9 =	vadd.f32 v10, v9;
	v12 =	vshll.u32 v11, $0x3  }
0x23d: {  	v10 =	vand.u32 $0x7F, v11;
	v12 =	vand.u32 $0xFFFFFC00, v12  }
0x23e: {  	v9 =	vnsel vm0, $0x3F800000, v9;
	v12 =	vor.u32 v10, v12  }
0x23f: {  	[tilespmem:v8+s5+$0x0] =	vst.idx.msk $0xffff, v9  }
0x240: {  	v8 =	vld.idx.msk [tilespmem:v11+s3+$0x0], $0xffff;
	_ =	sdelay $0x5  }
0x241: {  	v8 =	vxor.u32 $0x80000000, v8  }
0x242: {  	(xrf0) =	vmax.scan.msk.u32 $0xffff, v8;
	_ =	sdelay $0x5  }
0x243: {  	v8, _, _ =	vpop (xrf0)  }
0x244: {  	(v2sf) =	vpush v8, $0xF;
	_ =	sdelay $0xe  }
0x245: {  	s18 =	spop (v2sf)  }
0x246: {  	s18 =	ssub.s32 s18, s15  }
0x247: {  	v8 =	vmov s18  }
0x248: {  	v9 =	vshll.u32 v8, $0x3  }
0x249: {  	v8 =	vand.u32 $0x7F, v8;
	v9 =	vand.u32 $0xFFFFFC00, v9  }
0x24a: {  	v8 =	vor.u32 v8, v9  }
0x24b: {  	v9 =	vadd.s32 v0, v8;
	_ =	sdelay $0x3  }
0x24c: {  	v10 =	vld.idx.msk [tilespmem:v11+s25+$0x0], $0xffff  }
0x24d: {  	v11 =	vld.idx.msk [tilespmem:v9+s28+$0x0], $0xffff  }
0x24e: {  	v9 =	vld.idx.msk [tilespmem:v9+s29+$0x0], $0xffff;
	_ =	sdelay $0x2  }
0x24f: {  	v13 =	vadd.s32 v1, v12;
	_ =	sdelay $0x1  }
0x250: {  	v14 =	vadd.s32 v2, v8  }
0x251: {  	vm0 =	vgt.f32 v10, $-1.500000000e+00;
	v9 =	vadd.f32 v9, v11;
	_ =	sdelay $0x1  }
0x252: {  	v9 =	vnsel vm0, $0x3F800000, v9  }
0x253: {  	[tilespmem:v13+s5+$0x0] =	vst.idx.msk $0xffff, v9  }
0x254: {  	v9 =	vld.idx.msk [tilespmem:v14+s28+$0x0], $0xffff  }
0x255: {  	v10 =	vld.idx.msk [tilespmem:v14+s29+$0x0], $0xffff;
	_ =	sdelay $0x1  }
0x256: {  	v11 =	vadd.s32 v3, v12;
	_ =	sdelay $0x2  }
0x257: {  	v13 =	vadd.s32 v4, v8  }
0x258: {  	v9 =	vadd.f32 v10, v9;
	_ =	sdelay $0x1  }
0x259: {  	v9 =	vnsel vm0, $0x3F800000, v9  }
0x25a: {  	[tilespmem:v11+s5+$0x0] =	vst.idx.msk $0xffff, v9  }
0x25b: {  	v9 =	vld.idx.msk [tilespmem:v13+s28+$0x0], $0xffff  }
0x25c: {  	v10 =	vld.idx.msk [tilespmem:v13+s29+$0x0], $0xffff  }
0x25d: {  	v11 =	vadd.s32 v5, v12;
	_ =	sdelay $0x3  }
0x25e: {  	v8 =	vadd.s32 v6, v8  }
0x25f: {  	v9 =	vadd.f32 v10, v9;
	_ =	sdelay $0x1  }
0x260: {  	v9 =	vnsel vm0, $0x3F800000, v9  }
0x261: {  	[tilespmem:v11+s5+$0x0] =	vst.idx.msk $0xffff, v9  }
0x262: {  	v9 =	vld.idx.msk [tilespmem:v8+s28+$0x0], $0xffff  }
.Ltmp22:
0x263: {  	v10 =	vld.idx.msk [tilespmem:v8+s29+$0x0], $0xffff;
	v8 =	vadd.s32 v7, v12;
	(pc) =	sbr.rel @p1 .LBB2_26-.Ltmp22, $2  }
0x264: {  	_ =	sdelay $0x2  }
0x265: {  	s10 =	sadd.s32 $0x1, s10  }
.LBB2_27:
0x266: {  	v11 =	vmov s10  }
0x267: {  	v9 =	vadd.f32 @p0 v10, v9;
	_ =	sdelay $0x1  }
0x268: {  	v9 =	vnsel @p0 vm0, $0x3F800000, v9  }
0x269: {  	[tilespmem:v8+s5+$0x0] =	vst.idx.msk @p0 $0xffff, v9  }
0x26a: {  	v8 =	vld.idx.msk [tilespmem:v11+s3+$0x0], $0xffff;
	_ =	sdelay $0x4  }
0x26b: {  	v8 =	vxor.u32 $0x80000000, v8  }
0x26c: {  	(xrf0) =	vmax.scan.msk.u32 $0xffff, v8;
	_ =	sdelay $0x5  }
0x26d: {  	v8, _, _ =	vpop (xrf0)  }
0x26e: {  	(v2sf) =	vpush v8, $0xF;
	_ =	sdelay $0xe  }
0x26f: {  	s18 =	spop (v2sf)  }
0x270: {  	s10 =	ssub.s32 s18, s15  }
0x271: {  	v8 =	vmov s10  }
0x272: {  	v56 =	vshll.u32 v8, $0x3  }
0x273: {  	v8 =	vand.u32 $0x7F, v8;
	v9 =	vand.u32 $0xFFFFFC00, v56  }
0x274: {  	v8 =	vor.u32 v8, v9  }
0x275: {  	v9 =	vadd.s32 v0, v8;
	_ =	sdelay $0x4  }
0x276: {  	v57 =	vld.idx.msk [tilespmem:v9+s28+$0x0], $0xffff  }
0x277: {  	v12 =	vshll.u32 v11, $0x3;
	v9 =	vld.idx.msk [tilespmem:v9+s29+$0x0], $0xffff  }
0x278: {  	v13 =	vand.u32 $0x7F, v11;
	v12 =	vand.u32 $0xFFFFFC00, v12;
	v11 =	vld.idx.msk [tilespmem:v11+s25+$0x0], $0xffff  }
0x279: {  	v12 =	vor.u32 v13, v12  }
0x27a: {  	v13 =	vadd.s32 v1, v12  }
0x27b: {  	v14 =	vadd.s32 v2, v8  }
0x27c: {  	v9 =	vadd.f32 v9, v57  }
0x27d: {  	vm15 =	vgt.f32 v11, $-1.500000000e+00  }
0x27e: {  	v9 =	vnsel vm15, $0x3F800000, v9  }
0x27f: {  	[tilespmem:v13+s5+$0x0] =	vst.idx.msk $0xffff, v9  }
0x280: {  	v9 =	vld.idx.msk [tilespmem:v14+s28+$0x0], $0xffff  }
0x281: {  	v58 =	vld.idx.msk [tilespmem:v14+s29+$0x0], $0xffff;
	_ =	sdelay $0x2  }
0x282: {  	v59 =	vadd.s32 v3, v12  }
0x283: {  	v60 =	vadd.s32 v4, v8  }
0x284: {  	v9 =	vadd.f32 v58, v9;
	_ =	sdelay $0x1  }
0x285: {  	v9 =	vnsel vm15, $0x3F800000, v9  }
0x286: {  	[tilespmem:v59+s5+$0x0] =	vst.idx.msk $0xffff, v9  }
0x287: {  	v9 =	vld.idx.msk [tilespmem:v60+s28+$0x0], $0xffff  }
0x288: {  	v61 =	vld.idx.msk [tilespmem:v60+s29+$0x0], $0xffff;
	_ =	sdelay $0x2  }
0x289: {  	v62 =	vadd.s32 v5, v12  }
0x28a: {  	v8 =	vadd.s32 v6, v8  }
0x28b: {  	v9 =	vadd.f32 v61, v9;
	_ =	sdelay $0x1  }
0x28c: {  	v9 =	vnsel vm15, $0x3F800000, v9  }
0x28d: {  	[tilespmem:v62+s5+$0x0] =	vst.idx.msk $0xffff, v9  }
0x28e: {  	v9 =	vld.idx.msk [tilespmem:v8+s28+$0x0], $0xffff  }
0x28f: {  	v8 =	vld.idx.msk [tilespmem:v8+s29+$0x0], $0xffff;
	_ =	sdelay $0x2  }
0x290: {  	v63 =	vadd.s32 v7, v12;
	_ =	sdelay $0x1  }
0x291: {  	v8 =	vadd.f32 v8, v9;
	_ =	sdelay $0x1  }
0x292: {  	v8 =	vnsel vm15, $0x3F800000, v8  }
0x293: {  	[tilespmem:v63+s5+$0x0] =	vst.idx.msk $0xffff, v8  }
.LBB2_28:
0x294: {  	s16 =	sshll.u32 s9, $0x1  }
0x295: {  	s10 =	smin.u32 s16, $0x1D  }
0x296: {  	s10 =	sshll.u32 s10, $0xB  }
0x297: {  	s10 =	sadd.s32 s20, s10  }
0x298: {  	s10 =	sshrl.u32 s10, $0x3  }
0x299: {  	s18 =	sadd.s32 s0, s10  }
0x29a: {  	[tilespmem:s28], [sflag:$0x1] =	stream.strided.gather [hbm4b:s18+s28], $0x4000, s26, s28, $0x38;
	[tilespmem:$0x1E800] =	vst v63  }
0x29b: {  	s10 =	sadd.s32 s1, s10  }
0x29c: {  	[tilespmem:s29], [sflag:$0x3] =	stream.strided.gather [hbm4b:s10+s28], $0x4000, s26, s28, $0x38;
	[tilespmem:$0x1E800] =	vst v63  }
0x29d: {  	_ =	swait.ge [sflag:s6], $0x4000  }
0x29e: {  	[sflag:s6] =	ssyncset.done $0x0  }
0x29f: {  	[sflag:s6] =	ssyncadd.s32 $0xFFFFC000  }
0x2a0: {  	_ =	swait.ge [sflag:s7], $0x4000  }
0x2a1: {  	s15 =	sadd.s32 $0x200, s15;
	[sflag:s7] =	ssyncset.done $0x0  }
0x2a2: {  	s18 =	simm.s32 $0x0;
	s10 =	smov.u32 s17;
	[sflag:s7] =	ssyncadd.s32 $0xFFFFC000  }
.LBB2_29:
0x2a3: {  	s10 =	sadd.s32 $0x1, s10  }
0x2a4: {  	v8 =	vmov s10;
	_ =	sdelay $0x4  }
0x2a5: {  	v8 =	vld.idx.msk [tilespmem:v8+s3+$0x0], $0xffff;
	_ =	sdelay $0x4  }
0x2a6: {  	v8 =	vxor.u32 $0x80000000, v8  }
0x2a7: {  	(xrf0) =	vmax.scan.msk.u32 $0xffff, v8;
	_ =	sdelay $0x5  }
0x2a8: {  	v8, _, _ =	vpop (xrf0)  }
0x2a9: {  	(v2sf) =	vpush v8, $0xF;
	_ =	sdelay $0xe  }
0x2aa: {  	s17 =	spop (v2sf)  }
0x2ab: {  	p0 =	sgt.s32 s10, $0x33F;
	s17 =	sxor.u32 $0x80000000, s17  }
0x2ac: {  	p1 =	slt.s32 @!p0 s17, s15  }
0x2ad: {  	p0 =	por p0, !p1  }
.Ltmp23:
0x2ae: {  	_ = 	snop;
	(pc) =	sbr.rel @!p0 .LBB2_29-.Ltmp23, $2  }
0x2af: {  	_ =	sdelay $0x2  }
0x2b0: {  	s17 =	smov.u32 s18;
	s18 =	sadd.s32 $0x1, s18  }
0x2b1: {  	p0 =	sge.s32 s14, s10  }
.Ltmp24:
0x2b2: {  	_ = 	snop;
	(pc) =	sbr.rel @p0 .LBB2_36-.Ltmp24, $1  }
0x2b3: {  	_ =	sdelay $0x3  }
0x2b4: {  	p1 =	sne.s32 s17, $0x1  }
.Ltmp25:
0x2b5: {  	_ = 	snop;
	(pc) =	sbr.rel @!p1 .LBB2_32-.Ltmp25, $2  }
0x2b6: {  	_ =	sdelay $0x2  }
0x2b7: {  	s15 =	sadd.s32 $0xFFFFFFFF, s17;
	p0 =	por $0x0, $0x0  }
0x2b8: {  	v8 =	vmov s14;
	_ =	sdelay $0x4  }
0x2b9: {  	v9 =	vld.idx.msk [tilespmem:v8+s3+$0x0], $0xffff;
	_ =	sdelay $0x4  }
0x2ba: {  	v9 =	vxor.u32 $0x80000000, v9  }
0x2bb: {  	(xrf0) =	vmax.scan.msk.u32 $0xffff, v9;
	_ =	sdelay $0x5  }
0x2bc: {  	v9, _, _ =	vpop (xrf0)  }
0x2bd: {  	(v2sf) =	vpush v9, $0xF;
	_ =	sdelay $0xe  }
0x2be: {  	s17 =	spop (v2sf)  }
0x2bf: {  	s17 =	ssub.s32 s17, s13  }
0x2c0: {  	v9 =	vmov s17  }
0x2c1: {  	v10 =	vshll.u32 v9, $0x3  }
0x2c2: {  	v9 =	vand.u32 $0x7F, v9;
	v10 =	vand.u32 $0xFFFFFC00, v10  }
0x2c3: {  	v9 =	vor.u32 v9, v10  }
0x2c4: {  	v10 =	vadd.s32 v0, v9;
	_ =	sdelay $0x4  }
0x2c5: {  	v11 =	vld.idx.msk [tilespmem:v10+s30+$0x0], $0xffff  }
0x2c6: {  	v12 =	vshll.u32 v8, $0x3;
	v10 =	vld.idx.msk [tilespmem:v10+s31+$0x0], $0xffff  }
0x2c7: {  	v13 =	vand.u32 $0x7F, v8;
	v12 =	vand.u32 $0xFFFFFC00, v12;
	v8 =	vld.idx.msk [tilespmem:v8+s25+$0x0], $0xffff  }
0x2c8: {  	v12 =	vor.u32 v13, v12  }
0x2c9: {  	v13 =	vadd.s32 v1, v12  }
0x2ca: {  	v14 =	vadd.s32 v2, v9  }
0x2cb: {  	v10 =	vadd.f32 v10, v11  }
0x2cc: {  	vm0 =	vgt.f32 v8, $-1.500000000e+00  }
0x2cd: {  	v8 =	vnsel vm0, $0x3F800000, v10  }
0x2ce: {  	[tilespmem:v13+s5+$0x0] =	vst.idx.msk $0xffff, v8  }
0x2cf: {  	v8 =	vld.idx.msk [tilespmem:v14+s30+$0x0], $0xffff  }
0x2d0: {  	v10 =	vld.idx.msk [tilespmem:v14+s31+$0x0], $0xffff;
	_ =	sdelay $0x2  }
0x2d1: {  	v11 =	vadd.s32 v3, v12  }
0x2d2: {  	v62 =	vadd.s32 v4, v9  }
0x2d3: {  	v8 =	vadd.f32 v10, v8;
	_ =	sdelay $0x1  }
0x2d4: {  	v8 =	vnsel vm0, $0x3F800000, v8  }
0x2d5: {  	[tilespmem:v11+s5+$0x0] =	vst.idx.msk $0xffff, v8  }
0x2d6: {  	v8 =	vld.idx.msk [tilespmem:v62+s30+$0x0], $0xffff  }
0x2d7: {  	v10 =	vld.idx.msk [tilespmem:v62+s31+$0x0], $0xffff;
	_ =	sdelay $0x2  }
0x2d8: {  	v11 =	vadd.s32 v5, v12  }
0x2d9: {  	v63 =	vadd.s32 v6, v9  }
0x2da: {  	v8 =	vadd.f32 v10, v8;
	_ =	sdelay $0x1  }
0x2db: {  	v8 =	vnsel vm0, $0x3F800000, v8  }
0x2dc: {  	p1 =	sne.s32 s15, $0x1;
	[tilespmem:v11+s5+$0x0] =	vst.idx.msk $0xffff, v8  }
.Ltmp26:
0x2dd: {  	v9 =	vld.idx.msk [tilespmem:v63+s30+$0x0], $0xffff;
	(pc) =	sbr.rel @!p1 .LBB2_35-.Ltmp26, $2  }
0x2de: {  	v10 =	vld.idx.msk [tilespmem:v63+s31+$0x0], $0xffff;
	_ =	sdelay $0x2  }
0x2df: {  	s15 =	sadd.s32 $0xFFFFFFFF, s15;
	s14 =	sadd.s32 $0x1, s14;
	p0 =	por $0x1, $0x1;
	v8 =	vadd.s32 v7, v12  }
.LBB2_34:
0x2e0: {  	p1 =	sne.s32 s15, $0x1;
	s15 =	sadd.s32 $0xFFFFFFFF, s15;
	v11 =	vmov s14  }
0x2e1: {  	v9 =	vadd.f32 v10, v9;
	v12 =	vshll.u32 v11, $0x3  }
0x2e2: {  	v10 =	vand.u32 $0x7F, v11;
	v12 =	vand.u32 $0xFFFFFC00, v12  }
0x2e3: {  	v9 =	vnsel vm0, $0x3F800000, v9;
	v12 =	vor.u32 v10, v12  }
0x2e4: {  	[tilespmem:v8+s5+$0x0] =	vst.idx.msk $0xffff, v9  }
0x2e5: {  	v8 =	vld.idx.msk [tilespmem:v11+s3+$0x0], $0xffff;
	_ =	sdelay $0x5  }
0x2e6: {  	v8 =	vxor.u32 $0x80000000, v8  }
0x2e7: {  	(xrf0) =	vmax.scan.msk.u32 $0xffff, v8;
	_ =	sdelay $0x5  }
0x2e8: {  	v8, _, _ =	vpop (xrf0)  }
0x2e9: {  	(v2sf) =	vpush v8, $0xF;
	_ =	sdelay $0xe  }
0x2ea: {  	s17 =	spop (v2sf)  }
0x2eb: {  	s17 =	ssub.s32 s17, s13  }
0x2ec: {  	v8 =	vmov s17  }
0x2ed: {  	v9 =	vshll.u32 v8, $0x3  }
0x2ee: {  	v8 =	vand.u32 $0x7F, v8;
	v9 =	vand.u32 $0xFFFFFC00, v9  }
0x2ef: {  	v8 =	vor.u32 v8, v9  }
0x2f0: {  	v9 =	vadd.s32 v0, v8;
	_ =	sdelay $0x3  }
0x2f1: {  	v10 =	vld.idx.msk [tilespmem:v11+s25+$0x0], $0xffff  }
0x2f2: {  	v11 =	vld.idx.msk [tilespmem:v9+s30+$0x0], $0xffff  }
0x2f3: {  	v9 =	vld.idx.msk [tilespmem:v9+s31+$0x0], $0xffff;
	_ =	sdelay $0x2  }
0x2f4: {  	v13 =	vadd.s32 v1, v12;
	_ =	sdelay $0x1  }
0x2f5: {  	v14 =	vadd.s32 v2, v8  }
0x2f6: {  	vm0 =	vgt.f32 v10, $-1.500000000e+00;
	v9 =	vadd.f32 v9, v11;
	_ =	sdelay $0x1  }
0x2f7: {  	v9 =	vnsel vm0, $0x3F800000, v9  }
0x2f8: {  	[tilespmem:v13+s5+$0x0] =	vst.idx.msk $0xffff, v9  }
0x2f9: {  	v9 =	vld.idx.msk [tilespmem:v14+s30+$0x0], $0xffff  }
0x2fa: {  	v10 =	vld.idx.msk [tilespmem:v14+s31+$0x0], $0xffff;
	_ =	sdelay $0x1  }
0x2fb: {  	v11 =	vadd.s32 v3, v12;
	_ =	sdelay $0x2  }
0x2fc: {  	v13 =	vadd.s32 v4, v8  }
0x2fd: {  	v9 =	vadd.f32 v10, v9;
	_ =	sdelay $0x1  }
0x2fe: {  	v9 =	vnsel vm0, $0x3F800000, v9  }
0x2ff: {  	[tilespmem:v11+s5+$0x0] =	vst.idx.msk $0xffff, v9  }
0x300: {  	v9 =	vld.idx.msk [tilespmem:v13+s30+$0x0], $0xffff  }
0x301: {  	v10 =	vld.idx.msk [tilespmem:v13+s31+$0x0], $0xffff  }
0x302: {  	v11 =	vadd.s32 v5, v12;
	_ =	sdelay $0x3  }
0x303: {  	v8 =	vadd.s32 v6, v8  }
0x304: {  	v9 =	vadd.f32 v10, v9;
	_ =	sdelay $0x1  }
0x305: {  	v9 =	vnsel vm0, $0x3F800000, v9  }
0x306: {  	[tilespmem:v11+s5+$0x0] =	vst.idx.msk $0xffff, v9  }
0x307: {  	v9 =	vld.idx.msk [tilespmem:v8+s30+$0x0], $0xffff  }
.Ltmp27:
0x308: {  	v10 =	vld.idx.msk [tilespmem:v8+s31+$0x0], $0xffff;
	v8 =	vadd.s32 v7, v12;
	(pc) =	sbr.rel @p1 .LBB2_34-.Ltmp27, $2  }
0x309: {  	_ =	sdelay $0x2  }
0x30a: {  	s14 =	sadd.s32 $0x1, s14  }
.Ltmp28:
0x30b: {  	_ = 	snop;
	(pc) =	sbr.rel .LBB2_35-.Ltmp28, $1  }
0x30c: {  	_ =	sdelay $0x3  }
.LBB2_24:
.Ltmp29:
0x30d: {  	(pc) =	sbr.rel .LBB2_27-.Ltmp29, $2  }
0x30e: {  	_ =	sdelay $0x2  }
0x30f: {  	_ = 	snop  }
.LBB2_38:
0x310: {  	_ =	sfence.sel $0x180000  }
0x311: {  	[bflag:$0x0] =	sbarrier.arrive $0xFFFF  }
0x312: {  	_ =	strace $0x9000004A  }
0x313: {  	s0 =	stileid.u32;
	[bflag:$0x2] =	sbarrier.arrive $0xFFFF  }
0x314: {  	p0 =	sne.s32 s0, $0x0;
	s0 =	rddreg [dreg:$0x3]  }
0x315: {  	s0 =	sadd.s32 @!p0 $0x100000, s0  }
0x316: {  	[sflag:s0] =	ssyncadd.tile.s32 @!p0 $0x1;
	_ =	shalt  }
.Lfunc_end2:
_tile_overlayer_lowered:
.L_overlay_start_2:
0x317: {  	(tag) =	ssettag $0x2  }
0x318: {  	s0 =	rddreg [dreg:$0x0];
	s2 =	stileid.u32  }
0x319: {  	s1 =	rddreg [dreg:$0x1];
	p0 =	sne.s32 s2, $0x0  }
0x31a: {  	s3 =	rddreg [dreg:$0x2];
	[bflag:$0x3] =	sbarrier.arrive $0xFFFF;
	s2 =	simm.s32 @!p0 $0x1C05  }
0x31b: {  	[timem:s3], [sflag:s2] =	dma.local @!p0 [hbm:s0], s1  }
0x31c: {  	s0 =	simm.s32 @!p0 $0x5  }
0x31d: {  	_ =	swait.ge @!p0 [sflag:s0], s1  }
0x31e: {  	s1 =	ssub.s32 @!p0 $0x0, s1;
	[sflag:s0] =	ssyncset.done @!p0 $0x0  }
0x31f: {  	[sflag:s0] =	ssyncadd.s32 @!p0 s1  }
0x320: {  	[bflag:$0x3] =	sbarrier.arrive $0xFFFF  }
0x321: {  	_ =	shalt  }

</sc_bundles>
